<compile_context>
chip_gen: v7x
topology: tpu7x:2x2x1
jax: 0.10.2.dev20260603
libtpu: 0.0.44.dev20260713+nightly
codegen_flags: <defaults>
</compile_context>

<pallas_src>
import functools
import jax
import jax.numpy as jnp
from jax import lax
from jax.experimental import pallas as pl
from jax.experimental.pallas import tpu as pltpu
from jax.experimental.pallas import tpu_sc as plsc

N, D = 16384, 1024
SC_N = 1024
TC_N = N - SC_N
NW = 32
ROWS_PER_W = SC_N // NW
GROUP = 4
NGROUPS = ROWS_PER_W // GROUP
NBUF = 2
NCHUNK = D // 16
UNROLL = 2
BN = 512
TEMP = 0.1
MARGIN = 1.0

_mesh = plsc.VectorSubcoreMesh(
    core_axis_name="c", subcore_axis_name="s", num_cores=2, num_subcores=16
)


def _rsqrt_newton(x):
    i = lax.bitcast_convert_type(x, jnp.int32)
    i = 0x5F3759DF - lax.shift_right_logical(i, 1)
    y = lax.bitcast_convert_type(i, jnp.float32)
    for _ in range(3):
        y = y * (1.5 - 0.5 * x * y * y)
    return y


def _log1p_series(z):
    u = z / (2.0 + z)
    u2 = u * u
    return 2.0 * u * (1.0 + u2 * (1.0 / 3.0 + u2 * (0.2 + u2 * (1.0 / 7.0 + u2 * (1.0 / 9.0)))))


@functools.partial(
    pl.kernel,
    out_type=jax.ShapeDtypeStruct((NW, 16), jnp.float32),
    mesh=_mesh,
    scratch_types=[
        pltpu.VMEM((NBUF, 6, GROUP, D), jnp.float32),
        pltpu.VMEM((ROWS_PER_W, 80), jnp.float32),
        pltpu.VMEM((16,), jnp.float32),
        pltpu.SemaphoreType.DMA,
        pltpu.SemaphoreType.DMA,
    ],
)
def _sc_loss(ar, ai, pr, pi, nr, ni, out, buf, sums_v, loss_v, sem0, sem1):
    sems = (sem0, sem1)
    wid = lax.axis_index("s") * 2 + lax.axis_index("c")
    base = TC_N + wid * ROWS_PER_W
    inputs = (ar, ai, pr, pi, nr, ni)

    def issue(g, b):
        r0 = base + g * GROUP
        for k in range(6):
            pltpu.async_copy(inputs[k].at[pl.ds(r0, GROUP), :], buf.at[b, k], sems[b])

    def wait_group(g, b):
        r0 = base + g * GROUP
        for k in range(6):
            pltpu.make_async_copy(
                inputs[k].at[pl.ds(r0, GROUP), :], buf.at[b, k], sems[b]
            ).wait()

    def compute_group(g, b):
        for r in range(GROUP):
            def col_body(j, accs):
                accs = list(accs)
                for u in range(UNROLL):
                    sl = pl.ds((j * UNROLL + u) * 16, 16)
                    v_ar = buf[b, 0, r, sl]
                    v_ai = buf[b, 1, r, sl]
                    v_pr = buf[b, 2, r, sl]
                    v_pi = buf[b, 3, r, sl]
                    v_nr = buf[b, 4, r, sl]
                    v_ni = buf[b, 5, r, sl]
                    prods = (v_ar * v_pr, v_ai * v_pi,
                             v_ar * v_nr, v_ai * v_ni,
                             v_ar * v_ar, v_ai * v_ai,
                             v_pr * v_pr, v_pi * v_pi,
                             v_nr * v_nr, v_ni * v_ni)
                    for q in range(10):
                        accs[q] = accs[q] + prods[q]
                return tuple(accs)

            z = jnp.zeros((16,), jnp.float32)
            accs = lax.fori_loop(0, NCHUNK // UNROLL, col_body, (z,) * 10)
            row = g * GROUP + r
            for q in range(5):
                sums_v[row, pl.ds(q * 16, 16)] = accs[2 * q] + accs[2 * q + 1]

    issue(0, 0)
    issue(1, 1)

    @pl.loop(0, NGROUPS, step=NBUF)
    def _(g0):
        for b in range(NBUF):
            g = g0 + b
            wait_group(g, b)
            compute_group(g, b)

            @pl.when(g + NBUF < NGROUPS)
            def _():
                issue(g + NBUF, b)

    @pl.loop(0, ROWS_PER_W, init_carry=jnp.zeros((16,), jnp.float32))
    def loss_loop(r, loss_acc):
        s = []
        for q in range(5):
            v = sums_v[r, pl.ds(q * 16, 16)]
            tot = v[0]
            for l in range(1, 16):
                tot = tot + v[l]
            s.append(jnp.full((16,), tot, jnp.float32))
        dot_p, dot_n, ssa, ssp, ssn = s

        sa = ssa + 1e-8
        sp = ssp + 1e-8
        sn = ssn + 1e-8
        mag_a = sa * _rsqrt_newton(sa)
        mag_p = sp * _rsqrt_newton(sp)
        mag_n = sn * _rsqrt_newton(sn)
        pos = dot_p / (mag_a * mag_p + 1e-8)
        neg = dot_n / (mag_a * mag_n + 1e-8)

        t = (neg - pos) * (1.0 / TEMP)
        e = jnp.exp(-jnp.abs(t))
        softplus = jnp.maximum(t, 0.0) + _log1p_series(e)
        sep = jnp.maximum(neg + MARGIN, 0.0)
        return loss_acc + softplus + sep

    loss_v[...] = loss_loop * (1.0 / 16.0)
    pltpu.sync_copy(loss_v, out.at[wid])


def _row_loss(dot_p, dot_n, ssa, ssp, ssn):
    mag_a = jnp.sqrt(ssa + 1e-8)
    mag_p = jnp.sqrt(ssp + 1e-8)
    mag_n = jnp.sqrt(ssn + 1e-8)
    pos = dot_p / (mag_a * mag_p + 1e-8)
    neg = dot_n / (mag_a * mag_n + 1e-8)
    t = (neg - pos) / TEMP
    softplus = jnp.maximum(t, 0.0) + jnp.log1p(jnp.exp(-jnp.abs(t)))
    sep = jnp.maximum(neg + MARGIN, 0.0)
    return softplus + sep


def _tc_body(ar, ai, pr, pi, nr, ni, out_ref):
    step = pl.program_id(0)
    a_r = ar[...]
    a_i = ai[...]
    p_r = pr[...]
    p_i = pi[...]
    n_r = nr[...]
    n_i = ni[...]

    dot_p = jnp.sum(a_r * p_r + a_i * p_i, axis=1)
    dot_n = jnp.sum(a_r * n_r + a_i * n_i, axis=1)
    ssa = jnp.sum(a_r * a_r + a_i * a_i, axis=1)
    ssp = jnp.sum(p_r * p_r + p_i * p_i, axis=1)
    ssn = jnp.sum(n_r * n_r + n_i * n_i, axis=1)

    part = jnp.sum(_row_loss(dot_p, dot_n, ssa, ssp, ssn))

    @pl.when(step == 0)
    def _():
        out_ref[0, 0] = 0.0

    out_ref[0, 0] += part


def kernel(anchor_real, anchor_imag, positive_real, positive_imag, negative_real, negative_imag):
    full = (anchor_real, anchor_imag, positive_real, positive_imag,
            negative_real, negative_imag)

    sc_part = _sc_loss(*full)

    tc_spec = pl.BlockSpec((BN, D), lambda i: (i, 0))
    tc_part = pl.pallas_call(
        _tc_body,
        grid=(TC_N // BN,),
        in_specs=[tc_spec] * 6,
        out_specs=pl.BlockSpec(memory_space=pltpu.SMEM),
        out_shape=jax.ShapeDtypeStruct((1, 1), jnp.float32),
        compiler_params=pltpu.CompilerParams(
            dimension_semantics=("arbitrary",),
        ),
    )(*full)

    return (tc_part[0, 0] + jnp.sum(sc_part)) * (1.0 / N)

# --- scband reference (transcript-rebuilt; emitter-appended) ---
"""Pipeline reference for scband-contrastive-phase-objective-28939489640867 (READ-ONLY COPY).

The authoritative reference and input builder live on the scoring server;
editing this copy changes nothing except your own understanding.
"""

import jax, jax.numpy as jnp
import numpy as np

TEMPERATURE = 0.1
MARGIN = 1.0
SEPARATION_WEIGHT = 1.0


def _phase_similarity(real1, imag1, real2, imag2):
    dot_real = (real1 * real2 + imag1 * imag2).sum(axis=-1)
    mag1 = jnp.sqrt((real1 ** 2 + imag1 ** 2).sum(axis=-1) + 1e-08)
    mag2 = jnp.sqrt((real2 ** 2 + imag2 ** 2).sum(axis=-1) + 1e-08)
    return dot_real / (mag1 * mag2 + 1e-08)


def setup_inputs(seed: int = 0) -> dict:
    key = jax.random.key(seed)
    ks = jax.random.split(key, 6)
    N, D = 16384, 1024
    names = ["anchor_real", "anchor_imag", "positive_real", "positive_imag", "negative_real", "negative_imag"]
    return {name: jax.random.normal(k, (N, D), dtype=jnp.float32) for name, k in zip(names, ks)}


def reference(anchor_real, anchor_imag, positive_real, positive_imag, negative_real, negative_imag):
    pos_sim = _phase_similarity(anchor_real, anchor_imag, positive_real, positive_imag)
    neg_sim = _phase_similarity(anchor_real, anchor_imag, negative_real, negative_imag)
    logits = jnp.stack([pos_sim, neg_sim], axis=-1) / TEMPERATURE
    # cross entropy with labels = 0 (positive class)
    log_z = jax.nn.logsumexp(logits, axis=-1)
    contrastive_loss = (log_z - logits[:, 0]).mean()
    # F.relu(neg_sim - -margin) == relu(neg_sim + margin)
    separation_loss = jax.nn.relu(neg_sim + MARGIN).mean()
    return contrastive_loss + SEPARATION_WEIGHT * separation_loss

if __name__ == "__main__":
    import jax
    _d = setup_inputs()
    print(jax.jit(kernel)(*tuple(_d.values())))

</pallas_src>

<mosaic_0001>
#map = affine_map<(d0, d1) -> (0, 0)>
module attributes {stable_mosaic.version = 14 : i64} {
  func.func @_sc_loss(%arg0: i32, %arg1: i32, %arg2: memref<16384x1024xf32, #tpu.memory_space<hbm>>, %arg3: memref<16384x1024xf32, #tpu.memory_space<hbm>>, %arg4: memref<16384x1024xf32, #tpu.memory_space<hbm>>, %arg5: memref<16384x1024xf32, #tpu.memory_space<hbm>>, %arg6: memref<16384x1024xf32, #tpu.memory_space<hbm>>, %arg7: memref<16384x1024xf32, #tpu.memory_space<hbm>>, %arg8: memref<32x16xf32, #tpu.memory_space<hbm>>, %arg9: memref<2x6x4x1024xf32, #tpu.memory_space<vmem>>, %arg10: memref<32x80xf32, #tpu.memory_space<vmem>>, %arg11: memref<16xf32, #tpu.memory_space<vmem>>, %arg12: memref<!tpu.dma_semaphore, #tpu.memory_space<semaphore_mem>>, %arg13: memref<!tpu.dma_semaphore, #tpu.memory_space<semaphore_mem>>) attributes {dimension_semantics = [#tpu.dimension_semantics<core_parallel>, #tpu.dimension_semantics<subcore_parallel>], iteration_bounds = array<i64: 2, 16>, scalar_prefetch = 0 : i64, scratch_operands = 5 : i64, tpu.core_type = #tpu.core_type<sc_vector_subcore>, window_params = [{transform_indices = #map}, {transform_indices = #map}, {transform_indices = #map}, {transform_indices = #map}, {transform_indices = #map}, {transform_indices = #map}, {transform_indices = #map}]} {
    %mul3A = arith.constant 2 : i32
    %mul3A_0 = arith.muli %arg1, %mul3A : i32
    %add3A = arith.addi %mul3A_0, %arg0 : i32
    %mul3A_1 = arith.constant 32 : i32
    %mul3A_2 = arith.muli %add3A, %mul3A_1 : i32
    %add3A_3 = arith.constant 15360 : i32
    %add3A_4 = arith.addi %add3A_3, %mul3A_2 : i32
    %add3A_5 = arith.constant 0 : i32
    %add3A_6 = arith.addi %add3A_4, %add3A_5 : i32
    %dma_start3A = arith.constant 0 : i32
    %dma_start3A_7 = arith.constant 0 : i32
    %dma_start3A_8 = arith.constant 0 : i32
    %dma_start3A_9 = arith.constant 0 : i32
    %dma_start3A_10 = tpu.memref_slice %arg9[%dma_start3A, %dma_start3A_7, %dma_start3A_8, %dma_start3A_9] : memref<2x6x4x1024xf32, #tpu.memory_space<vmem>> -> memref<1x1x4x1024xf32, #tpu.memory_space<vmem>>
    %dma_start3A_11 = tpu.memref_squeeze %dma_start3A_10 : memref<1x1x4x1024xf32, #tpu.memory_space<vmem>> -> memref<4x1024xf32, #tpu.memory_space<vmem>>
    %dma_start3A_12 = arith.constant 0 : i32
    %dma_start3A_13 = tpu.memref_slice %arg2[%add3A_6, %dma_start3A_12] : memref<16384x1024xf32, #tpu.memory_space<hbm>> -> memref<4x1024xf32, #tpu.memory_space<hbm>>
    %dma_start3A_14 = arith.constant 0 : i32
    %dma_start3A_15 = arith.constant 0 : i32
    %dma_start3A_16 = tpu.memref_slice %arg9[%dma_start3A, %dma_start3A_7, %dma_start3A_14, %dma_start3A_15] : memref<2x6x4x1024xf32, #tpu.memory_space<vmem>> -> memref<1x1x4x1024xf32, #tpu.memory_space<vmem>>
    %dma_start3A_17 = tpu.memref_squeeze %dma_start3A_16 : memref<1x1x4x1024xf32, #tpu.memory_space<vmem>> -> memref<4x1024xf32, #tpu.memory_space<vmem>>
    %dma_start3A_18 = arith.constant 0 : i32
    %dma_start3A_19 = tpu.memref_slice %arg2[%add3A_6, %dma_start3A_18] : memref<16384x1024xf32, #tpu.memory_space<hbm>> -> memref<4x1024xf32, #tpu.memory_space<hbm>>
    tpu.enqueue_dma source(%dma_start3A_19 : memref<4x1024xf32, #tpu.memory_space<hbm>>) target(%dma_start3A_17 : memref<4x1024xf32, #tpu.memory_space<vmem>>) target_semaphore(%arg12 : memref<!tpu.dma_semaphore, #tpu.memory_space<semaphore_mem>>)
    %dma_start3A_20 = arith.constant 0 : i32
    %dma_start3A_21 = arith.constant 1 : i32
    %dma_start3A_22 = arith.constant 0 : i32
    %dma_start3A_23 = arith.constant 0 : i32
    %dma_start3A_24 = tpu.memref_slice %arg9[%dma_start3A_20, %dma_start3A_21, %dma_start3A_22, %dma_start3A_23] : memref<2x6x4x1024xf32, #tpu.memory_space<vmem>> -> memref<1x1x4x1024xf32, #tpu.memory_space<vmem>>
    %dma_start3A_25 = tpu.memref_squeeze %dma_start3A_24 : memref<1x1x4x1024xf32, #tpu.memory_space<vmem>> -> memref<4x1024xf32, #tpu.memory_space<vmem>>
    %dma_start3A_26 = arith.constant 0 : i32
    %dma_start3A_27 = tpu.memref_slice %arg3[%add3A_6, %dma_start3A_26] : memref<16384x1024xf32, #tpu.memory_space<hbm>> -> memref<4x1024xf32, #tpu.memory_space<hbm>>
    %dma_start3A_28 = arith.constant 0 : i32
    %dma_start3A_29 = arith.constant 0 : i32
    %dma_start3A_30 = tpu.memref_slice %arg9[%dma_start3A_20, %dma_start3A_21, %dma_start3A_28, %dma_start3A_29] : memref<2x6x4x1024xf32, #tpu.memory_space<vmem>> -> memref<1x1x4x1024xf32, #tpu.memory_space<vmem>>
    %dma_start3A_31 = tpu.memref_squeeze %dma_start3A_30 : memref<1x1x4x1024xf32, #tpu.memory_space<vmem>> -> memref<4x1024xf32, #tpu.memory_space<vmem>>
    %dma_start3A_32 = arith.constant 0 : i32
    %dma_start3A_33 = tpu.memref_slice %arg3[%add3A_6, %dma_start3A_32] : memref<16384x1024xf32, #tpu.memory_space<hbm>> -> memref<4x1024xf32, #tpu.memory_space<hbm>>
    tpu.enqueue_dma source(%dma_start3A_33 : memref<4x1024xf32, #tpu.memory_space<hbm>>) target(%dma_start3A_31 : memref<4x1024xf32, #tpu.memory_space<vmem>>) target_semaphore(%arg12 : memref<!tpu.dma_semaphore, #tpu.memory_space<semaphore_mem>>)
    %dma_start3A_34 = arith.constant 0 : i32
    %dma_start3A_35 = arith.constant 2 : i32
    %dma_start3A_36 = arith.constant 0 : i32
    %dma_start3A_37 = arith.constant 0 : i32
    %dma_start3A_38 = tpu.memref_slice %arg9[%dma_start3A_34, %dma_start3A_35, %dma_start3A_36, %dma_start3A_37] : memref<2x6x4x1024xf32, #tpu.memory_space<vmem>> -> memref<1x1x4x1024xf32, #tpu.memory_space<vmem>>
    %dma_start3A_39 = tpu.memref_squeeze %dma_start3A_38 : memref<1x1x4x1024xf32, #tpu.memory_space<vmem>> -> memref<4x1024xf32, #tpu.memory_space<vmem>>
    %dma_start3A_40 = arith.constant 0 : i32
    %dma_start3A_41 = tpu.memref_slice %arg4[%add3A_6, %dma_start3A_40] : memref<16384x1024xf32, #tpu.memory_space<hbm>> -> memref<4x1024xf32, #tpu.memory_space<hbm>>
    %dma_start3A_42 = arith.constant 0 : i32
    %dma_start3A_43 = arith.constant 0 : i32
    %dma_start3A_44 = tpu.memref_slice %arg9[%dma_start3A_34, %dma_start3A_35, %dma_start3A_42, %dma_start3A_43] : memref<2x6x4x1024xf32, #tpu.memory_space<vmem>> -> memref<1x1x4x1024xf32, #tpu.memory_space<vmem>>
    %dma_start3A_45 = tpu.memref_squeeze %dma_start3A_44 : memref<1x1x4x1024xf32, #tpu.memory_space<vmem>> -> memref<4x1024xf32, #tpu.memory_space<vmem>>
    %dma_start3A_46 = arith.constant 0 : i32
    %dma_start3A_47 = tpu.memref_slice %arg4[%add3A_6, %dma_start3A_46] : memref<16384x1024xf32, #tpu.memory_space<hbm>> -> memref<4x1024xf32, #tpu.memory_space<hbm>>
    tpu.enqueue_dma source(%dma_start3A_47 : memref<4x1024xf32, #tpu.memory_space<hbm>>) target(%dma_start3A_45 : memref<4x1024xf32, #tpu.memory_space<vmem>>) target_semaphore(%arg12 : memref<!tpu.dma_semaphore, #tpu.memory_space<semaphore_mem>>)
    %dma_start3A_48 = arith.constant 0 : i32
    %dma_start3A_49 = arith.constant 3 : i32
    %dma_start3A_50 = arith.constant 0 : i32
    %dma_start3A_51 = arith.constant 0 : i32
    %dma_start3A_52 = tpu.memref_slice %arg9[%dma_start3A_48, %dma_start3A_49, %dma_start3A_50, %dma_start3A_51] : memref<2x6x4x1024xf32, #tpu.memory_space<vmem>> -> memref<1x1x4x1024xf32, #tpu.memory_space<vmem>>
    %dma_start3A_53 = tpu.memref_squeeze %dma_start3A_52 : memref<1x1x4x1024xf32, #tpu.memory_space<vmem>> -> memref<4x1024xf32, #tpu.memory_space<vmem>>
    %dma_start3A_54 = arith.constant 0 : i32
    %dma_start3A_55 = tpu.memref_slice %arg5[%add3A_6, %dma_start3A_54] : memref<16384x1024xf32, #tpu.memory_space<hbm>> -> memref<4x1024xf32, #tpu.memory_space<hbm>>
    %dma_start3A_56 = arith.constant 0 : i32
    %dma_start3A_57 = arith.constant 0 : i32
    %dma_start3A_58 = tpu.memref_slice %arg9[%dma_start3A_48, %dma_start3A_49, %dma_start3A_56, %dma_start3A_57] : memref<2x6x4x1024xf32, #tpu.memory_space<vmem>> -> memref<1x1x4x1024xf32, #tpu.memory_space<vmem>>
    %dma_start3A_59 = tpu.memref_squeeze %dma_start3A_58 : memref<1x1x4x1024xf32, #tpu.memory_space<vmem>> -> memref<4x1024xf32, #tpu.memory_space<vmem>>
    %dma_start3A_60 = arith.constant 0 : i32
    %dma_start3A_61 = tpu.memref_slice %arg5[%add3A_6, %dma_start3A_60] : memref<16384x1024xf32, #tpu.memory_space<hbm>> -> memref<4x1024xf32, #tpu.memory_space<hbm>>
    tpu.enqueue_dma source(%dma_start3A_61 : memref<4x1024xf32, #tpu.memory_space<hbm>>) target(%dma_start3A_59 : memref<4x1024xf32, #tpu.memory_space<vmem>>) target_semaphore(%arg12 : memref<!tpu.dma_semaphore, #tpu.memory_space<semaphore_mem>>)
    %dma_start3A_62 = arith.constant 0 : i32
    %dma_start3A_63 = arith.constant 4 : i32
    %dma_start3A_64 = arith.constant 0 : i32
    %dma_start3A_65 = arith.constant 0 : i32
    %dma_start3A_66 = tpu.memref_slice %arg9[%dma_start3A_62, %dma_start3A_63, %dma_start3A_64, %dma_start3A_65] : memref<2x6x4x1024xf32, #tpu.memory_space<vmem>> -> memref<1x1x4x1024xf32, #tpu.memory_space<vmem>>
    %dma_start3A_67 = tpu.memref_squeeze %dma_start3A_66 : memref<1x1x4x1024xf32, #tpu.memory_space<vmem>> -> memref<4x1024xf32, #tpu.memory_space<vmem>>
    %dma_start3A_68 = arith.constant 0 : i32
    %dma_start3A_69 = tpu.memref_slice %arg6[%add3A_6, %dma_start3A_68] : memref<16384x1024xf32, #tpu.memory_space<hbm>> -> memref<4x1024xf32, #tpu.memory_space<hbm>>
    %dma_start3A_70 = arith.constant 0 : i32
    %dma_start3A_71 = arith.constant 0 : i32
    %dma_start3A_72 = tpu.memref_slice %arg9[%dma_start3A_62, %dma_start3A_63, %dma_start3A_70, %dma_start3A_71] : memref<2x6x4x1024xf32, #tpu.memory_space<vmem>> -> memref<1x1x4x1024xf32, #tpu.memory_space<vmem>>
    %dma_start3A_73 = tpu.memref_squeeze %dma_start3A_72 : memref<1x1x4x1024xf32, #tpu.memory_space<vmem>> -> memref<4x1024xf32, #tpu.memory_space<vmem>>
    %dma_start3A_74 = arith.constant 0 : i32
    %dma_start3A_75 = tpu.memref_slice %arg6[%add3A_6, %dma_start3A_74] : memref<16384x1024xf32, #tpu.memory_space<hbm>> -> memref<4x1024xf32, #tpu.memory_space<hbm>>
    tpu.enqueue_dma source(%dma_start3A_75 : memref<4x1024xf32, #tpu.memory_space<hbm>>) target(%dma_start3A_73 : memref<4x1024xf32, #tpu.memory_space<vmem>>) target_semaphore(%arg12 : memref<!tpu.dma_semaphore, #tpu.memory_space<semaphore_mem>>)
    %dma_start3A_76 = arith.constant 0 : i32
    %dma_start3A_77 = arith.constant 5 : i32
    %dma_start3A_78 = arith.constant 0 : i32
    %dma_start3A_79 = arith.constant 0 : i32
    %dma_start3A_80 = tpu.memref_slice %arg9[%dma_start3A_76, %dma_start3A_77, %dma_start3A_78, %dma_start3A_79] : memref<2x6x4x1024xf32, #tpu.memory_space<vmem>> -> memref<1x1x4x1024xf32, #tpu.memory_space<vmem>>
    %dma_start3A_81 = tpu.memref_squeeze %dma_start3A_80 : memref<1x1x4x1024xf32, #tpu.memory_space<vmem>> -> memref<4x1024xf32, #tpu.memory_space<vmem>>
    %dma_start3A_82 = arith.constant 0 : i32
    %dma_start3A_83 = tpu.memref_slice %arg7[%add3A_6, %dma_start3A_82] : memref<16384x1024xf32, #tpu.memory_space<hbm>> -> memref<4x1024xf32, #tpu.memory_space<hbm>>
    %dma_start3A_84 = arith.constant 0 : i32
    %dma_start3A_85 = arith.constant 0 : i32
    %dma_start3A_86 = tpu.memref_slice %arg9[%dma_start3A_76, %dma_start3A_77, %dma_start3A_84, %dma_start3A_85] : memref<2x6x4x1024xf32, #tpu.memory_space<vmem>> -> memref<1x1x4x1024xf32, #tpu.memory_space<vmem>>
    %dma_start3A_87 = tpu.memref_squeeze %dma_start3A_86 : memref<1x1x4x1024xf32, #tpu.memory_space<vmem>> -> memref<4x1024xf32, #tpu.memory_space<vmem>>
    %dma_start3A_88 = arith.constant 0 : i32
    %dma_start3A_89 = tpu.memref_slice %arg7[%add3A_6, %dma_start3A_88] : memref<16384x1024xf32, #tpu.memory_space<hbm>> -> memref<4x1024xf32, #tpu.memory_space<hbm>>
    tpu.enqueue_dma source(%dma_start3A_89 : memref<4x1024xf32, #tpu.memory_space<hbm>>) target(%dma_start3A_87 : memref<4x1024xf32, #tpu.memory_space<vmem>>) target_semaphore(%arg12 : memref<!tpu.dma_semaphore, #tpu.memory_space<semaphore_mem>>)
    %add3A_90 = arith.constant 4 : i32
    %add3A_91 = arith.addi %add3A_4, %add3A_90 : i32
    %dma_start3A_92 = arith.constant 1 : i32
    %dma_start3A_93 = arith.constant 0 : i32
    %dma_start3A_94 = arith.constant 0 : i32
    %dma_start3A_95 = arith.constant 0 : i32
    %dma_start3A_96 = tpu.memref_slice %arg9[%dma_start3A_92, %dma_start3A_93, %dma_start3A_94, %dma_start3A_95] : memref<2x6x4x1024xf32, #tpu.memory_space<vmem>> -> memref<1x1x4x1024xf32, #tpu.memory_space<vmem>>
    %dma_start3A_97 = tpu.memref_squeeze %dma_start3A_96 : memref<1x1x4x1024xf32, #tpu.memory_space<vmem>> -> memref<4x1024xf32, #tpu.memory_space<vmem>>
    %dma_start3A_98 = arith.constant 0 : i32
    %dma_start3A_99 = tpu.memref_slice %arg2[%add3A_91, %dma_start3A_98] : memref<16384x1024xf32, #tpu.memory_space<hbm>> -> memref<4x1024xf32, #tpu.memory_space<hbm>>
    %dma_start3A_100 = arith.constant 0 : i32
    %dma_start3A_101 = arith.constant 0 : i32
    %dma_start3A_102 = tpu.memref_slice %arg9[%dma_start3A_92, %dma_start3A_93, %dma_start3A_100, %dma_start3A_101] : memref<2x6x4x1024xf32, #tpu.memory_space<vmem>> -> memref<1x1x4x1024xf32, #tpu.memory_space<vmem>>
    %dma_start3A_103 = tpu.memref_squeeze %dma_start3A_102 : memref<1x1x4x1024xf32, #tpu.memory_space<vmem>> -> memref<4x1024xf32, #tpu.memory_space<vmem>>
    %dma_start3A_104 = arith.constant 0 : i32
    %dma_start3A_105 = tpu.memref_slice %arg2[%add3A_91, %dma_start3A_104] : memref<16384x1024xf32, #tpu.memory_space<hbm>> -> memref<4x1024xf32, #tpu.memory_space<hbm>>
    tpu.enqueue_dma source(%dma_start3A_105 : memref<4x1024xf32, #tpu.memory_space<hbm>>) target(%dma_start3A_103 : memref<4x1024xf32, #tpu.memory_space<vmem>>) target_semaphore(%arg13 : memref<!tpu.dma_semaphore, #tpu.memory_space<semaphore_mem>>)
    %dma_start3A_106 = arith.constant 1 : i32
    %dma_start3A_107 = arith.constant 1 : i32
    %dma_start3A_108 = arith.constant 0 : i32
    %dma_start3A_109 = arith.constant 0 : i32
    %dma_start3A_110 = tpu.memref_slice %arg9[%dma_start3A_106, %dma_start3A_107, %dma_start3A_108, %dma_start3A_109] : memref<2x6x4x1024xf32, #tpu.memory_space<vmem>> -> memref<1x1x4x1024xf32, #tpu.memory_space<vmem>>
    %dma_start3A_111 = tpu.memref_squeeze %dma_start3A_110 : memref<1x1x4x1024xf32, #tpu.memory_space<vmem>> -> memref<4x1024xf32, #tpu.memory_space<vmem>>
    %dma_start3A_112 = arith.constant 0 : i32
    %dma_start3A_113 = tpu.memref_slice %arg3[%add3A_91, %dma_start3A_112] : memref<16384x1024xf32, #tpu.memory_space<hbm>> -> memref<4x1024xf32, #tpu.memory_space<hbm>>
    %dma_start3A_114 = arith.constant 0 : i32
    %dma_start3A_115 = arith.constant 0 : i32
    %dma_start3A_116 = tpu.memref_slice %arg9[%dma_start3A_106, %dma_start3A_107, %dma_start3A_114, %dma_start3A_115] : memref<2x6x4x1024xf32, #tpu.memory_space<vmem>> -> memref<1x1x4x1024xf32, #tpu.memory_space<vmem>>
    %dma_start3A_117 = tpu.memref_squeeze %dma_start3A_116 : memref<1x1x4x1024xf32, #tpu.memory_space<vmem>> -> memref<4x1024xf32, #tpu.memory_space<vmem>>
    %dma_start3A_118 = arith.constant 0 : i32
    %dma_start3A_119 = tpu.memref_slice %arg3[%add3A_91, %dma_start3A_118] : memref<16384x1024xf32, #tpu.memory_space<hbm>> -> memref<4x1024xf32, #tpu.memory_space<hbm>>
    tpu.enqueue_dma source(%dma_start3A_119 : memref<4x1024xf32, #tpu.memory_space<hbm>>) target(%dma_start3A_117 : memref<4x1024xf32, #tpu.memory_space<vmem>>) target_semaphore(%arg13 : memref<!tpu.dma_semaphore, #tpu.memory_space<semaphore_mem>>)
    %dma_start3A_120 = arith.constant 1 : i32
    %dma_start3A_121 = arith.constant 2 : i32
    %dma_start3A_122 = arith.constant 0 : i32
    %dma_start3A_123 = arith.constant 0 : i32
    %dma_start3A_124 = tpu.memref_slice %arg9[%dma_start3A_120, %dma_start3A_121, %dma_start3A_122, %dma_start3A_123] : memref<2x6x4x1024xf32, #tpu.memory_space<vmem>> -> memref<1x1x4x1024xf32, #tpu.memory_space<vmem>>
    %dma_start3A_125 = tpu.memref_squeeze %dma_start3A_124 : memref<1x1x4x1024xf32, #tpu.memory_space<vmem>> -> memref<4x1024xf32, #tpu.memory_space<vmem>>
    %dma_start3A_126 = arith.constant 0 : i32
    %dma_start3A_127 = tpu.memref_slice %arg4[%add3A_91, %dma_start3A_126] : memref<16384x1024xf32, #tpu.memory_space<hbm>> -> memref<4x1024xf32, #tpu.memory_space<hbm>>
    %dma_start3A_128 = arith.constant 0 : i32
    %dma_start3A_129 = arith.constant 0 : i32
    %dma_start3A_130 = tpu.memref_slice %arg9[%dma_start3A_120, %dma_start3A_121, %dma_start3A_128, %dma_start3A_129] : memref<2x6x4x1024xf32, #tpu.memory_space<vmem>> -> memref<1x1x4x1024xf32, #tpu.memory_space<vmem>>
    %dma_start3A_131 = tpu.memref_squeeze %dma_start3A_130 : memref<1x1x4x1024xf32, #tpu.memory_space<vmem>> -> memref<4x1024xf32, #tpu.memory_space<vmem>>
    %dma_start3A_132 = arith.constant 0 : i32
    %dma_start3A_133 = tpu.memref_slice %arg4[%add3A_91, %dma_start3A_132] : memref<16384x1024xf32, #tpu.memory_space<hbm>> -> memref<4x1024xf32, #tpu.memory_space<hbm>>
    tpu.enqueue_dma source(%dma_start3A_133 : memref<4x1024xf32, #tpu.memory_space<hbm>>) target(%dma_start3A_131 : memref<4x1024xf32, #tpu.memory_space<vmem>>) target_semaphore(%arg13 : memref<!tpu.dma_semaphore, #tpu.memory_space<semaphore_mem>>)
    %dma_start3A_134 = arith.constant 1 : i32
    %dma_start3A_135 = arith.constant 3 : i32
    %dma_start3A_136 = arith.constant 0 : i32
    %dma_start3A_137 = arith.constant 0 : i32
    %dma_start3A_138 = tpu.memref_slice %arg9[%dma_start3A_134, %dma_start3A_135, %dma_start3A_136, %dma_start3A_137] : memref<2x6x4x1024xf32, #tpu.memory_space<vmem>> -> memref<1x1x4x1024xf32, #tpu.memory_space<vmem>>
    %dma_start3A_139 = tpu.memref_squeeze %dma_start3A_138 : memref<1x1x4x1024xf32, #tpu.memory_space<vmem>> -> memref<4x1024xf32, #tpu.memory_space<vmem>>
    %dma_start3A_140 = arith.constant 0 : i32
    %dma_start3A_141 = tpu.memref_slice %arg5[%add3A_91, %dma_start3A_140] : memref<16384x1024xf32, #tpu.memory_space<hbm>> -> memref<4x1024xf32, #tpu.memory_space<hbm>>
    %dma_start3A_142 = arith.constant 0 : i32
    %dma_start3A_143 = arith.constant 0 : i32
    %dma_start3A_144 = tpu.memref_slice %arg9[%dma_start3A_134, %dma_start3A_135, %dma_start3A_142, %dma_start3A_143] : memref<2x6x4x1024xf32, #tpu.memory_space<vmem>> -> memref<1x1x4x1024xf32, #tpu.memory_space<vmem>>
    %dma_start3A_145 = tpu.memref_squeeze %dma_start3A_144 : memref<1x1x4x1024xf32, #tpu.memory_space<vmem>> -> memref<4x1024xf32, #tpu.memory_space<vmem>>
    %dma_start3A_146 = arith.constant 0 : i32
    %dma_start3A_147 = tpu.memref_slice %arg5[%add3A_91, %dma_start3A_146] : memref<16384x1024xf32, #tpu.memory_space<hbm>> -> memref<4x1024xf32, #tpu.memory_space<hbm>>
    tpu.enqueue_dma source(%dma_start3A_147 : memref<4x1024xf32, #tpu.memory_space<hbm>>) target(%dma_start3A_145 : memref<4x1024xf32, #tpu.memory_space<vmem>>) target_semaphore(%arg13 : memref<!tpu.dma_semaphore, #tpu.memory_space<semaphore_mem>>)
    %dma_start3A_148 = arith.constant 1 : i32
    %dma_start3A_149 = arith.constant 4 : i32
    %dma_start3A_150 = arith.constant 0 : i32
    %dma_start3A_151 = arith.constant 0 : i32
    %dma_start3A_152 = tpu.memref_slice %arg9[%dma_start3A_148, %dma_start3A_149, %dma_start3A_150, %dma_start3A_151] : memref<2x6x4x1024xf32, #tpu.memory_space<vmem>> -> memref<1x1x4x1024xf32, #tpu.memory_space<vmem>>
    %dma_start3A_153 = tpu.memref_squeeze %dma_start3A_152 : memref<1x1x4x1024xf32, #tpu.memory_space<vmem>> -> memref<4x1024xf32, #tpu.memory_space<vmem>>
    %dma_start3A_154 = arith.constant 0 : i32
    %dma_start3A_155 = tpu.memref_slice %arg6[%add3A_91, %dma_start3A_154] : memref<16384x1024xf32, #tpu.memory_space<hbm>> -> memref<4x1024xf32, #tpu.memory_space<hbm>>
    %dma_start3A_156 = arith.constant 0 : i32
    %dma_start3A_157 = arith.constant 0 : i32
    %dma_start3A_158 = tpu.memref_slice %arg9[%dma_start3A_148, %dma_start3A_149, %dma_start3A_156, %dma_start3A_157] : memref<2x6x4x1024xf32, #tpu.memory_space<vmem>> -> memref<1x1x4x1024xf32, #tpu.memory_space<vmem>>
    %dma_start3A_159 = tpu.memref_squeeze %dma_start3A_158 : memref<1x1x4x1024xf32, #tpu.memory_space<vmem>> -> memref<4x1024xf32, #tpu.memory_space<vmem>>
    %dma_start3A_160 = arith.constant 0 : i32
    %dma_start3A_161 = tpu.memref_slice %arg6[%add3A_91, %dma_start3A_160] : memref<16384x1024xf32, #tpu.memory_space<hbm>> -> memref<4x1024xf32, #tpu.memory_space<hbm>>
    tpu.enqueue_dma source(%dma_start3A_161 : memref<4x1024xf32, #tpu.memory_space<hbm>>) target(%dma_start3A_159 : memref<4x1024xf32, #tpu.memory_space<vmem>>) target_semaphore(%arg13 : memref<!tpu.dma_semaphore, #tpu.memory_space<semaphore_mem>>)
    %dma_start3A_162 = arith.constant 1 : i32
    %dma_start3A_163 = arith.constant 5 : i32
    %dma_start3A_164 = arith.constant 0 : i32
    %dma_start3A_165 = arith.constant 0 : i32
    %dma_start3A_166 = tpu.memref_slice %arg9[%dma_start3A_162, %dma_start3A_163, %dma_start3A_164, %dma_start3A_165] : memref<2x6x4x1024xf32, #tpu.memory_space<vmem>> -> memref<1x1x4x1024xf32, #tpu.memory_space<vmem>>
    %dma_start3A_167 = tpu.memref_squeeze %dma_start3A_166 : memref<1x1x4x1024xf32, #tpu.memory_space<vmem>> -> memref<4x1024xf32, #tpu.memory_space<vmem>>
    %dma_start3A_168 = arith.constant 0 : i32
    %dma_start3A_169 = tpu.memref_slice %arg7[%add3A_91, %dma_start3A_168] : memref<16384x1024xf32, #tpu.memory_space<hbm>> -> memref<4x1024xf32, #tpu.memory_space<hbm>>
    %dma_start3A_170 = arith.constant 0 : i32
    %dma_start3A_171 = arith.constant 0 : i32
    %dma_start3A_172 = tpu.memref_slice %arg9[%dma_start3A_162, %dma_start3A_163, %dma_start3A_170, %dma_start3A_171] : memref<2x6x4x1024xf32, #tpu.memory_space<vmem>> -> memref<1x1x4x1024xf32, #tpu.memory_space<vmem>>
    %dma_start3A_173 = tpu.memref_squeeze %dma_start3A_172 : memref<1x1x4x1024xf32, #tpu.memory_space<vmem>> -> memref<4x1024xf32, #tpu.memory_space<vmem>>
    %dma_start3A_174 = arith.constant 0 : i32
    %dma_start3A_175 = tpu.memref_slice %arg7[%add3A_91, %dma_start3A_174] : memref<16384x1024xf32, #tpu.memory_space<hbm>> -> memref<4x1024xf32, #tpu.memory_space<hbm>>
    tpu.enqueue_dma source(%dma_start3A_175 : memref<4x1024xf32, #tpu.memory_space<hbm>>) target(%dma_start3A_173 : memref<4x1024xf32, #tpu.memory_space<vmem>>) target_semaphore(%arg13 : memref<!tpu.dma_semaphore, #tpu.memory_space<semaphore_mem>>)
    %scan3A = arith.constant 0 : i32
    %scan3A_176 = arith.constant 4 : i32
    %scan3A_177 = arith.addi %scan3A, %scan3A_176 : i32
    %scan3A_178 = arith.constant 1 : i32
    scf.for %scan3A_193 = %scan3A to %scan3A_177 step %scan3A_178  : i32 {
      %mul3A_194 = arith.constant 2 : i32
      %mul3A_195 = arith.muli %scan3A_193, %mul3A_194 : i32
      %add3A_196 = arith.constant 0 : i32
      %add3A_197 = arith.addi %add3A_196, %mul3A_195 : i32
      %add3A_198 = arith.constant 0 : i32
      %add3A_199 = arith.addi %add3A_197, %add3A_198 : i32
      %mul3A_200 = arith.constant 4 : i32
      %mul3A_201 = arith.muli %add3A_199, %mul3A_200 : i32
      %add3A_202 = arith.addi %add3A_4, %mul3A_201 : i32
      %dma_wait3A = arith.constant 0 : i32
      %dma_wait3A_203 = arith.constant 0 : i32
      %dma_wait3A_204 = arith.constant 0 : i32
      %dma_wait3A_205 = arith.constant 0 : i32
      %dma_wait3A_206 = tpu.memref_slice %arg9[%dma_wait3A, %dma_wait3A_203, %dma_wait3A_204, %dma_wait3A_205] : memref<2x6x4x1024xf32, #tpu.memory_space<vmem>> -> memref<1x1x4x1024xf32, #tpu.memory_space<vmem>>
      %dma_wait3A_207 = tpu.memref_squeeze %dma_wait3A_206 : memref<1x1x4x1024xf32, #tpu.memory_space<vmem>> -> memref<4x1024xf32, #tpu.memory_space<vmem>>
      %dma_wait3A_208 = arith.constant 0 : i32
      %dma_wait3A_209 = tpu.memref_slice %arg2[%add3A_202, %dma_wait3A_208] : memref<16384x1024xf32, #tpu.memory_space<hbm>> -> memref<4x1024xf32, #tpu.memory_space<hbm>>
      %dma_wait3A_210 = arith.constant 0 : i32
      %dma_wait3A_211 = arith.constant 0 : i32
      %dma_wait3A_212 = tpu.memref_slice %arg9[%dma_wait3A, %dma_wait3A_203, %dma_wait3A_210, %dma_wait3A_211] : memref<2x6x4x1024xf32, #tpu.memory_space<vmem>> -> memref<1x1x4x1024xf32, #tpu.memory_space<vmem>>
      %dma_wait3A_213 = tpu.memref_squeeze %dma_wait3A_212 : memref<1x1x4x1024xf32, #tpu.memory_space<vmem>> -> memref<4x1024xf32, #tpu.memory_space<vmem>>
      %dma_wait3A_214 = arith.constant 0 : i32
      %dma_wait3A_215 = tpu.memref_slice %arg2[%add3A_202, %dma_wait3A_214] : memref<16384x1024xf32, #tpu.memory_space<hbm>> -> memref<4x1024xf32, #tpu.memory_space<hbm>>
      tpu.wait_dma2 semaphore(%arg12 : memref<!tpu.dma_semaphore, #tpu.memory_space<semaphore_mem>>) src(%dma_wait3A_215 : memref<4x1024xf32, #tpu.memory_space<hbm>>) dst(%dma_wait3A_213 : memref<4x1024xf32, #tpu.memory_space<vmem>>)
      %dma_wait3A_216 = arith.constant 0 : i32
      %dma_wait3A_217 = arith.constant 1 : i32
      %dma_wait3A_218 = arith.constant 0 : i32
      %dma_wait3A_219 = arith.constant 0 : i32
      %dma_wait3A_220 = tpu.memref_slice %arg9[%dma_wait3A_216, %dma_wait3A_217, %dma_wait3A_218, %dma_wait3A_219] : memref<2x6x4x1024xf32, #tpu.memory_space<vmem>> -> memref<1x1x4x1024xf32, #tpu.memory_space<vmem>>
      %dma_wait3A_221 = tpu.memref_squeeze %dma_wait3A_220 : memref<1x1x4x1024xf32, #tpu.memory_space<vmem>> -> memref<4x1024xf32, #tpu.memory_space<vmem>>
      %dma_wait3A_222 = arith.constant 0 : i32
      %dma_wait3A_223 = tpu.memref_slice %arg3[%add3A_202, %dma_wait3A_222] : memref<16384x1024xf32, #tpu.memory_space<hbm>> -> memref<4x1024xf32, #tpu.memory_space<hbm>>
      %dma_wait3A_224 = arith.constant 0 : i32
      %dma_wait3A_225 = arith.constant 0 : i32
      %dma_wait3A_226 = tpu.memref_slice %arg9[%dma_wait3A_216, %dma_wait3A_217, %dma_wait3A_224, %dma_wait3A_225] : memref<2x6x4x1024xf32, #tpu.memory_space<vmem>> -> memref<1x1x4x1024xf32, #tpu.memory_space<vmem>>
      %dma_wait3A_227 = tpu.memref_squeeze %dma_wait3A_226 : memref<1x1x4x1024xf32, #tpu.memory_space<vmem>> -> memref<4x1024xf32, #tpu.memory_space<vmem>>
      %dma_wait3A_228 = arith.constant 0 : i32
      %dma_wait3A_229 = tpu.memref_slice %arg3[%add3A_202, %dma_wait3A_228] : memref<16384x1024xf32, #tpu.memory_space<hbm>> -> memref<4x1024xf32, #tpu.memory_space<hbm>>
      tpu.wait_dma2 semaphore(%arg12 : memref<!tpu.dma_semaphore, #tpu.memory_space<semaphore_mem>>) src(%dma_wait3A_229 : memref<4x1024xf32, #tpu.memory_space<hbm>>) dst(%dma_wait3A_227 : memref<4x1024xf32, #tpu.memory_space<vmem>>)
      %dma_wait3A_230 = arith.constant 0 : i32
      %dma_wait3A_231 = arith.constant 2 : i32
      %dma_wait3A_232 = arith.constant 0 : i32
      %dma_wait3A_233 = arith.constant 0 : i32
      %dma_wait3A_234 = tpu.memref_slice %arg9[%dma_wait3A_230, %dma_wait3A_231, %dma_wait3A_232, %dma_wait3A_233] : memref<2x6x4x1024xf32, #tpu.memory_space<vmem>> -> memref<1x1x4x1024xf32, #tpu.memory_space<vmem>>
      %dma_wait3A_235 = tpu.memref_squeeze %dma_wait3A_234 : memref<1x1x4x1024xf32, #tpu.memory_space<vmem>> -> memref<4x1024xf32, #tpu.memory_space<vmem>>
      %dma_wait3A_236 = arith.constant 0 : i32
      %dma_wait3A_237 = tpu.memref_slice %arg4[%add3A_202, %dma_wait3A_236] : memref<16384x1024xf32, #tpu.memory_space<hbm>> -> memref<4x1024xf32, #tpu.memory_space<hbm>>
      %dma_wait3A_238 = arith.constant 0 : i32
      %dma_wait3A_239 = arith.constant 0 : i32
      %dma_wait3A_240 = tpu.memref_slice %arg9[%dma_wait3A_230, %dma_wait3A_231, %dma_wait3A_238, %dma_wait3A_239] : memref<2x6x4x1024xf32, #tpu.memory_space<vmem>> -> memref<1x1x4x1024xf32, #tpu.memory_space<vmem>>
      %dma_wait3A_241 = tpu.memref_squeeze %dma_wait3A_240 : memref<1x1x4x1024xf32, #tpu.memory_space<vmem>> -> memref<4x1024xf32, #tpu.memory_space<vmem>>
      %dma_wait3A_242 = arith.constant 0 : i32
      %dma_wait3A_243 = tpu.memref_slice %arg4[%add3A_202, %dma_wait3A_242] : memref<16384x1024xf32, #tpu.memory_space<hbm>> -> memref<4x1024xf32, #tpu.memory_space<hbm>>
      tpu.wait_dma2 semaphore(%arg12 : memref<!tpu.dma_semaphore, #tpu.memory_space<semaphore_mem>>) src(%dma_wait3A_243 : memref<4x1024xf32, #tpu.memory_space<hbm>>) dst(%dma_wait3A_241 : memref<4x1024xf32, #tpu.memory_space<vmem>>)
      %dma_wait3A_244 = arith.constant 0 : i32
      %dma_wait3A_245 = arith.constant 3 : i32
      %dma_wait3A_246 = arith.constant 0 : i32
      %dma_wait3A_247 = arith.constant 0 : i32
      %dma_wait3A_248 = tpu.memref_slice %arg9[%dma_wait3A_244, %dma_wait3A_245, %dma_wait3A_246, %dma_wait3A_247] : memref<2x6x4x1024xf32, #tpu.memory_space<vmem>> -> memref<1x1x4x1024xf32, #tpu.memory_space<vmem>>
      %dma_wait3A_249 = tpu.memref_squeeze %dma_wait3A_248 : memref<1x1x4x1024xf32, #tpu.memory_space<vmem>> -> memref<4x1024xf32, #tpu.memory_space<vmem>>
      %dma_wait3A_250 = arith.constant 0 : i32
      %dma_wait3A_251 = tpu.memref_slice %arg5[%add3A_202, %dma_wait3A_250] : memref<16384x1024xf32, #tpu.memory_space<hbm>> -> memref<4x1024xf32, #tpu.memory_space<hbm>>
      %dma_wait3A_252 = arith.constant 0 : i32
      %dma_wait3A_253 = arith.constant 0 : i32
      %dma_wait3A_254 = tpu.memref_slice %arg9[%dma_wait3A_244, %dma_wait3A_245, %dma_wait3A_252, %dma_wait3A_253] : memref<2x6x4x1024xf32, #tpu.memory_space<vmem>> -> memref<1x1x4x1024xf32, #tpu.memory_space<vmem>>
      %dma_wait3A_255 = tpu.memref_squeeze %dma_wait3A_254 : memref<1x1x4x1024xf32, #tpu.memory_space<vmem>> -> memref<4x1024xf32, #tpu.memory_space<vmem>>
      %dma_wait3A_256 = arith.constant 0 : i32
      %dma_wait3A_257 = tpu.memref_slice %arg5[%add3A_202, %dma_wait3A_256] : memref<16384x1024xf32, #tpu.memory_space<hbm>> -> memref<4x1024xf32, #tpu.memory_space<hbm>>
      tpu.wait_dma2 semaphore(%arg12 : memref<!tpu.dma_semaphore, #tpu.memory_space<semaphore_mem>>) src(%dma_wait3A_257 : memref<4x1024xf32, #tpu.memory_space<hbm>>) dst(%dma_wait3A_255 : memref<4x1024xf32, #tpu.memory_space<vmem>>)
      %dma_wait3A_258 = arith.constant 0 : i32
      %dma_wait3A_259 = arith.constant 4 : i32
      %dma_wait3A_260 = arith.constant 0 : i32
      %dma_wait3A_261 = arith.constant 0 : i32
      %dma_wait3A_262 = tpu.memref_slice %arg9[%dma_wait3A_258, %dma_wait3A_259, %dma_wait3A_260, %dma_wait3A_261] : memref<2x6x4x1024xf32, #tpu.memory_space<vmem>> -> memref<1x1x4x1024xf32, #tpu.memory_space<vmem>>
      %dma_wait3A_263 = tpu.memref_squeeze %dma_wait3A_262 : memref<1x1x4x1024xf32, #tpu.memory_space<vmem>> -> memref<4x1024xf32, #tpu.memory_space<vmem>>
      %dma_wait3A_264 = arith.constant 0 : i32
      %dma_wait3A_265 = tpu.memref_slice %arg6[%add3A_202, %dma_wait3A_264] : memref<16384x1024xf32, #tpu.memory_space<hbm>> -> memref<4x1024xf32, #tpu.memory_space<hbm>>
      %dma_wait3A_266 = arith.constant 0 : i32
      %dma_wait3A_267 = arith.constant 0 : i32
      %dma_wait3A_268 = tpu.memref_slice %arg9[%dma_wait3A_258, %dma_wait3A_259, %dma_wait3A_266, %dma_wait3A_267] : memref<2x6x4x1024xf32, #tpu.memory_space<vmem>> -> memref<1x1x4x1024xf32, #tpu.memory_space<vmem>>
      %dma_wait3A_269 = tpu.memref_squeeze %dma_wait3A_268 : memref<1x1x4x1024xf32, #tpu.memory_space<vmem>> -> memref<4x1024xf32, #tpu.memory_space<vmem>>
      %dma_wait3A_270 = arith.constant 0 : i32
      %dma_wait3A_271 = tpu.memref_slice %arg6[%add3A_202, %dma_wait3A_270] : memref<16384x1024xf32, #tpu.memory_space<hbm>> -> memref<4x1024xf32, #tpu.memory_space<hbm>>
      tpu.wait_dma2 semaphore(%arg12 : memref<!tpu.dma_semaphore, #tpu.memory_space<semaphore_mem>>) src(%dma_wait3A_271 : memref<4x1024xf32, #tpu.memory_space<hbm>>) dst(%dma_wait3A_269 : memref<4x1024xf32, #tpu.memory_space<vmem>>)
      %dma_wait3A_272 = arith.constant 0 : i32
      %dma_wait3A_273 = arith.constant 5 : i32
      %dma_wait3A_274 = arith.constant 0 : i32
      %dma_wait3A_275 = arith.constant 0 : i32
      %dma_wait3A_276 = tpu.memref_slice %arg9[%dma_wait3A_272, %dma_wait3A_273, %dma_wait3A_274, %dma_wait3A_275] : memref<2x6x4x1024xf32, #tpu.memory_space<vmem>> -> memref<1x1x4x1024xf32, #tpu.memory_space<vmem>>
      %dma_wait3A_277 = tpu.memref_squeeze %dma_wait3A_276 : memref<1x1x4x1024xf32, #tpu.memory_space<vmem>> -> memref<4x1024xf32, #tpu.memory_space<vmem>>
      %dma_wait3A_278 = arith.constant 0 : i32
      %dma_wait3A_279 = tpu.memref_slice %arg7[%add3A_202, %dma_wait3A_278] : memref<16384x1024xf32, #tpu.memory_space<hbm>> -> memref<4x1024xf32, #tpu.memory_space<hbm>>
      %dma_wait3A_280 = arith.constant 0 : i32
      %dma_wait3A_281 = arith.constant 0 : i32
      %dma_wait3A_282 = tpu.memref_slice %arg9[%dma_wait3A_272, %dma_wait3A_273, %dma_wait3A_280, %dma_wait3A_281] : memref<2x6x4x1024xf32, #tpu.memory_space<vmem>> -> memref<1x1x4x1024xf32, #tpu.memory_space<vmem>>
      %dma_wait3A_283 = tpu.memref_squeeze %dma_wait3A_282 : memref<1x1x4x1024xf32, #tpu.memory_space<vmem>> -> memref<4x1024xf32, #tpu.memory_space<vmem>>
      %dma_wait3A_284 = arith.constant 0 : i32
      %dma_wait3A_285 = tpu.memref_slice %arg7[%add3A_202, %dma_wait3A_284] : memref<16384x1024xf32, #tpu.memory_space<hbm>> -> memref<4x1024xf32, #tpu.memory_space<hbm>>
      tpu.wait_dma2 semaphore(%arg12 : memref<!tpu.dma_semaphore, #tpu.memory_space<semaphore_mem>>) src(%dma_wait3A_285 : memref<4x1024xf32, #tpu.memory_space<hbm>>) dst(%dma_wait3A_283 : memref<4x1024xf32, #tpu.memory_space<vmem>>)
      %broadcast_in_dim3A_286 = arith.constant 0.000000e+00 : f32
      %broadcast_in_dim3A_287 = vector.broadcast %broadcast_in_dim3A_286 : f32 to vector<16xf32>
      %scan3A_288 = arith.constant 0 : i32
      %scan3A_289 = arith.constant 32 : i32
      %scan3A_290 = arith.addi %scan3A_288, %scan3A_289 : i32
      %scan3A_291 = arith.constant 1 : i32
      %scan3A_292:10 = scf.for %scan3A_722 = %scan3A_288 to %scan3A_290 step %scan3A_291 iter_args(%scan3A_723 = %broadcast_in_dim3A_287, %scan3A_724 = %broadcast_in_dim3A_287, %scan3A_725 = %broadcast_in_dim3A_287, %scan3A_726 = %broadcast_in_dim3A_287, %scan3A_727 = %broadcast_in_dim3A_287, %scan3A_728 = %broadcast_in_dim3A_287, %scan3A_729 = %broadcast_in_dim3A_287, %scan3A_730 = %broadcast_in_dim3A_287, %scan3A_731 = %broadcast_in_dim3A_287, %scan3A_732 = %broadcast_in_dim3A_287) -> (vector<16xf32>, vector<16xf32>, vector<16xf32>, vector<16xf32>, vector<16xf32>, vector<16xf32>, vector<16xf32>, vector<16xf32>, vector<16xf32>, vector<16xf32>)  : i32 {
        %mul3A_733 = arith.constant 2 : i32
        %mul3A_734 = arith.muli %scan3A_722, %mul3A_733 : i32
        %add3A_735 = arith.constant 0 : i32
        %add3A_736 = arith.addi %mul3A_734, %add3A_735 : i32
        %mul3A_737 = arith.constant 16 : i32
        %mul3A_738 = arith.muli %add3A_736, %mul3A_737 : i32
        %get3A = arith.constant 0 : i32
        %get3A_739 = arith.constant 0 : i32
        %get3A_740 = arith.constant 0 : i32
        %get3A_741 = arith.index_cast %get3A : i32 to index
        %get3A_742 = arith.index_cast %get3A_739 : i32 to index
        %get3A_743 = arith.index_cast %get3A_740 : i32 to index
        %get3A_744 = arith.index_cast %mul3A_738 : i32 to index
        %get3A_745 = tpu.vector_load %arg9[%get3A_741, %get3A_742, %get3A_743, %get3A_744] {strides = array<i32>} : memref<2x6x4x1024xf32, #tpu.memory_space<vmem>>, vector<1x1x1x16xf32>,
        %get3A_746 = vector.shape_cast %get3A_745 : vector<1x1x1x16xf32> to vector<16xf32>
        %get3A_747 = arith.constant 0 : i32
        %get3A_748 = arith.constant 1 : i32
        %get3A_749 = arith.constant 0 : i32
        %get3A_750 = arith.index_cast %get3A_747 : i32 to index
        %get3A_751 = arith.index_cast %get3A_748 : i32 to index
        %get3A_752 = arith.index_cast %get3A_749 : i32 to index
        %get3A_753 = arith.index_cast %mul3A_738 : i32 to index
        %get3A_754 = tpu.vector_load %arg9[%get3A_750, %get3A_751, %get3A_752, %get3A_753] {strides = array<i32>} : memref<2x6x4x1024xf32, #tpu.memory_space<vmem>>, vector<1x1x1x16xf32>,
        %get3A_755 = vector.shape_cast %get3A_754 : vector<1x1x1x16xf32> to vector<16xf32>
        %get3A_756 = arith.constant 0 : i32
        %get3A_757 = arith.constant 2 : i32
        %get3A_758 = arith.constant 0 : i32
        %get3A_759 = arith.index_cast %get3A_756 : i32 to index
        %get3A_760 = arith.index_cast %get3A_757 : i32 to index
        %get3A_761 = arith.index_cast %get3A_758 : i32 to index
        %get3A_762 = arith.index_cast %mul3A_738 : i32 to index
        %get3A_763 = tpu.vector_load %arg9[%get3A_759, %get3A_760, %get3A_761, %get3A_762] {strides = array<i32>} : memref<2x6x4x1024xf32, #tpu.memory_space<vmem>>, vector<1x1x1x16xf32>,
        %get3A_764 = vector.shape_cast %get3A_763 : vector<1x1x1x16xf32> to vector<16xf32>
        %get3A_765 = arith.constant 0 : i32
        %get3A_766 = arith.constant 3 : i32
        %get3A_767 = arith.constant 0 : i32
        %get3A_768 = arith.index_cast %get3A_765 : i32 to index
        %get3A_769 = arith.index_cast %get3A_766 : i32 to index
        %get3A_770 = arith.index_cast %get3A_767 : i32 to index
        %get3A_771 = arith.index_cast %mul3A_738 : i32 to index
        %get3A_772 = tpu.vector_load %arg9[%get3A_768, %get3A_769, %get3A_770, %get3A_771] {strides = array<i32>} : memref<2x6x4x1024xf32, #tpu.memory_space<vmem>>, vector<1x1x1x16xf32>,
        %get3A_773 = vector.shape_cast %get3A_772 : vector<1x1x1x16xf32> to vector<16xf32>
        %get3A_774 = arith.constant 0 : i32
        %get3A_775 = arith.constant 4 : i32
        %get3A_776 = arith.constant 0 : i32
        %get3A_777 = arith.index_cast %get3A_774 : i32 to index
        %get3A_778 = arith.index_cast %get3A_775 : i32 to index
        %get3A_779 = arith.index_cast %get3A_776 : i32 to index
        %get3A_780 = arith.index_cast %mul3A_738 : i32 to index
        %get3A_781 = tpu.vector_load %arg9[%get3A_777, %get3A_778, %get3A_779, %get3A_780] {strides = array<i32>} : memref<2x6x4x1024xf32, #tpu.memory_space<vmem>>, vector<1x1x1x16xf32>,
        %get3A_782 = vector.shape_cast %get3A_781 : vector<1x1x1x16xf32> to vector<16xf32>
        %get3A_783 = arith.constant 0 : i32
        %get3A_784 = arith.constant 5 : i32
        %get3A_785 = arith.constant 0 : i32
        %get3A_786 = arith.index_cast %get3A_783 : i32 to index
        %get3A_787 = arith.index_cast %get3A_784 : i32 to index
        %get3A_788 = arith.index_cast %get3A_785 : i32 to index
        %get3A_789 = arith.index_cast %mul3A_738 : i32 to index
        %get3A_790 = tpu.vector_load %arg9[%get3A_786, %get3A_787, %get3A_788, %get3A_789] {strides = array<i32>} : memref<2x6x4x1024xf32, #tpu.memory_space<vmem>>, vector<1x1x1x16xf32>,
        %get3A_791 = vector.shape_cast %get3A_790 : vector<1x1x1x16xf32> to vector<16xf32>
        %mul3A_792 = arith.mulf %get3A_746, %get3A_764 : vector<16xf32>
        %mul3A_793 = arith.mulf %get3A_755, %get3A_773 : vector<16xf32>
        %mul3A_794 = arith.mulf %get3A_746, %get3A_782 : vector<16xf32>
        %mul3A_795 = arith.mulf %get3A_755, %get3A_791 : vector<16xf32>
        %mul3A_796 = arith.mulf %get3A_746, %get3A_746 : vector<16xf32>
        %mul3A_797 = arith.mulf %get3A_755, %get3A_755 : vector<16xf32>
        %mul3A_798 = arith.mulf %get3A_764, %get3A_764 : vector<16xf32>
        %mul3A_799 = arith.mulf %get3A_773, %get3A_773 : vector<16xf32>
        %mul3A_800 = arith.mulf %get3A_782, %get3A_782 : vector<16xf32>
        %mul3A_801 = arith.mulf %get3A_791, %get3A_791 : vector<16xf32>
        %add3A_802 = arith.addf %scan3A_723, %mul3A_792 : vector<16xf32>
        %add3A_803 = arith.addf %scan3A_724, %mul3A_793 : vector<16xf32>
        %add3A_804 = arith.addf %scan3A_725, %mul3A_794 : vector<16xf32>
        %add3A_805 = arith.addf %scan3A_726, %mul3A_795 : vector<16xf32>
        %add3A_806 = arith.addf %scan3A_727, %mul3A_796 : vector<16xf32>
        %add3A_807 = arith.addf %scan3A_728, %mul3A_797 : vector<16xf32>
        %add3A_808 = arith.addf %scan3A_729, %mul3A_798 : vector<16xf32>
        %add3A_809 = arith.addf %scan3A_730, %mul3A_799 : vector<16xf32>
        %add3A_810 = arith.addf %scan3A_731, %mul3A_800 : vector<16xf32>
        %add3A_811 = arith.addf %scan3A_732, %mul3A_801 : vector<16xf32>
        %mul3A_812 = arith.constant 2 : i32
        %mul3A_813 = arith.muli %scan3A_722, %mul3A_812 : i32
        %add3A_814 = arith.constant 1 : i32
        %add3A_815 = arith.addi %mul3A_813, %add3A_814 : i32
        %mul3A_816 = arith.constant 16 : i32
        %mul3A_817 = arith.muli %add3A_815, %mul3A_816 : i32
        %get3A_818 = arith.constant 0 : i32
        %get3A_819 = arith.constant 0 : i32
        %get3A_820 = arith.constant 0 : i32
        %get3A_821 = arith.index_cast %get3A_818 : i32 to index
        %get3A_822 = arith.index_cast %get3A_819 : i32 to index
        %get3A_823 = arith.index_cast %get3A_820 : i32 to index
        %get3A_824 = arith.index_cast %mul3A_817 : i32 to index
        %get3A_825 = tpu.vector_load %arg9[%get3A_821, %get3A_822, %get3A_823, %get3A_824] {strides = array<i32>} : memref<2x6x4x1024xf32, #tpu.memory_space<vmem>>, vector<1x1x1x16xf32>,
        %get3A_826 = vector.shape_cast %get3A_825 : vector<1x1x1x16xf32> to vector<16xf32>
        %get3A_827 = arith.constant 0 : i32
        %get3A_828 = arith.constant 1 : i32
        %get3A_829 = arith.constant 0 : i32
        %get3A_830 = arith.index_cast %get3A_827 : i32 to index
        %get3A_831 = arith.index_cast %get3A_828 : i32 to index
        %get3A_832 = arith.index_cast %get3A_829 : i32 to index
        %get3A_833 = arith.index_cast %mul3A_817 : i32 to index
        %get3A_834 = tpu.vector_load %arg9[%get3A_830, %get3A_831, %get3A_832, %get3A_833] {strides = array<i32>} : memref<2x6x4x1024xf32, #tpu.memory_space<vmem>>, vector<1x1x1x16xf32>,
        %get3A_835 = vector.shape_cast %get3A_834 : vector<1x1x1x16xf32> to vector<16xf32>
        %get3A_836 = arith.constant 0 : i32
        %get3A_837 = arith.constant 2 : i32
        %get3A_838 = arith.constant 0 : i32
        %get3A_839 = arith.index_cast %get3A_836 : i32 to index
        %get3A_840 = arith.index_cast %get3A_837 : i32 to index
        %get3A_841 = arith.index_cast %get3A_838 : i32 to index
        %get3A_842 = arith.index_cast %mul3A_817 : i32 to index
        %get3A_843 = tpu.vector_load %arg9[%get3A_839, %get3A_840, %get3A_841, %get3A_842] {strides = array<i32>} : memref<2x6x4x1024xf32, #tpu.memory_space<vmem>>, vector<1x1x1x16xf32>,
        %get3A_844 = vector.shape_cast %get3A_843 : vector<1x1x1x16xf32> to vector<16xf32>
        %get3A_845 = arith.constant 0 : i32
        %get3A_846 = arith.constant 3 : i32
        %get3A_847 = arith.constant 0 : i32
        %get3A_848 = arith.index_cast %get3A_845 : i32 to index
        %get3A_849 = arith.index_cast %get3A_846 : i32 to index
        %get3A_850 = arith.index_cast %get3A_847 : i32 to index
        %get3A_851 = arith.index_cast %mul3A_817 : i32 to index
        %get3A_852 = tpu.vector_load %arg9[%get3A_848, %get3A_849, %get3A_850, %get3A_851] {strides = array<i32>} : memref<2x6x4x1024xf32, #tpu.memory_space<vmem>>, vector<1x1x1x16xf32>,
        %get3A_853 = vector.shape_cast %get3A_852 : vector<1x1x1x16xf32> to vector<16xf32>
        %get3A_854 = arith.constant 0 : i32
        %get3A_855 = arith.constant 4 : i32
        %get3A_856 = arith.constant 0 : i32
        %get3A_857 = arith.index_cast %get3A_854 : i32 to index
        %get3A_858 = arith.index_cast %get3A_855 : i32 to index
        %get3A_859 = arith.index_cast %get3A_856 : i32 to index
        %get3A_860 = arith.index_cast %mul3A_817 : i32 to index
        %get3A_861 = tpu.vector_load %arg9[%get3A_857, %get3A_858, %get3A_859, %get3A_860] {strides = array<i32>} : memref<2x6x4x1024xf32, #tpu.memory_space<vmem>>, vector<1x1x1x16xf32>,
        %get3A_862 = vector.shape_cast %get3A_861 : vector<1x1x1x16xf32> to vector<16xf32>
        %get3A_863 = arith.constant 0 : i32
        %get3A_864 = arith.constant 5 : i32
        %get3A_865 = arith.constant 0 : i32
        %get3A_866 = arith.index_cast %get3A_863 : i32 to index
        %get3A_867 = arith.index_cast %get3A_864 : i32 to index
        %get3A_868 = arith.index_cast %get3A_865 : i32 to index
        %get3A_869 = arith.index_cast %mul3A_817 : i32 to index
        %get3A_870 = tpu.vector_load %arg9[%get3A_866, %get3A_867, %get3A_868, %get3A_869] {strides = array<i32>} : memref<2x6x4x1024xf32, #tpu.memory_space<vmem>>, vector<1x1x1x16xf32>,
        %get3A_871 = vector.shape_cast %get3A_870 : vector<1x1x1x16xf32> to vector<16xf32>
        %mul3A_872 = arith.mulf %get3A_826, %get3A_844 : vector<16xf32>
        %mul3A_873 = arith.mulf %get3A_835, %get3A_853 : vector<16xf32>
        %mul3A_874 = arith.mulf %get3A_826, %get3A_862 : vector<16xf32>
        %mul3A_875 = arith.mulf %get3A_835, %get3A_871 : vector<16xf32>
        %mul3A_876 = arith.mulf %get3A_826, %get3A_826 : vector<16xf32>
        %mul3A_877 = arith.mulf %get3A_835, %get3A_835 : vector<16xf32>
        %mul3A_878 = arith.mulf %get3A_844, %get3A_844 : vector<16xf32>
        %mul3A_879 = arith.mulf %get3A_853, %get3A_853 : vector<16xf32>
        %mul3A_880 = arith.mulf %get3A_862, %get3A_862 : vector<16xf32>
        %mul3A_881 = arith.mulf %get3A_871, %get3A_871 : vector<16xf32>
        %add3A_882 = arith.addf %add3A_802, %mul3A_872 : vector<16xf32>
        %add3A_883 = arith.addf %add3A_803, %mul3A_873 : vector<16xf32>
        %add3A_884 = arith.addf %add3A_804, %mul3A_874 : vector<16xf32>
        %add3A_885 = arith.addf %add3A_805, %mul3A_875 : vector<16xf32>
        %add3A_886 = arith.addf %add3A_806, %mul3A_876 : vector<16xf32>
        %add3A_887 = arith.addf %add3A_807, %mul3A_877 : vector<16xf32>
        %add3A_888 = arith.addf %add3A_808, %mul3A_878 : vector<16xf32>
        %add3A_889 = arith.addf %add3A_809, %mul3A_879 : vector<16xf32>
        %add3A_890 = arith.addf %add3A_810, %mul3A_880 : vector<16xf32>
        %add3A_891 = arith.addf %add3A_811, %mul3A_881 : vector<16xf32>
        scf.yield %add3A_882, %add3A_883, %add3A_884, %add3A_885, %add3A_886, %add3A_887, %add3A_888, %add3A_889, %add3A_890, %add3A_891 : vector<16xf32>, vector<16xf32>, vector<16xf32>, vector<16xf32>, vector<16xf32>, vector<16xf32>, vector<16xf32>, vector<16xf32>, vector<16xf32>, vector<16xf32>
      }
      %scan3A_293 = arith.constant 32 : i32
      %mul3A_294 = arith.constant 4 : i32
      %mul3A_295 = arith.muli %add3A_199, %mul3A_294 : i32
      %add3A_296 = arith.constant 0 : i32
      %add3A_297 = arith.addi %mul3A_295, %add3A_296 : i32
      %add3A_298 = arith.addf %scan3A_292#0, %scan3A_292#1 : vector<16xf32>
      %swap3A_299 = arith.index_cast %add3A_297 : i32 to index
      %swap3A_300 = arith.constant 0 : index
      %swap3A_301 = tpu.vector_load %arg10[%swap3A_299, %swap3A_300] {strides = array<i32>} : memref<32x80xf32, #tpu.memory_space<vmem>>, vector<1x16xf32>,
      %swap3A_302 = vector.shape_cast %swap3A_301 : vector<1x16xf32> to vector<16xf32>
      %swap3A_303 = vector.shape_cast %add3A_298 : vector<16xf32> to vector<1x16xf32>
      tpu.vector_store %arg10[%swap3A_299, %swap3A_300], %swap3A_303 {strides = array<i32>} : memref<32x80xf32, #tpu.memory_space<vmem>>, vector<1x16xf32>,
      %add3A_304 = arith.addf %scan3A_292#2, %scan3A_292#3 : vector<16xf32>
      %swap3A_305 = arith.index_cast %add3A_297 : i32 to index
      %swap3A_306 = arith.constant 16 : index
      %swap3A_307 = tpu.vector_load %arg10[%swap3A_305, %swap3A_306] {strides = array<i32>} : memref<32x80xf32, #tpu.memory_space<vmem>>, vector<1x16xf32>,
      %swap3A_308 = vector.shape_cast %swap3A_307 : vector<1x16xf32> to vector<16xf32>
      %swap3A_309 = vector.shape_cast %add3A_304 : vector<16xf32> to vector<1x16xf32>
      tpu.vector_store %arg10[%swap3A_305, %swap3A_306], %swap3A_309 {strides = array<i32>} : memref<32x80xf32, #tpu.memory_space<vmem>>, vector<1x16xf32>,
      %add3A_310 = arith.addf %scan3A_292#4, %scan3A_292#5 : vector<16xf32>
      %swap3A_311 = arith.index_cast %add3A_297 : i32 to index
      %swap3A_312 = arith.constant 32 : index
      %swap3A_313 = tpu.vector_load %arg10[%swap3A_311, %swap3A_312] {strides = array<i32>} : memref<32x80xf32, #tpu.memory_space<vmem>>, vector<1x16xf32>,
      %swap3A_314 = vector.shape_cast %swap3A_313 : vector<1x16xf32> to vector<16xf32>
      %swap3A_315 = vector.shape_cast %add3A_310 : vector<16xf32> to vector<1x16xf32>
      tpu.vector_store %arg10[%swap3A_311, %swap3A_312], %swap3A_315 {strides = array<i32>} : memref<32x80xf32, #tpu.memory_space<vmem>>, vector<1x16xf32>,
      %add3A_316 = arith.addf %scan3A_292#6, %scan3A_292#7 : vector<16xf32>
      %swap3A_317 = arith.index_cast %add3A_297 : i32 to index
      %swap3A_318 = arith.constant 48 : index
      %swap3A_319 = tpu.vector_load %arg10[%swap3A_317, %swap3A_318] {strides = array<i32>} : memref<32x80xf32, #tpu.memory_space<vmem>>, vector<1x16xf32>,
      %swap3A_320 = vector.shape_cast %swap3A_319 : vector<1x16xf32> to vector<16xf32>
      %swap3A_321 = vector.shape_cast %add3A_316 : vector<16xf32> to vector<1x16xf32>
      tpu.vector_store %arg10[%swap3A_317, %swap3A_318], %swap3A_321 {strides = array<i32>} : memref<32x80xf32, #tpu.memory_space<vmem>>, vector<1x16xf32>,
      %add3A_322 = arith.addf %scan3A_292#8, %scan3A_292#9 : vector<16xf32>
      %swap3A_323 = arith.index_cast %add3A_297 : i32 to index
      %swap3A_324 = arith.constant 64 : index
      %swap3A_325 = tpu.vector_load %arg10[%swap3A_323, %swap3A_324] {strides = array<i32>} : memref<32x80xf32, #tpu.memory_space<vmem>>, vector<1x16xf32>,
      %swap3A_326 = vector.shape_cast %swap3A_325 : vector<1x16xf32> to vector<16xf32>
      %swap3A_327 = vector.shape_cast %add3A_322 : vector<16xf32> to vector<1x16xf32>
      tpu.vector_store %arg10[%swap3A_323, %swap3A_324], %swap3A_327 {strides = array<i32>} : memref<32x80xf32, #tpu.memory_space<vmem>>, vector<1x16xf32>,
      %broadcast_in_dim3A_328 = arith.constant 0.000000e+00 : f32
      %broadcast_in_dim3A_329 = vector.broadcast %broadcast_in_dim3A_328 : f32 to vector<16xf32>
      %scan3A_330 = arith.constant 0 : i32
      %scan3A_331 = arith.constant 32 : i32
      %scan3A_332 = arith.addi %scan3A_330, %scan3A_331 : i32
      %scan3A_333 = arith.constant 1 : i32
      %scan3A_334:10 = scf.for %scan3A_722 = %scan3A_330 to %scan3A_332 step %scan3A_333 iter_args(%scan3A_723 = %broadcast_in_dim3A_329, %scan3A_724 = %broadcast_in_dim3A_329, %scan3A_725 = %broadcast_in_dim3A_329, %scan3A_726 = %broadcast_in_dim3A_329, %scan3A_727 = %broadcast_in_dim3A_329, %scan3A_728 = %broadcast_in_dim3A_329, %scan3A_729 = %broadcast_in_dim3A_329, %scan3A_730 = %broadcast_in_dim3A_329, %scan3A_731 = %broadcast_in_dim3A_329, %scan3A_732 = %broadcast_in_dim3A_329) -> (vector<16xf32>, vector<16xf32>, vector<16xf32>, vector<16xf32>, vector<16xf32>, vector<16xf32>, vector<16xf32>, vector<16xf32>, vector<16xf32>, vector<16xf32>)  : i32 {
        %mul3A_733 = arith.constant 2 : i32
        %mul3A_734 = arith.muli %scan3A_722, %mul3A_733 : i32
        %add3A_735 = arith.constant 0 : i32
        %add3A_736 = arith.addi %mul3A_734, %add3A_735 : i32
        %mul3A_737 = arith.constant 16 : i32
        %mul3A_738 = arith.muli %add3A_736, %mul3A_737 : i32
        %get3A = arith.constant 0 : i32
        %get3A_739 = arith.constant 0 : i32
        %get3A_740 = arith.constant 1 : i32
        %get3A_741 = arith.index_cast %get3A : i32 to index
        %get3A_742 = arith.index_cast %get3A_739 : i32 to index
        %get3A_743 = arith.index_cast %get3A_740 : i32 to index
        %get3A_744 = arith.index_cast %mul3A_738 : i32 to index
        %get3A_745 = tpu.vector_load %arg9[%get3A_741, %get3A_742, %get3A_743, %get3A_744] {strides = array<i32>} : memref<2x6x4x1024xf32, #tpu.memory_space<vmem>>, vector<1x1x1x16xf32>,
        %get3A_746 = vector.shape_cast %get3A_745 : vector<1x1x1x16xf32> to vector<16xf32>
        %get3A_747 = arith.constant 0 : i32
        %get3A_748 = arith.constant 1 : i32
        %get3A_749 = arith.constant 1 : i32
        %get3A_750 = arith.index_cast %get3A_747 : i32 to index
        %get3A_751 = arith.index_cast %get3A_748 : i32 to index
        %get3A_752 = arith.index_cast %get3A_749 : i32 to index
        %get3A_753 = arith.index_cast %mul3A_738 : i32 to index
        %get3A_754 = tpu.vector_load %arg9[%get3A_750, %get3A_751, %get3A_752, %get3A_753] {strides = array<i32>} : memref<2x6x4x1024xf32, #tpu.memory_space<vmem>>, vector<1x1x1x16xf32>,
        %get3A_755 = vector.shape_cast %get3A_754 : vector<1x1x1x16xf32> to vector<16xf32>
        %get3A_756 = arith.constant 0 : i32
        %get3A_757 = arith.constant 2 : i32
        %get3A_758 = arith.constant 1 : i32
        %get3A_759 = arith.index_cast %get3A_756 : i32 to index
        %get3A_760 = arith.index_cast %get3A_757 : i32 to index
        %get3A_761 = arith.index_cast %get3A_758 : i32 to index
        %get3A_762 = arith.index_cast %mul3A_738 : i32 to index
        %get3A_763 = tpu.vector_load %arg9[%get3A_759, %get3A_760, %get3A_761, %get3A_762] {strides = array<i32>} : memref<2x6x4x1024xf32, #tpu.memory_space<vmem>>, vector<1x1x1x16xf32>,
        %get3A_764 = vector.shape_cast %get3A_763 : vector<1x1x1x16xf32> to vector<16xf32>
        %get3A_765 = arith.constant 0 : i32
        %get3A_766 = arith.constant 3 : i32
        %get3A_767 = arith.constant 1 : i32
        %get3A_768 = arith.index_cast %get3A_765 : i32 to index
        %get3A_769 = arith.index_cast %get3A_766 : i32 to index
        %get3A_770 = arith.index_cast %get3A_767 : i32 to index
        %get3A_771 = arith.index_cast %mul3A_738 : i32 to index
        %get3A_772 = tpu.vector_load %arg9[%get3A_768, %get3A_769, %get3A_770, %get3A_771] {strides = array<i32>} : memref<2x6x4x1024xf32, #tpu.memory_space<vmem>>, vector<1x1x1x16xf32>,
        %get3A_773 = vector.shape_cast %get3A_772 : vector<1x1x1x16xf32> to vector<16xf32>
        %get3A_774 = arith.constant 0 : i32
        %get3A_775 = arith.constant 4 : i32
        %get3A_776 = arith.constant 1 : i32
        %get3A_777 = arith.index_cast %get3A_774 : i32 to index
        %get3A_778 = arith.index_cast %get3A_775 : i32 to index
        %get3A_779 = arith.index_cast %get3A_776 : i32 to index
        %get3A_780 = arith.index_cast %mul3A_738 : i32 to index
        %get3A_781 = tpu.vector_load %arg9[%get3A_777, %get3A_778, %get3A_779, %get3A_780] {strides = array<i32>} : memref<2x6x4x1024xf32, #tpu.memory_space<vmem>>, vector<1x1x1x16xf32>,
        %get3A_782 = vector.shape_cast %get3A_781 : vector<1x1x1x16xf32> to vector<16xf32>
        %get3A_783 = arith.constant 0 : i32
        %get3A_784 = arith.constant 5 : i32
        %get3A_785 = arith.constant 1 : i32
        %get3A_786 = arith.index_cast %get3A_783 : i32 to index
        %get3A_787 = arith.index_cast %get3A_784 : i32 to index
        %get3A_788 = arith.index_cast %get3A_785 : i32 to index
        %get3A_789 = arith.index_cast %mul3A_738 : i32 to index
        %get3A_790 = tpu.vector_load %arg9[%get3A_786, %get3A_787, %get3A_788, %get3A_789] {strides = array<i32>} : memref<2x6x4x1024xf32, #tpu.memory_space<vmem>>, vector<1x1x1x16xf32>,
        %get3A_791 = vector.shape_cast %get3A_790 : vector<1x1x1x16xf32> to vector<16xf32>
        %mul3A_792 = arith.mulf %get3A_746, %get3A_764 : vector<16xf32>
        %mul3A_793 = arith.mulf %get3A_755, %get3A_773 : vector<16xf32>
        %mul3A_794 = arith.mulf %get3A_746, %get3A_782 : vector<16xf32>
        %mul3A_795 = arith.mulf %get3A_755, %get3A_791 : vector<16xf32>
        %mul3A_796 = arith.mulf %get3A_746, %get3A_746 : vector<16xf32>
        %mul3A_797 = arith.mulf %get3A_755, %get3A_755 : vector<16xf32>
        %mul3A_798 = arith.mulf %get3A_764, %get3A_764 : vector<16xf32>
        %mul3A_799 = arith.mulf %get3A_773, %get3A_773 : vector<16xf32>
        %mul3A_800 = arith.mulf %get3A_782, %get3A_782 : vector<16xf32>
        %mul3A_801 = arith.mulf %get3A_791, %get3A_791 : vector<16xf32>
        %add3A_802 = arith.addf %scan3A_723, %mul3A_792 : vector<16xf32>
        %add3A_803 = arith.addf %scan3A_724, %mul3A_793 : vector<16xf32>
        %add3A_804 = arith.addf %scan3A_725, %mul3A_794 : vector<16xf32>
        %add3A_805 = arith.addf %scan3A_726, %mul3A_795 : vector<16xf32>
        %add3A_806 = arith.addf %scan3A_727, %mul3A_796 : vector<16xf32>
        %add3A_807 = arith.addf %scan3A_728, %mul3A_797 : vector<16xf32>
        %add3A_808 = arith.addf %scan3A_729, %mul3A_798 : vector<16xf32>
        %add3A_809 = arith.addf %scan3A_730, %mul3A_799 : vector<16xf32>
        %add3A_810 = arith.addf %scan3A_731, %mul3A_800 : vector<16xf32>
        %add3A_811 = arith.addf %scan3A_732, %mul3A_801 : vector<16xf32>
        %mul3A_812 = arith.constant 2 : i32
        %mul3A_813 = arith.muli %scan3A_722, %mul3A_812 : i32
        %add3A_814 = arith.constant 1 : i32
        %add3A_815 = arith.addi %mul3A_813, %add3A_814 : i32
        %mul3A_816 = arith.constant 16 : i32
        %mul3A_817 = arith.muli %add3A_815, %mul3A_816 : i32
        %get3A_818 = arith.constant 0 : i32
        %get3A_819 = arith.constant 0 : i32
        %get3A_820 = arith.constant 1 : i32
        %get3A_821 = arith.index_cast %get3A_818 : i32 to index
        %get3A_822 = arith.index_cast %get3A_819 : i32 to index
        %get3A_823 = arith.index_cast %get3A_820 : i32 to index
        %get3A_824 = arith.index_cast %mul3A_817 : i32 to index
        %get3A_825 = tpu.vector_load %arg9[%get3A_821, %get3A_822, %get3A_823, %get3A_824] {strides = array<i32>} : memref<2x6x4x1024xf32, #tpu.memory_space<vmem>>, vector<1x1x1x16xf32>,
        %get3A_826 = vector.shape_cast %get3A_825 : vector<1x1x1x16xf32> to vector<16xf32>
        %get3A_827 = arith.constant 0 : i32
        %get3A_828 = arith.constant 1 : i32
        %get3A_829 = arith.constant 1 : i32
        %get3A_830 = arith.index_cast %get3A_827 : i32 to index
        %get3A_831 = arith.index_cast %get3A_828 : i32 to index
        %get3A_832 = arith.index_cast %get3A_829 : i32 to index
        %get3A_833 = arith.index_cast %mul3A_817 : i32 to index
        %get3A_834 = tpu.vector_load %arg9[%get3A_830, %get3A_831, %get3A_832, %get3A_833] {strides = array<i32>} : memref<2x6x4x1024xf32, #tpu.memory_space<vmem>>, vector<1x1x1x16xf32>,
        %get3A_835 = vector.shape_cast %get3A_834 : vector<1x1x1x16xf32> to vector<16xf32>
        %get3A_836 = arith.constant 0 : i32
        %get3A_837 = arith.constant 2 : i32
        %get3A_838 = arith.constant 1 : i32
        %get3A_839 = arith.index_cast %get3A_836 : i32 to index
        %get3A_840 = arith.index_cast %get3A_837 : i32 to index
        %get3A_841 = arith.index_cast %get3A_838 : i32 to index
        %get3A_842 = arith.index_cast %mul3A_817 : i32 to index
        %get3A_843 = tpu.vector_load %arg9[%get3A_839, %get3A_840, %get3A_841, %get3A_842] {strides = array<i32>} : memref<2x6x4x1024xf32, #tpu.memory_space<vmem>>, vector<1x1x1x16xf32>,
        %get3A_844 = vector.shape_cast %get3A_843 : vector<1x1x1x16xf32> to vector<16xf32>
        %get3A_845 = arith.constant 0 : i32
        %get3A_846 = arith.constant 3 : i32
        %get3A_847 = arith.constant 1 : i32
        %get3A_848 = arith.index_cast %get3A_845 : i32 to index
        %get3A_849 = arith.index_cast %get3A_846 : i32 to index
        %get3A_850 = arith.index_cast %get3A_847 : i32 to index
        %get3A_851 = arith.index_cast %mul3A_817 : i32 to index
        %get3A_852 = tpu.vector_load %arg9[%get3A_848, %get3A_849, %get3A_850, %get3A_851] {strides = array<i32>} : memref<2x6x4x1024xf32, #tpu.memory_space<vmem>>, vector<1x1x1x16xf32>,
        %get3A_853 = vector.shape_cast %get3A_852 : vector<1x1x1x16xf32> to vector<16xf32>
        %get3A_854 = arith.constant 0 : i32
        %get3A_855 = arith.constant 4 : i32
        %get3A_856 = arith.constant 1 : i32
        %get3A_857 = arith.index_cast %get3A_854 : i32 to index
        %get3A_858 = arith.index_cast %get3A_855 : i32 to index
        %get3A_859 = arith.index_cast %get3A_856 : i32 to index
        %get3A_860 = arith.index_cast %mul3A_817 : i32 to index
        %get3A_861 = tpu.vector_load %arg9[%get3A_857, %get3A_858, %get3A_859, %get3A_860] {strides = array<i32>} : memref<2x6x4x1024xf32, #tpu.memory_space<vmem>>, vector<1x1x1x16xf32>,
        %get3A_862 = vector.shape_cast %get3A_861 : vector<1x1x1x16xf32> to vector<16xf32>
        %get3A_863 = arith.constant 0 : i32
        %get3A_864 = arith.constant 5 : i32
        %get3A_865 = arith.constant 1 : i32
        %get3A_866 = arith.index_cast %get3A_863 : i32 to index
        %get3A_867 = arith.index_cast %get3A_864 : i32 to index
        %get3A_868 = arith.index_cast %get3A_865 : i32 to index
        %get3A_869 = arith.index_cast %mul3A_817 : i32 to index
        %get3A_870 = tpu.vector_load %arg9[%get3A_866, %get3A_867, %get3A_868, %get3A_869] {strides = array<i32>} : memref<2x6x4x1024xf32, #tpu.memory_space<vmem>>, vector<1x1x1x16xf32>,
        %get3A_871 = vector.shape_cast %get3A_870 : vector<1x1x1x16xf32> to vector<16xf32>
        %mul3A_872 = arith.mulf %get3A_826, %get3A_844 : vector<16xf32>
        %mul3A_873 = arith.mulf %get3A_835, %get3A_853 : vector<16xf32>
        %mul3A_874 = arith.mulf %get3A_826, %get3A_862 : vector<16xf32>
        %mul3A_875 = arith.mulf %get3A_835, %get3A_871 : vector<16xf32>
        %mul3A_876 = arith.mulf %get3A_826, %get3A_826 : vector<16xf32>
        %mul3A_877 = arith.mulf %get3A_835, %get3A_835 : vector<16xf32>
        %mul3A_878 = arith.mulf %get3A_844, %get3A_844 : vector<16xf32>
        %mul3A_879 = arith.mulf %get3A_853, %get3A_853 : vector<16xf32>
        %mul3A_880 = arith.mulf %get3A_862, %get3A_862 : vector<16xf32>
        %mul3A_881 = arith.mulf %get3A_871, %get3A_871 : vector<16xf32>
        %add3A_882 = arith.addf %add3A_802, %mul3A_872 : vector<16xf32>
        %add3A_883 = arith.addf %add3A_803, %mul3A_873 : vector<16xf32>
        %add3A_884 = arith.addf %add3A_804, %mul3A_874 : vector<16xf32>
        %add3A_885 = arith.addf %add3A_805, %mul3A_875 : vector<16xf32>
        %add3A_886 = arith.addf %add3A_806, %mul3A_876 : vector<16xf32>
        %add3A_887 = arith.addf %add3A_807, %mul3A_877 : vector<16xf32>
        %add3A_888 = arith.addf %add3A_808, %mul3A_878 : vector<16xf32>
        %add3A_889 = arith.addf %add3A_809, %mul3A_879 : vector<16xf32>
        %add3A_890 = arith.addf %add3A_810, %mul3A_880 : vector<16xf32>
        %add3A_891 = arith.addf %add3A_811, %mul3A_881 : vector<16xf32>
        scf.yield %add3A_882, %add3A_883, %add3A_884, %add3A_885, %add3A_886, %add3A_887, %add3A_888, %add3A_889, %add3A_890, %add3A_891 : vector<16xf32>, vector<16xf32>, vector<16xf32>, vector<16xf32>, vector<16xf32>, vector<16xf32>, vector<16xf32>, vector<16xf32>, vector<16xf32>, vector<16xf32>
      }
      %scan3A_335 = arith.constant 32 : i32
      %mul3A_336 = arith.constant 4 : i32
      %mul3A_337 = arith.muli %add3A_199, %mul3A_336 : i32
      %add3A_338 = arith.constant 1 : i32
      %add3A_339 = arith.addi %mul3A_337, %add3A_338 : i32
      %add3A_340 = arith.addf %scan3A_334#0, %scan3A_334#1 : vector<16xf32>
      %swap3A_341 = arith.index_cast %add3A_339 : i32 to index
      %swap3A_342 = arith.constant 0 : index
      %swap3A_343 = tpu.vector_load %arg10[%swap3A_341, %swap3A_342] {strides = array<i32>} : memref<32x80xf32, #tpu.memory_space<vmem>>, vector<1x16xf32>,
      %swap3A_344 = vector.shape_cast %swap3A_343 : vector<1x16xf32> to vector<16xf32>
      %swap3A_345 = vector.shape_cast %add3A_340 : vector<16xf32> to vector<1x16xf32>
      tpu.vector_store %arg10[%swap3A_341, %swap3A_342], %swap3A_345 {strides = array<i32>} : memref<32x80xf32, #tpu.memory_space<vmem>>, vector<1x16xf32>,
      %add3A_346 = arith.addf %scan3A_334#2, %scan3A_334#3 : vector<16xf32>
      %swap3A_347 = arith.index_cast %add3A_339 : i32 to index
      %swap3A_348 = arith.constant 16 : index
      %swap3A_349 = tpu.vector_load %arg10[%swap3A_347, %swap3A_348] {strides = array<i32>} : memref<32x80xf32, #tpu.memory_space<vmem>>, vector<1x16xf32>,
      %swap3A_350 = vector.shape_cast %swap3A_349 : vector<1x16xf32> to vector<16xf32>
      %swap3A_351 = vector.shape_cast %add3A_346 : vector<16xf32> to vector<1x16xf32>
      tpu.vector_store %arg10[%swap3A_347, %swap3A_348], %swap3A_351 {strides = array<i32>} : memref<32x80xf32, #tpu.memory_space<vmem>>, vector<1x16xf32>,
      %add3A_352 = arith.addf %scan3A_334#4, %scan3A_334#5 : vector<16xf32>
      %swap3A_353 = arith.index_cast %add3A_339 : i32 to index
      %swap3A_354 = arith.constant 32 : index
      %swap3A_355 = tpu.vector_load %arg10[%swap3A_353, %swap3A_354] {strides = array<i32>} : memref<32x80xf32, #tpu.memory_space<vmem>>, vector<1x16xf32>,
      %swap3A_356 = vector.shape_cast %swap3A_355 : vector<1x16xf32> to vector<16xf32>
      %swap3A_357 = vector.shape_cast %add3A_352 : vector<16xf32> to vector<1x16xf32>
      tpu.vector_store %arg10[%swap3A_353, %swap3A_354], %swap3A_357 {strides = array<i32>} : memref<32x80xf32, #tpu.memory_space<vmem>>, vector<1x16xf32>,
      %add3A_358 = arith.addf %scan3A_334#6, %scan3A_334#7 : vector<16xf32>
      %swap3A_359 = arith.index_cast %add3A_339 : i32 to index
      %swap3A_360 = arith.constant 48 : index
      %swap3A_361 = tpu.vector_load %arg10[%swap3A_359, %swap3A_360] {strides = array<i32>} : memref<32x80xf32, #tpu.memory_space<vmem>>, vector<1x16xf32>,
      %swap3A_362 = vector.shape_cast %swap3A_361 : vector<1x16xf32> to vector<16xf32>
      %swap3A_363 = vector.shape_cast %add3A_358 : vector<16xf32> to vector<1x16xf32>
      tpu.vector_store %arg10[%swap3A_359, %swap3A_360], %swap3A_363 {strides = array<i32>} : memref<32x80xf32, #tpu.memory_space<vmem>>, vector<1x16xf32>,
      %add3A_364 = arith.addf %scan3A_334#8, %scan3A_334#9 : vector<16xf32>
      %swap3A_365 = arith.index_cast %add3A_339 : i32 to index
      %swap3A_366 = arith.constant 64 : index
      %swap3A_367 = tpu.vector_load %arg10[%swap3A_365, %swap3A_366] {strides = array<i32>} : memref<32x80xf32, #tpu.memory_space<vmem>>, vector<1x16xf32>,
      %swap3A_368 = vector.shape_cast %swap3A_367 : vector<1x16xf32> to vector<16xf32>
      %swap3A_369 = vector.shape_cast %add3A_364 : vector<16xf32> to vector<1x16xf32>
      tpu.vector_store %arg10[%swap3A_365, %swap3A_366], %swap3A_369 {strides = array<i32>} : memref<32x80xf32, #tpu.memory_space<vmem>>, vector<1x16xf32>,
      %broadcast_in_dim3A_370 = arith.constant 0.000000e+00 : f32
      %broadcast_in_dim3A_371 = vector.broadcast %broadcast_in_dim3A_370 : f32 to vector<16xf32>
      %scan3A_372 = arith.constant 0 : i32
      %scan3A_373 = arith.constant 32 : i32
      %scan3A_374 = arith.addi %scan3A_372, %scan3A_373 : i32
      %scan3A_375 = arith.constant 1 : i32
      %scan3A_376:10 = scf.for %scan3A_722 = %scan3A_372 to %scan3A_374 step %scan3A_375 iter_args(%scan3A_723 = %broadcast_in_dim3A_371, %scan3A_724 = %broadcast_in_dim3A_371, %scan3A_725 = %broadcast_in_dim3A_371, %scan3A_726 = %broadcast_in_dim3A_371, %scan3A_727 = %broadcast_in_dim3A_371, %scan3A_728 = %broadcast_in_dim3A_371, %scan3A_729 = %broadcast_in_dim3A_371, %scan3A_730 = %broadcast_in_dim3A_371, %scan3A_731 = %broadcast_in_dim3A_371, %scan3A_732 = %broadcast_in_dim3A_371) -> (vector<16xf32>, vector<16xf32>, vector<16xf32>, vector<16xf32>, vector<16xf32>, vector<16xf32>, vector<16xf32>, vector<16xf32>, vector<16xf32>, vector<16xf32>)  : i32 {
        %mul3A_733 = arith.constant 2 : i32
        %mul3A_734 = arith.muli %scan3A_722, %mul3A_733 : i32
        %add3A_735 = arith.constant 0 : i32
        %add3A_736 = arith.addi %mul3A_734, %add3A_735 : i32
        %mul3A_737 = arith.constant 16 : i32
        %mul3A_738 = arith.muli %add3A_736, %mul3A_737 : i32
        %get3A = arith.constant 0 : i32
        %get3A_739 = arith.constant 0 : i32
        %get3A_740 = arith.constant 2 : i32
        %get3A_741 = arith.index_cast %get3A : i32 to index
        %get3A_742 = arith.index_cast %get3A_739 : i32 to index
        %get3A_743 = arith.index_cast %get3A_740 : i32 to index
        %get3A_744 = arith.index_cast %mul3A_738 : i32 to index
        %get3A_745 = tpu.vector_load %arg9[%get3A_741, %get3A_742, %get3A_743, %get3A_744] {strides = array<i32>} : memref<2x6x4x1024xf32, #tpu.memory_space<vmem>>, vector<1x1x1x16xf32>,
        %get3A_746 = vector.shape_cast %get3A_745 : vector<1x1x1x16xf32> to vector<16xf32>
        %get3A_747 = arith.constant 0 : i32
        %get3A_748 = arith.constant 1 : i32
        %get3A_749 = arith.constant 2 : i32
        %get3A_750 = arith.index_cast %get3A_747 : i32 to index
        %get3A_751 = arith.index_cast %get3A_748 : i32 to index
        %get3A_752 = arith.index_cast %get3A_749 : i32 to index
        %get3A_753 = arith.index_cast %mul3A_738 : i32 to index
        %get3A_754 = tpu.vector_load %arg9[%get3A_750, %get3A_751, %get3A_752, %get3A_753] {strides = array<i32>} : memref<2x6x4x1024xf32, #tpu.memory_space<vmem>>, vector<1x1x1x16xf32>,
        %get3A_755 = vector.shape_cast %get3A_754 : vector<1x1x1x16xf32> to vector<16xf32>
        %get3A_756 = arith.constant 0 : i32
        %get3A_757 = arith.constant 2 : i32
        %get3A_758 = arith.constant 2 : i32
        %get3A_759 = arith.index_cast %get3A_756 : i32 to index
        %get3A_760 = arith.index_cast %get3A_757 : i32 to index
        %get3A_761 = arith.index_cast %get3A_758 : i32 to index
        %get3A_762 = arith.index_cast %mul3A_738 : i32 to index
        %get3A_763 = tpu.vector_load %arg9[%get3A_759, %get3A_760, %get3A_761, %get3A_762] {strides = array<i32>} : memref<2x6x4x1024xf32, #tpu.memory_space<vmem>>, vector<1x1x1x16xf32>,
        %get3A_764 = vector.shape_cast %get3A_763 : vector<1x1x1x16xf32> to vector<16xf32>
        %get3A_765 = arith.constant 0 : i32
        %get3A_766 = arith.constant 3 : i32
        %get3A_767 = arith.constant 2 : i32
        %get3A_768 = arith.index_cast %get3A_765 : i32 to index
        %get3A_769 = arith.index_cast %get3A_766 : i32 to index
        %get3A_770 = arith.index_cast %get3A_767 : i32 to index
        %get3A_771 = arith.index_cast %mul3A_738 : i32 to index
        %get3A_772 = tpu.vector_load %arg9[%get3A_768, %get3A_769, %get3A_770, %get3A_771] {strides = array<i32>} : memref<2x6x4x1024xf32, #tpu.memory_space<vmem>>, vector<1x1x1x16xf32>,
        %get3A_773 = vector.shape_cast %get3A_772 : vector<1x1x1x16xf32> to vector<16xf32>
        %get3A_774 = arith.constant 0 : i32
        %get3A_775 = arith.constant 4 : i32
        %get3A_776 = arith.constant 2 : i32
        %get3A_777 = arith.index_cast %get3A_774 : i32 to index
        %get3A_778 = arith.index_cast %get3A_775 : i32 to index
        %get3A_779 = arith.index_cast %get3A_776 : i32 to index
        %get3A_780 = arith.index_cast %mul3A_738 : i32 to index
        %get3A_781 = tpu.vector_load %arg9[%get3A_777, %get3A_778, %get3A_779, %get3A_780] {strides = array<i32>} : memref<2x6x4x1024xf32, #tpu.memory_space<vmem>>, vector<1x1x1x16xf32>,
        %get3A_782 = vector.shape_cast %get3A_781 : vector<1x1x1x16xf32> to vector<16xf32>
        %get3A_783 = arith.constant 0 : i32
        %get3A_784 = arith.constant 5 : i32
        %get3A_785 = arith.constant 2 : i32
        %get3A_786 = arith.index_cast %get3A_783 : i32 to index
        %get3A_787 = arith.index_cast %get3A_784 : i32 to index
        %get3A_788 = arith.index_cast %get3A_785 : i32 to index
        %get3A_789 = arith.index_cast %mul3A_738 : i32 to index
        %get3A_790 = tpu.vector_load %arg9[%get3A_786, %get3A_787, %get3A_788, %get3A_789] {strides = array<i32>} : memref<2x6x4x1024xf32, #tpu.memory_space<vmem>>, vector<1x1x1x16xf32>,
        %get3A_791 = vector.shape_cast %get3A_790 : vector<1x1x1x16xf32> to vector<16xf32>
        %mul3A_792 = arith.mulf %get3A_746, %get3A_764 : vector<16xf32>
        %mul3A_793 = arith.mulf %get3A_755, %get3A_773 : vector<16xf32>
        %mul3A_794 = arith.mulf %get3A_746, %get3A_782 : vector<16xf32>
        %mul3A_795 = arith.mulf %get3A_755, %get3A_791 : vector<16xf32>
        %mul3A_796 = arith.mulf %get3A_746, %get3A_746 : vector<16xf32>
        %mul3A_797 = arith.mulf %get3A_755, %get3A_755 : vector<16xf32>
        %mul3A_798 = arith.mulf %get3A_764, %get3A_764 : vector<16xf32>
        %mul3A_799 = arith.mulf %get3A_773, %get3A_773 : vector<16xf32>
        %mul3A_800 = arith.mulf %get3A_782, %get3A_782 : vector<16xf32>
        %mul3A_801 = arith.mulf %get3A_791, %get3A_791 : vector<16xf32>
        %add3A_802 = arith.addf %scan3A_723, %mul3A_792 : vector<16xf32>
        %add3A_803 = arith.addf %scan3A_724, %mul3A_793 : vector<16xf32>
        %add3A_804 = arith.addf %scan3A_725, %mul3A_794 : vector<16xf32>
        %add3A_805 = arith.addf %scan3A_726, %mul3A_795 : vector<16xf32>
        %add3A_806 = arith.addf %scan3A_727, %mul3A_796 : vector<16xf32>
        %add3A_807 = arith.addf %scan3A_728, %mul3A_797 : vector<16xf32>
        %add3A_808 = arith.addf %scan3A_729, %mul3A_798 : vector<16xf32>
        %add3A_809 = arith.addf %scan3A_730, %mul3A_799 : vector<16xf32>
        %add3A_810 = arith.addf %scan3A_731, %mul3A_800 : vector<16xf32>
        %add3A_811 = arith.addf %scan3A_732, %mul3A_801 : vector<16xf32>
        %mul3A_812 = arith.constant 2 : i32
        %mul3A_813 = arith.muli %scan3A_722, %mul3A_812 : i32
        %add3A_814 = arith.constant 1 : i32
        %add3A_815 = arith.addi %mul3A_813, %add3A_814 : i32
        %mul3A_816 = arith.constant 16 : i32
        %mul3A_817 = arith.muli %add3A_815, %mul3A_816 : i32
        %get3A_818 = arith.constant 0 : i32
        %get3A_819 = arith.constant 0 : i32
        %get3A_820 = arith.constant 2 : i32
        %get3A_821 = arith.index_cast %get3A_818 : i32 to index
        %get3A_822 = arith.index_cast %get3A_819 : i32 to index
        %get3A_823 = arith.index_cast %get3A_820 : i32 to index
        %get3A_824 = arith.index_cast %mul3A_817 : i32 to index
        %get3A_825 = tpu.vector_load %arg9[%get3A_821, %get3A_822, %get3A_823, %get3A_824] {strides = array<i32>} : memref<2x6x4x1024xf32, #tpu.memory_space<vmem>>, vector<1x1x1x16xf32>,
        %get3A_826 = vector.shape_cast %get3A_825 : vector<1x1x1x16xf32> to vector<16xf32>
        %get3A_827 = arith.constant 0 : i32
        %get3A_828 = arith.constant 1 : i32
        %get3A_829 = arith.constant 2 : i32
        %get3A_830 = arith.index_cast %get3A_827 : i32 to index
        %get3A_831 = arith.index_cast %get3A_828 : i32 to index
        %get3A_832 = arith.index_cast %get3A_829 : i32 to index
        %get3A_833 = arith.index_cast %mul3A_817 : i32 to index
        %get3A_834 = tpu.vector_load %arg9[%get3A_830, %get3A_831, %get3A_832, %get3A_833] {strides = array<i32>} : memref<2x6x4x1024xf32, #tpu.memory_space<vmem>>, vector<1x1x1x16xf32>,
        %get3A_835 = vector.shape_cast %get3A_834 : vector<1x1x1x16xf32> to vector<16xf32>
        %get3A_836 = arith.constant 0 : i32
        %get3A_837 = arith.constant 2 : i32
        %get3A_838 = arith.constant 2 : i32
        %get3A_839 = arith.index_cast %get3A_836 : i32 to index
        %get3A_840 = arith.index_cast %get3A_837 : i32 to index
        %get3A_841 = arith.index_cast %get3A_838 : i32 to index
        %get3A_842 = arith.index_cast %mul3A_817 : i32 to index
        %get3A_843 = tpu.vector_load %arg9[%get3A_839, %get3A_840, %get3A_841, %get3A_842] {strides = array<i32>} : memref<2x6x4x1024xf32, #tpu.memory_space<vmem>>, vector<1x1x1x16xf32>,
        %get3A_844 = vector.shape_cast %get3A_843 : vector<1x1x1x16xf32> to vector<16xf32>
        %get3A_845 = arith.constant 0 : i32
        %get3A_846 = arith.constant 3 : i32
        %get3A_847 = arith.constant 2 : i32
        %get3A_848 = arith.index_cast %get3A_845 : i32 to index
        %get3A_849 = arith.index_cast %get3A_846 : i32 to index
        %get3A_850 = arith.index_cast %get3A_847 : i32 to index
        %get3A_851 = arith.index_cast %mul3A_817 : i32 to index
        %get3A_852 = tpu.vector_load %arg9[%get3A_848, %get3A_849, %get3A_850, %get3A_851] {strides = array<i32>} : memref<2x6x4x1024xf32, #tpu.memory_space<vmem>>, vector<1x1x1x16xf32>,
        %get3A_853 = vector.shape_cast %get3A_852 : vector<1x1x1x16xf32> to vector<16xf32>
        %get3A_854 = arith.constant 0 : i32
        %get3A_855 = arith.constant 4 : i32
        %get3A_856 = arith.constant 2 : i32
        %get3A_857 = arith.index_cast %get3A_854 : i32 to index
        %get3A_858 = arith.index_cast %get3A_855 : i32 to index
        %get3A_859 = arith.index_cast %get3A_856 : i32 to index
        %get3A_860 = arith.index_cast %mul3A_817 : i32 to index
        %get3A_861 = tpu.vector_load %arg9[%get3A_857, %get3A_858, %get3A_859, %get3A_860] {strides = array<i32>} : memref<2x6x4x1024xf32, #tpu.memory_space<vmem>>, vector<1x1x1x16xf32>,
        %get3A_862 = vector.shape_cast %get3A_861 : vector<1x1x1x16xf32> to vector<16xf32>
        %get3A_863 = arith.constant 0 : i32
        %get3A_864 = arith.constant 5 : i32
        %get3A_865 = arith.constant 2 : i32
        %get3A_866 = arith.index_cast %get3A_863 : i32 to index
        %get3A_867 = arith.index_cast %get3A_864 : i32 to index
        %get3A_868 = arith.index_cast %get3A_865 : i32 to index
        %get3A_869 = arith.index_cast %mul3A_817 : i32 to index
        %get3A_870 = tpu.vector_load %arg9[%get3A_866, %get3A_867, %get3A_868, %get3A_869] {strides = array<i32>} : memref<2x6x4x1024xf32, #tpu.memory_space<vmem>>, vector<1x1x1x16xf32>,
        %get3A_871 = vector.shape_cast %get3A_870 : vector<1x1x1x16xf32> to vector<16xf32>
        %mul3A_872 = arith.mulf %get3A_826, %get3A_844 : vector<16xf32>
        %mul3A_873 = arith.mulf %get3A_835, %get3A_853 : vector<16xf32>
        %mul3A_874 = arith.mulf %get3A_826, %get3A_862 : vector<16xf32>
        %mul3A_875 = arith.mulf %get3A_835, %get3A_871 : vector<16xf32>
        %mul3A_876 = arith.mulf %get3A_826, %get3A_826 : vector<16xf32>
        %mul3A_877 = arith.mulf %get3A_835, %get3A_835 : vector<16xf32>
        %mul3A_878 = arith.mulf %get3A_844, %get3A_844 : vector<16xf32>
        %mul3A_879 = arith.mulf %get3A_853, %get3A_853 : vector<16xf32>
        %mul3A_880 = arith.mulf %get3A_862, %get3A_862 : vector<16xf32>
        %mul3A_881 = arith.mulf %get3A_871, %get3A_871 : vector<16xf32>
        %add3A_882 = arith.addf %add3A_802, %mul3A_872 : vector<16xf32>
        %add3A_883 = arith.addf %add3A_803, %mul3A_873 : vector<16xf32>
        %add3A_884 = arith.addf %add3A_804, %mul3A_874 : vector<16xf32>
        %add3A_885 = arith.addf %add3A_805, %mul3A_875 : vector<16xf32>
        %add3A_886 = arith.addf %add3A_806, %mul3A_876 : vector<16xf32>
        %add3A_887 = arith.addf %add3A_807, %mul3A_877 : vector<16xf32>
        %add3A_888 = arith.addf %add3A_808, %mul3A_878 : vector<16xf32>
        %add3A_889 = arith.addf %add3A_809, %mul3A_879 : vector<16xf32>
        %add3A_890 = arith.addf %add3A_810, %mul3A_880 : vector<16xf32>
        %add3A_891 = arith.addf %add3A_811, %mul3A_881 : vector<16xf32>
        scf.yield %add3A_882, %add3A_883, %add3A_884, %add3A_885, %add3A_886, %add3A_887, %add3A_888, %add3A_889, %add3A_890, %add3A_891 : vector<16xf32>, vector<16xf32>, vector<16xf32>, vector<16xf32>, vector<16xf32>, vector<16xf32>, vector<16xf32>, vector<16xf32>, vector<16xf32>, vector<16xf32>
      }
      %scan3A_377 = arith.constant 32 : i32
      %mul3A_378 = arith.constant 4 : i32
      %mul3A_379 = arith.muli %add3A_199, %mul3A_378 : i32
      %add3A_380 = arith.constant 2 : i32
      %add3A_381 = arith.addi %mul3A_379, %add3A_380 : i32
      %add3A_382 = arith.addf %scan3A_376#0, %scan3A_376#1 : vector<16xf32>
      %swap3A_383 = arith.index_cast %add3A_381 : i32 to index
      %swap3A_384 = arith.constant 0 : index
      %swap3A_385 = tpu.vector_load %arg10[%swap3A_383, %swap3A_384] {strides = array<i32>} : memref<32x80xf32, #tpu.memory_space<vmem>>, vector<1x16xf32>,
      %swap3A_386 = vector.shape_cast %swap3A_385 : vector<1x16xf32> to vector<16xf32>
      %swap3A_387 = vector.shape_cast %add3A_382 : vector<16xf32> to vector<1x16xf32>
      tpu.vector_store %arg10[%swap3A_383, %swap3A_384], %swap3A_387 {strides = array<i32>} : memref<32x80xf32, #tpu.memory_space<vmem>>, vector<1x16xf32>,
      %add3A_388 = arith.addf %scan3A_376#2, %scan3A_376#3 : vector<16xf32>
      %swap3A_389 = arith.index_cast %add3A_381 : i32 to index
      %swap3A_390 = arith.constant 16 : index
      %swap3A_391 = tpu.vector_load %arg10[%swap3A_389, %swap3A_390] {strides = array<i32>} : memref<32x80xf32, #tpu.memory_space<vmem>>, vector<1x16xf32>,
      %swap3A_392 = vector.shape_cast %swap3A_391 : vector<1x16xf32> to vector<16xf32>
      %swap3A_393 = vector.shape_cast %add3A_388 : vector<16xf32> to vector<1x16xf32>
      tpu.vector_store %arg10[%swap3A_389, %swap3A_390], %swap3A_393 {strides = array<i32>} : memref<32x80xf32, #tpu.memory_space<vmem>>, vector<1x16xf32>,
      %add3A_394 = arith.addf %scan3A_376#4, %scan3A_376#5 : vector<16xf32>
      %swap3A_395 = arith.index_cast %add3A_381 : i32 to index
      %swap3A_396 = arith.constant 32 : index
      %swap3A_397 = tpu.vector_load %arg10[%swap3A_395, %swap3A_396] {strides = array<i32>} : memref<32x80xf32, #tpu.memory_space<vmem>>, vector<1x16xf32>,
      %swap3A_398 = vector.shape_cast %swap3A_397 : vector<1x16xf32> to vector<16xf32>
      %swap3A_399 = vector.shape_cast %add3A_394 : vector<16xf32> to vector<1x16xf32>
      tpu.vector_store %arg10[%swap3A_395, %swap3A_396], %swap3A_399 {strides = array<i32>} : memref<32x80xf32, #tpu.memory_space<vmem>>, vector<1x16xf32>,
      %add3A_400 = arith.addf %scan3A_376#6, %scan3A_376#7 : vector<16xf32>
      %swap3A_401 = arith.index_cast %add3A_381 : i32 to index
      %swap3A_402 = arith.constant 48 : index
      %swap3A_403 = tpu.vector_load %arg10[%swap3A_401, %swap3A_402] {strides = array<i32>} : memref<32x80xf32, #tpu.memory_space<vmem>>, vector<1x16xf32>,
      %swap3A_404 = vector.shape_cast %swap3A_403 : vector<1x16xf32> to vector<16xf32>
      %swap3A_405 = vector.shape_cast %add3A_400 : vector<16xf32> to vector<1x16xf32>
      tpu.vector_store %arg10[%swap3A_401, %swap3A_402], %swap3A_405 {strides = array<i32>} : memref<32x80xf32, #tpu.memory_space<vmem>>, vector<1x16xf32>,
      %add3A_406 = arith.addf %scan3A_376#8, %scan3A_376#9 : vector<16xf32>
      %swap3A_407 = arith.index_cast %add3A_381 : i32 to index
      %swap3A_408 = arith.constant 64 : index
      %swap3A_409 = tpu.vector_load %arg10[%swap3A_407, %swap3A_408] {strides = array<i32>} : memref<32x80xf32, #tpu.memory_space<vmem>>, vector<1x16xf32>,
      %swap3A_410 = vector.shape_cast %swap3A_409 : vector<1x16xf32> to vector<16xf32>
      %swap3A_411 = vector.shape_cast %add3A_406 : vector<16xf32> to vector<1x16xf32>
      tpu.vector_store %arg10[%swap3A_407, %swap3A_408], %swap3A_411 {strides = array<i32>} : memref<32x80xf32, #tpu.memory_space<vmem>>, vector<1x16xf32>,
      %broadcast_in_dim3A_412 = arith.constant 0.000000e+00 : f32
      %broadcast_in_dim3A_413 = vector.broadcast %broadcast_in_dim3A_412 : f32 to vector<16xf32>
      %scan3A_414 = arith.constant 0 : i32
      %scan3A_415 = arith.constant 32 : i32
      %scan3A_416 = arith.addi %scan3A_414, %scan3A_415 : i32
      %scan3A_417 = arith.constant 1 : i32
      %scan3A_418:10 = scf.for %scan3A_722 = %scan3A_414 to %scan3A_416 step %scan3A_417 iter_args(%scan3A_723 = %broadcast_in_dim3A_413, %scan3A_724 = %broadcast_in_dim3A_413, %scan3A_725 = %broadcast_in_dim3A_413, %scan3A_726 = %broadcast_in_dim3A_413, %scan3A_727 = %broadcast_in_dim3A_413, %scan3A_728 = %broadcast_in_dim3A_413, %scan3A_729 = %broadcast_in_dim3A_413, %scan3A_730 = %broadcast_in_dim3A_413, %scan3A_731 = %broadcast_in_dim3A_413, %scan3A_732 = %broadcast_in_dim3A_413) -> (vector<16xf32>, vector<16xf32>, vector<16xf32>, vector<16xf32>, vector<16xf32>, vector<16xf32>, vector<16xf32>, vector<16xf32>, vector<16xf32>, vector<16xf32>)  : i32 {
        %mul3A_733 = arith.constant 2 : i32
        %mul3A_734 = arith.muli %scan3A_722, %mul3A_733 : i32
        %add3A_735 = arith.constant 0 : i32
        %add3A_736 = arith.addi %mul3A_734, %add3A_735 : i32
        %mul3A_737 = arith.constant 16 : i32
        %mul3A_738 = arith.muli %add3A_736, %mul3A_737 : i32
        %get3A = arith.constant 0 : i32
        %get3A_739 = arith.constant 0 : i32
        %get3A_740 = arith.constant 3 : i32
        %get3A_741 = arith.index_cast %get3A : i32 to index
        %get3A_742 = arith.index_cast %get3A_739 : i32 to index
        %get3A_743 = arith.index_cast %get3A_740 : i32 to index
        %get3A_744 = arith.index_cast %mul3A_738 : i32 to index
        %get3A_745 = tpu.vector_load %arg9[%get3A_741, %get3A_742, %get3A_743, %get3A_744] {strides = array<i32>} : memref<2x6x4x1024xf32, #tpu.memory_space<vmem>>, vector<1x1x1x16xf32>,
        %get3A_746 = vector.shape_cast %get3A_745 : vector<1x1x1x16xf32> to vector<16xf32>
        %get3A_747 = arith.constant 0 : i32
        %get3A_748 = arith.constant 1 : i32
        %get3A_749 = arith.constant 3 : i32
        %get3A_750 = arith.index_cast %get3A_747 : i32 to index
        %get3A_751 = arith.index_cast %get3A_748 : i32 to index
        %get3A_752 = arith.index_cast %get3A_749 : i32 to index
        %get3A_753 = arith.index_cast %mul3A_738 : i32 to index
        %get3A_754 = tpu.vector_load %arg9[%get3A_750, %get3A_751, %get3A_752, %get3A_753] {strides = array<i32>} : memref<2x6x4x1024xf32, #tpu.memory_space<vmem>>, vector<1x1x1x16xf32>,
        %get3A_755 = vector.shape_cast %get3A_754 : vector<1x1x1x16xf32> to vector<16xf32>
        %get3A_756 = arith.constant 0 : i32
        %get3A_757 = arith.constant 2 : i32
        %get3A_758 = arith.constant 3 : i32
        %get3A_759 = arith.index_cast %get3A_756 : i32 to index
        %get3A_760 = arith.index_cast %get3A_757 : i32 to index
        %get3A_761 = arith.index_cast %get3A_758 : i32 to index
        %get3A_762 = arith.index_cast %mul3A_738 : i32 to index
        %get3A_763 = tpu.vector_load %arg9[%get3A_759, %get3A_760, %get3A_761, %get3A_762] {strides = array<i32>} : memref<2x6x4x1024xf32, #tpu.memory_space<vmem>>, vector<1x1x1x16xf32>,
        %get3A_764 = vector.shape_cast %get3A_763 : vector<1x1x1x16xf32> to vector<16xf32>
        %get3A_765 = arith.constant 0 : i32
        %get3A_766 = arith.constant 3 : i32
        %get3A_767 = arith.constant 3 : i32
        %get3A_768 = arith.index_cast %get3A_765 : i32 to index
        %get3A_769 = arith.index_cast %get3A_766 : i32 to index
        %get3A_770 = arith.index_cast %get3A_767 : i32 to index
        %get3A_771 = arith.index_cast %mul3A_738 : i32 to index
        %get3A_772 = tpu.vector_load %arg9[%get3A_768, %get3A_769, %get3A_770, %get3A_771] {strides = array<i32>} : memref<2x6x4x1024xf32, #tpu.memory_space<vmem>>, vector<1x1x1x16xf32>,
        %get3A_773 = vector.shape_cast %get3A_772 : vector<1x1x1x16xf32> to vector<16xf32>
        %get3A_774 = arith.constant 0 : i32
        %get3A_775 = arith.constant 4 : i32
        %get3A_776 = arith.constant 3 : i32
        %get3A_777 = arith.index_cast %get3A_774 : i32 to index
        %get3A_778 = arith.index_cast %get3A_775 : i32 to index
        %get3A_779 = arith.index_cast %get3A_776 : i32 to index
        %get3A_780 = arith.index_cast %mul3A_738 : i32 to index
        %get3A_781 = tpu.vector_load %arg9[%get3A_777, %get3A_778, %get3A_779, %get3A_780] {strides = array<i32>} : memref<2x6x4x1024xf32, #tpu.memory_space<vmem>>, vector<1x1x1x16xf32>,
        %get3A_782 = vector.shape_cast %get3A_781 : vector<1x1x1x16xf32> to vector<16xf32>
        %get3A_783 = arith.constant 0 : i32
        %get3A_784 = arith.constant 5 : i32
        %get3A_785 = arith.constant 3 : i32
        %get3A_786 = arith.index_cast %get3A_783 : i32 to index
        %get3A_787 = arith.index_cast %get3A_784 : i32 to index
        %get3A_788 = arith.index_cast %get3A_785 : i32 to index
        %get3A_789 = arith.index_cast %mul3A_738 : i32 to index
        %get3A_790 = tpu.vector_load %arg9[%get3A_786, %get3A_787, %get3A_788, %get3A_789] {strides = array<i32>} : memref<2x6x4x1024xf32, #tpu.memory_space<vmem>>, vector<1x1x1x16xf32>,
        %get3A_791 = vector.shape_cast %get3A_790 : vector<1x1x1x16xf32> to vector<16xf32>
        %mul3A_792 = arith.mulf %get3A_746, %get3A_764 : vector<16xf32>
        %mul3A_793 = arith.mulf %get3A_755, %get3A_773 : vector<16xf32>
        %mul3A_794 = arith.mulf %get3A_746, %get3A_782 : vector<16xf32>
        %mul3A_795 = arith.mulf %get3A_755, %get3A_791 : vector<16xf32>
        %mul3A_796 = arith.mulf %get3A_746, %get3A_746 : vector<16xf32>
        %mul3A_797 = arith.mulf %get3A_755, %get3A_755 : vector<16xf32>
        %mul3A_798 = arith.mulf %get3A_764, %get3A_764 : vector<16xf32>
        %mul3A_799 = arith.mulf %get3A_773, %get3A_773 : vector<16xf32>
        %mul3A_800 = arith.mulf %get3A_782, %get3A_782 : vector<16xf32>
        %mul3A_801 = arith.mulf %get3A_791, %get3A_791 : vector<16xf32>
        %add3A_802 = arith.addf %scan3A_723, %mul3A_792 : vector<16xf32>
        %add3A_803 = arith.addf %scan3A_724, %mul3A_793 : vector<16xf32>
        %add3A_804 = arith.addf %scan3A_725, %mul3A_794 : vector<16xf32>
        %add3A_805 = arith.addf %scan3A_726, %mul3A_795 : vector<16xf32>
        %add3A_806 = arith.addf %scan3A_727, %mul3A_796 : vector<16xf32>
        %add3A_807 = arith.addf %scan3A_728, %mul3A_797 : vector<16xf32>
        %add3A_808 = arith.addf %scan3A_729, %mul3A_798 : vector<16xf32>
        %add3A_809 = arith.addf %scan3A_730, %mul3A_799 : vector<16xf32>
        %add3A_810 = arith.addf %scan3A_731, %mul3A_800 : vector<16xf32>
        %add3A_811 = arith.addf %scan3A_732, %mul3A_801 : vector<16xf32>
        %mul3A_812 = arith.constant 2 : i32
        %mul3A_813 = arith.muli %scan3A_722, %mul3A_812 : i32
        %add3A_814 = arith.constant 1 : i32
        %add3A_815 = arith.addi %mul3A_813, %add3A_814 : i32
        %mul3A_816 = arith.constant 16 : i32
        %mul3A_817 = arith.muli %add3A_815, %mul3A_816 : i32
        %get3A_818 = arith.constant 0 : i32
        %get3A_819 = arith.constant 0 : i32
        %get3A_820 = arith.constant 3 : i32
        %get3A_821 = arith.index_cast %get3A_818 : i32 to index
        %get3A_822 = arith.index_cast %get3A_819 : i32 to index
        %get3A_823 = arith.index_cast %get3A_820 : i32 to index
        %get3A_824 = arith.index_cast %mul3A_817 : i32 to index
        %get3A_825 = tpu.vector_load %arg9[%get3A_821, %get3A_822, %get3A_823, %get3A_824] {strides = array<i32>} : memref<2x6x4x1024xf32, #tpu.memory_space<vmem>>, vector<1x1x1x16xf32>,
        %get3A_826 = vector.shape_cast %get3A_825 : vector<1x1x1x16xf32> to vector<16xf32>
        %get3A_827 = arith.constant 0 : i32
        %get3A_828 = arith.constant 1 : i32
        %get3A_829 = arith.constant 3 : i32
        %get3A_830 = arith.index_cast %get3A_827 : i32 to index
        %get3A_831 = arith.index_cast %get3A_828 : i32 to index
        %get3A_832 = arith.index_cast %get3A_829 : i32 to index
        %get3A_833 = arith.index_cast %mul3A_817 : i32 to index
        %get3A_834 = tpu.vector_load %arg9[%get3A_830, %get3A_831, %get3A_832, %get3A_833] {strides = array<i32>} : memref<2x6x4x1024xf32, #tpu.memory_space<vmem>>, vector<1x1x1x16xf32>,
        %get3A_835 = vector.shape_cast %get3A_834 : vector<1x1x1x16xf32> to vector<16xf32>
        %get3A_836 = arith.constant 0 : i32
        %get3A_837 = arith.constant 2 : i32
        %get3A_838 = arith.constant 3 : i32
        %get3A_839 = arith.index_cast %get3A_836 : i32 to index
        %get3A_840 = arith.index_cast %get3A_837 : i32 to index
        %get3A_841 = arith.index_cast %get3A_838 : i32 to index
        %get3A_842 = arith.index_cast %mul3A_817 : i32 to index
        %get3A_843 = tpu.vector_load %arg9[%get3A_839, %get3A_840, %get3A_841, %get3A_842] {strides = array<i32>} : memref<2x6x4x1024xf32, #tpu.memory_space<vmem>>, vector<1x1x1x16xf32>,
        %get3A_844 = vector.shape_cast %get3A_843 : vector<1x1x1x16xf32> to vector<16xf32>
        %get3A_845 = arith.constant 0 : i32
        %get3A_846 = arith.constant 3 : i32
        %get3A_847 = arith.constant 3 : i32
        %get3A_848 = arith.index_cast %get3A_845 : i32 to index
        %get3A_849 = arith.index_cast %get3A_846 : i32 to index
        %get3A_850 = arith.index_cast %get3A_847 : i32 to index
        %get3A_851 = arith.index_cast %mul3A_817 : i32 to index
        %get3A_852 = tpu.vector_load %arg9[%get3A_848, %get3A_849, %get3A_850, %get3A_851] {strides = array<i32>} : memref<2x6x4x1024xf32, #tpu.memory_space<vmem>>, vector<1x1x1x16xf32>,
        %get3A_853 = vector.shape_cast %get3A_852 : vector<1x1x1x16xf32> to vector<16xf32>
        %get3A_854 = arith.constant 0 : i32
        %get3A_855 = arith.constant 4 : i32
        %get3A_856 = arith.constant 3 : i32
        %get3A_857 = arith.index_cast %get3A_854 : i32 to index
        %get3A_858 = arith.index_cast %get3A_855 : i32 to index
        %get3A_859 = arith.index_cast %get3A_856 : i32 to index
        %get3A_860 = arith.index_cast %mul3A_817 : i32 to index
        %get3A_861 = tpu.vector_load %arg9[%get3A_857, %get3A_858, %get3A_859, %get3A_860] {strides = array<i32>} : memref<2x6x4x1024xf32, #tpu.memory_space<vmem>>, vector<1x1x1x16xf32>,
        %get3A_862 = vector.shape_cast %get3A_861 : vector<1x1x1x16xf32> to vector<16xf32>
        %get3A_863 = arith.constant 0 : i32
        %get3A_864 = arith.constant 5 : i32
        %get3A_865 = arith.constant 3 : i32
        %get3A_866 = arith.index_cast %get3A_863 : i32 to index
        %get3A_867 = arith.index_cast %get3A_864 : i32 to index
        %get3A_868 = arith.index_cast %get3A_865 : i32 to index
        %get3A_869 = arith.index_cast %mul3A_817 : i32 to index
        %get3A_870 = tpu.vector_load %arg9[%get3A_866, %get3A_867, %get3A_868, %get3A_869] {strides = array<i32>} : memref<2x6x4x1024xf32, #tpu.memory_space<vmem>>, vector<1x1x1x16xf32>,
        %get3A_871 = vector.shape_cast %get3A_870 : vector<1x1x1x16xf32> to vector<16xf32>
        %mul3A_872 = arith.mulf %get3A_826, %get3A_844 : vector<16xf32>
        %mul3A_873 = arith.mulf %get3A_835, %get3A_853 : vector<16xf32>
        %mul3A_874 = arith.mulf %get3A_826, %get3A_862 : vector<16xf32>
        %mul3A_875 = arith.mulf %get3A_835, %get3A_871 : vector<16xf32>
        %mul3A_876 = arith.mulf %get3A_826, %get3A_826 : vector<16xf32>
        %mul3A_877 = arith.mulf %get3A_835, %get3A_835 : vector<16xf32>
        %mul3A_878 = arith.mulf %get3A_844, %get3A_844 : vector<16xf32>
        %mul3A_879 = arith.mulf %get3A_853, %get3A_853 : vector<16xf32>
        %mul3A_880 = arith.mulf %get3A_862, %get3A_862 : vector<16xf32>
        %mul3A_881 = arith.mulf %get3A_871, %get3A_871 : vector<16xf32>
        %add3A_882 = arith.addf %add3A_802, %mul3A_872 : vector<16xf32>
        %add3A_883 = arith.addf %add3A_803, %mul3A_873 : vector<16xf32>
        %add3A_884 = arith.addf %add3A_804, %mul3A_874 : vector<16xf32>
        %add3A_885 = arith.addf %add3A_805, %mul3A_875 : vector<16xf32>
        %add3A_886 = arith.addf %add3A_806, %mul3A_876 : vector<16xf32>
        %add3A_887 = arith.addf %add3A_807, %mul3A_877 : vector<16xf32>
        %add3A_888 = arith.addf %add3A_808, %mul3A_878 : vector<16xf32>
        %add3A_889 = arith.addf %add3A_809, %mul3A_879 : vector<16xf32>
        %add3A_890 = arith.addf %add3A_810, %mul3A_880 : vector<16xf32>
        %add3A_891 = arith.addf %add3A_811, %mul3A_881 : vector<16xf32>
        scf.yield %add3A_882, %add3A_883, %add3A_884, %add3A_885, %add3A_886, %add3A_887, %add3A_888, %add3A_889, %add3A_890, %add3A_891 : vector<16xf32>, vector<16xf32>, vector<16xf32>, vector<16xf32>, vector<16xf32>, vector<16xf32>, vector<16xf32>, vector<16xf32>, vector<16xf32>, vector<16xf32>
      }
      %scan3A_419 = arith.constant 32 : i32
      %mul3A_420 = arith.constant 4 : i32
      %mul3A_421 = arith.muli %add3A_199, %mul3A_420 : i32
      %add3A_422 = arith.constant 3 : i32
      %add3A_423 = arith.addi %mul3A_421, %add3A_422 : i32
      %add3A_424 = arith.addf %scan3A_418#0, %scan3A_418#1 : vector<16xf32>
      %swap3A_425 = arith.index_cast %add3A_423 : i32 to index
      %swap3A_426 = arith.constant 0 : index
      %swap3A_427 = tpu.vector_load %arg10[%swap3A_425, %swap3A_426] {strides = array<i32>} : memref<32x80xf32, #tpu.memory_space<vmem>>, vector<1x16xf32>,
      %swap3A_428 = vector.shape_cast %swap3A_427 : vector<1x16xf32> to vector<16xf32>
      %swap3A_429 = vector.shape_cast %add3A_424 : vector<16xf32> to vector<1x16xf32>
      tpu.vector_store %arg10[%swap3A_425, %swap3A_426], %swap3A_429 {strides = array<i32>} : memref<32x80xf32, #tpu.memory_space<vmem>>, vector<1x16xf32>,
      %add3A_430 = arith.addf %scan3A_418#2, %scan3A_418#3 : vector<16xf32>
      %swap3A_431 = arith.index_cast %add3A_423 : i32 to index
      %swap3A_432 = arith.constant 16 : index
      %swap3A_433 = tpu.vector_load %arg10[%swap3A_431, %swap3A_432] {strides = array<i32>} : memref<32x80xf32, #tpu.memory_space<vmem>>, vector<1x16xf32>,
      %swap3A_434 = vector.shape_cast %swap3A_433 : vector<1x16xf32> to vector<16xf32>
      %swap3A_435 = vector.shape_cast %add3A_430 : vector<16xf32> to vector<1x16xf32>
      tpu.vector_store %arg10[%swap3A_431, %swap3A_432], %swap3A_435 {strides = array<i32>} : memref<32x80xf32, #tpu.memory_space<vmem>>, vector<1x16xf32>,
      %add3A_436 = arith.addf %scan3A_418#4, %scan3A_418#5 : vector<16xf32>
      %swap3A_437 = arith.index_cast %add3A_423 : i32 to index
      %swap3A_438 = arith.constant 32 : index
      %swap3A_439 = tpu.vector_load %arg10[%swap3A_437, %swap3A_438] {strides = array<i32>} : memref<32x80xf32, #tpu.memory_space<vmem>>, vector<1x16xf32>,
      %swap3A_440 = vector.shape_cast %swap3A_439 : vector<1x16xf32> to vector<16xf32>
      %swap3A_441 = vector.shape_cast %add3A_436 : vector<16xf32> to vector<1x16xf32>
      tpu.vector_store %arg10[%swap3A_437, %swap3A_438], %swap3A_441 {strides = array<i32>} : memref<32x80xf32, #tpu.memory_space<vmem>>, vector<1x16xf32>,
      %add3A_442 = arith.addf %scan3A_418#6, %scan3A_418#7 : vector<16xf32>
      %swap3A_443 = arith.index_cast %add3A_423 : i32 to index
      %swap3A_444 = arith.constant 48 : index
      %swap3A_445 = tpu.vector_load %arg10[%swap3A_443, %swap3A_444] {strides = array<i32>} : memref<32x80xf32, #tpu.memory_space<vmem>>, vector<1x16xf32>,
      %swap3A_446 = vector.shape_cast %swap3A_445 : vector<1x16xf32> to vector<16xf32>
      %swap3A_447 = vector.shape_cast %add3A_442 : vector<16xf32> to vector<1x16xf32>
      tpu.vector_store %arg10[%swap3A_443, %swap3A_444], %swap3A_447 {strides = array<i32>} : memref<32x80xf32, #tpu.memory_space<vmem>>, vector<1x16xf32>,
      %add3A_448 = arith.addf %scan3A_418#8, %scan3A_418#9 : vector<16xf32>
      %swap3A_449 = arith.index_cast %add3A_423 : i32 to index
      %swap3A_450 = arith.constant 64 : index
      %swap3A_451 = tpu.vector_load %arg10[%swap3A_449, %swap3A_450] {strides = array<i32>} : memref<32x80xf32, #tpu.memory_space<vmem>>, vector<1x16xf32>,
      %swap3A_452 = vector.shape_cast %swap3A_451 : vector<1x16xf32> to vector<16xf32>
      %swap3A_453 = vector.shape_cast %add3A_448 : vector<16xf32> to vector<1x16xf32>
      tpu.vector_store %arg10[%swap3A_449, %swap3A_450], %swap3A_453 {strides = array<i32>} : memref<32x80xf32, #tpu.memory_space<vmem>>, vector<1x16xf32>,
      %add3A_454 = arith.constant 2 : i32
      %add3A_455 = arith.addi %add3A_199, %add3A_454 : i32
      %lt3A = arith.constant 8 : i32
      %lt3A_456 = arith.cmpi slt, %add3A_455, %lt3A : i32
      %convert_element_type3A = arith.extui %lt3A_456 : i1 to i32
      %cond3A = arith.constant 0 : i32
      %cond3A_457 = arith.cmpi ne, %convert_element_type3A, %cond3A : i32
      scf.if %cond3A_457 {
        %add3A_722 = arith.constant 2 : i32
        %add3A_723 = arith.addi %add3A_199, %add3A_722 : i32
        %mul3A_724 = arith.constant 4 : i32
        %mul3A_725 = arith.muli %add3A_723, %mul3A_724 : i32
        %add3A_726 = arith.addi %add3A_4, %mul3A_725 : i32
        %dma_start3A_727 = arith.constant 0 : i32
        %dma_start3A_728 = arith.constant 0 : i32
        %dma_start3A_729 = arith.constant 0 : i32
        %dma_start3A_730 = arith.constant 0 : i32
        %dma_start3A_731 = tpu.memref_slice %arg9[%dma_start3A_727, %dma_start3A_728, %dma_start3A_729, %dma_start3A_730] : memref<2x6x4x1024xf32, #tpu.memory_space<vmem>> -> memref<1x1x4x1024xf32, #tpu.memory_space<vmem>>
        %dma_start3A_732 = tpu.memref_squeeze %dma_start3A_731 : memref<1x1x4x1024xf32, #tpu.memory_space<vmem>> -> memref<4x1024xf32, #tpu.memory_space<vmem>>
        %dma_start3A_733 = arith.constant 0 : i32
        %dma_start3A_734 = tpu.memref_slice %arg2[%add3A_726, %dma_start3A_733] : memref<16384x1024xf32, #tpu.memory_space<hbm>> -> memref<4x1024xf32, #tpu.memory_space<hbm>>
        %dma_start3A_735 = arith.constant 0 : i32
        %dma_start3A_736 = arith.constant 0 : i32
        %dma_start3A_737 = tpu.memref_slice %arg9[%dma_start3A_727, %dma_start3A_728, %dma_start3A_735, %dma_start3A_736] : memref<2x6x4x1024xf32, #tpu.memory_space<vmem>> -> memref<1x1x4x1024xf32, #tpu.memory_space<vmem>>
        %dma_start3A_738 = tpu.memref_squeeze %dma_start3A_737 : memref<1x1x4x1024xf32, #tpu.memory_space<vmem>> -> memref<4x1024xf32, #tpu.memory_space<vmem>>
        %dma_start3A_739 = arith.constant 0 : i32
        %dma_start3A_740 = tpu.memref_slice %arg2[%add3A_726, %dma_start3A_739] : memref<16384x1024xf32, #tpu.memory_space<hbm>> -> memref<4x1024xf32, #tpu.memory_space<hbm>>
        tpu.enqueue_dma source(%dma_start3A_740 : memref<4x1024xf32, #tpu.memory_space<hbm>>) target(%dma_start3A_738 : memref<4x1024xf32, #tpu.memory_space<vmem>>) target_semaphore(%arg12 : memref<!tpu.dma_semaphore, #tpu.memory_space<semaphore_mem>>)
        %dma_start3A_741 = arith.constant 0 : i32
        %dma_start3A_742 = arith.constant 1 : i32
        %dma_start3A_743 = arith.constant 0 : i32
        %dma_start3A_744 = arith.constant 0 : i32
        %dma_start3A_745 = tpu.memref_slice %arg9[%dma_start3A_741, %dma_start3A_742, %dma_start3A_743, %dma_start3A_744] : memref<2x6x4x1024xf32, #tpu.memory_space<vmem>> -> memref<1x1x4x1024xf32, #tpu.memory_space<vmem>>
        %dma_start3A_746 = tpu.memref_squeeze %dma_start3A_745 : memref<1x1x4x1024xf32, #tpu.memory_space<vmem>> -> memref<4x1024xf32, #tpu.memory_space<vmem>>
        %dma_start3A_747 = arith.constant 0 : i32
        %dma_start3A_748 = tpu.memref_slice %arg3[%add3A_726, %dma_start3A_747] : memref<16384x1024xf32, #tpu.memory_space<hbm>> -> memref<4x1024xf32, #tpu.memory_space<hbm>>
        %dma_start3A_749 = arith.constant 0 : i32
        %dma_start3A_750 = arith.constant 0 : i32
        %dma_start3A_751 = tpu.memref_slice %arg9[%dma_start3A_741, %dma_start3A_742, %dma_start3A_749, %dma_start3A_750] : memref<2x6x4x1024xf32, #tpu.memory_space<vmem>> -> memref<1x1x4x1024xf32, #tpu.memory_space<vmem>>
        %dma_start3A_752 = tpu.memref_squeeze %dma_start3A_751 : memref<1x1x4x1024xf32, #tpu.memory_space<vmem>> -> memref<4x1024xf32, #tpu.memory_space<vmem>>
        %dma_start3A_753 = arith.constant 0 : i32
        %dma_start3A_754 = tpu.memref_slice %arg3[%add3A_726, %dma_start3A_753] : memref<16384x1024xf32, #tpu.memory_space<hbm>> -> memref<4x1024xf32, #tpu.memory_space<hbm>>
        tpu.enqueue_dma source(%dma_start3A_754 : memref<4x1024xf32, #tpu.memory_space<hbm>>) target(%dma_start3A_752 : memref<4x1024xf32, #tpu.memory_space<vmem>>) target_semaphore(%arg12 : memref<!tpu.dma_semaphore, #tpu.memory_space<semaphore_mem>>)
        %dma_start3A_755 = arith.constant 0 : i32
        %dma_start3A_756 = arith.constant 2 : i32
        %dma_start3A_757 = arith.constant 0 : i32
        %dma_start3A_758 = arith.constant 0 : i32
        %dma_start3A_759 = tpu.memref_slice %arg9[%dma_start3A_755, %dma_start3A_756, %dma_start3A_757, %dma_start3A_758] : memref<2x6x4x1024xf32, #tpu.memory_space<vmem>> -> memref<1x1x4x1024xf32, #tpu.memory_space<vmem>>
        %dma_start3A_760 = tpu.memref_squeeze %dma_start3A_759 : memref<1x1x4x1024xf32, #tpu.memory_space<vmem>> -> memref<4x1024xf32, #tpu.memory_space<vmem>>
        %dma_start3A_761 = arith.constant 0 : i32
        %dma_start3A_762 = tpu.memref_slice %arg4[%add3A_726, %dma_start3A_761] : memref<16384x1024xf32, #tpu.memory_space<hbm>> -> memref<4x1024xf32, #tpu.memory_space<hbm>>
        %dma_start3A_763 = arith.constant 0 : i32
        %dma_start3A_764 = arith.constant 0 : i32
        %dma_start3A_765 = tpu.memref_slice %arg9[%dma_start3A_755, %dma_start3A_756, %dma_start3A_763, %dma_start3A_764] : memref<2x6x4x1024xf32, #tpu.memory_space<vmem>> -> memref<1x1x4x1024xf32, #tpu.memory_space<vmem>>
        %dma_start3A_766 = tpu.memref_squeeze %dma_start3A_765 : memref<1x1x4x1024xf32, #tpu.memory_space<vmem>> -> memref<4x1024xf32, #tpu.memory_space<vmem>>
        %dma_start3A_767 = arith.constant 0 : i32
        %dma_start3A_768 = tpu.memref_slice %arg4[%add3A_726, %dma_start3A_767] : memref<16384x1024xf32, #tpu.memory_space<hbm>> -> memref<4x1024xf32, #tpu.memory_space<hbm>>
        tpu.enqueue_dma source(%dma_start3A_768 : memref<4x1024xf32, #tpu.memory_space<hbm>>) target(%dma_start3A_766 : memref<4x1024xf32, #tpu.memory_space<vmem>>) target_semaphore(%arg12 : memref<!tpu.dma_semaphore, #tpu.memory_space<semaphore_mem>>)
        %dma_start3A_769 = arith.constant 0 : i32
        %dma_start3A_770 = arith.constant 3 : i32
        %dma_start3A_771 = arith.constant 0 : i32
        %dma_start3A_772 = arith.constant 0 : i32
        %dma_start3A_773 = tpu.memref_slice %arg9[%dma_start3A_769, %dma_start3A_770, %dma_start3A_771, %dma_start3A_772] : memref<2x6x4x1024xf32, #tpu.memory_space<vmem>> -> memref<1x1x4x1024xf32, #tpu.memory_space<vmem>>
        %dma_start3A_774 = tpu.memref_squeeze %dma_start3A_773 : memref<1x1x4x1024xf32, #tpu.memory_space<vmem>> -> memref<4x1024xf32, #tpu.memory_space<vmem>>
        %dma_start3A_775 = arith.constant 0 : i32
        %dma_start3A_776 = tpu.memref_slice %arg5[%add3A_726, %dma_start3A_775] : memref<16384x1024xf32, #tpu.memory_space<hbm>> -> memref<4x1024xf32, #tpu.memory_space<hbm>>
        %dma_start3A_777 = arith.constant 0 : i32
        %dma_start3A_778 = arith.constant 0 : i32
        %dma_start3A_779 = tpu.memref_slice %arg9[%dma_start3A_769, %dma_start3A_770, %dma_start3A_777, %dma_start3A_778] : memref<2x6x4x1024xf32, #tpu.memory_space<vmem>> -> memref<1x1x4x1024xf32, #tpu.memory_space<vmem>>
        %dma_start3A_780 = tpu.memref_squeeze %dma_start3A_779 : memref<1x1x4x1024xf32, #tpu.memory_space<vmem>> -> memref<4x1024xf32, #tpu.memory_space<vmem>>
        %dma_start3A_781 = arith.constant 0 : i32
        %dma_start3A_782 = tpu.memref_slice %arg5[%add3A_726, %dma_start3A_781] : memref<16384x1024xf32, #tpu.memory_space<hbm>> -> memref<4x1024xf32, #tpu.memory_space<hbm>>
        tpu.enqueue_dma source(%dma_start3A_782 : memref<4x1024xf32, #tpu.memory_space<hbm>>) target(%dma_start3A_780 : memref<4x1024xf32, #tpu.memory_space<vmem>>) target_semaphore(%arg12 : memref<!tpu.dma_semaphore, #tpu.memory_space<semaphore_mem>>)
        %dma_start3A_783 = arith.constant 0 : i32
        %dma_start3A_784 = arith.constant 4 : i32
        %dma_start3A_785 = arith.constant 0 : i32
        %dma_start3A_786 = arith.constant 0 : i32
        %dma_start3A_787 = tpu.memref_slice %arg9[%dma_start3A_783, %dma_start3A_784, %dma_start3A_785, %dma_start3A_786] : memref<2x6x4x1024xf32, #tpu.memory_space<vmem>> -> memref<1x1x4x1024xf32, #tpu.memory_space<vmem>>
        %dma_start3A_788 = tpu.memref_squeeze %dma_start3A_787 : memref<1x1x4x1024xf32, #tpu.memory_space<vmem>> -> memref<4x1024xf32, #tpu.memory_space<vmem>>
        %dma_start3A_789 = arith.constant 0 : i32
        %dma_start3A_790 = tpu.memref_slice %arg6[%add3A_726, %dma_start3A_789] : memref<16384x1024xf32, #tpu.memory_space<hbm>> -> memref<4x1024xf32, #tpu.memory_space<hbm>>
        %dma_start3A_791 = arith.constant 0 : i32
        %dma_start3A_792 = arith.constant 0 : i32
        %dma_start3A_793 = tpu.memref_slice %arg9[%dma_start3A_783, %dma_start3A_784, %dma_start3A_791, %dma_start3A_792] : memref<2x6x4x1024xf32, #tpu.memory_space<vmem>> -> memref<1x1x4x1024xf32, #tpu.memory_space<vmem>>
        %dma_start3A_794 = tpu.memref_squeeze %dma_start3A_793 : memref<1x1x4x1024xf32, #tpu.memory_space<vmem>> -> memref<4x1024xf32, #tpu.memory_space<vmem>>
        %dma_start3A_795 = arith.constant 0 : i32
        %dma_start3A_796 = tpu.memref_slice %arg6[%add3A_726, %dma_start3A_795] : memref<16384x1024xf32, #tpu.memory_space<hbm>> -> memref<4x1024xf32, #tpu.memory_space<hbm>>
        tpu.enqueue_dma source(%dma_start3A_796 : memref<4x1024xf32, #tpu.memory_space<hbm>>) target(%dma_start3A_794 : memref<4x1024xf32, #tpu.memory_space<vmem>>) target_semaphore(%arg12 : memref<!tpu.dma_semaphore, #tpu.memory_space<semaphore_mem>>)
        %dma_start3A_797 = arith.constant 0 : i32
        %dma_start3A_798 = arith.constant 5 : i32
        %dma_start3A_799 = arith.constant 0 : i32
        %dma_start3A_800 = arith.constant 0 : i32
        %dma_start3A_801 = tpu.memref_slice %arg9[%dma_start3A_797, %dma_start3A_798, %dma_start3A_799, %dma_start3A_800] : memref<2x6x4x1024xf32, #tpu.memory_space<vmem>> -> memref<1x1x4x1024xf32, #tpu.memory_space<vmem>>
        %dma_start3A_802 = tpu.memref_squeeze %dma_start3A_801 : memref<1x1x4x1024xf32, #tpu.memory_space<vmem>> -> memref<4x1024xf32, #tpu.memory_space<vmem>>
        %dma_start3A_803 = arith.constant 0 : i32
        %dma_start3A_804 = tpu.memref_slice %arg7[%add3A_726, %dma_start3A_803] : memref<16384x1024xf32, #tpu.memory_space<hbm>> -> memref<4x1024xf32, #tpu.memory_space<hbm>>
        %dma_start3A_805 = arith.constant 0 : i32
        %dma_start3A_806 = arith.constant 0 : i32
        %dma_start3A_807 = tpu.memref_slice %arg9[%dma_start3A_797, %dma_start3A_798, %dma_start3A_805, %dma_start3A_806] : memref<2x6x4x1024xf32, #tpu.memory_space<vmem>> -> memref<1x1x4x1024xf32, #tpu.memory_space<vmem>>
        %dma_start3A_808 = tpu.memref_squeeze %dma_start3A_807 : memref<1x1x4x1024xf32, #tpu.memory_space<vmem>> -> memref<4x1024xf32, #tpu.memory_space<vmem>>
        %dma_start3A_809 = arith.constant 0 : i32
        %dma_start3A_810 = tpu.memref_slice %arg7[%add3A_726, %dma_start3A_809] : memref<16384x1024xf32, #tpu.memory_space<hbm>> -> memref<4x1024xf32, #tpu.memory_space<hbm>>
        tpu.enqueue_dma source(%dma_start3A_810 : memref<4x1024xf32, #tpu.memory_space<hbm>>) target(%dma_start3A_808 : memref<4x1024xf32, #tpu.memory_space<vmem>>) target_semaphore(%arg12 : memref<!tpu.dma_semaphore, #tpu.memory_space<semaphore_mem>>)
      } else {
      }
      %add3A_458 = arith.constant 1 : i32
      %add3A_459 = arith.addi %add3A_197, %add3A_458 : i32
      %mul3A_460 = arith.constant 4 : i32
      %mul3A_461 = arith.muli %add3A_459, %mul3A_460 : i32
      %add3A_462 = arith.addi %add3A_4, %mul3A_461 : i32
      %dma_wait3A_463 = arith.constant 1 : i32
      %dma_wait3A_464 = arith.constant 0 : i32
      %dma_wait3A_465 = arith.constant 0 : i32
      %dma_wait3A_466 = arith.constant 0 : i32
      %dma_wait3A_467 = tpu.memref_slice %arg9[%dma_wait3A_463, %dma_wait3A_464, %dma_wait3A_465, %dma_wait3A_466] : memref<2x6x4x1024xf32, #tpu.memory_space<vmem>> -> memref<1x1x4x1024xf32, #tpu.memory_space<vmem>>
      %dma_wait3A_468 = tpu.memref_squeeze %dma_wait3A_467 : memref<1x1x4x1024xf32, #tpu.memory_space<vmem>> -> memref<4x1024xf32, #tpu.memory_space<vmem>>
      %dma_wait3A_469 = arith.constant 0 : i32
      %dma_wait3A_470 = tpu.memref_slice %arg2[%add3A_462, %dma_wait3A_469] : memref<16384x1024xf32, #tpu.memory_space<hbm>> -> memref<4x1024xf32, #tpu.memory_space<hbm>>
      %dma_wait3A_471 = arith.constant 0 : i32
      %dma_wait3A_472 = arith.constant 0 : i32
      %dma_wait3A_473 = tpu.memref_slice %arg9[%dma_wait3A_463, %dma_wait3A_464, %dma_wait3A_471, %dma_wait3A_472] : memref<2x6x4x1024xf32, #tpu.memory_space<vmem>> -> memref<1x1x4x1024xf32, #tpu.memory_space<vmem>>
      %dma_wait3A_474 = tpu.memref_squeeze %dma_wait3A_473 : memref<1x1x4x1024xf32, #tpu.memory_space<vmem>> -> memref<4x1024xf32, #tpu.memory_space<vmem>>
      %dma_wait3A_475 = arith.constant 0 : i32
      %dma_wait3A_476 = tpu.memref_slice %arg2[%add3A_462, %dma_wait3A_475] : memref<16384x1024xf32, #tpu.memory_space<hbm>> -> memref<4x1024xf32, #tpu.memory_space<hbm>>
      tpu.wait_dma2 semaphore(%arg13 : memref<!tpu.dma_semaphore, #tpu.memory_space<semaphore_mem>>) src(%dma_wait3A_476 : memref<4x1024xf32, #tpu.memory_space<hbm>>) dst(%dma_wait3A_474 : memref<4x1024xf32, #tpu.memory_space<vmem>>)
      %dma_wait3A_477 = arith.constant 1 : i32
      %dma_wait3A_478 = arith.constant 1 : i32
      %dma_wait3A_479 = arith.constant 0 : i32
      %dma_wait3A_480 = arith.constant 0 : i32
      %dma_wait3A_481 = tpu.memref_slice %arg9[%dma_wait3A_477, %dma_wait3A_478, %dma_wait3A_479, %dma_wait3A_480] : memref<2x6x4x1024xf32, #tpu.memory_space<vmem>> -> memref<1x1x4x1024xf32, #tpu.memory_space<vmem>>
      %dma_wait3A_482 = tpu.memref_squeeze %dma_wait3A_481 : memref<1x1x4x1024xf32, #tpu.memory_space<vmem>> -> memref<4x1024xf32, #tpu.memory_space<vmem>>
      %dma_wait3A_483 = arith.constant 0 : i32
      %dma_wait3A_484 = tpu.memref_slice %arg3[%add3A_462, %dma_wait3A_483] : memref<16384x1024xf32, #tpu.memory_space<hbm>> -> memref<4x1024xf32, #tpu.memory_space<hbm>>
      %dma_wait3A_485 = arith.constant 0 : i32
      %dma_wait3A_486 = arith.constant 0 : i32
      %dma_wait3A_487 = tpu.memref_slice %arg9[%dma_wait3A_477, %dma_wait3A_478, %dma_wait3A_485, %dma_wait3A_486] : memref<2x6x4x1024xf32, #tpu.memory_space<vmem>> -> memref<1x1x4x1024xf32, #tpu.memory_space<vmem>>
      %dma_wait3A_488 = tpu.memref_squeeze %dma_wait3A_487 : memref<1x1x4x1024xf32, #tpu.memory_space<vmem>> -> memref<4x1024xf32, #tpu.memory_space<vmem>>
      %dma_wait3A_489 = arith.constant 0 : i32
      %dma_wait3A_490 = tpu.memref_slice %arg3[%add3A_462, %dma_wait3A_489] : memref<16384x1024xf32, #tpu.memory_space<hbm>> -> memref<4x1024xf32, #tpu.memory_space<hbm>>
      tpu.wait_dma2 semaphore(%arg13 : memref<!tpu.dma_semaphore, #tpu.memory_space<semaphore_mem>>) src(%dma_wait3A_490 : memref<4x1024xf32, #tpu.memory_space<hbm>>) dst(%dma_wait3A_488 : memref<4x1024xf32, #tpu.memory_space<vmem>>)
      %dma_wait3A_491 = arith.constant 1 : i32
      %dma_wait3A_492 = arith.constant 2 : i32
      %dma_wait3A_493 = arith.constant 0 : i32
      %dma_wait3A_494 = arith.constant 0 : i32
      %dma_wait3A_495 = tpu.memref_slice %arg9[%dma_wait3A_491, %dma_wait3A_492, %dma_wait3A_493, %dma_wait3A_494] : memref<2x6x4x1024xf32, #tpu.memory_space<vmem>> -> memref<1x1x4x1024xf32, #tpu.memory_space<vmem>>
      %dma_wait3A_496 = tpu.memref_squeeze %dma_wait3A_495 : memref<1x1x4x1024xf32, #tpu.memory_space<vmem>> -> memref<4x1024xf32, #tpu.memory_space<vmem>>
      %dma_wait3A_497 = arith.constant 0 : i32
      %dma_wait3A_498 = tpu.memref_slice %arg4[%add3A_462, %dma_wait3A_497] : memref<16384x1024xf32, #tpu.memory_space<hbm>> -> memref<4x1024xf32, #tpu.memory_space<hbm>>
      %dma_wait3A_499 = arith.constant 0 : i32
      %dma_wait3A_500 = arith.constant 0 : i32
      %dma_wait3A_501 = tpu.memref_slice %arg9[%dma_wait3A_491, %dma_wait3A_492, %dma_wait3A_499, %dma_wait3A_500] : memref<2x6x4x1024xf32, #tpu.memory_space<vmem>> -> memref<1x1x4x1024xf32, #tpu.memory_space<vmem>>
      %dma_wait3A_502 = tpu.memref_squeeze %dma_wait3A_501 : memref<1x1x4x1024xf32, #tpu.memory_space<vmem>> -> memref<4x1024xf32, #tpu.memory_space<vmem>>
      %dma_wait3A_503 = arith.constant 0 : i32
      %dma_wait3A_504 = tpu.memref_slice %arg4[%add3A_462, %dma_wait3A_503] : memref<16384x1024xf32, #tpu.memory_space<hbm>> -> memref<4x1024xf32, #tpu.memory_space<hbm>>
      tpu.wait_dma2 semaphore(%arg13 : memref<!tpu.dma_semaphore, #tpu.memory_space<semaphore_mem>>) src(%dma_wait3A_504 : memref<4x1024xf32, #tpu.memory_space<hbm>>) dst(%dma_wait3A_502 : memref<4x1024xf32, #tpu.memory_space<vmem>>)
      %dma_wait3A_505 = arith.constant 1 : i32
      %dma_wait3A_506 = arith.constant 3 : i32
      %dma_wait3A_507 = arith.constant 0 : i32
      %dma_wait3A_508 = arith.constant 0 : i32
      %dma_wait3A_509 = tpu.memref_slice %arg9[%dma_wait3A_505, %dma_wait3A_506, %dma_wait3A_507, %dma_wait3A_508] : memref<2x6x4x1024xf32, #tpu.memory_space<vmem>> -> memref<1x1x4x1024xf32, #tpu.memory_space<vmem>>
      %dma_wait3A_510 = tpu.memref_squeeze %dma_wait3A_509 : memref<1x1x4x1024xf32, #tpu.memory_space<vmem>> -> memref<4x1024xf32, #tpu.memory_space<vmem>>
      %dma_wait3A_511 = arith.constant 0 : i32
      %dma_wait3A_512 = tpu.memref_slice %arg5[%add3A_462, %dma_wait3A_511] : memref<16384x1024xf32, #tpu.memory_space<hbm>> -> memref<4x1024xf32, #tpu.memory_space<hbm>>
      %dma_wait3A_513 = arith.constant 0 : i32
      %dma_wait3A_514 = arith.constant 0 : i32
      %dma_wait3A_515 = tpu.memref_slice %arg9[%dma_wait3A_505, %dma_wait3A_506, %dma_wait3A_513, %dma_wait3A_514] : memref<2x6x4x1024xf32, #tpu.memory_space<vmem>> -> memref<1x1x4x1024xf32, #tpu.memory_space<vmem>>
      %dma_wait3A_516 = tpu.memref_squeeze %dma_wait3A_515 : memref<1x1x4x1024xf32, #tpu.memory_space<vmem>> -> memref<4x1024xf32, #tpu.memory_space<vmem>>
      %dma_wait3A_517 = arith.constant 0 : i32
      %dma_wait3A_518 = tpu.memref_slice %arg5[%add3A_462, %dma_wait3A_517] : memref<16384x1024xf32, #tpu.memory_space<hbm>> -> memref<4x1024xf32, #tpu.memory_space<hbm>>
      tpu.wait_dma2 semaphore(%arg13 : memref<!tpu.dma_semaphore, #tpu.memory_space<semaphore_mem>>) src(%dma_wait3A_518 : memref<4x1024xf32, #tpu.memory_space<hbm>>) dst(%dma_wait3A_516 : memref<4x1024xf32, #tpu.memory_space<vmem>>)
      %dma_wait3A_519 = arith.constant 1 : i32
      %dma_wait3A_520 = arith.constant 4 : i32
      %dma_wait3A_521 = arith.constant 0 : i32
      %dma_wait3A_522 = arith.constant 0 : i32
      %dma_wait3A_523 = tpu.memref_slice %arg9[%dma_wait3A_519, %dma_wait3A_520, %dma_wait3A_521, %dma_wait3A_522] : memref<2x6x4x1024xf32, #tpu.memory_space<vmem>> -> memref<1x1x4x1024xf32, #tpu.memory_space<vmem>>
      %dma_wait3A_524 = tpu.memref_squeeze %dma_wait3A_523 : memref<1x1x4x1024xf32, #tpu.memory_space<vmem>> -> memref<4x1024xf32, #tpu.memory_space<vmem>>
      %dma_wait3A_525 = arith.constant 0 : i32
      %dma_wait3A_526 = tpu.memref_slice %arg6[%add3A_462, %dma_wait3A_525] : memref<16384x1024xf32, #tpu.memory_space<hbm>> -> memref<4x1024xf32, #tpu.memory_space<hbm>>
      %dma_wait3A_527 = arith.constant 0 : i32
      %dma_wait3A_528 = arith.constant 0 : i32
      %dma_wait3A_529 = tpu.memref_slice %arg9[%dma_wait3A_519, %dma_wait3A_520, %dma_wait3A_527, %dma_wait3A_528] : memref<2x6x4x1024xf32, #tpu.memory_space<vmem>> -> memref<1x1x4x1024xf32, #tpu.memory_space<vmem>>
      %dma_wait3A_530 = tpu.memref_squeeze %dma_wait3A_529 : memref<1x1x4x1024xf32, #tpu.memory_space<vmem>> -> memref<4x1024xf32, #tpu.memory_space<vmem>>
      %dma_wait3A_531 = arith.constant 0 : i32
      %dma_wait3A_532 = tpu.memref_slice %arg6[%add3A_462, %dma_wait3A_531] : memref<16384x1024xf32, #tpu.memory_space<hbm>> -> memref<4x1024xf32, #tpu.memory_space<hbm>>
      tpu.wait_dma2 semaphore(%arg13 : memref<!tpu.dma_semaphore, #tpu.memory_space<semaphore_mem>>) src(%dma_wait3A_532 : memref<4x1024xf32, #tpu.memory_space<hbm>>) dst(%dma_wait3A_530 : memref<4x1024xf32, #tpu.memory_space<vmem>>)
      %dma_wait3A_533 = arith.constant 1 : i32
      %dma_wait3A_534 = arith.constant 5 : i32
      %dma_wait3A_535 = arith.constant 0 : i32
      %dma_wait3A_536 = arith.constant 0 : i32
      %dma_wait3A_537 = tpu.memref_slice %arg9[%dma_wait3A_533, %dma_wait3A_534, %dma_wait3A_535, %dma_wait3A_536] : memref<2x6x4x1024xf32, #tpu.memory_space<vmem>> -> memref<1x1x4x1024xf32, #tpu.memory_space<vmem>>
      %dma_wait3A_538 = tpu.memref_squeeze %dma_wait3A_537 : memref<1x1x4x1024xf32, #tpu.memory_space<vmem>> -> memref<4x1024xf32, #tpu.memory_space<vmem>>
      %dma_wait3A_539 = arith.constant 0 : i32
      %dma_wait3A_540 = tpu.memref_slice %arg7[%add3A_462, %dma_wait3A_539] : memref<16384x1024xf32, #tpu.memory_space<hbm>> -> memref<4x1024xf32, #tpu.memory_space<hbm>>
      %dma_wait3A_541 = arith.constant 0 : i32
      %dma_wait3A_542 = arith.constant 0 : i32
      %dma_wait3A_543 = tpu.memref_slice %arg9[%dma_wait3A_533, %dma_wait3A_534, %dma_wait3A_541, %dma_wait3A_542] : memref<2x6x4x1024xf32, #tpu.memory_space<vmem>> -> memref<1x1x4x1024xf32, #tpu.memory_space<vmem>>
      %dma_wait3A_544 = tpu.memref_squeeze %dma_wait3A_543 : memref<1x1x4x1024xf32, #tpu.memory_space<vmem>> -> memref<4x1024xf32, #tpu.memory_space<vmem>>
      %dma_wait3A_545 = arith.constant 0 : i32
      %dma_wait3A_546 = tpu.memref_slice %arg7[%add3A_462, %dma_wait3A_545] : memref<16384x1024xf32, #tpu.memory_space<hbm>> -> memref<4x1024xf32, #tpu.memory_space<hbm>>
      tpu.wait_dma2 semaphore(%arg13 : memref<!tpu.dma_semaphore, #tpu.memory_space<semaphore_mem>>) src(%dma_wait3A_546 : memref<4x1024xf32, #tpu.memory_space<hbm>>) dst(%dma_wait3A_544 : memref<4x1024xf32, #tpu.memory_space<vmem>>)
      %broadcast_in_dim3A_547 = arith.constant 0.000000e+00 : f32
      %broadcast_in_dim3A_548 = vector.broadcast %broadcast_in_dim3A_547 : f32 to vector<16xf32>
      %scan3A_549 = arith.constant 0 : i32
      %scan3A_550 = arith.constant 32 : i32
      %scan3A_551 = arith.addi %scan3A_549, %scan3A_550 : i32
      %scan3A_552 = arith.constant 1 : i32
      %scan3A_553:10 = scf.for %scan3A_722 = %scan3A_549 to %scan3A_551 step %scan3A_552 iter_args(%scan3A_723 = %broadcast_in_dim3A_548, %scan3A_724 = %broadcast_in_dim3A_548, %scan3A_725 = %broadcast_in_dim3A_548, %scan3A_726 = %broadcast_in_dim3A_548, %scan3A_727 = %broadcast_in_dim3A_548, %scan3A_728 = %broadcast_in_dim3A_548, %scan3A_729 = %broadcast_in_dim3A_548, %scan3A_730 = %broadcast_in_dim3A_548, %scan3A_731 = %broadcast_in_dim3A_548, %scan3A_732 = %broadcast_in_dim3A_548) -> (vector<16xf32>, vector<16xf32>, vector<16xf32>, vector<16xf32>, vector<16xf32>, vector<16xf32>, vector<16xf32>, vector<16xf32>, vector<16xf32>, vector<16xf32>)  : i32 {
        %mul3A_733 = arith.constant 2 : i32
        %mul3A_734 = arith.muli %scan3A_722, %mul3A_733 : i32
        %add3A_735 = arith.constant 0 : i32
        %add3A_736 = arith.addi %mul3A_734, %add3A_735 : i32
        %mul3A_737 = arith.constant 16 : i32
        %mul3A_738 = arith.muli %add3A_736, %mul3A_737 : i32
        %get3A = arith.constant 1 : i32
        %get3A_739 = arith.constant 0 : i32
        %get3A_740 = arith.constant 0 : i32
        %get3A_741 = arith.index_cast %get3A : i32 to index
        %get3A_742 = arith.index_cast %get3A_739 : i32 to index
        %get3A_743 = arith.index_cast %get3A_740 : i32 to index
        %get3A_744 = arith.index_cast %mul3A_738 : i32 to index
        %get3A_745 = tpu.vector_load %arg9[%get3A_741, %get3A_742, %get3A_743, %get3A_744] {strides = array<i32>} : memref<2x6x4x1024xf32, #tpu.memory_space<vmem>>, vector<1x1x1x16xf32>,
        %get3A_746 = vector.shape_cast %get3A_745 : vector<1x1x1x16xf32> to vector<16xf32>
        %get3A_747 = arith.constant 1 : i32
        %get3A_748 = arith.constant 1 : i32
        %get3A_749 = arith.constant 0 : i32
        %get3A_750 = arith.index_cast %get3A_747 : i32 to index
        %get3A_751 = arith.index_cast %get3A_748 : i32 to index
        %get3A_752 = arith.index_cast %get3A_749 : i32 to index
        %get3A_753 = arith.index_cast %mul3A_738 : i32 to index
        %get3A_754 = tpu.vector_load %arg9[%get3A_750, %get3A_751, %get3A_752, %get3A_753] {strides = array<i32>} : memref<2x6x4x1024xf32, #tpu.memory_space<vmem>>, vector<1x1x1x16xf32>,
        %get3A_755 = vector.shape_cast %get3A_754 : vector<1x1x1x16xf32> to vector<16xf32>
        %get3A_756 = arith.constant 1 : i32
        %get3A_757 = arith.constant 2 : i32
        %get3A_758 = arith.constant 0 : i32
        %get3A_759 = arith.index_cast %get3A_756 : i32 to index
        %get3A_760 = arith.index_cast %get3A_757 : i32 to index
        %get3A_761 = arith.index_cast %get3A_758 : i32 to index
        %get3A_762 = arith.index_cast %mul3A_738 : i32 to index
        %get3A_763 = tpu.vector_load %arg9[%get3A_759, %get3A_760, %get3A_761, %get3A_762] {strides = array<i32>} : memref<2x6x4x1024xf32, #tpu.memory_space<vmem>>, vector<1x1x1x16xf32>,
        %get3A_764 = vector.shape_cast %get3A_763 : vector<1x1x1x16xf32> to vector<16xf32>
        %get3A_765 = arith.constant 1 : i32
        %get3A_766 = arith.constant 3 : i32
        %get3A_767 = arith.constant 0 : i32
        %get3A_768 = arith.index_cast %get3A_765 : i32 to index
        %get3A_769 = arith.index_cast %get3A_766 : i32 to index
        %get3A_770 = arith.index_cast %get3A_767 : i32 to index
        %get3A_771 = arith.index_cast %mul3A_738 : i32 to index
        %get3A_772 = tpu.vector_load %arg9[%get3A_768, %get3A_769, %get3A_770, %get3A_771] {strides = array<i32>} : memref<2x6x4x1024xf32, #tpu.memory_space<vmem>>, vector<1x1x1x16xf32>,
        %get3A_773 = vector.shape_cast %get3A_772 : vector<1x1x1x16xf32> to vector<16xf32>
        %get3A_774 = arith.constant 1 : i32
        %get3A_775 = arith.constant 4 : i32
        %get3A_776 = arith.constant 0 : i32
        %get3A_777 = arith.index_cast %get3A_774 : i32 to index
        %get3A_778 = arith.index_cast %get3A_775 : i32 to index
        %get3A_779 = arith.index_cast %get3A_776 : i32 to index
        %get3A_780 = arith.index_cast %mul3A_738 : i32 to index
        %get3A_781 = tpu.vector_load %arg9[%get3A_777, %get3A_778, %get3A_779, %get3A_780] {strides = array<i32>} : memref<2x6x4x1024xf32, #tpu.memory_space<vmem>>, vector<1x1x1x16xf32>,
        %get3A_782 = vector.shape_cast %get3A_781 : vector<1x1x1x16xf32> to vector<16xf32>
        %get3A_783 = arith.constant 1 : i32
        %get3A_784 = arith.constant 5 : i32
        %get3A_785 = arith.constant 0 : i32
        %get3A_786 = arith.index_cast %get3A_783 : i32 to index
        %get3A_787 = arith.index_cast %get3A_784 : i32 to index
        %get3A_788 = arith.index_cast %get3A_785 : i32 to index
        %get3A_789 = arith.index_cast %mul3A_738 : i32 to index
        %get3A_790 = tpu.vector_load %arg9[%get3A_786, %get3A_787, %get3A_788, %get3A_789] {strides = array<i32>} : memref<2x6x4x1024xf32, #tpu.memory_space<vmem>>, vector<1x1x1x16xf32>,
        %get3A_791 = vector.shape_cast %get3A_790 : vector<1x1x1x16xf32> to vector<16xf32>
        %mul3A_792 = arith.mulf %get3A_746, %get3A_764 : vector<16xf32>
        %mul3A_793 = arith.mulf %get3A_755, %get3A_773 : vector<16xf32>
        %mul3A_794 = arith.mulf %get3A_746, %get3A_782 : vector<16xf32>
        %mul3A_795 = arith.mulf %get3A_755, %get3A_791 : vector<16xf32>
        %mul3A_796 = arith.mulf %get3A_746, %get3A_746 : vector<16xf32>
        %mul3A_797 = arith.mulf %get3A_755, %get3A_755 : vector<16xf32>
        %mul3A_798 = arith.mulf %get3A_764, %get3A_764 : vector<16xf32>
        %mul3A_799 = arith.mulf %get3A_773, %get3A_773 : vector<16xf32>
        %mul3A_800 = arith.mulf %get3A_782, %get3A_782 : vector<16xf32>
        %mul3A_801 = arith.mulf %get3A_791, %get3A_791 : vector<16xf32>
        %add3A_802 = arith.addf %scan3A_723, %mul3A_792 : vector<16xf32>
        %add3A_803 = arith.addf %scan3A_724, %mul3A_793 : vector<16xf32>
        %add3A_804 = arith.addf %scan3A_725, %mul3A_794 : vector<16xf32>
        %add3A_805 = arith.addf %scan3A_726, %mul3A_795 : vector<16xf32>
        %add3A_806 = arith.addf %scan3A_727, %mul3A_796 : vector<16xf32>
        %add3A_807 = arith.addf %scan3A_728, %mul3A_797 : vector<16xf32>
        %add3A_808 = arith.addf %scan3A_729, %mul3A_798 : vector<16xf32>
        %add3A_809 = arith.addf %scan3A_730, %mul3A_799 : vector<16xf32>
        %add3A_810 = arith.addf %scan3A_731, %mul3A_800 : vector<16xf32>
        %add3A_811 = arith.addf %scan3A_732, %mul3A_801 : vector<16xf32>
        %mul3A_812 = arith.constant 2 : i32
        %mul3A_813 = arith.muli %scan3A_722, %mul3A_812 : i32
        %add3A_814 = arith.constant 1 : i32
        %add3A_815 = arith.addi %mul3A_813, %add3A_814 : i32
        %mul3A_816 = arith.constant 16 : i32
        %mul3A_817 = arith.muli %add3A_815, %mul3A_816 : i32
        %get3A_818 = arith.constant 1 : i32
        %get3A_819 = arith.constant 0 : i32
        %get3A_820 = arith.constant 0 : i32
        %get3A_821 = arith.index_cast %get3A_818 : i32 to index
        %get3A_822 = arith.index_cast %get3A_819 : i32 to index
        %get3A_823 = arith.index_cast %get3A_820 : i32 to index
        %get3A_824 = arith.index_cast %mul3A_817 : i32 to index
        %get3A_825 = tpu.vector_load %arg9[%get3A_821, %get3A_822, %get3A_823, %get3A_824] {strides = array<i32>} : memref<2x6x4x1024xf32, #tpu.memory_space<vmem>>, vector<1x1x1x16xf32>,
        %get3A_826 = vector.shape_cast %get3A_825 : vector<1x1x1x16xf32> to vector<16xf32>
        %get3A_827 = arith.constant 1 : i32
        %get3A_828 = arith.constant 1 : i32
        %get3A_829 = arith.constant 0 : i32
        %get3A_830 = arith.index_cast %get3A_827 : i32 to index
        %get3A_831 = arith.index_cast %get3A_828 : i32 to index
        %get3A_832 = arith.index_cast %get3A_829 : i32 to index
        %get3A_833 = arith.index_cast %mul3A_817 : i32 to index
        %get3A_834 = tpu.vector_load %arg9[%get3A_830, %get3A_831, %get3A_832, %get3A_833] {strides = array<i32>} : memref<2x6x4x1024xf32, #tpu.memory_space<vmem>>, vector<1x1x1x16xf32>,
        %get3A_835 = vector.shape_cast %get3A_834 : vector<1x1x1x16xf32> to vector<16xf32>
        %get3A_836 = arith.constant 1 : i32
        %get3A_837 = arith.constant 2 : i32
        %get3A_838 = arith.constant 0 : i32
        %get3A_839 = arith.index_cast %get3A_836 : i32 to index
        %get3A_840 = arith.index_cast %get3A_837 : i32 to index
        %get3A_841 = arith.index_cast %get3A_838 : i32 to index
        %get3A_842 = arith.index_cast %mul3A_817 : i32 to index
        %get3A_843 = tpu.vector_load %arg9[%get3A_839, %get3A_840, %get3A_841, %get3A_842] {strides = array<i32>} : memref<2x6x4x1024xf32, #tpu.memory_space<vmem>>, vector<1x1x1x16xf32>,
        %get3A_844 = vector.shape_cast %get3A_843 : vector<1x1x1x16xf32> to vector<16xf32>
        %get3A_845 = arith.constant 1 : i32
        %get3A_846 = arith.constant 3 : i32
        %get3A_847 = arith.constant 0 : i32
        %get3A_848 = arith.index_cast %get3A_845 : i32 to index
        %get3A_849 = arith.index_cast %get3A_846 : i32 to index
        %get3A_850 = arith.index_cast %get3A_847 : i32 to index
        %get3A_851 = arith.index_cast %mul3A_817 : i32 to index
        %get3A_852 = tpu.vector_load %arg9[%get3A_848, %get3A_849, %get3A_850, %get3A_851] {strides = array<i32>} : memref<2x6x4x1024xf32, #tpu.memory_space<vmem>>, vector<1x1x1x16xf32>,
        %get3A_853 = vector.shape_cast %get3A_852 : vector<1x1x1x16xf32> to vector<16xf32>
        %get3A_854 = arith.constant 1 : i32
        %get3A_855 = arith.constant 4 : i32
        %get3A_856 = arith.constant 0 : i32
        %get3A_857 = arith.index_cast %get3A_854 : i32 to index
        %get3A_858 = arith.index_cast %get3A_855 : i32 to index
        %get3A_859 = arith.index_cast %get3A_856 : i32 to index
        %get3A_860 = arith.index_cast %mul3A_817 : i32 to index
        %get3A_861 = tpu.vector_load %arg9[%get3A_857, %get3A_858, %get3A_859, %get3A_860] {strides = array<i32>} : memref<2x6x4x1024xf32, #tpu.memory_space<vmem>>, vector<1x1x1x16xf32>,
        %get3A_862 = vector.shape_cast %get3A_861 : vector<1x1x1x16xf32> to vector<16xf32>
        %get3A_863 = arith.constant 1 : i32
        %get3A_864 = arith.constant 5 : i32
        %get3A_865 = arith.constant 0 : i32
        %get3A_866 = arith.index_cast %get3A_863 : i32 to index
        %get3A_867 = arith.index_cast %get3A_864 : i32 to index
        %get3A_868 = arith.index_cast %get3A_865 : i32 to index
        %get3A_869 = arith.index_cast %mul3A_817 : i32 to index
        %get3A_870 = tpu.vector_load %arg9[%get3A_866, %get3A_867, %get3A_868, %get3A_869] {strides = array<i32>} : memref<2x6x4x1024xf32, #tpu.memory_space<vmem>>, vector<1x1x1x16xf32>,
        %get3A_871 = vector.shape_cast %get3A_870 : vector<1x1x1x16xf32> to vector<16xf32>
        %mul3A_872 = arith.mulf %get3A_826, %get3A_844 : vector<16xf32>
        %mul3A_873 = arith.mulf %get3A_835, %get3A_853 : vector<16xf32>
        %mul3A_874 = arith.mulf %get3A_826, %get3A_862 : vector<16xf32>
        %mul3A_875 = arith.mulf %get3A_835, %get3A_871 : vector<16xf32>
        %mul3A_876 = arith.mulf %get3A_826, %get3A_826 : vector<16xf32>
        %mul3A_877 = arith.mulf %get3A_835, %get3A_835 : vector<16xf32>
        %mul3A_878 = arith.mulf %get3A_844, %get3A_844 : vector<16xf32>
        %mul3A_879 = arith.mulf %get3A_853, %get3A_853 : vector<16xf32>
        %mul3A_880 = arith.mulf %get3A_862, %get3A_862 : vector<16xf32>
        %mul3A_881 = arith.mulf %get3A_871, %get3A_871 : vector<16xf32>
        %add3A_882 = arith.addf %add3A_802, %mul3A_872 : vector<16xf32>
        %add3A_883 = arith.addf %add3A_803, %mul3A_873 : vector<16xf32>
        %add3A_884 = arith.addf %add3A_804, %mul3A_874 : vector<16xf32>
        %add3A_885 = arith.addf %add3A_805, %mul3A_875 : vector<16xf32>
        %add3A_886 = arith.addf %add3A_806, %mul3A_876 : vector<16xf32>
        %add3A_887 = arith.addf %add3A_807, %mul3A_877 : vector<16xf32>
        %add3A_888 = arith.addf %add3A_808, %mul3A_878 : vector<16xf32>
        %add3A_889 = arith.addf %add3A_809, %mul3A_879 : vector<16xf32>
        %add3A_890 = arith.addf %add3A_810, %mul3A_880 : vector<16xf32>
        %add3A_891 = arith.addf %add3A_811, %mul3A_881 : vector<16xf32>
        scf.yield %add3A_882, %add3A_883, %add3A_884, %add3A_885, %add3A_886, %add3A_887, %add3A_888, %add3A_889, %add3A_890, %add3A_891 : vector<16xf32>, vector<16xf32>, vector<16xf32>, vector<16xf32>, vector<16xf32>, vector<16xf32>, vector<16xf32>, vector<16xf32>, vector<16xf32>, vector<16xf32>
      }
      %scan3A_554 = arith.constant 32 : i32
      %mul3A_555 = arith.constant 4 : i32
      %mul3A_556 = arith.muli %add3A_459, %mul3A_555 : i32
      %add3A_557 = arith.constant 0 : i32
      %add3A_558 = arith.addi %mul3A_556, %add3A_557 : i32
      %add3A_559 = arith.addf %scan3A_553#0, %scan3A_553#1 : vector<16xf32>
      %swap3A_560 = arith.index_cast %add3A_558 : i32 to index
      %swap3A_561 = arith.constant 0 : index
      %swap3A_562 = tpu.vector_load %arg10[%swap3A_560, %swap3A_561] {strides = array<i32>} : memref<32x80xf32, #tpu.memory_space<vmem>>, vector<1x16xf32>,
      %swap3A_563 = vector.shape_cast %swap3A_562 : vector<1x16xf32> to vector<16xf32>
      %swap3A_564 = vector.shape_cast %add3A_559 : vector<16xf32> to vector<1x16xf32>
      tpu.vector_store %arg10[%swap3A_560, %swap3A_561], %swap3A_564 {strides = array<i32>} : memref<32x80xf32, #tpu.memory_space<vmem>>, vector<1x16xf32>,
      %add3A_565 = arith.addf %scan3A_553#2, %scan3A_553#3 : vector<16xf32>
      %swap3A_566 = arith.index_cast %add3A_558 : i32 to index
      %swap3A_567 = arith.constant 16 : index
      %swap3A_568 = tpu.vector_load %arg10[%swap3A_566, %swap3A_567] {strides = array<i32>} : memref<32x80xf32, #tpu.memory_space<vmem>>, vector<1x16xf32>,
      %swap3A_569 = vector.shape_cast %swap3A_568 : vector<1x16xf32> to vector<16xf32>
      %swap3A_570 = vector.shape_cast %add3A_565 : vector<16xf32> to vector<1x16xf32>
      tpu.vector_store %arg10[%swap3A_566, %swap3A_567], %swap3A_570 {strides = array<i32>} : memref<32x80xf32, #tpu.memory_space<vmem>>, vector<1x16xf32>,
      %add3A_571 = arith.addf %scan3A_553#4, %scan3A_553#5 : vector<16xf32>
      %swap3A_572 = arith.index_cast %add3A_558 : i32 to index
      %swap3A_573 = arith.constant 32 : index
      %swap3A_574 = tpu.vector_load %arg10[%swap3A_572, %swap3A_573] {strides = array<i32>} : memref<32x80xf32, #tpu.memory_space<vmem>>, vector<1x16xf32>,
      %swap3A_575 = vector.shape_cast %swap3A_574 : vector<1x16xf32> to vector<16xf32>
      %swap3A_576 = vector.shape_cast %add3A_571 : vector<16xf32> to vector<1x16xf32>
      tpu.vector_store %arg10[%swap3A_572, %swap3A_573], %swap3A_576 {strides = array<i32>} : memref<32x80xf32, #tpu.memory_space<vmem>>, vector<1x16xf32>,
      %add3A_577 = arith.addf %scan3A_553#6, %scan3A_553#7 : vector<16xf32>
      %swap3A_578 = arith.index_cast %add3A_558 : i32 to index
      %swap3A_579 = arith.constant 48 : index
      %swap3A_580 = tpu.vector_load %arg10[%swap3A_578, %swap3A_579] {strides = array<i32>} : memref<32x80xf32, #tpu.memory_space<vmem>>, vector<1x16xf32>,
      %swap3A_581 = vector.shape_cast %swap3A_580 : vector<1x16xf32> to vector<16xf32>
      %swap3A_582 = vector.shape_cast %add3A_577 : vector<16xf32> to vector<1x16xf32>
      tpu.vector_store %arg10[%swap3A_578, %swap3A_579], %swap3A_582 {strides = array<i32>} : memref<32x80xf32, #tpu.memory_space<vmem>>, vector<1x16xf32>,
      %add3A_583 = arith.addf %scan3A_553#8, %scan3A_553#9 : vector<16xf32>
      %swap3A_584 = arith.index_cast %add3A_558 : i32 to index
      %swap3A_585 = arith.constant 64 : index
      %swap3A_586 = tpu.vector_load %arg10[%swap3A_584, %swap3A_585] {strides = array<i32>} : memref<32x80xf32, #tpu.memory_space<vmem>>, vector<1x16xf32>,
      %swap3A_587 = vector.shape_cast %swap3A_586 : vector<1x16xf32> to vector<16xf32>
      %swap3A_588 = vector.shape_cast %add3A_583 : vector<16xf32> to vector<1x16xf32>
      tpu.vector_store %arg10[%swap3A_584, %swap3A_585], %swap3A_588 {strides = array<i32>} : memref<32x80xf32, #tpu.memory_space<vmem>>, vector<1x16xf32>,
      %broadcast_in_dim3A_589 = arith.constant 0.000000e+00 : f32
      %broadcast_in_dim3A_590 = vector.broadcast %broadcast_in_dim3A_589 : f32 to vector<16xf32>
      %scan3A_591 = arith.constant 0 : i32
      %scan3A_592 = arith.constant 32 : i32
      %scan3A_593 = arith.addi %scan3A_591, %scan3A_592 : i32
      %scan3A_594 = arith.constant 1 : i32
      %scan3A_595:10 = scf.for %scan3A_722 = %scan3A_591 to %scan3A_593 step %scan3A_594 iter_args(%scan3A_723 = %broadcast_in_dim3A_590, %scan3A_724 = %broadcast_in_dim3A_590, %scan3A_725 = %broadcast_in_dim3A_590, %scan3A_726 = %broadcast_in_dim3A_590, %scan3A_727 = %broadcast_in_dim3A_590, %scan3A_728 = %broadcast_in_dim3A_590, %scan3A_729 = %broadcast_in_dim3A_590, %scan3A_730 = %broadcast_in_dim3A_590, %scan3A_731 = %broadcast_in_dim3A_590, %scan3A_732 = %broadcast_in_dim3A_590) -> (vector<16xf32>, vector<16xf32>, vector<16xf32>, vector<16xf32>, vector<16xf32>, vector<16xf32>, vector<16xf32>, vector<16xf32>, vector<16xf32>, vector<16xf32>)  : i32 {
        %mul3A_733 = arith.constant 2 : i32
        %mul3A_734 = arith.muli %scan3A_722, %mul3A_733 : i32
        %add3A_735 = arith.constant 0 : i32
        %add3A_736 = arith.addi %mul3A_734, %add3A_735 : i32
        %mul3A_737 = arith.constant 16 : i32
        %mul3A_738 = arith.muli %add3A_736, %mul3A_737 : i32
        %get3A = arith.constant 1 : i32
        %get3A_739 = arith.constant 0 : i32
        %get3A_740 = arith.constant 1 : i32
        %get3A_741 = arith.index_cast %get3A : i32 to index
        %get3A_742 = arith.index_cast %get3A_739 : i32 to index
        %get3A_743 = arith.index_cast %get3A_740 : i32 to index
        %get3A_744 = arith.index_cast %mul3A_738 : i32 to index
        %get3A_745 = tpu.vector_load %arg9[%get3A_741, %get3A_742, %get3A_743, %get3A_744] {strides = array<i32>} : memref<2x6x4x1024xf32, #tpu.memory_space<vmem>>, vector<1x1x1x16xf32>,
        %get3A_746 = vector.shape_cast %get3A_745 : vector<1x1x1x16xf32> to vector<16xf32>
        %get3A_747 = arith.constant 1 : i32
        %get3A_748 = arith.constant 1 : i32
        %get3A_749 = arith.constant 1 : i32
        %get3A_750 = arith.index_cast %get3A_747 : i32 to index
        %get3A_751 = arith.index_cast %get3A_748 : i32 to index
        %get3A_752 = arith.index_cast %get3A_749 : i32 to index
        %get3A_753 = arith.index_cast %mul3A_738 : i32 to index
        %get3A_754 = tpu.vector_load %arg9[%get3A_750, %get3A_751, %get3A_752, %get3A_753] {strides = array<i32>} : memref<2x6x4x1024xf32, #tpu.memory_space<vmem>>, vector<1x1x1x16xf32>,
        %get3A_755 = vector.shape_cast %get3A_754 : vector<1x1x1x16xf32> to vector<16xf32>
        %get3A_756 = arith.constant 1 : i32
        %get3A_757 = arith.constant 2 : i32
        %get3A_758 = arith.constant 1 : i32
        %get3A_759 = arith.index_cast %get3A_756 : i32 to index
        %get3A_760 = arith.index_cast %get3A_757 : i32 to index
        %get3A_761 = arith.index_cast %get3A_758 : i32 to index
        %get3A_762 = arith.index_cast %mul3A_738 : i32 to index
        %get3A_763 = tpu.vector_load %arg9[%get3A_759, %get3A_760, %get3A_761, %get3A_762] {strides = array<i32>} : memref<2x6x4x1024xf32, #tpu.memory_space<vmem>>, vector<1x1x1x16xf32>,
        %get3A_764 = vector.shape_cast %get3A_763 : vector<1x1x1x16xf32> to vector<16xf32>
        %get3A_765 = arith.constant 1 : i32
        %get3A_766 = arith.constant 3 : i32
        %get3A_767 = arith.constant 1 : i32
        %get3A_768 = arith.index_cast %get3A_765 : i32 to index
        %get3A_769 = arith.index_cast %get3A_766 : i32 to index
        %get3A_770 = arith.index_cast %get3A_767 : i32 to index
        %get3A_771 = arith.index_cast %mul3A_738 : i32 to index
        %get3A_772 = tpu.vector_load %arg9[%get3A_768, %get3A_769, %get3A_770, %get3A_771] {strides = array<i32>} : memref<2x6x4x1024xf32, #tpu.memory_space<vmem>>, vector<1x1x1x16xf32>,
        %get3A_773 = vector.shape_cast %get3A_772 : vector<1x1x1x16xf32> to vector<16xf32>
        %get3A_774 = arith.constant 1 : i32
        %get3A_775 = arith.constant 4 : i32
        %get3A_776 = arith.constant 1 : i32
        %get3A_777 = arith.index_cast %get3A_774 : i32 to index
        %get3A_778 = arith.index_cast %get3A_775 : i32 to index
        %get3A_779 = arith.index_cast %get3A_776 : i32 to index
        %get3A_780 = arith.index_cast %mul3A_738 : i32 to index
        %get3A_781 = tpu.vector_load %arg9[%get3A_777, %get3A_778, %get3A_779, %get3A_780] {strides = array<i32>} : memref<2x6x4x1024xf32, #tpu.memory_space<vmem>>, vector<1x1x1x16xf32>,
        %get3A_782 = vector.shape_cast %get3A_781 : vector<1x1x1x16xf32> to vector<16xf32>
        %get3A_783 = arith.constant 1 : i32
        %get3A_784 = arith.constant 5 : i32
        %get3A_785 = arith.constant 1 : i32
        %get3A_786 = arith.index_cast %get3A_783 : i32 to index
        %get3A_787 = arith.index_cast %get3A_784 : i32 to index
        %get3A_788 = arith.index_cast %get3A_785 : i32 to index
        %get3A_789 = arith.index_cast %mul3A_738 : i32 to index
        %get3A_790 = tpu.vector_load %arg9[%get3A_786, %get3A_787, %get3A_788, %get3A_789] {strides = array<i32>} : memref<2x6x4x1024xf32, #tpu.memory_space<vmem>>, vector<1x1x1x16xf32>,
        %get3A_791 = vector.shape_cast %get3A_790 : vector<1x1x1x16xf32> to vector<16xf32>
        %mul3A_792 = arith.mulf %get3A_746, %get3A_764 : vector<16xf32>
        %mul3A_793 = arith.mulf %get3A_755, %get3A_773 : vector<16xf32>
        %mul3A_794 = arith.mulf %get3A_746, %get3A_782 : vector<16xf32>
        %mul3A_795 = arith.mulf %get3A_755, %get3A_791 : vector<16xf32>
        %mul3A_796 = arith.mulf %get3A_746, %get3A_746 : vector<16xf32>
        %mul3A_797 = arith.mulf %get3A_755, %get3A_755 : vector<16xf32>
        %mul3A_798 = arith.mulf %get3A_764, %get3A_764 : vector<16xf32>
        %mul3A_799 = arith.mulf %get3A_773, %get3A_773 : vector<16xf32>
        %mul3A_800 = arith.mulf %get3A_782, %get3A_782 : vector<16xf32>
        %mul3A_801 = arith.mulf %get3A_791, %get3A_791 : vector<16xf32>
        %add3A_802 = arith.addf %scan3A_723, %mul3A_792 : vector<16xf32>
        %add3A_803 = arith.addf %scan3A_724, %mul3A_793 : vector<16xf32>
        %add3A_804 = arith.addf %scan3A_725, %mul3A_794 : vector<16xf32>
        %add3A_805 = arith.addf %scan3A_726, %mul3A_795 : vector<16xf32>
        %add3A_806 = arith.addf %scan3A_727, %mul3A_796 : vector<16xf32>
        %add3A_807 = arith.addf %scan3A_728, %mul3A_797 : vector<16xf32>
        %add3A_808 = arith.addf %scan3A_729, %mul3A_798 : vector<16xf32>
        %add3A_809 = arith.addf %scan3A_730, %mul3A_799 : vector<16xf32>
        %add3A_810 = arith.addf %scan3A_731, %mul3A_800 : vector<16xf32>
        %add3A_811 = arith.addf %scan3A_732, %mul3A_801 : vector<16xf32>
        %mul3A_812 = arith.constant 2 : i32
        %mul3A_813 = arith.muli %scan3A_722, %mul3A_812 : i32
        %add3A_814 = arith.constant 1 : i32
        %add3A_815 = arith.addi %mul3A_813, %add3A_814 : i32
        %mul3A_816 = arith.constant 16 : i32
        %mul3A_817 = arith.muli %add3A_815, %mul3A_816 : i32
        %get3A_818 = arith.constant 1 : i32
        %get3A_819 = arith.constant 0 : i32
        %get3A_820 = arith.constant 1 : i32
        %get3A_821 = arith.index_cast %get3A_818 : i32 to index
        %get3A_822 = arith.index_cast %get3A_819 : i32 to index
        %get3A_823 = arith.index_cast %get3A_820 : i32 to index
        %get3A_824 = arith.index_cast %mul3A_817 : i32 to index
        %get3A_825 = tpu.vector_load %arg9[%get3A_821, %get3A_822, %get3A_823, %get3A_824] {strides = array<i32>} : memref<2x6x4x1024xf32, #tpu.memory_space<vmem>>, vector<1x1x1x16xf32>,
        %get3A_826 = vector.shape_cast %get3A_825 : vector<1x1x1x16xf32> to vector<16xf32>
        %get3A_827 = arith.constant 1 : i32
        %get3A_828 = arith.constant 1 : i32
        %get3A_829 = arith.constant 1 : i32
        %get3A_830 = arith.index_cast %get3A_827 : i32 to index
        %get3A_831 = arith.index_cast %get3A_828 : i32 to index
        %get3A_832 = arith.index_cast %get3A_829 : i32 to index
        %get3A_833 = arith.index_cast %mul3A_817 : i32 to index
        %get3A_834 = tpu.vector_load %arg9[%get3A_830, %get3A_831, %get3A_832, %get3A_833] {strides = array<i32>} : memref<2x6x4x1024xf32, #tpu.memory_space<vmem>>, vector<1x1x1x16xf32>,
        %get3A_835 = vector.shape_cast %get3A_834 : vector<1x1x1x16xf32> to vector<16xf32>
        %get3A_836 = arith.constant 1 : i32
        %get3A_837 = arith.constant 2 : i32
        %get3A_838 = arith.constant 1 : i32
        %get3A_839 = arith.index_cast %get3A_836 : i32 to index
        %get3A_840 = arith.index_cast %get3A_837 : i32 to index
        %get3A_841 = arith.index_cast %get3A_838 : i32 to index
        %get3A_842 = arith.index_cast %mul3A_817 : i32 to index
        %get3A_843 = tpu.vector_load %arg9[%get3A_839, %get3A_840, %get3A_841, %get3A_842] {strides = array<i32>} : memref<2x6x4x1024xf32, #tpu.memory_space<vmem>>, vector<1x1x1x16xf32>,
        %get3A_844 = vector.shape_cast %get3A_843 : vector<1x1x1x16xf32> to vector<16xf32>
        %get3A_845 = arith.constant 1 : i32
        %get3A_846 = arith.constant 3 : i32
        %get3A_847 = arith.constant 1 : i32
        %get3A_848 = arith.index_cast %get3A_845 : i32 to index
        %get3A_849 = arith.index_cast %get3A_846 : i32 to index
        %get3A_850 = arith.index_cast %get3A_847 : i32 to index
        %get3A_851 = arith.index_cast %mul3A_817 : i32 to index
        %get3A_852 = tpu.vector_load %arg9[%get3A_848, %get3A_849, %get3A_850, %get3A_851] {strides = array<i32>} : memref<2x6x4x1024xf32, #tpu.memory_space<vmem>>, vector<1x1x1x16xf32>,
        %get3A_853 = vector.shape_cast %get3A_852 : vector<1x1x1x16xf32> to vector<16xf32>
        %get3A_854 = arith.constant 1 : i32
        %get3A_855 = arith.constant 4 : i32
        %get3A_856 = arith.constant 1 : i32
        %get3A_857 = arith.index_cast %get3A_854 : i32 to index
        %get3A_858 = arith.index_cast %get3A_855 : i32 to index
        %get3A_859 = arith.index_cast %get3A_856 : i32 to index
        %get3A_860 = arith.index_cast %mul3A_817 : i32 to index
        %get3A_861 = tpu.vector_load %arg9[%get3A_857, %get3A_858, %get3A_859, %get3A_860] {strides = array<i32>} : memref<2x6x4x1024xf32, #tpu.memory_space<vmem>>, vector<1x1x1x16xf32>,
        %get3A_862 = vector.shape_cast %get3A_861 : vector<1x1x1x16xf32> to vector<16xf32>
        %get3A_863 = arith.constant 1 : i32
        %get3A_864 = arith.constant 5 : i32
        %get3A_865 = arith.constant 1 : i32
        %get3A_866 = arith.index_cast %get3A_863 : i32 to index
        %get3A_867 = arith.index_cast %get3A_864 : i32 to index
        %get3A_868 = arith.index_cast %get3A_865 : i32 to index
        %get3A_869 = arith.index_cast %mul3A_817 : i32 to index
        %get3A_870 = tpu.vector_load %arg9[%get3A_866, %get3A_867, %get3A_868, %get3A_869] {strides = array<i32>} : memref<2x6x4x1024xf32, #tpu.memory_space<vmem>>, vector<1x1x1x16xf32>,
        %get3A_871 = vector.shape_cast %get3A_870 : vector<1x1x1x16xf32> to vector<16xf32>
        %mul3A_872 = arith.mulf %get3A_826, %get3A_844 : vector<16xf32>
        %mul3A_873 = arith.mulf %get3A_835, %get3A_853 : vector<16xf32>
        %mul3A_874 = arith.mulf %get3A_826, %get3A_862 : vector<16xf32>
        %mul3A_875 = arith.mulf %get3A_835, %get3A_871 : vector<16xf32>
        %mul3A_876 = arith.mulf %get3A_826, %get3A_826 : vector<16xf32>
        %mul3A_877 = arith.mulf %get3A_835, %get3A_835 : vector<16xf32>
        %mul3A_878 = arith.mulf %get3A_844, %get3A_844 : vector<16xf32>
        %mul3A_879 = arith.mulf %get3A_853, %get3A_853 : vector<16xf32>
        %mul3A_880 = arith.mulf %get3A_862, %get3A_862 : vector<16xf32>
        %mul3A_881 = arith.mulf %get3A_871, %get3A_871 : vector<16xf32>
        %add3A_882 = arith.addf %add3A_802, %mul3A_872 : vector<16xf32>
        %add3A_883 = arith.addf %add3A_803, %mul3A_873 : vector<16xf32>
        %add3A_884 = arith.addf %add3A_804, %mul3A_874 : vector<16xf32>
        %add3A_885 = arith.addf %add3A_805, %mul3A_875 : vector<16xf32>
        %add3A_886 = arith.addf %add3A_806, %mul3A_876 : vector<16xf32>
        %add3A_887 = arith.addf %add3A_807, %mul3A_877 : vector<16xf32>
        %add3A_888 = arith.addf %add3A_808, %mul3A_878 : vector<16xf32>
        %add3A_889 = arith.addf %add3A_809, %mul3A_879 : vector<16xf32>
        %add3A_890 = arith.addf %add3A_810, %mul3A_880 : vector<16xf32>
        %add3A_891 = arith.addf %add3A_811, %mul3A_881 : vector<16xf32>
        scf.yield %add3A_882, %add3A_883, %add3A_884, %add3A_885, %add3A_886, %add3A_887, %add3A_888, %add3A_889, %add3A_890, %add3A_891 : vector<16xf32>, vector<16xf32>, vector<16xf32>, vector<16xf32>, vector<16xf32>, vector<16xf32>, vector<16xf32>, vector<16xf32>, vector<16xf32>, vector<16xf32>
      }
      %scan3A_596 = arith.constant 32 : i32
      %mul3A_597 = arith.constant 4 : i32
      %mul3A_598 = arith.muli %add3A_459, %mul3A_597 : i32
      %add3A_599 = arith.constant 1 : i32
      %add3A_600 = arith.addi %mul3A_598, %add3A_599 : i32
      %add3A_601 = arith.addf %scan3A_595#0, %scan3A_595#1 : vector<16xf32>
      %swap3A_602 = arith.index_cast %add3A_600 : i32 to index
      %swap3A_603 = arith.constant 0 : index
      %swap3A_604 = tpu.vector_load %arg10[%swap3A_602, %swap3A_603] {strides = array<i32>} : memref<32x80xf32, #tpu.memory_space<vmem>>, vector<1x16xf32>,
      %swap3A_605 = vector.shape_cast %swap3A_604 : vector<1x16xf32> to vector<16xf32>
      %swap3A_606 = vector.shape_cast %add3A_601 : vector<16xf32> to vector<1x16xf32>
      tpu.vector_store %arg10[%swap3A_602, %swap3A_603], %swap3A_606 {strides = array<i32>} : memref<32x80xf32, #tpu.memory_space<vmem>>, vector<1x16xf32>,
      %add3A_607 = arith.addf %scan3A_595#2, %scan3A_595#3 : vector<16xf32>
      %swap3A_608 = arith.index_cast %add3A_600 : i32 to index
      %swap3A_609 = arith.constant 16 : index
      %swap3A_610 = tpu.vector_load %arg10[%swap3A_608, %swap3A_609] {strides = array<i32>} : memref<32x80xf32, #tpu.memory_space<vmem>>, vector<1x16xf32>,
      %swap3A_611 = vector.shape_cast %swap3A_610 : vector<1x16xf32> to vector<16xf32>
      %swap3A_612 = vector.shape_cast %add3A_607 : vector<16xf32> to vector<1x16xf32>
      tpu.vector_store %arg10[%swap3A_608, %swap3A_609], %swap3A_612 {strides = array<i32>} : memref<32x80xf32, #tpu.memory_space<vmem>>, vector<1x16xf32>,
      %add3A_613 = arith.addf %scan3A_595#4, %scan3A_595#5 : vector<16xf32>
      %swap3A_614 = arith.index_cast %add3A_600 : i32 to index
      %swap3A_615 = arith.constant 32 : index
      %swap3A_616 = tpu.vector_load %arg10[%swap3A_614, %swap3A_615] {strides = array<i32>} : memref<32x80xf32, #tpu.memory_space<vmem>>, vector<1x16xf32>,
      %swap3A_617 = vector.shape_cast %swap3A_616 : vector<1x16xf32> to vector<16xf32>
      %swap3A_618 = vector.shape_cast %add3A_613 : vector<16xf32> to vector<1x16xf32>
      tpu.vector_store %arg10[%swap3A_614, %swap3A_615], %swap3A_618 {strides = array<i32>} : memref<32x80xf32, #tpu.memory_space<vmem>>, vector<1x16xf32>,
      %add3A_619 = arith.addf %scan3A_595#6, %scan3A_595#7 : vector<16xf32>
      %swap3A_620 = arith.index_cast %add3A_600 : i32 to index
      %swap3A_621 = arith.constant 48 : index
      %swap3A_622 = tpu.vector_load %arg10[%swap3A_620, %swap3A_621] {strides = array<i32>} : memref<32x80xf32, #tpu.memory_space<vmem>>, vector<1x16xf32>,
      %swap3A_623 = vector.shape_cast %swap3A_622 : vector<1x16xf32> to vector<16xf32>
      %swap3A_624 = vector.shape_cast %add3A_619 : vector<16xf32> to vector<1x16xf32>
      tpu.vector_store %arg10[%swap3A_620, %swap3A_621], %swap3A_624 {strides = array<i32>} : memref<32x80xf32, #tpu.memory_space<vmem>>, vector<1x16xf32>,
      %add3A_625 = arith.addf %scan3A_595#8, %scan3A_595#9 : vector<16xf32>
      %swap3A_626 = arith.index_cast %add3A_600 : i32 to index
      %swap3A_627 = arith.constant 64 : index
      %swap3A_628 = tpu.vector_load %arg10[%swap3A_626, %swap3A_627] {strides = array<i32>} : memref<32x80xf32, #tpu.memory_space<vmem>>, vector<1x16xf32>,
      %swap3A_629 = vector.shape_cast %swap3A_628 : vector<1x16xf32> to vector<16xf32>
      %swap3A_630 = vector.shape_cast %add3A_625 : vector<16xf32> to vector<1x16xf32>
      tpu.vector_store %arg10[%swap3A_626, %swap3A_627], %swap3A_630 {strides = array<i32>} : memref<32x80xf32, #tpu.memory_space<vmem>>, vector<1x16xf32>,
      %broadcast_in_dim3A_631 = arith.constant 0.000000e+00 : f32
      %broadcast_in_dim3A_632 = vector.broadcast %broadcast_in_dim3A_631 : f32 to vector<16xf32>
      %scan3A_633 = arith.constant 0 : i32
      %scan3A_634 = arith.constant 32 : i32
      %scan3A_635 = arith.addi %scan3A_633, %scan3A_634 : i32
      %scan3A_636 = arith.constant 1 : i32
      %scan3A_637:10 = scf.for %scan3A_722 = %scan3A_633 to %scan3A_635 step %scan3A_636 iter_args(%scan3A_723 = %broadcast_in_dim3A_632, %scan3A_724 = %broadcast_in_dim3A_632, %scan3A_725 = %broadcast_in_dim3A_632, %scan3A_726 = %broadcast_in_dim3A_632, %scan3A_727 = %broadcast_in_dim3A_632, %scan3A_728 = %broadcast_in_dim3A_632, %scan3A_729 = %broadcast_in_dim3A_632, %scan3A_730 = %broadcast_in_dim3A_632, %scan3A_731 = %broadcast_in_dim3A_632, %scan3A_732 = %broadcast_in_dim3A_632) -> (vector<16xf32>, vector<16xf32>, vector<16xf32>, vector<16xf32>, vector<16xf32>, vector<16xf32>, vector<16xf32>, vector<16xf32>, vector<16xf32>, vector<16xf32>)  : i32 {
        %mul3A_733 = arith.constant 2 : i32
        %mul3A_734 = arith.muli %scan3A_722, %mul3A_733 : i32
        %add3A_735 = arith.constant 0 : i32
        %add3A_736 = arith.addi %mul3A_734, %add3A_735 : i32
        %mul3A_737 = arith.constant 16 : i32
        %mul3A_738 = arith.muli %add3A_736, %mul3A_737 : i32
        %get3A = arith.constant 1 : i32
        %get3A_739 = arith.constant 0 : i32
        %get3A_740 = arith.constant 2 : i32
        %get3A_741 = arith.index_cast %get3A : i32 to index
        %get3A_742 = arith.index_cast %get3A_739 : i32 to index
        %get3A_743 = arith.index_cast %get3A_740 : i32 to index
        %get3A_744 = arith.index_cast %mul3A_738 : i32 to index
        %get3A_745 = tpu.vector_load %arg9[%get3A_741, %get3A_742, %get3A_743, %get3A_744] {strides = array<i32>} : memref<2x6x4x1024xf32, #tpu.memory_space<vmem>>, vector<1x1x1x16xf32>,
        %get3A_746 = vector.shape_cast %get3A_745 : vector<1x1x1x16xf32> to vector<16xf32>
        %get3A_747 = arith.constant 1 : i32
        %get3A_748 = arith.constant 1 : i32
        %get3A_749 = arith.constant 2 : i32
        %get3A_750 = arith.index_cast %get3A_747 : i32 to index
        %get3A_751 = arith.index_cast %get3A_748 : i32 to index
        %get3A_752 = arith.index_cast %get3A_749 : i32 to index
        %get3A_753 = arith.index_cast %mul3A_738 : i32 to index
        %get3A_754 = tpu.vector_load %arg9[%get3A_750, %get3A_751, %get3A_752, %get3A_753] {strides = array<i32>} : memref<2x6x4x1024xf32, #tpu.memory_space<vmem>>, vector<1x1x1x16xf32>,
        %get3A_755 = vector.shape_cast %get3A_754 : vector<1x1x1x16xf32> to vector<16xf32>
        %get3A_756 = arith.constant 1 : i32
        %get3A_757 = arith.constant 2 : i32
        %get3A_758 = arith.constant 2 : i32
        %get3A_759 = arith.index_cast %get3A_756 : i32 to index
        %get3A_760 = arith.index_cast %get3A_757 : i32 to index
        %get3A_761 = arith.index_cast %get3A_758 : i32 to index
        %get3A_762 = arith.index_cast %mul3A_738 : i32 to index
        %get3A_763 = tpu.vector_load %arg9[%get3A_759, %get3A_760, %get3A_761, %get3A_762] {strides = array<i32>} : memref<2x6x4x1024xf32, #tpu.memory_space<vmem>>, vector<1x1x1x16xf32>,
        %get3A_764 = vector.shape_cast %get3A_763 : vector<1x1x1x16xf32> to vector<16xf32>
        %get3A_765 = arith.constant 1 : i32
        %get3A_766 = arith.constant 3 : i32
        %get3A_767 = arith.constant 2 : i32
        %get3A_768 = arith.index_cast %get3A_765 : i32 to index
        %get3A_769 = arith.index_cast %get3A_766 : i32 to index
        %get3A_770 = arith.index_cast %get3A_767 : i32 to index
        %get3A_771 = arith.index_cast %mul3A_738 : i32 to index
        %get3A_772 = tpu.vector_load %arg9[%get3A_768, %get3A_769, %get3A_770, %get3A_771] {strides = array<i32>} : memref<2x6x4x1024xf32, #tpu.memory_space<vmem>>, vector<1x1x1x16xf32>,
        %get3A_773 = vector.shape_cast %get3A_772 : vector<1x1x1x16xf32> to vector<16xf32>
        %get3A_774 = arith.constant 1 : i32
        %get3A_775 = arith.constant 4 : i32
        %get3A_776 = arith.constant 2 : i32
        %get3A_777 = arith.index_cast %get3A_774 : i32 to index
        %get3A_778 = arith.index_cast %get3A_775 : i32 to index
        %get3A_779 = arith.index_cast %get3A_776 : i32 to index
        %get3A_780 = arith.index_cast %mul3A_738 : i32 to index
        %get3A_781 = tpu.vector_load %arg9[%get3A_777, %get3A_778, %get3A_779, %get3A_780] {strides = array<i32>} : memref<2x6x4x1024xf32, #tpu.memory_space<vmem>>, vector<1x1x1x16xf32>,
        %get3A_782 = vector.shape_cast %get3A_781 : vector<1x1x1x16xf32> to vector<16xf32>
        %get3A_783 = arith.constant 1 : i32
        %get3A_784 = arith.constant 5 : i32
        %get3A_785 = arith.constant 2 : i32
        %get3A_786 = arith.index_cast %get3A_783 : i32 to index
        %get3A_787 = arith.index_cast %get3A_784 : i32 to index
        %get3A_788 = arith.index_cast %get3A_785 : i32 to index
        %get3A_789 = arith.index_cast %mul3A_738 : i32 to index
        %get3A_790 = tpu.vector_load %arg9[%get3A_786, %get3A_787, %get3A_788, %get3A_789] {strides = array<i32>} : memref<2x6x4x1024xf32, #tpu.memory_space<vmem>>, vector<1x1x1x16xf32>,
        %get3A_791 = vector.shape_cast %get3A_790 : vector<1x1x1x16xf32> to vector<16xf32>
        %mul3A_792 = arith.mulf %get3A_746, %get3A_764 : vector<16xf32>
        %mul3A_793 = arith.mulf %get3A_755, %get3A_773 : vector<16xf32>
        %mul3A_794 = arith.mulf %get3A_746, %get3A_782 : vector<16xf32>
        %mul3A_795 = arith.mulf %get3A_755, %get3A_791 : vector<16xf32>
        %mul3A_796 = arith.mulf %get3A_746, %get3A_746 : vector<16xf32>
        %mul3A_797 = arith.mulf %get3A_755, %get3A_755 : vector<16xf32>
        %mul3A_798 = arith.mulf %get3A_764, %get3A_764 : vector<16xf32>
        %mul3A_799 = arith.mulf %get3A_773, %get3A_773 : vector<16xf32>
        %mul3A_800 = arith.mulf %get3A_782, %get3A_782 : vector<16xf32>
        %mul3A_801 = arith.mulf %get3A_791, %get3A_791 : vector<16xf32>
        %add3A_802 = arith.addf %scan3A_723, %mul3A_792 : vector<16xf32>
        %add3A_803 = arith.addf %scan3A_724, %mul3A_793 : vector<16xf32>
        %add3A_804 = arith.addf %scan3A_725, %mul3A_794 : vector<16xf32>
        %add3A_805 = arith.addf %scan3A_726, %mul3A_795 : vector<16xf32>
        %add3A_806 = arith.addf %scan3A_727, %mul3A_796 : vector<16xf32>
        %add3A_807 = arith.addf %scan3A_728, %mul3A_797 : vector<16xf32>
        %add3A_808 = arith.addf %scan3A_729, %mul3A_798 : vector<16xf32>
        %add3A_809 = arith.addf %scan3A_730, %mul3A_799 : vector<16xf32>
        %add3A_810 = arith.addf %scan3A_731, %mul3A_800 : vector<16xf32>
        %add3A_811 = arith.addf %scan3A_732, %mul3A_801 : vector<16xf32>
        %mul3A_812 = arith.constant 2 : i32
        %mul3A_813 = arith.muli %scan3A_722, %mul3A_812 : i32
        %add3A_814 = arith.constant 1 : i32
        %add3A_815 = arith.addi %mul3A_813, %add3A_814 : i32
        %mul3A_816 = arith.constant 16 : i32
        %mul3A_817 = arith.muli %add3A_815, %mul3A_816 : i32
        %get3A_818 = arith.constant 1 : i32
        %get3A_819 = arith.constant 0 : i32
        %get3A_820 = arith.constant 2 : i32
        %get3A_821 = arith.index_cast %get3A_818 : i32 to index
        %get3A_822 = arith.index_cast %get3A_819 : i32 to index
        %get3A_823 = arith.index_cast %get3A_820 : i32 to index
        %get3A_824 = arith.index_cast %mul3A_817 : i32 to index
        %get3A_825 = tpu.vector_load %arg9[%get3A_821, %get3A_822, %get3A_823, %get3A_824] {strides = array<i32>} : memref<2x6x4x1024xf32, #tpu.memory_space<vmem>>, vector<1x1x1x16xf32>,
        %get3A_826 = vector.shape_cast %get3A_825 : vector<1x1x1x16xf32> to vector<16xf32>
        %get3A_827 = arith.constant 1 : i32
        %get3A_828 = arith.constant 1 : i32
        %get3A_829 = arith.constant 2 : i32
        %get3A_830 = arith.index_cast %get3A_827 : i32 to index
        %get3A_831 = arith.index_cast %get3A_828 : i32 to index
        %get3A_832 = arith.index_cast %get3A_829 : i32 to index
        %get3A_833 = arith.index_cast %mul3A_817 : i32 to index
        %get3A_834 = tpu.vector_load %arg9[%get3A_830, %get3A_831, %get3A_832, %get3A_833] {strides = array<i32>} : memref<2x6x4x1024xf32, #tpu.memory_space<vmem>>, vector<1x1x1x16xf32>,
        %get3A_835 = vector.shape_cast %get3A_834 : vector<1x1x1x16xf32> to vector<16xf32>
        %get3A_836 = arith.constant 1 : i32
        %get3A_837 = arith.constant 2 : i32
        %get3A_838 = arith.constant 2 : i32
        %get3A_839 = arith.index_cast %get3A_836 : i32 to index
        %get3A_840 = arith.index_cast %get3A_837 : i32 to index
        %get3A_841 = arith.index_cast %get3A_838 : i32 to index
        %get3A_842 = arith.index_cast %mul3A_817 : i32 to index
        %get3A_843 = tpu.vector_load %arg9[%get3A_839, %get3A_840, %get3A_841, %get3A_842] {strides = array<i32>} : memref<2x6x4x1024xf32, #tpu.memory_space<vmem>>, vector<1x1x1x16xf32>,
        %get3A_844 = vector.shape_cast %get3A_843 : vector<1x1x1x16xf32> to vector<16xf32>
        %get3A_845 = arith.constant 1 : i32
        %get3A_846 = arith.constant 3 : i32
        %get3A_847 = arith.constant 2 : i32
        %get3A_848 = arith.index_cast %get3A_845 : i32 to index
        %get3A_849 = arith.index_cast %get3A_846 : i32 to index
        %get3A_850 = arith.index_cast %get3A_847 : i32 to index
        %get3A_851 = arith.index_cast %mul3A_817 : i32 to index
        %get3A_852 = tpu.vector_load %arg9[%get3A_848, %get3A_849, %get3A_850, %get3A_851] {strides = array<i32>} : memref<2x6x4x1024xf32, #tpu.memory_space<vmem>>, vector<1x1x1x16xf32>,
        %get3A_853 = vector.shape_cast %get3A_852 : vector<1x1x1x16xf32> to vector<16xf32>
        %get3A_854 = arith.constant 1 : i32
        %get3A_855 = arith.constant 4 : i32
        %get3A_856 = arith.constant 2 : i32
        %get3A_857 = arith.index_cast %get3A_854 : i32 to index
        %get3A_858 = arith.index_cast %get3A_855 : i32 to index
        %get3A_859 = arith.index_cast %get3A_856 : i32 to index
        %get3A_860 = arith.index_cast %mul3A_817 : i32 to index
        %get3A_861 = tpu.vector_load %arg9[%get3A_857, %get3A_858, %get3A_859, %get3A_860] {strides = array<i32>} : memref<2x6x4x1024xf32, #tpu.memory_space<vmem>>, vector<1x1x1x16xf32>,
        %get3A_862 = vector.shape_cast %get3A_861 : vector<1x1x1x16xf32> to vector<16xf32>
        %get3A_863 = arith.constant 1 : i32
        %get3A_864 = arith.constant 5 : i32
        %get3A_865 = arith.constant 2 : i32
        %get3A_866 = arith.index_cast %get3A_863 : i32 to index
        %get3A_867 = arith.index_cast %get3A_864 : i32 to index
        %get3A_868 = arith.index_cast %get3A_865 : i32 to index
        %get3A_869 = arith.index_cast %mul3A_817 : i32 to index
        %get3A_870 = tpu.vector_load %arg9[%get3A_866, %get3A_867, %get3A_868, %get3A_869] {strides = array<i32>} : memref<2x6x4x1024xf32, #tpu.memory_space<vmem>>, vector<1x1x1x16xf32>,
        %get3A_871 = vector.shape_cast %get3A_870 : vector<1x1x1x16xf32> to vector<16xf32>
        %mul3A_872 = arith.mulf %get3A_826, %get3A_844 : vector<16xf32>
        %mul3A_873 = arith.mulf %get3A_835, %get3A_853 : vector<16xf32>
        %mul3A_874 = arith.mulf %get3A_826, %get3A_862 : vector<16xf32>
        %mul3A_875 = arith.mulf %get3A_835, %get3A_871 : vector<16xf32>
        %mul3A_876 = arith.mulf %get3A_826, %get3A_826 : vector<16xf32>
        %mul3A_877 = arith.mulf %get3A_835, %get3A_835 : vector<16xf32>
        %mul3A_878 = arith.mulf %get3A_844, %get3A_844 : vector<16xf32>
        %mul3A_879 = arith.mulf %get3A_853, %get3A_853 : vector<16xf32>
        %mul3A_880 = arith.mulf %get3A_862, %get3A_862 : vector<16xf32>
        %mul3A_881 = arith.mulf %get3A_871, %get3A_871 : vector<16xf32>
        %add3A_882 = arith.addf %add3A_802, %mul3A_872 : vector<16xf32>
        %add3A_883 = arith.addf %add3A_803, %mul3A_873 : vector<16xf32>
        %add3A_884 = arith.addf %add3A_804, %mul3A_874 : vector<16xf32>
        %add3A_885 = arith.addf %add3A_805, %mul3A_875 : vector<16xf32>
        %add3A_886 = arith.addf %add3A_806, %mul3A_876 : vector<16xf32>
        %add3A_887 = arith.addf %add3A_807, %mul3A_877 : vector<16xf32>
        %add3A_888 = arith.addf %add3A_808, %mul3A_878 : vector<16xf32>
        %add3A_889 = arith.addf %add3A_809, %mul3A_879 : vector<16xf32>
        %add3A_890 = arith.addf %add3A_810, %mul3A_880 : vector<16xf32>
        %add3A_891 = arith.addf %add3A_811, %mul3A_881 : vector<16xf32>
        scf.yield %add3A_882, %add3A_883, %add3A_884, %add3A_885, %add3A_886, %add3A_887, %add3A_888, %add3A_889, %add3A_890, %add3A_891 : vector<16xf32>, vector<16xf32>, vector<16xf32>, vector<16xf32>, vector<16xf32>, vector<16xf32>, vector<16xf32>, vector<16xf32>, vector<16xf32>, vector<16xf32>
      }
      %scan3A_638 = arith.constant 32 : i32
      %mul3A_639 = arith.constant 4 : i32
      %mul3A_640 = arith.muli %add3A_459, %mul3A_639 : i32
      %add3A_641 = arith.constant 2 : i32
      %add3A_642 = arith.addi %mul3A_640, %add3A_641 : i32
      %add3A_643 = arith.addf %scan3A_637#0, %scan3A_637#1 : vector<16xf32>
      %swap3A_644 = arith.index_cast %add3A_642 : i32 to index
      %swap3A_645 = arith.constant 0 : index
      %swap3A_646 = tpu.vector_load %arg10[%swap3A_644, %swap3A_645] {strides = array<i32>} : memref<32x80xf32, #tpu.memory_space<vmem>>, vector<1x16xf32>,
      %swap3A_647 = vector.shape_cast %swap3A_646 : vector<1x16xf32> to vector<16xf32>
      %swap3A_648 = vector.shape_cast %add3A_643 : vector<16xf32> to vector<1x16xf32>
      tpu.vector_store %arg10[%swap3A_644, %swap3A_645], %swap3A_648 {strides = array<i32>} : memref<32x80xf32, #tpu.memory_space<vmem>>, vector<1x16xf32>,
      %add3A_649 = arith.addf %scan3A_637#2, %scan3A_637#3 : vector<16xf32>
      %swap3A_650 = arith.index_cast %add3A_642 : i32 to index
      %swap3A_651 = arith.constant 16 : index
      %swap3A_652 = tpu.vector_load %arg10[%swap3A_650, %swap3A_651] {strides = array<i32>} : memref<32x80xf32, #tpu.memory_space<vmem>>, vector<1x16xf32>,
      %swap3A_653 = vector.shape_cast %swap3A_652 : vector<1x16xf32> to vector<16xf32>
      %swap3A_654 = vector.shape_cast %add3A_649 : vector<16xf32> to vector<1x16xf32>
      tpu.vector_store %arg10[%swap3A_650, %swap3A_651], %swap3A_654 {strides = array<i32>} : memref<32x80xf32, #tpu.memory_space<vmem>>, vector<1x16xf32>,
      %add3A_655 = arith.addf %scan3A_637#4, %scan3A_637#5 : vector<16xf32>
      %swap3A_656 = arith.index_cast %add3A_642 : i32 to index
      %swap3A_657 = arith.constant 32 : index
      %swap3A_658 = tpu.vector_load %arg10[%swap3A_656, %swap3A_657] {strides = array<i32>} : memref<32x80xf32, #tpu.memory_space<vmem>>, vector<1x16xf32>,
      %swap3A_659 = vector.shape_cast %swap3A_658 : vector<1x16xf32> to vector<16xf32>
      %swap3A_660 = vector.shape_cast %add3A_655 : vector<16xf32> to vector<1x16xf32>
      tpu.vector_store %arg10[%swap3A_656, %swap3A_657], %swap3A_660 {strides = array<i32>} : memref<32x80xf32, #tpu.memory_space<vmem>>, vector<1x16xf32>,
      %add3A_661 = arith.addf %scan3A_637#6, %scan3A_637#7 : vector<16xf32>
      %swap3A_662 = arith.index_cast %add3A_642 : i32 to index
      %swap3A_663 = arith.constant 48 : index
      %swap3A_664 = tpu.vector_load %arg10[%swap3A_662, %swap3A_663] {strides = array<i32>} : memref<32x80xf32, #tpu.memory_space<vmem>>, vector<1x16xf32>,
      %swap3A_665 = vector.shape_cast %swap3A_664 : vector<1x16xf32> to vector<16xf32>
      %swap3A_666 = vector.shape_cast %add3A_661 : vector<16xf32> to vector<1x16xf32>
      tpu.vector_store %arg10[%swap3A_662, %swap3A_663], %swap3A_666 {strides = array<i32>} : memref<32x80xf32, #tpu.memory_space<vmem>>, vector<1x16xf32>,
      %add3A_667 = arith.addf %scan3A_637#8, %scan3A_637#9 : vector<16xf32>
      %swap3A_668 = arith.index_cast %add3A_642 : i32 to index
      %swap3A_669 = arith.constant 64 : index
      %swap3A_670 = tpu.vector_load %arg10[%swap3A_668, %swap3A_669] {strides = array<i32>} : memref<32x80xf32, #tpu.memory_space<vmem>>, vector<1x16xf32>,
      %swap3A_671 = vector.shape_cast %swap3A_670 : vector<1x16xf32> to vector<16xf32>
      %swap3A_672 = vector.shape_cast %add3A_667 : vector<16xf32> to vector<1x16xf32>
      tpu.vector_store %arg10[%swap3A_668, %swap3A_669], %swap3A_672 {strides = array<i32>} : memref<32x80xf32, #tpu.memory_space<vmem>>, vector<1x16xf32>,
      %broadcast_in_dim3A_673 = arith.constant 0.000000e+00 : f32
      %broadcast_in_dim3A_674 = vector.broadcast %broadcast_in_dim3A_673 : f32 to vector<16xf32>
      %scan3A_675 = arith.constant 0 : i32
      %scan3A_676 = arith.constant 32 : i32
      %scan3A_677 = arith.addi %scan3A_675, %scan3A_676 : i32
      %scan3A_678 = arith.constant 1 : i32
      %scan3A_679:10 = scf.for %scan3A_722 = %scan3A_675 to %scan3A_677 step %scan3A_678 iter_args(%scan3A_723 = %broadcast_in_dim3A_674, %scan3A_724 = %broadcast_in_dim3A_674, %scan3A_725 = %broadcast_in_dim3A_674, %scan3A_726 = %broadcast_in_dim3A_674, %scan3A_727 = %broadcast_in_dim3A_674, %scan3A_728 = %broadcast_in_dim3A_674, %scan3A_729 = %broadcast_in_dim3A_674, %scan3A_730 = %broadcast_in_dim3A_674, %scan3A_731 = %broadcast_in_dim3A_674, %scan3A_732 = %broadcast_in_dim3A_674) -> (vector<16xf32>, vector<16xf32>, vector<16xf32>, vector<16xf32>, vector<16xf32>, vector<16xf32>, vector<16xf32>, vector<16xf32>, vector<16xf32>, vector<16xf32>)  : i32 {
        %mul3A_733 = arith.constant 2 : i32
        %mul3A_734 = arith.muli %scan3A_722, %mul3A_733 : i32
        %add3A_735 = arith.constant 0 : i32
        %add3A_736 = arith.addi %mul3A_734, %add3A_735 : i32
        %mul3A_737 = arith.constant 16 : i32
        %mul3A_738 = arith.muli %add3A_736, %mul3A_737 : i32
        %get3A = arith.constant 1 : i32
        %get3A_739 = arith.constant 0 : i32
        %get3A_740 = arith.constant 3 : i32
        %get3A_741 = arith.index_cast %get3A : i32 to index
        %get3A_742 = arith.index_cast %get3A_739 : i32 to index
        %get3A_743 = arith.index_cast %get3A_740 : i32 to index
        %get3A_744 = arith.index_cast %mul3A_738 : i32 to index
        %get3A_745 = tpu.vector_load %arg9[%get3A_741, %get3A_742, %get3A_743, %get3A_744] {strides = array<i32>} : memref<2x6x4x1024xf32, #tpu.memory_space<vmem>>, vector<1x1x1x16xf32>,
        %get3A_746 = vector.shape_cast %get3A_745 : vector<1x1x1x16xf32> to vector<16xf32>
        %get3A_747 = arith.constant 1 : i32
        %get3A_748 = arith.constant 1 : i32
        %get3A_749 = arith.constant 3 : i32
        %get3A_750 = arith.index_cast %get3A_747 : i32 to index
        %get3A_751 = arith.index_cast %get3A_748 : i32 to index
        %get3A_752 = arith.index_cast %get3A_749 : i32 to index
        %get3A_753 = arith.index_cast %mul3A_738 : i32 to index
        %get3A_754 = tpu.vector_load %arg9[%get3A_750, %get3A_751, %get3A_752, %get3A_753] {strides = array<i32>} : memref<2x6x4x1024xf32, #tpu.memory_space<vmem>>, vector<1x1x1x16xf32>,
        %get3A_755 = vector.shape_cast %get3A_754 : vector<1x1x1x16xf32> to vector<16xf32>
        %get3A_756 = arith.constant 1 : i32
        %get3A_757 = arith.constant 2 : i32
        %get3A_758 = arith.constant 3 : i32
        %get3A_759 = arith.index_cast %get3A_756 : i32 to index
        %get3A_760 = arith.index_cast %get3A_757 : i32 to index
        %get3A_761 = arith.index_cast %get3A_758 : i32 to index
        %get3A_762 = arith.index_cast %mul3A_738 : i32 to index
        %get3A_763 = tpu.vector_load %arg9[%get3A_759, %get3A_760, %get3A_761, %get3A_762] {strides = array<i32>} : memref<2x6x4x1024xf32, #tpu.memory_space<vmem>>, vector<1x1x1x16xf32>,
        %get3A_764 = vector.shape_cast %get3A_763 : vector<1x1x1x16xf32> to vector<16xf32>
        %get3A_765 = arith.constant 1 : i32
        %get3A_766 = arith.constant 3 : i32
        %get3A_767 = arith.constant 3 : i32
        %get3A_768 = arith.index_cast %get3A_765 : i32 to index
        %get3A_769 = arith.index_cast %get3A_766 : i32 to index
        %get3A_770 = arith.index_cast %get3A_767 : i32 to index
        %get3A_771 = arith.index_cast %mul3A_738 : i32 to index
        %get3A_772 = tpu.vector_load %arg9[%get3A_768, %get3A_769, %get3A_770, %get3A_771] {strides = array<i32>} : memref<2x6x4x1024xf32, #tpu.memory_space<vmem>>, vector<1x1x1x16xf32>,
        %get3A_773 = vector.shape_cast %get3A_772 : vector<1x1x1x16xf32> to vector<16xf32>
        %get3A_774 = arith.constant 1 : i32
        %get3A_775 = arith.constant 4 : i32
        %get3A_776 = arith.constant 3 : i32
        %get3A_777 = arith.index_cast %get3A_774 : i32 to index
        %get3A_778 = arith.index_cast %get3A_775 : i32 to index
        %get3A_779 = arith.index_cast %get3A_776 : i32 to index
        %get3A_780 = arith.index_cast %mul3A_738 : i32 to index
        %get3A_781 = tpu.vector_load %arg9[%get3A_777, %get3A_778, %get3A_779, %get3A_780] {strides = array<i32>} : memref<2x6x4x1024xf32, #tpu.memory_space<vmem>>, vector<1x1x1x16xf32>,
        %get3A_782 = vector.shape_cast %get3A_781 : vector<1x1x1x16xf32> to vector<16xf32>
        %get3A_783 = arith.constant 1 : i32
        %get3A_784 = arith.constant 5 : i32
        %get3A_785 = arith.constant 3 : i32
        %get3A_786 = arith.index_cast %get3A_783 : i32 to index
        %get3A_787 = arith.index_cast %get3A_784 : i32 to index
        %get3A_788 = arith.index_cast %get3A_785 : i32 to index
        %get3A_789 = arith.index_cast %mul3A_738 : i32 to index
        %get3A_790 = tpu.vector_load %arg9[%get3A_786, %get3A_787, %get3A_788, %get3A_789] {strides = array<i32>} : memref<2x6x4x1024xf32, #tpu.memory_space<vmem>>, vector<1x1x1x16xf32>,
        %get3A_791 = vector.shape_cast %get3A_790 : vector<1x1x1x16xf32> to vector<16xf32>
        %mul3A_792 = arith.mulf %get3A_746, %get3A_764 : vector<16xf32>
        %mul3A_793 = arith.mulf %get3A_755, %get3A_773 : vector<16xf32>
        %mul3A_794 = arith.mulf %get3A_746, %get3A_782 : vector<16xf32>
        %mul3A_795 = arith.mulf %get3A_755, %get3A_791 : vector<16xf32>
        %mul3A_796 = arith.mulf %get3A_746, %get3A_746 : vector<16xf32>
        %mul3A_797 = arith.mulf %get3A_755, %get3A_755 : vector<16xf32>
        %mul3A_798 = arith.mulf %get3A_764, %get3A_764 : vector<16xf32>
        %mul3A_799 = arith.mulf %get3A_773, %get3A_773 : vector<16xf32>
        %mul3A_800 = arith.mulf %get3A_782, %get3A_782 : vector<16xf32>
        %mul3A_801 = arith.mulf %get3A_791, %get3A_791 : vector<16xf32>
        %add3A_802 = arith.addf %scan3A_723, %mul3A_792 : vector<16xf32>
        %add3A_803 = arith.addf %scan3A_724, %mul3A_793 : vector<16xf32>
        %add3A_804 = arith.addf %scan3A_725, %mul3A_794 : vector<16xf32>
        %add3A_805 = arith.addf %scan3A_726, %mul3A_795 : vector<16xf32>
        %add3A_806 = arith.addf %scan3A_727, %mul3A_796 : vector<16xf32>
        %add3A_807 = arith.addf %scan3A_728, %mul3A_797 : vector<16xf32>
        %add3A_808 = arith.addf %scan3A_729, %mul3A_798 : vector<16xf32>
        %add3A_809 = arith.addf %scan3A_730, %mul3A_799 : vector<16xf32>
        %add3A_810 = arith.addf %scan3A_731, %mul3A_800 : vector<16xf32>
        %add3A_811 = arith.addf %scan3A_732, %mul3A_801 : vector<16xf32>
        %mul3A_812 = arith.constant 2 : i32
        %mul3A_813 = arith.muli %scan3A_722, %mul3A_812 : i32
        %add3A_814 = arith.constant 1 : i32
        %add3A_815 = arith.addi %mul3A_813, %add3A_814 : i32
        %mul3A_816 = arith.constant 16 : i32
        %mul3A_817 = arith.muli %add3A_815, %mul3A_816 : i32
        %get3A_818 = arith.constant 1 : i32
        %get3A_819 = arith.constant 0 : i32
        %get3A_820 = arith.constant 3 : i32
        %get3A_821 = arith.index_cast %get3A_818 : i32 to index
        %get3A_822 = arith.index_cast %get3A_819 : i32 to index
        %get3A_823 = arith.index_cast %get3A_820 : i32 to index
        %get3A_824 = arith.index_cast %mul3A_817 : i32 to index
        %get3A_825 = tpu.vector_load %arg9[%get3A_821, %get3A_822, %get3A_823, %get3A_824] {strides = array<i32>} : memref<2x6x4x1024xf32, #tpu.memory_space<vmem>>, vector<1x1x1x16xf32>,
        %get3A_826 = vector.shape_cast %get3A_825 : vector<1x1x1x16xf32> to vector<16xf32>
        %get3A_827 = arith.constant 1 : i32
        %get3A_828 = arith.constant 1 : i32
        %get3A_829 = arith.constant 3 : i32
        %get3A_830 = arith.index_cast %get3A_827 : i32 to index
        %get3A_831 = arith.index_cast %get3A_828 : i32 to index
        %get3A_832 = arith.index_cast %get3A_829 : i32 to index
        %get3A_833 = arith.index_cast %mul3A_817 : i32 to index
        %get3A_834 = tpu.vector_load %arg9[%get3A_830, %get3A_831, %get3A_832, %get3A_833] {strides = array<i32>} : memref<2x6x4x1024xf32, #tpu.memory_space<vmem>>, vector<1x1x1x16xf32>,
        %get3A_835 = vector.shape_cast %get3A_834 : vector<1x1x1x16xf32> to vector<16xf32>
        %get3A_836 = arith.constant 1 : i32
        %get3A_837 = arith.constant 2 : i32
        %get3A_838 = arith.constant 3 : i32
        %get3A_839 = arith.index_cast %get3A_836 : i32 to index
        %get3A_840 = arith.index_cast %get3A_837 : i32 to index
        %get3A_841 = arith.index_cast %get3A_838 : i32 to index
        %get3A_842 = arith.index_cast %mul3A_817 : i32 to index
        %get3A_843 = tpu.vector_load %arg9[%get3A_839, %get3A_840, %get3A_841, %get3A_842] {strides = array<i32>} : memref<2x6x4x1024xf32, #tpu.memory_space<vmem>>, vector<1x1x1x16xf32>,
        %get3A_844 = vector.shape_cast %get3A_843 : vector<1x1x1x16xf32> to vector<16xf32>
        %get3A_845 = arith.constant 1 : i32
        %get3A_846 = arith.constant 3 : i32
        %get3A_847 = arith.constant 3 : i32
        %get3A_848 = arith.index_cast %get3A_845 : i32 to index
        %get3A_849 = arith.index_cast %get3A_846 : i32 to index
        %get3A_850 = arith.index_cast %get3A_847 : i32 to index
        %get3A_851 = arith.index_cast %mul3A_817 : i32 to index
        %get3A_852 = tpu.vector_load %arg9[%get3A_848, %get3A_849, %get3A_850, %get3A_851] {strides = array<i32>} : memref<2x6x4x1024xf32, #tpu.memory_space<vmem>>, vector<1x1x1x16xf32>,
        %get3A_853 = vector.shape_cast %get3A_852 : vector<1x1x1x16xf32> to vector<16xf32>
        %get3A_854 = arith.constant 1 : i32
        %get3A_855 = arith.constant 4 : i32
        %get3A_856 = arith.constant 3 : i32
        %get3A_857 = arith.index_cast %get3A_854 : i32 to index
        %get3A_858 = arith.index_cast %get3A_855 : i32 to index
        %get3A_859 = arith.index_cast %get3A_856 : i32 to index
        %get3A_860 = arith.index_cast %mul3A_817 : i32 to index
        %get3A_861 = tpu.vector_load %arg9[%get3A_857, %get3A_858, %get3A_859, %get3A_860] {strides = array<i32>} : memref<2x6x4x1024xf32, #tpu.memory_space<vmem>>, vector<1x1x1x16xf32>,
        %get3A_862 = vector.shape_cast %get3A_861 : vector<1x1x1x16xf32> to vector<16xf32>
        %get3A_863 = arith.constant 1 : i32
        %get3A_864 = arith.constant 5 : i32
        %get3A_865 = arith.constant 3 : i32
        %get3A_866 = arith.index_cast %get3A_863 : i32 to index
        %get3A_867 = arith.index_cast %get3A_864 : i32 to index
        %get3A_868 = arith.index_cast %get3A_865 : i32 to index
        %get3A_869 = arith.index_cast %mul3A_817 : i32 to index
        %get3A_870 = tpu.vector_load %arg9[%get3A_866, %get3A_867, %get3A_868, %get3A_869] {strides = array<i32>} : memref<2x6x4x1024xf32, #tpu.memory_space<vmem>>, vector<1x1x1x16xf32>,
        %get3A_871 = vector.shape_cast %get3A_870 : vector<1x1x1x16xf32> to vector<16xf32>
        %mul3A_872 = arith.mulf %get3A_826, %get3A_844 : vector<16xf32>
        %mul3A_873 = arith.mulf %get3A_835, %get3A_853 : vector<16xf32>
        %mul3A_874 = arith.mulf %get3A_826, %get3A_862 : vector<16xf32>
        %mul3A_875 = arith.mulf %get3A_835, %get3A_871 : vector<16xf32>
        %mul3A_876 = arith.mulf %get3A_826, %get3A_826 : vector<16xf32>
        %mul3A_877 = arith.mulf %get3A_835, %get3A_835 : vector<16xf32>
        %mul3A_878 = arith.mulf %get3A_844, %get3A_844 : vector<16xf32>
        %mul3A_879 = arith.mulf %get3A_853, %get3A_853 : vector<16xf32>
        %mul3A_880 = arith.mulf %get3A_862, %get3A_862 : vector<16xf32>
        %mul3A_881 = arith.mulf %get3A_871, %get3A_871 : vector<16xf32>
        %add3A_882 = arith.addf %add3A_802, %mul3A_872 : vector<16xf32>
        %add3A_883 = arith.addf %add3A_803, %mul3A_873 : vector<16xf32>
        %add3A_884 = arith.addf %add3A_804, %mul3A_874 : vector<16xf32>
        %add3A_885 = arith.addf %add3A_805, %mul3A_875 : vector<16xf32>
        %add3A_886 = arith.addf %add3A_806, %mul3A_876 : vector<16xf32>
        %add3A_887 = arith.addf %add3A_807, %mul3A_877 : vector<16xf32>
        %add3A_888 = arith.addf %add3A_808, %mul3A_878 : vector<16xf32>
        %add3A_889 = arith.addf %add3A_809, %mul3A_879 : vector<16xf32>
        %add3A_890 = arith.addf %add3A_810, %mul3A_880 : vector<16xf32>
        %add3A_891 = arith.addf %add3A_811, %mul3A_881 : vector<16xf32>
        scf.yield %add3A_882, %add3A_883, %add3A_884, %add3A_885, %add3A_886, %add3A_887, %add3A_888, %add3A_889, %add3A_890, %add3A_891 : vector<16xf32>, vector<16xf32>, vector<16xf32>, vector<16xf32>, vector<16xf32>, vector<16xf32>, vector<16xf32>, vector<16xf32>, vector<16xf32>, vector<16xf32>
      }
      %scan3A_680 = arith.constant 32 : i32
      %mul3A_681 = arith.constant 4 : i32
      %mul3A_682 = arith.muli %add3A_459, %mul3A_681 : i32
      %add3A_683 = arith.constant 3 : i32
      %add3A_684 = arith.addi %mul3A_682, %add3A_683 : i32
      %add3A_685 = arith.addf %scan3A_679#0, %scan3A_679#1 : vector<16xf32>
      %swap3A_686 = arith.index_cast %add3A_684 : i32 to index
      %swap3A_687 = arith.constant 0 : index
      %swap3A_688 = tpu.vector_load %arg10[%swap3A_686, %swap3A_687] {strides = array<i32>} : memref<32x80xf32, #tpu.memory_space<vmem>>, vector<1x16xf32>,
      %swap3A_689 = vector.shape_cast %swap3A_688 : vector<1x16xf32> to vector<16xf32>
      %swap3A_690 = vector.shape_cast %add3A_685 : vector<16xf32> to vector<1x16xf32>
      tpu.vector_store %arg10[%swap3A_686, %swap3A_687], %swap3A_690 {strides = array<i32>} : memref<32x80xf32, #tpu.memory_space<vmem>>, vector<1x16xf32>,
      %add3A_691 = arith.addf %scan3A_679#2, %scan3A_679#3 : vector<16xf32>
      %swap3A_692 = arith.index_cast %add3A_684 : i32 to index
      %swap3A_693 = arith.constant 16 : index
      %swap3A_694 = tpu.vector_load %arg10[%swap3A_692, %swap3A_693] {strides = array<i32>} : memref<32x80xf32, #tpu.memory_space<vmem>>, vector<1x16xf32>,
      %swap3A_695 = vector.shape_cast %swap3A_694 : vector<1x16xf32> to vector<16xf32>
      %swap3A_696 = vector.shape_cast %add3A_691 : vector<16xf32> to vector<1x16xf32>
      tpu.vector_store %arg10[%swap3A_692, %swap3A_693], %swap3A_696 {strides = array<i32>} : memref<32x80xf32, #tpu.memory_space<vmem>>, vector<1x16xf32>,
      %add3A_697 = arith.addf %scan3A_679#4, %scan3A_679#5 : vector<16xf32>
      %swap3A_698 = arith.index_cast %add3A_684 : i32 to index
      %swap3A_699 = arith.constant 32 : index
      %swap3A_700 = tpu.vector_load %arg10[%swap3A_698, %swap3A_699] {strides = array<i32>} : memref<32x80xf32, #tpu.memory_space<vmem>>, vector<1x16xf32>,
      %swap3A_701 = vector.shape_cast %swap3A_700 : vector<1x16xf32> to vector<16xf32>
      %swap3A_702 = vector.shape_cast %add3A_697 : vector<16xf32> to vector<1x16xf32>
      tpu.vector_store %arg10[%swap3A_698, %swap3A_699], %swap3A_702 {strides = array<i32>} : memref<32x80xf32, #tpu.memory_space<vmem>>, vector<1x16xf32>,
      %add3A_703 = arith.addf %scan3A_679#6, %scan3A_679#7 : vector<16xf32>
      %swap3A_704 = arith.index_cast %add3A_684 : i32 to index
      %swap3A_705 = arith.constant 48 : index
      %swap3A_706 = tpu.vector_load %arg10[%swap3A_704, %swap3A_705] {strides = array<i32>} : memref<32x80xf32, #tpu.memory_space<vmem>>, vector<1x16xf32>,
      %swap3A_707 = vector.shape_cast %swap3A_706 : vector<1x16xf32> to vector<16xf32>
      %swap3A_708 = vector.shape_cast %add3A_703 : vector<16xf32> to vector<1x16xf32>
      tpu.vector_store %arg10[%swap3A_704, %swap3A_705], %swap3A_708 {strides = array<i32>} : memref<32x80xf32, #tpu.memory_space<vmem>>, vector<1x16xf32>,
      %add3A_709 = arith.addf %scan3A_679#8, %scan3A_679#9 : vector<16xf32>
      %swap3A_710 = arith.index_cast %add3A_684 : i32 to index
      %swap3A_711 = arith.constant 64 : index
      %swap3A_712 = tpu.vector_load %arg10[%swap3A_710, %swap3A_711] {strides = array<i32>} : memref<32x80xf32, #tpu.memory_space<vmem>>, vector<1x16xf32>,
      %swap3A_713 = vector.shape_cast %swap3A_712 : vector<1x16xf32> to vector<16xf32>
      %swap3A_714 = vector.shape_cast %add3A_709 : vector<16xf32> to vector<1x16xf32>
      tpu.vector_store %arg10[%swap3A_710, %swap3A_711], %swap3A_714 {strides = array<i32>} : memref<32x80xf32, #tpu.memory_space<vmem>>, vector<1x16xf32>,
      %add3A_715 = arith.constant 2 : i32
      %add3A_716 = arith.addi %add3A_459, %add3A_715 : i32
      %lt3A_717 = arith.constant 8 : i32
      %lt3A_718 = arith.cmpi slt, %add3A_716, %lt3A_717 : i32
      %convert_element_type3A_719 = arith.extui %lt3A_718 : i1 to i32
      %cond3A_720 = arith.constant 0 : i32
      %cond3A_721 = arith.cmpi ne, %convert_element_type3A_719, %cond3A_720 : i32
      scf.if %cond3A_721 {
        %add3A_722 = arith.constant 2 : i32
        %add3A_723 = arith.addi %add3A_459, %add3A_722 : i32
        %mul3A_724 = arith.constant 4 : i32
        %mul3A_725 = arith.muli %add3A_723, %mul3A_724 : i32
        %add3A_726 = arith.addi %add3A_4, %mul3A_725 : i32
        %dma_start3A_727 = arith.constant 1 : i32
        %dma_start3A_728 = arith.constant 0 : i32
        %dma_start3A_729 = arith.constant 0 : i32
        %dma_start3A_730 = arith.constant 0 : i32
        %dma_start3A_731 = tpu.memref_slice %arg9[%dma_start3A_727, %dma_start3A_728, %dma_start3A_729, %dma_start3A_730] : memref<2x6x4x1024xf32, #tpu.memory_space<vmem>> -> memref<1x1x4x1024xf32, #tpu.memory_space<vmem>>
        %dma_start3A_732 = tpu.memref_squeeze %dma_start3A_731 : memref<1x1x4x1024xf32, #tpu.memory_space<vmem>> -> memref<4x1024xf32, #tpu.memory_space<vmem>>
        %dma_start3A_733 = arith.constant 0 : i32
        %dma_start3A_734 = tpu.memref_slice %arg2[%add3A_726, %dma_start3A_733] : memref<16384x1024xf32, #tpu.memory_space<hbm>> -> memref<4x1024xf32, #tpu.memory_space<hbm>>
        %dma_start3A_735 = arith.constant 0 : i32
        %dma_start3A_736 = arith.constant 0 : i32
        %dma_start3A_737 = tpu.memref_slice %arg9[%dma_start3A_727, %dma_start3A_728, %dma_start3A_735, %dma_start3A_736] : memref<2x6x4x1024xf32, #tpu.memory_space<vmem>> -> memref<1x1x4x1024xf32, #tpu.memory_space<vmem>>
        %dma_start3A_738 = tpu.memref_squeeze %dma_start3A_737 : memref<1x1x4x1024xf32, #tpu.memory_space<vmem>> -> memref<4x1024xf32, #tpu.memory_space<vmem>>
        %dma_start3A_739 = arith.constant 0 : i32
        %dma_start3A_740 = tpu.memref_slice %arg2[%add3A_726, %dma_start3A_739] : memref<16384x1024xf32, #tpu.memory_space<hbm>> -> memref<4x1024xf32, #tpu.memory_space<hbm>>
        tpu.enqueue_dma source(%dma_start3A_740 : memref<4x1024xf32, #tpu.memory_space<hbm>>) target(%dma_start3A_738 : memref<4x1024xf32, #tpu.memory_space<vmem>>) target_semaphore(%arg13 : memref<!tpu.dma_semaphore, #tpu.memory_space<semaphore_mem>>)
        %dma_start3A_741 = arith.constant 1 : i32
        %dma_start3A_742 = arith.constant 1 : i32
        %dma_start3A_743 = arith.constant 0 : i32
        %dma_start3A_744 = arith.constant 0 : i32
        %dma_start3A_745 = tpu.memref_slice %arg9[%dma_start3A_741, %dma_start3A_742, %dma_start3A_743, %dma_start3A_744] : memref<2x6x4x1024xf32, #tpu.memory_space<vmem>> -> memref<1x1x4x1024xf32, #tpu.memory_space<vmem>>
        %dma_start3A_746 = tpu.memref_squeeze %dma_start3A_745 : memref<1x1x4x1024xf32, #tpu.memory_space<vmem>> -> memref<4x1024xf32, #tpu.memory_space<vmem>>
        %dma_start3A_747 = arith.constant 0 : i32
        %dma_start3A_748 = tpu.memref_slice %arg3[%add3A_726, %dma_start3A_747] : memref<16384x1024xf32, #tpu.memory_space<hbm>> -> memref<4x1024xf32, #tpu.memory_space<hbm>>
        %dma_start3A_749 = arith.constant 0 : i32
        %dma_start3A_750 = arith.constant 0 : i32
        %dma_start3A_751 = tpu.memref_slice %arg9[%dma_start3A_741, %dma_start3A_742, %dma_start3A_749, %dma_start3A_750] : memref<2x6x4x1024xf32, #tpu.memory_space<vmem>> -> memref<1x1x4x1024xf32, #tpu.memory_space<vmem>>
        %dma_start3A_752 = tpu.memref_squeeze %dma_start3A_751 : memref<1x1x4x1024xf32, #tpu.memory_space<vmem>> -> memref<4x1024xf32, #tpu.memory_space<vmem>>
        %dma_start3A_753 = arith.constant 0 : i32
        %dma_start3A_754 = tpu.memref_slice %arg3[%add3A_726, %dma_start3A_753] : memref<16384x1024xf32, #tpu.memory_space<hbm>> -> memref<4x1024xf32, #tpu.memory_space<hbm>>
        tpu.enqueue_dma source(%dma_start3A_754 : memref<4x1024xf32, #tpu.memory_space<hbm>>) target(%dma_start3A_752 : memref<4x1024xf32, #tpu.memory_space<vmem>>) target_semaphore(%arg13 : memref<!tpu.dma_semaphore, #tpu.memory_space<semaphore_mem>>)
        %dma_start3A_755 = arith.constant 1 : i32
        %dma_start3A_756 = arith.constant 2 : i32
        %dma_start3A_757 = arith.constant 0 : i32
        %dma_start3A_758 = arith.constant 0 : i32
        %dma_start3A_759 = tpu.memref_slice %arg9[%dma_start3A_755, %dma_start3A_756, %dma_start3A_757, %dma_start3A_758] : memref<2x6x4x1024xf32, #tpu.memory_space<vmem>> -> memref<1x1x4x1024xf32, #tpu.memory_space<vmem>>
        %dma_start3A_760 = tpu.memref_squeeze %dma_start3A_759 : memref<1x1x4x1024xf32, #tpu.memory_space<vmem>> -> memref<4x1024xf32, #tpu.memory_space<vmem>>
        %dma_start3A_761 = arith.constant 0 : i32
        %dma_start3A_762 = tpu.memref_slice %arg4[%add3A_726, %dma_start3A_761] : memref<16384x1024xf32, #tpu.memory_space<hbm>> -> memref<4x1024xf32, #tpu.memory_space<hbm>>
        %dma_start3A_763 = arith.constant 0 : i32
        %dma_start3A_764 = arith.constant 0 : i32
        %dma_start3A_765 = tpu.memref_slice %arg9[%dma_start3A_755, %dma_start3A_756, %dma_start3A_763, %dma_start3A_764] : memref<2x6x4x1024xf32, #tpu.memory_space<vmem>> -> memref<1x1x4x1024xf32, #tpu.memory_space<vmem>>
        %dma_start3A_766 = tpu.memref_squeeze %dma_start3A_765 : memref<1x1x4x1024xf32, #tpu.memory_space<vmem>> -> memref<4x1024xf32, #tpu.memory_space<vmem>>
        %dma_start3A_767 = arith.constant 0 : i32
        %dma_start3A_768 = tpu.memref_slice %arg4[%add3A_726, %dma_start3A_767] : memref<16384x1024xf32, #tpu.memory_space<hbm>> -> memref<4x1024xf32, #tpu.memory_space<hbm>>
        tpu.enqueue_dma source(%dma_start3A_768 : memref<4x1024xf32, #tpu.memory_space<hbm>>) target(%dma_start3A_766 : memref<4x1024xf32, #tpu.memory_space<vmem>>) target_semaphore(%arg13 : memref<!tpu.dma_semaphore, #tpu.memory_space<semaphore_mem>>)
        %dma_start3A_769 = arith.constant 1 : i32
        %dma_start3A_770 = arith.constant 3 : i32
        %dma_start3A_771 = arith.constant 0 : i32
        %dma_start3A_772 = arith.constant 0 : i32
        %dma_start3A_773 = tpu.memref_slice %arg9[%dma_start3A_769, %dma_start3A_770, %dma_start3A_771, %dma_start3A_772] : memref<2x6x4x1024xf32, #tpu.memory_space<vmem>> -> memref<1x1x4x1024xf32, #tpu.memory_space<vmem>>
        %dma_start3A_774 = tpu.memref_squeeze %dma_start3A_773 : memref<1x1x4x1024xf32, #tpu.memory_space<vmem>> -> memref<4x1024xf32, #tpu.memory_space<vmem>>
        %dma_start3A_775 = arith.constant 0 : i32
        %dma_start3A_776 = tpu.memref_slice %arg5[%add3A_726, %dma_start3A_775] : memref<16384x1024xf32, #tpu.memory_space<hbm>> -> memref<4x1024xf32, #tpu.memory_space<hbm>>
        %dma_start3A_777 = arith.constant 0 : i32
        %dma_start3A_778 = arith.constant 0 : i32
        %dma_start3A_779 = tpu.memref_slice %arg9[%dma_start3A_769, %dma_start3A_770, %dma_start3A_777, %dma_start3A_778] : memref<2x6x4x1024xf32, #tpu.memory_space<vmem>> -> memref<1x1x4x1024xf32, #tpu.memory_space<vmem>>
        %dma_start3A_780 = tpu.memref_squeeze %dma_start3A_779 : memref<1x1x4x1024xf32, #tpu.memory_space<vmem>> -> memref<4x1024xf32, #tpu.memory_space<vmem>>
        %dma_start3A_781 = arith.constant 0 : i32
        %dma_start3A_782 = tpu.memref_slice %arg5[%add3A_726, %dma_start3A_781] : memref<16384x1024xf32, #tpu.memory_space<hbm>> -> memref<4x1024xf32, #tpu.memory_space<hbm>>
        tpu.enqueue_dma source(%dma_start3A_782 : memref<4x1024xf32, #tpu.memory_space<hbm>>) target(%dma_start3A_780 : memref<4x1024xf32, #tpu.memory_space<vmem>>) target_semaphore(%arg13 : memref<!tpu.dma_semaphore, #tpu.memory_space<semaphore_mem>>)
        %dma_start3A_783 = arith.constant 1 : i32
        %dma_start3A_784 = arith.constant 4 : i32
        %dma_start3A_785 = arith.constant 0 : i32
        %dma_start3A_786 = arith.constant 0 : i32
        %dma_start3A_787 = tpu.memref_slice %arg9[%dma_start3A_783, %dma_start3A_784, %dma_start3A_785, %dma_start3A_786] : memref<2x6x4x1024xf32, #tpu.memory_space<vmem>> -> memref<1x1x4x1024xf32, #tpu.memory_space<vmem>>
        %dma_start3A_788 = tpu.memref_squeeze %dma_start3A_787 : memref<1x1x4x1024xf32, #tpu.memory_space<vmem>> -> memref<4x1024xf32, #tpu.memory_space<vmem>>
        %dma_start3A_789 = arith.constant 0 : i32
        %dma_start3A_790 = tpu.memref_slice %arg6[%add3A_726, %dma_start3A_789] : memref<16384x1024xf32, #tpu.memory_space<hbm>> -> memref<4x1024xf32, #tpu.memory_space<hbm>>
        %dma_start3A_791 = arith.constant 0 : i32
        %dma_start3A_792 = arith.constant 0 : i32
        %dma_start3A_793 = tpu.memref_slice %arg9[%dma_start3A_783, %dma_start3A_784, %dma_start3A_791, %dma_start3A_792] : memref<2x6x4x1024xf32, #tpu.memory_space<vmem>> -> memref<1x1x4x1024xf32, #tpu.memory_space<vmem>>
        %dma_start3A_794 = tpu.memref_squeeze %dma_start3A_793 : memref<1x1x4x1024xf32, #tpu.memory_space<vmem>> -> memref<4x1024xf32, #tpu.memory_space<vmem>>
        %dma_start3A_795 = arith.constant 0 : i32
        %dma_start3A_796 = tpu.memref_slice %arg6[%add3A_726, %dma_start3A_795] : memref<16384x1024xf32, #tpu.memory_space<hbm>> -> memref<4x1024xf32, #tpu.memory_space<hbm>>
        tpu.enqueue_dma source(%dma_start3A_796 : memref<4x1024xf32, #tpu.memory_space<hbm>>) target(%dma_start3A_794 : memref<4x1024xf32, #tpu.memory_space<vmem>>) target_semaphore(%arg13 : memref<!tpu.dma_semaphore, #tpu.memory_space<semaphore_mem>>)
        %dma_start3A_797 = arith.constant 1 : i32
        %dma_start3A_798 = arith.constant 5 : i32
        %dma_start3A_799 = arith.constant 0 : i32
        %dma_start3A_800 = arith.constant 0 : i32
        %dma_start3A_801 = tpu.memref_slice %arg9[%dma_start3A_797, %dma_start3A_798, %dma_start3A_799, %dma_start3A_800] : memref<2x6x4x1024xf32, #tpu.memory_space<vmem>> -> memref<1x1x4x1024xf32, #tpu.memory_space<vmem>>
        %dma_start3A_802 = tpu.memref_squeeze %dma_start3A_801 : memref<1x1x4x1024xf32, #tpu.memory_space<vmem>> -> memref<4x1024xf32, #tpu.memory_space<vmem>>
        %dma_start3A_803 = arith.constant 0 : i32
        %dma_start3A_804 = tpu.memref_slice %arg7[%add3A_726, %dma_start3A_803] : memref<16384x1024xf32, #tpu.memory_space<hbm>> -> memref<4x1024xf32, #tpu.memory_space<hbm>>
        %dma_start3A_805 = arith.constant 0 : i32
        %dma_start3A_806 = arith.constant 0 : i32
        %dma_start3A_807 = tpu.memref_slice %arg9[%dma_start3A_797, %dma_start3A_798, %dma_start3A_805, %dma_start3A_806] : memref<2x6x4x1024xf32, #tpu.memory_space<vmem>> -> memref<1x1x4x1024xf32, #tpu.memory_space<vmem>>
        %dma_start3A_808 = tpu.memref_squeeze %dma_start3A_807 : memref<1x1x4x1024xf32, #tpu.memory_space<vmem>> -> memref<4x1024xf32, #tpu.memory_space<vmem>>
        %dma_start3A_809 = arith.constant 0 : i32
        %dma_start3A_810 = tpu.memref_slice %arg7[%add3A_726, %dma_start3A_809] : memref<16384x1024xf32, #tpu.memory_space<hbm>> -> memref<4x1024xf32, #tpu.memory_space<hbm>>
        tpu.enqueue_dma source(%dma_start3A_810 : memref<4x1024xf32, #tpu.memory_space<hbm>>) target(%dma_start3A_808 : memref<4x1024xf32, #tpu.memory_space<vmem>>) target_semaphore(%arg13 : memref<!tpu.dma_semaphore, #tpu.memory_space<semaphore_mem>>)
      } else {
      }
    }
    %scan3A_179 = arith.constant 4 : i32
    %broadcast_in_dim3A = arith.constant 0.000000e+00 : f32
    %broadcast_in_dim3A_180 = vector.broadcast %broadcast_in_dim3A : f32 to vector<16xf32>
    %scan3A_181 = arith.constant 0 : i32
    %scan3A_182 = arith.constant 32 : i32
    %scan3A_183 = arith.addi %scan3A_181, %scan3A_182 : i32
    %scan3A_184 = arith.constant 1 : i32
    %scan3A_185 = scf.for %scan3A_193 = %scan3A_181 to %scan3A_183 step %scan3A_184 iter_args(%scan3A_194 = %broadcast_in_dim3A_180) -> (vector<16xf32>)  : i32 {
      %mul3A_195 = arith.constant 1 : i32
      %mul3A_196 = arith.muli %scan3A_193, %mul3A_195 : i32
      %add3A_197 = arith.constant 0 : i32
      %add3A_198 = arith.addi %add3A_197, %mul3A_196 : i32
      %get3A = arith.index_cast %add3A_198 : i32 to index
      %get3A_199 = arith.constant 0 : index
      %get3A_200 = tpu.vector_load %arg10[%get3A, %get3A_199] {strides = array<i32>} : memref<32x80xf32, #tpu.memory_space<vmem>>, vector<1x16xf32>,
      %get3A_201 = vector.shape_cast %get3A_200 : vector<1x16xf32> to vector<16xf32>
      %slice3A = vector.extract_strided_slice %get3A_201 {offsets = [0], sizes = [1], strides = [1]} : vector<16xf32> to vector<1xf32>
      %squeeze3A = vector.extract %slice3A[0] : f32 from vector<1xf32>
      %slice3A_202 = vector.extract_strided_slice %get3A_201 {offsets = [1], sizes = [1], strides = [1]} : vector<16xf32> to vector<1xf32>
      %squeeze3A_203 = vector.extract %slice3A_202[0] : f32 from vector<1xf32>
      %add3A_204 = arith.addf %squeeze3A, %squeeze3A_203 : f32
      %slice3A_205 = vector.extract_strided_slice %get3A_201 {offsets = [2], sizes = [1], strides = [1]} : vector<16xf32> to vector<1xf32>
      %squeeze3A_206 = vector.extract %slice3A_205[0] : f32 from vector<1xf32>
      %add3A_207 = arith.addf %add3A_204, %squeeze3A_206 : f32
      %slice3A_208 = vector.extract_strided_slice %get3A_201 {offsets = [3], sizes = [1], strides = [1]} : vector<16xf32> to vector<1xf32>
      %squeeze3A_209 = vector.extract %slice3A_208[0] : f32 from vector<1xf32>
      %add3A_210 = arith.addf %add3A_207, %squeeze3A_209 : f32
      %slice3A_211 = vector.extract_strided_slice %get3A_201 {offsets = [4], sizes = [1], strides = [1]} : vector<16xf32> to vector<1xf32>
      %squeeze3A_212 = vector.extract %slice3A_211[0] : f32 from vector<1xf32>
      %add3A_213 = arith.addf %add3A_210, %squeeze3A_212 : f32
      %slice3A_214 = vector.extract_strided_slice %get3A_201 {offsets = [5], sizes = [1], strides = [1]} : vector<16xf32> to vector<1xf32>
      %squeeze3A_215 = vector.extract %slice3A_214[0] : f32 from vector<1xf32>
      %add3A_216 = arith.addf %add3A_213, %squeeze3A_215 : f32
      %slice3A_217 = vector.extract_strided_slice %get3A_201 {offsets = [6], sizes = [1], strides = [1]} : vector<16xf32> to vector<1xf32>
      %squeeze3A_218 = vector.extract %slice3A_217[0] : f32 from vector<1xf32>
      %add3A_219 = arith.addf %add3A_216, %squeeze3A_218 : f32
      %slice3A_220 = vector.extract_strided_slice %get3A_201 {offsets = [7], sizes = [1], strides = [1]} : vector<16xf32> to vector<1xf32>
      %squeeze3A_221 = vector.extract %slice3A_220[0] : f32 from vector<1xf32>
      %add3A_222 = arith.addf %add3A_219, %squeeze3A_221 : f32
      %slice3A_223 = vector.extract_strided_slice %get3A_201 {offsets = [8], sizes = [1], strides = [1]} : vector<16xf32> to vector<1xf32>
      %squeeze3A_224 = vector.extract %slice3A_223[0] : f32 from vector<1xf32>
      %add3A_225 = arith.addf %add3A_222, %squeeze3A_224 : f32
      %slice3A_226 = vector.extract_strided_slice %get3A_201 {offsets = [9], sizes = [1], strides = [1]} : vector<16xf32> to vector<1xf32>
      %squeeze3A_227 = vector.extract %slice3A_226[0] : f32 from vector<1xf32>
      %add3A_228 = arith.addf %add3A_225, %squeeze3A_227 : f32
      %slice3A_229 = vector.extract_strided_slice %get3A_201 {offsets = [10], sizes = [1], strides = [1]} : vector<16xf32> to vector<1xf32>
      %squeeze3A_230 = vector.extract %slice3A_229[0] : f32 from vector<1xf32>
      %add3A_231 = arith.addf %add3A_228, %squeeze3A_230 : f32
      %slice3A_232 = vector.extract_strided_slice %get3A_201 {offsets = [11], sizes = [1], strides = [1]} : vector<16xf32> to vector<1xf32>
      %squeeze3A_233 = vector.extract %slice3A_232[0] : f32 from vector<1xf32>
      %add3A_234 = arith.addf %add3A_231, %squeeze3A_233 : f32
      %slice3A_235 = vector.extract_strided_slice %get3A_201 {offsets = [12], sizes = [1], strides = [1]} : vector<16xf32> to vector<1xf32>
      %squeeze3A_236 = vector.extract %slice3A_235[0] : f32 from vector<1xf32>
      %add3A_237 = arith.addf %add3A_234, %squeeze3A_236 : f32
      %slice3A_238 = vector.extract_strided_slice %get3A_201 {offsets = [13], sizes = [1], strides = [1]} : vector<16xf32> to vector<1xf32>
      %squeeze3A_239 = vector.extract %slice3A_238[0] : f32 from vector<1xf32>
      %add3A_240 = arith.addf %add3A_237, %squeeze3A_239 : f32
      %slice3A_241 = vector.extract_strided_slice %get3A_201 {offsets = [14], sizes = [1], strides = [1]} : vector<16xf32> to vector<1xf32>
      %squeeze3A_242 = vector.extract %slice3A_241[0] : f32 from vector<1xf32>
      %add3A_243 = arith.addf %add3A_240, %squeeze3A_242 : f32
      %slice3A_244 = vector.extract_strided_slice %get3A_201 {offsets = [15], sizes = [1], strides = [1]} : vector<16xf32> to vector<1xf32>
      %squeeze3A_245 = vector.extract %slice3A_244[0] : f32 from vector<1xf32>
      %add3A_246 = arith.addf %add3A_243, %squeeze3A_245 : f32
      %broadcast_in_dim3A_247 = vector.broadcast %add3A_246 : f32 to vector<16xf32>
      %get3A_248 = arith.index_cast %add3A_198 : i32 to index
      %get3A_249 = arith.constant 16 : index
      %get3A_250 = tpu.vector_load %arg10[%get3A_248, %get3A_249] {strides = array<i32>} : memref<32x80xf32, #tpu.memory_space<vmem>>, vector<1x16xf32>,
      %get3A_251 = vector.shape_cast %get3A_250 : vector<1x16xf32> to vector<16xf32>
      %slice3A_252 = vector.extract_strided_slice %get3A_251 {offsets = [0], sizes = [1], strides = [1]} : vector<16xf32> to vector<1xf32>
      %squeeze3A_253 = vector.extract %slice3A_252[0] : f32 from vector<1xf32>
      %slice3A_254 = vector.extract_strided_slice %get3A_251 {offsets = [1], sizes = [1], strides = [1]} : vector<16xf32> to vector<1xf32>
      %squeeze3A_255 = vector.extract %slice3A_254[0] : f32 from vector<1xf32>
      %add3A_256 = arith.addf %squeeze3A_253, %squeeze3A_255 : f32
      %slice3A_257 = vector.extract_strided_slice %get3A_251 {offsets = [2], sizes = [1], strides = [1]} : vector<16xf32> to vector<1xf32>
      %squeeze3A_258 = vector.extract %slice3A_257[0] : f32 from vector<1xf32>
      %add3A_259 = arith.addf %add3A_256, %squeeze3A_258 : f32
      %slice3A_260 = vector.extract_strided_slice %get3A_251 {offsets = [3], sizes = [1], strides = [1]} : vector<16xf32> to vector<1xf32>
      %squeeze3A_261 = vector.extract %slice3A_260[0] : f32 from vector<1xf32>
      %add3A_262 = arith.addf %add3A_259, %squeeze3A_261 : f32
      %slice3A_263 = vector.extract_strided_slice %get3A_251 {offsets = [4], sizes = [1], strides = [1]} : vector<16xf32> to vector<1xf32>
      %squeeze3A_264 = vector.extract %slice3A_263[0] : f32 from vector<1xf32>
      %add3A_265 = arith.addf %add3A_262, %squeeze3A_264 : f32
      %slice3A_266 = vector.extract_strided_slice %get3A_251 {offsets = [5], sizes = [1], strides = [1]} : vector<16xf32> to vector<1xf32>
      %squeeze3A_267 = vector.extract %slice3A_266[0] : f32 from vector<1xf32>
      %add3A_268 = arith.addf %add3A_265, %squeeze3A_267 : f32
      %slice3A_269 = vector.extract_strided_slice %get3A_251 {offsets = [6], sizes = [1], strides = [1]} : vector<16xf32> to vector<1xf32>
      %squeeze3A_270 = vector.extract %slice3A_269[0] : f32 from vector<1xf32>
      %add3A_271 = arith.addf %add3A_268, %squeeze3A_270 : f32
      %slice3A_272 = vector.extract_strided_slice %get3A_251 {offsets = [7], sizes = [1], strides = [1]} : vector<16xf32> to vector<1xf32>
      %squeeze3A_273 = vector.extract %slice3A_272[0] : f32 from vector<1xf32>
      %add3A_274 = arith.addf %add3A_271, %squeeze3A_273 : f32
      %slice3A_275 = vector.extract_strided_slice %get3A_251 {offsets = [8], sizes = [1], strides = [1]} : vector<16xf32> to vector<1xf32>
      %squeeze3A_276 = vector.extract %slice3A_275[0] : f32 from vector<1xf32>
      %add3A_277 = arith.addf %add3A_274, %squeeze3A_276 : f32
      %slice3A_278 = vector.extract_strided_slice %get3A_251 {offsets = [9], sizes = [1], strides = [1]} : vector<16xf32> to vector<1xf32>
      %squeeze3A_279 = vector.extract %slice3A_278[0] : f32 from vector<1xf32>
      %add3A_280 = arith.addf %add3A_277, %squeeze3A_279 : f32
      %slice3A_281 = vector.extract_strided_slice %get3A_251 {offsets = [10], sizes = [1], strides = [1]} : vector<16xf32> to vector<1xf32>
      %squeeze3A_282 = vector.extract %slice3A_281[0] : f32 from vector<1xf32>
      %add3A_283 = arith.addf %add3A_280, %squeeze3A_282 : f32
      %slice3A_284 = vector.extract_strided_slice %get3A_251 {offsets = [11], sizes = [1], strides = [1]} : vector<16xf32> to vector<1xf32>
      %squeeze3A_285 = vector.extract %slice3A_284[0] : f32 from vector<1xf32>
      %add3A_286 = arith.addf %add3A_283, %squeeze3A_285 : f32
      %slice3A_287 = vector.extract_strided_slice %get3A_251 {offsets = [12], sizes = [1], strides = [1]} : vector<16xf32> to vector<1xf32>
      %squeeze3A_288 = vector.extract %slice3A_287[0] : f32 from vector<1xf32>
      %add3A_289 = arith.addf %add3A_286, %squeeze3A_288 : f32
      %slice3A_290 = vector.extract_strided_slice %get3A_251 {offsets = [13], sizes = [1], strides = [1]} : vector<16xf32> to vector<1xf32>
      %squeeze3A_291 = vector.extract %slice3A_290[0] : f32 from vector<1xf32>
      %add3A_292 = arith.addf %add3A_289, %squeeze3A_291 : f32
      %slice3A_293 = vector.extract_strided_slice %get3A_251 {offsets = [14], sizes = [1], strides = [1]} : vector<16xf32> to vector<1xf32>
      %squeeze3A_294 = vector.extract %slice3A_293[0] : f32 from vector<1xf32>
      %add3A_295 = arith.addf %add3A_292, %squeeze3A_294 : f32
      %slice3A_296 = vector.extract_strided_slice %get3A_251 {offsets = [15], sizes = [1], strides = [1]} : vector<16xf32> to vector<1xf32>
      %squeeze3A_297 = vector.extract %slice3A_296[0] : f32 from vector<1xf32>
      %add3A_298 = arith.addf %add3A_295, %squeeze3A_297 : f32
      %broadcast_in_dim3A_299 = vector.broadcast %add3A_298 : f32 to vector<16xf32>
      %get3A_300 = arith.index_cast %add3A_198 : i32 to index
      %get3A_301 = arith.constant 32 : index
      %get3A_302 = tpu.vector_load %arg10[%get3A_300, %get3A_301] {strides = array<i32>} : memref<32x80xf32, #tpu.memory_space<vmem>>, vector<1x16xf32>,
      %get3A_303 = vector.shape_cast %get3A_302 : vector<1x16xf32> to vector<16xf32>
      %slice3A_304 = vector.extract_strided_slice %get3A_303 {offsets = [0], sizes = [1], strides = [1]} : vector<16xf32> to vector<1xf32>
      %squeeze3A_305 = vector.extract %slice3A_304[0] : f32 from vector<1xf32>
      %slice3A_306 = vector.extract_strided_slice %get3A_303 {offsets = [1], sizes = [1], strides = [1]} : vector<16xf32> to vector<1xf32>
      %squeeze3A_307 = vector.extract %slice3A_306[0] : f32 from vector<1xf32>
      %add3A_308 = arith.addf %squeeze3A_305, %squeeze3A_307 : f32
      %slice3A_309 = vector.extract_strided_slice %get3A_303 {offsets = [2], sizes = [1], strides = [1]} : vector<16xf32> to vector<1xf32>
      %squeeze3A_310 = vector.extract %slice3A_309[0] : f32 from vector<1xf32>
      %add3A_311 = arith.addf %add3A_308, %squeeze3A_310 : f32
      %slice3A_312 = vector.extract_strided_slice %get3A_303 {offsets = [3], sizes = [1], strides = [1]} : vector<16xf32> to vector<1xf32>
      %squeeze3A_313 = vector.extract %slice3A_312[0] : f32 from vector<1xf32>
      %add3A_314 = arith.addf %add3A_311, %squeeze3A_313 : f32
      %slice3A_315 = vector.extract_strided_slice %get3A_303 {offsets = [4], sizes = [1], strides = [1]} : vector<16xf32> to vector<1xf32>
      %squeeze3A_316 = vector.extract %slice3A_315[0] : f32 from vector<1xf32>
      %add3A_317 = arith.addf %add3A_314, %squeeze3A_316 : f32
      %slice3A_318 = vector.extract_strided_slice %get3A_303 {offsets = [5], sizes = [1], strides = [1]} : vector<16xf32> to vector<1xf32>
      %squeeze3A_319 = vector.extract %slice3A_318[0] : f32 from vector<1xf32>
      %add3A_320 = arith.addf %add3A_317, %squeeze3A_319 : f32
      %slice3A_321 = vector.extract_strided_slice %get3A_303 {offsets = [6], sizes = [1], strides = [1]} : vector<16xf32> to vector<1xf32>
      %squeeze3A_322 = vector.extract %slice3A_321[0] : f32 from vector<1xf32>
      %add3A_323 = arith.addf %add3A_320, %squeeze3A_322 : f32
      %slice3A_324 = vector.extract_strided_slice %get3A_303 {offsets = [7], sizes = [1], strides = [1]} : vector<16xf32> to vector<1xf32>
      %squeeze3A_325 = vector.extract %slice3A_324[0] : f32 from vector<1xf32>
      %add3A_326 = arith.addf %add3A_323, %squeeze3A_325 : f32
      %slice3A_327 = vector.extract_strided_slice %get3A_303 {offsets = [8], sizes = [1], strides = [1]} : vector<16xf32> to vector<1xf32>
      %squeeze3A_328 = vector.extract %slice3A_327[0] : f32 from vector<1xf32>
      %add3A_329 = arith.addf %add3A_326, %squeeze3A_328 : f32
      %slice3A_330 = vector.extract_strided_slice %get3A_303 {offsets = [9], sizes = [1], strides = [1]} : vector<16xf32> to vector<1xf32>
      %squeeze3A_331 = vector.extract %slice3A_330[0] : f32 from vector<1xf32>
      %add3A_332 = arith.addf %add3A_329, %squeeze3A_331 : f32
      %slice3A_333 = vector.extract_strided_slice %get3A_303 {offsets = [10], sizes = [1], strides = [1]} : vector<16xf32> to vector<1xf32>
      %squeeze3A_334 = vector.extract %slice3A_333[0] : f32 from vector<1xf32>
      %add3A_335 = arith.addf %add3A_332, %squeeze3A_334 : f32
      %slice3A_336 = vector.extract_strided_slice %get3A_303 {offsets = [11], sizes = [1], strides = [1]} : vector<16xf32> to vector<1xf32>
      %squeeze3A_337 = vector.extract %slice3A_336[0] : f32 from vector<1xf32>
      %add3A_338 = arith.addf %add3A_335, %squeeze3A_337 : f32
      %slice3A_339 = vector.extract_strided_slice %get3A_303 {offsets = [12], sizes = [1], strides = [1]} : vector<16xf32> to vector<1xf32>
      %squeeze3A_340 = vector.extract %slice3A_339[0] : f32 from vector<1xf32>
      %add3A_341 = arith.addf %add3A_338, %squeeze3A_340 : f32
      %slice3A_342 = vector.extract_strided_slice %get3A_303 {offsets = [13], sizes = [1], strides = [1]} : vector<16xf32> to vector<1xf32>
      %squeeze3A_343 = vector.extract %slice3A_342[0] : f32 from vector<1xf32>
      %add3A_344 = arith.addf %add3A_341, %squeeze3A_343 : f32
      %slice3A_345 = vector.extract_strided_slice %get3A_303 {offsets = [14], sizes = [1], strides = [1]} : vector<16xf32> to vector<1xf32>
      %squeeze3A_346 = vector.extract %slice3A_345[0] : f32 from vector<1xf32>
      %add3A_347 = arith.addf %add3A_344, %squeeze3A_346 : f32
      %slice3A_348 = vector.extract_strided_slice %get3A_303 {offsets = [15], sizes = [1], strides = [1]} : vector<16xf32> to vector<1xf32>
      %squeeze3A_349 = vector.extract %slice3A_348[0] : f32 from vector<1xf32>
      %add3A_350 = arith.addf %add3A_347, %squeeze3A_349 : f32
      %broadcast_in_dim3A_351 = vector.broadcast %add3A_350 : f32 to vector<16xf32>
      %get3A_352 = arith.index_cast %add3A_198 : i32 to index
      %get3A_353 = arith.constant 48 : index
      %get3A_354 = tpu.vector_load %arg10[%get3A_352, %get3A_353] {strides = array<i32>} : memref<32x80xf32, #tpu.memory_space<vmem>>, vector<1x16xf32>,
      %get3A_355 = vector.shape_cast %get3A_354 : vector<1x16xf32> to vector<16xf32>
      %slice3A_356 = vector.extract_strided_slice %get3A_355 {offsets = [0], sizes = [1], strides = [1]} : vector<16xf32> to vector<1xf32>
      %squeeze3A_357 = vector.extract %slice3A_356[0] : f32 from vector<1xf32>
      %slice3A_358 = vector.extract_strided_slice %get3A_355 {offsets = [1], sizes = [1], strides = [1]} : vector<16xf32> to vector<1xf32>
      %squeeze3A_359 = vector.extract %slice3A_358[0] : f32 from vector<1xf32>
      %add3A_360 = arith.addf %squeeze3A_357, %squeeze3A_359 : f32
      %slice3A_361 = vector.extract_strided_slice %get3A_355 {offsets = [2], sizes = [1], strides = [1]} : vector<16xf32> to vector<1xf32>
      %squeeze3A_362 = vector.extract %slice3A_361[0] : f32 from vector<1xf32>
      %add3A_363 = arith.addf %add3A_360, %squeeze3A_362 : f32
      %slice3A_364 = vector.extract_strided_slice %get3A_355 {offsets = [3], sizes = [1], strides = [1]} : vector<16xf32> to vector<1xf32>
      %squeeze3A_365 = vector.extract %slice3A_364[0] : f32 from vector<1xf32>
      %add3A_366 = arith.addf %add3A_363, %squeeze3A_365 : f32
      %slice3A_367 = vector.extract_strided_slice %get3A_355 {offsets = [4], sizes = [1], strides = [1]} : vector<16xf32> to vector<1xf32>
      %squeeze3A_368 = vector.extract %slice3A_367[0] : f32 from vector<1xf32>
      %add3A_369 = arith.addf %add3A_366, %squeeze3A_368 : f32
      %slice3A_370 = vector.extract_strided_slice %get3A_355 {offsets = [5], sizes = [1], strides = [1]} : vector<16xf32> to vector<1xf32>
      %squeeze3A_371 = vector.extract %slice3A_370[0] : f32 from vector<1xf32>
      %add3A_372 = arith.addf %add3A_369, %squeeze3A_371 : f32
      %slice3A_373 = vector.extract_strided_slice %get3A_355 {offsets = [6], sizes = [1], strides = [1]} : vector<16xf32> to vector<1xf32>
      %squeeze3A_374 = vector.extract %slice3A_373[0] : f32 from vector<1xf32>
      %add3A_375 = arith.addf %add3A_372, %squeeze3A_374 : f32
      %slice3A_376 = vector.extract_strided_slice %get3A_355 {offsets = [7], sizes = [1], strides = [1]} : vector<16xf32> to vector<1xf32>
      %squeeze3A_377 = vector.extract %slice3A_376[0] : f32 from vector<1xf32>
      %add3A_378 = arith.addf %add3A_375, %squeeze3A_377 : f32
      %slice3A_379 = vector.extract_strided_slice %get3A_355 {offsets = [8], sizes = [1], strides = [1]} : vector<16xf32> to vector<1xf32>
      %squeeze3A_380 = vector.extract %slice3A_379[0] : f32 from vector<1xf32>
      %add3A_381 = arith.addf %add3A_378, %squeeze3A_380 : f32
      %slice3A_382 = vector.extract_strided_slice %get3A_355 {offsets = [9], sizes = [1], strides = [1]} : vector<16xf32> to vector<1xf32>
      %squeeze3A_383 = vector.extract %slice3A_382[0] : f32 from vector<1xf32>
      %add3A_384 = arith.addf %add3A_381, %squeeze3A_383 : f32
      %slice3A_385 = vector.extract_strided_slice %get3A_355 {offsets = [10], sizes = [1], strides = [1]} : vector<16xf32> to vector<1xf32>
      %squeeze3A_386 = vector.extract %slice3A_385[0] : f32 from vector<1xf32>
      %add3A_387 = arith.addf %add3A_384, %squeeze3A_386 : f32
      %slice3A_388 = vector.extract_strided_slice %get3A_355 {offsets = [11], sizes = [1], strides = [1]} : vector<16xf32> to vector<1xf32>
      %squeeze3A_389 = vector.extract %slice3A_388[0] : f32 from vector<1xf32>
      %add3A_390 = arith.addf %add3A_387, %squeeze3A_389 : f32
      %slice3A_391 = vector.extract_strided_slice %get3A_355 {offsets = [12], sizes = [1], strides = [1]} : vector<16xf32> to vector<1xf32>
      %squeeze3A_392 = vector.extract %slice3A_391[0] : f32 from vector<1xf32>
      %add3A_393 = arith.addf %add3A_390, %squeeze3A_392 : f32
      %slice3A_394 = vector.extract_strided_slice %get3A_355 {offsets = [13], sizes = [1], strides = [1]} : vector<16xf32> to vector<1xf32>
      %squeeze3A_395 = vector.extract %slice3A_394[0] : f32 from vector<1xf32>
      %add3A_396 = arith.addf %add3A_393, %squeeze3A_395 : f32
      %slice3A_397 = vector.extract_strided_slice %get3A_355 {offsets = [14], sizes = [1], strides = [1]} : vector<16xf32> to vector<1xf32>
      %squeeze3A_398 = vector.extract %slice3A_397[0] : f32 from vector<1xf32>
      %add3A_399 = arith.addf %add3A_396, %squeeze3A_398 : f32
      %slice3A_400 = vector.extract_strided_slice %get3A_355 {offsets = [15], sizes = [1], strides = [1]} : vector<16xf32> to vector<1xf32>
      %squeeze3A_401 = vector.extract %slice3A_400[0] : f32 from vector<1xf32>
      %add3A_402 = arith.addf %add3A_399, %squeeze3A_401 : f32
      %broadcast_in_dim3A_403 = vector.broadcast %add3A_402 : f32 to vector<16xf32>
      %get3A_404 = arith.index_cast %add3A_198 : i32 to index
      %get3A_405 = arith.constant 64 : index
      %get3A_406 = tpu.vector_load %arg10[%get3A_404, %get3A_405] {strides = array<i32>} : memref<32x80xf32, #tpu.memory_space<vmem>>, vector<1x16xf32>,
      %get3A_407 = vector.shape_cast %get3A_406 : vector<1x16xf32> to vector<16xf32>
      %slice3A_408 = vector.extract_strided_slice %get3A_407 {offsets = [0], sizes = [1], strides = [1]} : vector<16xf32> to vector<1xf32>
      %squeeze3A_409 = vector.extract %slice3A_408[0] : f32 from vector<1xf32>
      %slice3A_410 = vector.extract_strided_slice %get3A_407 {offsets = [1], sizes = [1], strides = [1]} : vector<16xf32> to vector<1xf32>
      %squeeze3A_411 = vector.extract %slice3A_410[0] : f32 from vector<1xf32>
      %add3A_412 = arith.addf %squeeze3A_409, %squeeze3A_411 : f32
      %slice3A_413 = vector.extract_strided_slice %get3A_407 {offsets = [2], sizes = [1], strides = [1]} : vector<16xf32> to vector<1xf32>
      %squeeze3A_414 = vector.extract %slice3A_413[0] : f32 from vector<1xf32>
      %add3A_415 = arith.addf %add3A_412, %squeeze3A_414 : f32
      %slice3A_416 = vector.extract_strided_slice %get3A_407 {offsets = [3], sizes = [1], strides = [1]} : vector<16xf32> to vector<1xf32>
      %squeeze3A_417 = vector.extract %slice3A_416[0] : f32 from vector<1xf32>
      %add3A_418 = arith.addf %add3A_415, %squeeze3A_417 : f32
      %slice3A_419 = vector.extract_strided_slice %get3A_407 {offsets = [4], sizes = [1], strides = [1]} : vector<16xf32> to vector<1xf32>
      %squeeze3A_420 = vector.extract %slice3A_419[0] : f32 from vector<1xf32>
      %add3A_421 = arith.addf %add3A_418, %squeeze3A_420 : f32
      %slice3A_422 = vector.extract_strided_slice %get3A_407 {offsets = [5], sizes = [1], strides = [1]} : vector<16xf32> to vector<1xf32>
      %squeeze3A_423 = vector.extract %slice3A_422[0] : f32 from vector<1xf32>
      %add3A_424 = arith.addf %add3A_421, %squeeze3A_423 : f32
      %slice3A_425 = vector.extract_strided_slice %get3A_407 {offsets = [6], sizes = [1], strides = [1]} : vector<16xf32> to vector<1xf32>
      %squeeze3A_426 = vector.extract %slice3A_425[0] : f32 from vector<1xf32>
      %add3A_427 = arith.addf %add3A_424, %squeeze3A_426 : f32
      %slice3A_428 = vector.extract_strided_slice %get3A_407 {offsets = [7], sizes = [1], strides = [1]} : vector<16xf32> to vector<1xf32>
      %squeeze3A_429 = vector.extract %slice3A_428[0] : f32 from vector<1xf32>
      %add3A_430 = arith.addf %add3A_427, %squeeze3A_429 : f32
      %slice3A_431 = vector.extract_strided_slice %get3A_407 {offsets = [8], sizes = [1], strides = [1]} : vector<16xf32> to vector<1xf32>
      %squeeze3A_432 = vector.extract %slice3A_431[0] : f32 from vector<1xf32>
      %add3A_433 = arith.addf %add3A_430, %squeeze3A_432 : f32
      %slice3A_434 = vector.extract_strided_slice %get3A_407 {offsets = [9], sizes = [1], strides = [1]} : vector<16xf32> to vector<1xf32>
      %squeeze3A_435 = vector.extract %slice3A_434[0] : f32 from vector<1xf32>
      %add3A_436 = arith.addf %add3A_433, %squeeze3A_435 : f32
      %slice3A_437 = vector.extract_strided_slice %get3A_407 {offsets = [10], sizes = [1], strides = [1]} : vector<16xf32> to vector<1xf32>
      %squeeze3A_438 = vector.extract %slice3A_437[0] : f32 from vector<1xf32>
      %add3A_439 = arith.addf %add3A_436, %squeeze3A_438 : f32
      %slice3A_440 = vector.extract_strided_slice %get3A_407 {offsets = [11], sizes = [1], strides = [1]} : vector<16xf32> to vector<1xf32>
      %squeeze3A_441 = vector.extract %slice3A_440[0] : f32 from vector<1xf32>
      %add3A_442 = arith.addf %add3A_439, %squeeze3A_441 : f32
      %slice3A_443 = vector.extract_strided_slice %get3A_407 {offsets = [12], sizes = [1], strides = [1]} : vector<16xf32> to vector<1xf32>
      %squeeze3A_444 = vector.extract %slice3A_443[0] : f32 from vector<1xf32>
      %add3A_445 = arith.addf %add3A_442, %squeeze3A_444 : f32
      %slice3A_446 = vector.extract_strided_slice %get3A_407 {offsets = [13], sizes = [1], strides = [1]} : vector<16xf32> to vector<1xf32>
      %squeeze3A_447 = vector.extract %slice3A_446[0] : f32 from vector<1xf32>
      %add3A_448 = arith.addf %add3A_445, %squeeze3A_447 : f32
      %slice3A_449 = vector.extract_strided_slice %get3A_407 {offsets = [14], sizes = [1], strides = [1]} : vector<16xf32> to vector<1xf32>
      %squeeze3A_450 = vector.extract %slice3A_449[0] : f32 from vector<1xf32>
      %add3A_451 = arith.addf %add3A_448, %squeeze3A_450 : f32
      %slice3A_452 = vector.extract_strided_slice %get3A_407 {offsets = [15], sizes = [1], strides = [1]} : vector<16xf32> to vector<1xf32>
      %squeeze3A_453 = vector.extract %slice3A_452[0] : f32 from vector<1xf32>
      %add3A_454 = arith.addf %add3A_451, %squeeze3A_453 : f32
      %broadcast_in_dim3A_455 = vector.broadcast %add3A_454 : f32 to vector<16xf32>
      %add3A_456 = arith.constant 9.99999993E-9 : f32
      %add3A_457 = vector.broadcast %add3A_456 : f32 to vector<16xf32>
      %add3A_458 = arith.addf %broadcast_in_dim3A_351, %add3A_457 : vector<16xf32>
      %add3A_459 = arith.constant 9.99999993E-9 : f32
      %add3A_460 = vector.broadcast %add3A_459 : f32 to vector<16xf32>
      %add3A_461 = arith.addf %broadcast_in_dim3A_403, %add3A_460 : vector<16xf32>
      %add3A_462 = arith.constant 9.99999993E-9 : f32
      %add3A_463 = vector.broadcast %add3A_462 : f32 to vector<16xf32>
      %add3A_464 = arith.addf %broadcast_in_dim3A_455, %add3A_463 : vector<16xf32>
      %bitcast_convert_type3A = tpu.bitcast %add3A_458 : vector<16xf32> -> vector<16xi32>
      %shift_right_logical3A = arith.constant 1 : i32
      %shift_right_logical3A_465 = vector.broadcast %shift_right_logical3A : i32 to vector<16xi32>
      %shift_right_logical3A_466 = arith.shrui %bitcast_convert_type3A, %shift_right_logical3A_465 : vector<16xi32>
      %sub3A = arith.constant 1597463007 : i32
      %sub3A_467 = vector.broadcast %sub3A : i32 to vector<16xi32>
      %sub3A_468 = arith.subi %sub3A_467, %shift_right_logical3A_466 : vector<16xi32>
      %bitcast_convert_type3A_469 = tpu.bitcast %sub3A_468 : vector<16xi32> -> vector<16xf32>
      %mul3A_470 = arith.constant 5.000000e-01 : f32
      %mul3A_471 = vector.broadcast %mul3A_470 : f32 to vector<16xf32>
      %mul3A_472 = arith.mulf %mul3A_471, %add3A_458 : vector<16xf32>
      %mul3A_473 = arith.mulf %mul3A_472, %bitcast_convert_type3A_469 : vector<16xf32>
      %mul3A_474 = arith.mulf %mul3A_473, %bitcast_convert_type3A_469 : vector<16xf32>
      %sub3A_475 = arith.constant 1.500000e+00 : f32
      %sub3A_476 = vector.broadcast %sub3A_475 : f32 to vector<16xf32>
      %sub3A_477 = arith.subf %sub3A_476, %mul3A_474 : vector<16xf32>
      %mul3A_478 = arith.mulf %bitcast_convert_type3A_469, %sub3A_477 : vector<16xf32>
      %mul3A_479 = arith.constant 5.000000e-01 : f32
      %mul3A_480 = vector.broadcast %mul3A_479 : f32 to vector<16xf32>
      %mul3A_481 = arith.mulf %mul3A_480, %add3A_458 : vector<16xf32>
      %mul3A_482 = arith.mulf %mul3A_481, %mul3A_478 : vector<16xf32>
      %mul3A_483 = arith.mulf %mul3A_482, %mul3A_478 : vector<16xf32>
      %sub3A_484 = arith.constant 1.500000e+00 : f32
      %sub3A_485 = vector.broadcast %sub3A_484 : f32 to vector<16xf32>
      %sub3A_486 = arith.subf %sub3A_485, %mul3A_483 : vector<16xf32>
      %mul3A_487 = arith.mulf %mul3A_478, %sub3A_486 : vector<16xf32>
      %mul3A_488 = arith.constant 5.000000e-01 : f32
      %mul3A_489 = vector.broadcast %mul3A_488 : f32 to vector<16xf32>
      %mul3A_490 = arith.mulf %mul3A_489, %add3A_458 : vector<16xf32>
      %mul3A_491 = arith.mulf %mul3A_490, %mul3A_487 : vector<16xf32>
      %mul3A_492 = arith.mulf %mul3A_491, %mul3A_487 : vector<16xf32>
      %sub3A_493 = arith.constant 1.500000e+00 : f32
      %sub3A_494 = vector.broadcast %sub3A_493 : f32 to vector<16xf32>
      %sub3A_495 = arith.subf %sub3A_494, %mul3A_492 : vector<16xf32>
      %mul3A_496 = arith.mulf %mul3A_487, %sub3A_495 : vector<16xf32>
      %mul3A_497 = arith.mulf %add3A_458, %mul3A_496 : vector<16xf32>
      %bitcast_convert_type3A_498 = tpu.bitcast %add3A_461 : vector<16xf32> -> vector<16xi32>
      %shift_right_logical3A_499 = arith.constant 1 : i32
      %shift_right_logical3A_500 = vector.broadcast %shift_right_logical3A_499 : i32 to vector<16xi32>
      %shift_right_logical3A_501 = arith.shrui %bitcast_convert_type3A_498, %shift_right_logical3A_500 : vector<16xi32>
      %sub3A_502 = arith.constant 1597463007 : i32
      %sub3A_503 = vector.broadcast %sub3A_502 : i32 to vector<16xi32>
      %sub3A_504 = arith.subi %sub3A_503, %shift_right_logical3A_501 : vector<16xi32>
      %bitcast_convert_type3A_505 = tpu.bitcast %sub3A_504 : vector<16xi32> -> vector<16xf32>
      %mul3A_506 = arith.constant 5.000000e-01 : f32
      %mul3A_507 = vector.broadcast %mul3A_506 : f32 to vector<16xf32>
      %mul3A_508 = arith.mulf %mul3A_507, %add3A_461 : vector<16xf32>
      %mul3A_509 = arith.mulf %mul3A_508, %bitcast_convert_type3A_505 : vector<16xf32>
      %mul3A_510 = arith.mulf %mul3A_509, %bitcast_convert_type3A_505 : vector<16xf32>
      %sub3A_511 = arith.constant 1.500000e+00 : f32
      %sub3A_512 = vector.broadcast %sub3A_511 : f32 to vector<16xf32>
      %sub3A_513 = arith.subf %sub3A_512, %mul3A_510 : vector<16xf32>
      %mul3A_514 = arith.mulf %bitcast_convert_type3A_505, %sub3A_513 : vector<16xf32>
      %mul3A_515 = arith.constant 5.000000e-01 : f32
      %mul3A_516 = vector.broadcast %mul3A_515 : f32 to vector<16xf32>
      %mul3A_517 = arith.mulf %mul3A_516, %add3A_461 : vector<16xf32>
      %mul3A_518 = arith.mulf %mul3A_517, %mul3A_514 : vector<16xf32>
      %mul3A_519 = arith.mulf %mul3A_518, %mul3A_514 : vector<16xf32>
      %sub3A_520 = arith.constant 1.500000e+00 : f32
      %sub3A_521 = vector.broadcast %sub3A_520 : f32 to vector<16xf32>
      %sub3A_522 = arith.subf %sub3A_521, %mul3A_519 : vector<16xf32>
      %mul3A_523 = arith.mulf %mul3A_514, %sub3A_522 : vector<16xf32>
      %mul3A_524 = arith.constant 5.000000e-01 : f32
      %mul3A_525 = vector.broadcast %mul3A_524 : f32 to vector<16xf32>
      %mul3A_526 = arith.mulf %mul3A_525, %add3A_461 : vector<16xf32>
      %mul3A_527 = arith.mulf %mul3A_526, %mul3A_523 : vector<16xf32>
      %mul3A_528 = arith.mulf %mul3A_527, %mul3A_523 : vector<16xf32>
      %sub3A_529 = arith.constant 1.500000e+00 : f32
      %sub3A_530 = vector.broadcast %sub3A_529 : f32 to vector<16xf32>
      %sub3A_531 = arith.subf %sub3A_530, %mul3A_528 : vector<16xf32>
      %mul3A_532 = arith.mulf %mul3A_523, %sub3A_531 : vector<16xf32>
      %mul3A_533 = arith.mulf %add3A_461, %mul3A_532 : vector<16xf32>
      %bitcast_convert_type3A_534 = tpu.bitcast %add3A_464 : vector<16xf32> -> vector<16xi32>
      %shift_right_logical3A_535 = arith.constant 1 : i32
      %shift_right_logical3A_536 = vector.broadcast %shift_right_logical3A_535 : i32 to vector<16xi32>
      %shift_right_logical3A_537 = arith.shrui %bitcast_convert_type3A_534, %shift_right_logical3A_536 : vector<16xi32>
      %sub3A_538 = arith.constant 1597463007 : i32
      %sub3A_539 = vector.broadcast %sub3A_538 : i32 to vector<16xi32>
      %sub3A_540 = arith.subi %sub3A_539, %shift_right_logical3A_537 : vector<16xi32>
      %bitcast_convert_type3A_541 = tpu.bitcast %sub3A_540 : vector<16xi32> -> vector<16xf32>
      %mul3A_542 = arith.constant 5.000000e-01 : f32
      %mul3A_543 = vector.broadcast %mul3A_542 : f32 to vector<16xf32>
      %mul3A_544 = arith.mulf %mul3A_543, %add3A_464 : vector<16xf32>
      %mul3A_545 = arith.mulf %mul3A_544, %bitcast_convert_type3A_541 : vector<16xf32>
      %mul3A_546 = arith.mulf %mul3A_545, %bitcast_convert_type3A_541 : vector<16xf32>
      %sub3A_547 = arith.constant 1.500000e+00 : f32
      %sub3A_548 = vector.broadcast %sub3A_547 : f32 to vector<16xf32>
      %sub3A_549 = arith.subf %sub3A_548, %mul3A_546 : vector<16xf32>
      %mul3A_550 = arith.mulf %bitcast_convert_type3A_541, %sub3A_549 : vector<16xf32>
      %mul3A_551 = arith.constant 5.000000e-01 : f32
      %mul3A_552 = vector.broadcast %mul3A_551 : f32 to vector<16xf32>
      %mul3A_553 = arith.mulf %mul3A_552, %add3A_464 : vector<16xf32>
      %mul3A_554 = arith.mulf %mul3A_553, %mul3A_550 : vector<16xf32>
      %mul3A_555 = arith.mulf %mul3A_554, %mul3A_550 : vector<16xf32>
      %sub3A_556 = arith.constant 1.500000e+00 : f32
      %sub3A_557 = vector.broadcast %sub3A_556 : f32 to vector<16xf32>
      %sub3A_558 = arith.subf %sub3A_557, %mul3A_555 : vector<16xf32>
      %mul3A_559 = arith.mulf %mul3A_550, %sub3A_558 : vector<16xf32>
      %mul3A_560 = arith.constant 5.000000e-01 : f32
      %mul3A_561 = vector.broadcast %mul3A_560 : f32 to vector<16xf32>
      %mul3A_562 = arith.mulf %mul3A_561, %add3A_464 : vector<16xf32>
      %mul3A_563 = arith.mulf %mul3A_562, %mul3A_559 : vector<16xf32>
      %mul3A_564 = arith.mulf %mul3A_563, %mul3A_559 : vector<16xf32>
      %sub3A_565 = arith.constant 1.500000e+00 : f32
      %sub3A_566 = vector.broadcast %sub3A_565 : f32 to vector<16xf32>
      %sub3A_567 = arith.subf %sub3A_566, %mul3A_564 : vector<16xf32>
      %mul3A_568 = arith.mulf %mul3A_559, %sub3A_567 : vector<16xf32>
      %mul3A_569 = arith.mulf %add3A_464, %mul3A_568 : vector<16xf32>
      %mul3A_570 = arith.mulf %mul3A_497, %mul3A_533 : vector<16xf32>
      %add3A_571 = arith.constant 9.99999993E-9 : f32
      %add3A_572 = vector.broadcast %add3A_571 : f32 to vector<16xf32>
      %add3A_573 = arith.addf %mul3A_570, %add3A_572 : vector<16xf32>
      %div3A = arith.divf %broadcast_in_dim3A_247, %add3A_573 : vector<16xf32>
      %mul3A_574 = arith.mulf %mul3A_497, %mul3A_569 : vector<16xf32>
      %add3A_575 = arith.constant 9.99999993E-9 : f32
      %add3A_576 = vector.broadcast %add3A_575 : f32 to vector<16xf32>
      %add3A_577 = arith.addf %mul3A_574, %add3A_576 : vector<16xf32>
      %div3A_578 = arith.divf %broadcast_in_dim3A_299, %add3A_577 : vector<16xf32>
      %sub3A_579 = arith.subf %div3A_578, %div3A : vector<16xf32>
      %mul3A_580 = arith.constant 1.000000e+01 : f32
      %mul3A_581 = vector.broadcast %mul3A_580 : f32 to vector<16xf32>
      %mul3A_582 = arith.mulf %sub3A_579, %mul3A_581 : vector<16xf32>
      %abs3A = math.absf %mul3A_582 : vector<16xf32>
      %neg3A = arith.constant 0.000000e+00 : f32
      %neg3A_583 = vector.broadcast %neg3A : f32 to vector<16xf32>
      %neg3A_584 = arith.subf %neg3A_583, %abs3A : vector<16xf32>
      %exp3A = math.exp %neg3A_584 : vector<16xf32>
      %max3A = arith.constant 0.000000e+00 : f32
      %max3A_585 = vector.broadcast %max3A : f32 to vector<16xf32>
      %max3A_586 = arith.maximumf %mul3A_582, %max3A_585 : vector<16xf32>
      %add3A_587 = arith.constant 2.000000e+00 : f32
      %add3A_588 = vector.broadcast %add3A_587 : f32 to vector<16xf32>
      %add3A_589 = arith.addf %add3A_588, %exp3A : vector<16xf32>
      %div3A_590 = arith.divf %exp3A, %add3A_589 : vector<16xf32>
      %mul3A_591 = arith.mulf %div3A_590, %div3A_590 : vector<16xf32>
      %mul3A_592 = arith.constant 2.000000e+00 : f32
      %mul3A_593 = vector.broadcast %mul3A_592 : f32 to vector<16xf32>
      %mul3A_594 = arith.mulf %mul3A_593, %div3A_590 : vector<16xf32>
      %mul3A_595 = arith.constant 0.111111112 : f32
      %mul3A_596 = vector.broadcast %mul3A_595 : f32 to vector<16xf32>
      %mul3A_597 = arith.mulf %mul3A_591, %mul3A_596 : vector<16xf32>
      %add3A_598 = arith.constant 0.142857149 : f32
      %add3A_599 = vector.broadcast %add3A_598 : f32 to vector<16xf32>
      %add3A_600 = arith.addf %add3A_599, %mul3A_597 : vector<16xf32>
      %mul3A_601 = arith.mulf %mul3A_591, %add3A_600 : vector<16xf32>
      %add3A_602 = arith.constant 2.000000e-01 : f32
      %add3A_603 = vector.broadcast %add3A_602 : f32 to vector<16xf32>
      %add3A_604 = arith.addf %add3A_603, %mul3A_601 : vector<16xf32>
      %mul3A_605 = arith.mulf %mul3A_591, %add3A_604 : vector<16xf32>
      %add3A_606 = arith.constant 0.333333343 : f32
      %add3A_607 = vector.broadcast %add3A_606 : f32 to vector<16xf32>
      %add3A_608 = arith.addf %add3A_607, %mul3A_605 : vector<16xf32>
      %mul3A_609 = arith.mulf %mul3A_591, %add3A_608 : vector<16xf32>
      %add3A_610 = arith.constant 1.000000e+00 : f32
      %add3A_611 = vector.broadcast %add3A_610 : f32 to vector<16xf32>
      %add3A_612 = arith.addf %add3A_611, %mul3A_609 : vector<16xf32>
      %mul3A_613 = arith.mulf %mul3A_594, %add3A_612 : vector<16xf32>
      %add3A_614 = arith.addf %max3A_586, %mul3A_613 : vector<16xf32>
      %add3A_615 = arith.constant 1.000000e+00 : f32
      %add3A_616 = vector.broadcast %add3A_615 : f32 to vector<16xf32>
      %add3A_617 = arith.addf %div3A_578, %add3A_616 : vector<16xf32>
      %max3A_618 = arith.constant 0.000000e+00 : f32
      %max3A_619 = vector.broadcast %max3A_618 : f32 to vector<16xf32>
      %max3A_620 = arith.maximumf %add3A_617, %max3A_619 : vector<16xf32>
      %add3A_621 = arith.addf %scan3A_194, %add3A_614 : vector<16xf32>
      %add3A_622 = arith.addf %add3A_621, %max3A_620 : vector<16xf32>
      scf.yield %add3A_622 : vector<16xf32>
    }
    %scan3A_186 = arith.constant 32 : i32
    %mul3A_187 = arith.constant 6.250000e-02 : f32
    %mul3A_188 = vector.broadcast %mul3A_187 : f32 to vector<16xf32>
    %mul3A_189 = arith.mulf %scan3A_185, %mul3A_188 : vector<16xf32>
    %swap3A = arith.constant 0 : index
    %swap3A_190 = tpu.vector_load %arg11[%swap3A] {strides = array<i32>} : memref<16xf32, #tpu.memory_space<vmem>>, vector<16xf32>,
    %swap3A_191 = vector.shape_cast %swap3A_190 : vector<16xf32> to vector<16xf32>
    %swap3A_192 = vector.shape_cast %mul3A_189 : vector<16xf32> to vector<16xf32>
    tpu.vector_store %arg11[%swap3A], %swap3A_192 {strides = array<i32>} : memref<16xf32, #tpu.memory_space<vmem>>, vector<16xf32>,
    "tpu.region"() ({
      %run_scoped3A = tpu.sem_alloc : memref<!tpu.dma_semaphore, #tpu.memory_space<semaphore_mem>>
      %dma_start3A_193 = arith.constant 0 : i32
      %dma_start3A_194 = tpu.memref_slice %arg8[%add3A, %dma_start3A_193] : memref<32x16xf32, #tpu.memory_space<hbm>> -> memref<1x16xf32, #tpu.memory_space<hbm>>
      %dma_start3A_195 = tpu.memref_squeeze %dma_start3A_194 : memref<1x16xf32, #tpu.memory_space<hbm>> -> memref<16xf32, #tpu.memory_space<hbm>>
      %dma_start3A_196 = arith.constant 0 : i32
      %dma_start3A_197 = tpu.memref_slice %arg8[%add3A, %dma_start3A_196] : memref<32x16xf32, #tpu.memory_space<hbm>> -> memref<1x16xf32, #tpu.memory_space<hbm>>
      %dma_start3A_198 = tpu.memref_squeeze %dma_start3A_197 : memref<1x16xf32, #tpu.memory_space<hbm>> -> memref<16xf32, #tpu.memory_space<hbm>>
      tpu.enqueue_dma source(%arg11 : memref<16xf32, #tpu.memory_space<vmem>>) target(%dma_start3A_198 : memref<16xf32, #tpu.memory_space<hbm>>) target_semaphore(%run_scoped3A : memref<!tpu.dma_semaphore, #tpu.memory_space<semaphore_mem>>)
      %dma_wait3A = arith.constant 0 : i32
      %dma_wait3A_199 = tpu.memref_slice %arg8[%add3A, %dma_wait3A] : memref<32x16xf32, #tpu.memory_space<hbm>> -> memref<1x16xf32, #tpu.memory_space<hbm>>
      %dma_wait3A_200 = tpu.memref_squeeze %dma_wait3A_199 : memref<1x16xf32, #tpu.memory_space<hbm>> -> memref<16xf32, #tpu.memory_space<hbm>>
      %dma_wait3A_201 = arith.constant 0 : i32
      %dma_wait3A_202 = tpu.memref_slice %arg8[%add3A, %dma_wait3A_201] : memref<32x16xf32, #tpu.memory_space<hbm>> -> memref<1x16xf32, #tpu.memory_space<hbm>>
      %dma_wait3A_203 = tpu.memref_squeeze %dma_wait3A_202 : memref<1x16xf32, #tpu.memory_space<hbm>> -> memref<16xf32, #tpu.memory_space<hbm>>
      tpu.wait_dma2 semaphore(%run_scoped3A : memref<!tpu.dma_semaphore, #tpu.memory_space<semaphore_mem>>) src(%arg11 : memref<16xf32, #tpu.memory_space<vmem>>) dst(%dma_wait3A_203 : memref<16xf32, #tpu.memory_space<hbm>>)
      tpu.yield
    }) : () -> ()
    return
  }
}

module attributes {stable_mosaic.version = 14 : i64} {
  func.func @_tc_body(%arg0: i32, %arg1: memref<512x1024xf32, #tpu.memory_space<vmem>>, %arg2: memref<512x1024xf32, #tpu.memory_space<vmem>>, %arg3: memref<512x1024xf32, #tpu.memory_space<vmem>>, %arg4: memref<512x1024xf32, #tpu.memory_space<vmem>>, %arg5: memref<512x1024xf32, #tpu.memory_space<vmem>>, %arg6: memref<512x1024xf32, #tpu.memory_space<vmem>>, %arg7: memref<1x1xf32, #tpu.memory_space<smem>>) attributes {dimension_semantics = [#tpu.dimension_semantics<arbitrary>], iteration_bounds = array<i64: 30>, scalar_prefetch = 0 : i64, scratch_operands = 0 : i64, tpu.core_type = #tpu.core_type<tc>, window_params = [{transform_indices = @transform_0, window_bounds = array<i64: 512, 1024>}, {transform_indices = @transform_1, window_bounds = array<i64: 512, 1024>}, {transform_indices = @transform_2, window_bounds = array<i64: 512, 1024>}, {transform_indices = @transform_3, window_bounds = array<i64: 512, 1024>}, {transform_indices = @transform_4, window_bounds = array<i64: 512, 1024>}, {transform_indices = @transform_5, window_bounds = array<i64: 512, 1024>}, {transform_indices = @transform_6, window_bounds = array<i64: 1, 1>}]} {
    %get3A = arith.constant 0 : index
    %get3A_0 = arith.constant 0 : index
    %get3A_1 = vector.load %arg1[%get3A, %get3A_0] : memref<512x1024xf32, #tpu.memory_space<vmem>>, vector<512x1024xf32>
    %get3A_2 = arith.constant 0 : index
    %get3A_3 = arith.constant 0 : index
    %get3A_4 = vector.load %arg2[%get3A_2, %get3A_3] : memref<512x1024xf32, #tpu.memory_space<vmem>>, vector<512x1024xf32>
    %get3A_5 = arith.constant 0 : index
    %get3A_6 = arith.constant 0 : index
    %get3A_7 = vector.load %arg3[%get3A_5, %get3A_6] : memref<512x1024xf32, #tpu.memory_space<vmem>>, vector<512x1024xf32>
    %get3A_8 = arith.constant 0 : index
    %get3A_9 = arith.constant 0 : index
    %get3A_10 = vector.load %arg4[%get3A_8, %get3A_9] : memref<512x1024xf32, #tpu.memory_space<vmem>>, vector<512x1024xf32>
    %get3A_11 = arith.constant 0 : index
    %get3A_12 = arith.constant 0 : index
    %get3A_13 = vector.load %arg5[%get3A_11, %get3A_12] : memref<512x1024xf32, #tpu.memory_space<vmem>>, vector<512x1024xf32>
    %get3A_14 = arith.constant 0 : index
    %get3A_15 = arith.constant 0 : index
    %get3A_16 = vector.load %arg6[%get3A_14, %get3A_15] : memref<512x1024xf32, #tpu.memory_space<vmem>>, vector<512x1024xf32>
    %mul3A = arith.mulf %get3A_1, %get3A_7 : vector<512x1024xf32>
    %mul3A_17 = arith.mulf %get3A_4, %get3A_10 : vector<512x1024xf32>
    %add3A = arith.addf %mul3A, %mul3A_17 : vector<512x1024xf32>
    %reduce_sum3A = arith.constant dense<0.000000e+00> : vector<512xf32>
    %reduce_sum3A_18 = vector.multi_reduction <add>, %add3A, %reduce_sum3A [1] : vector<512x1024xf32> to vector<512xf32>
    %mul3A_19 = arith.mulf %get3A_1, %get3A_13 : vector<512x1024xf32>
    %mul3A_20 = arith.mulf %get3A_4, %get3A_16 : vector<512x1024xf32>
    %add3A_21 = arith.addf %mul3A_19, %mul3A_20 : vector<512x1024xf32>
    %reduce_sum3A_22 = arith.constant dense<0.000000e+00> : vector<512xf32>
    %reduce_sum3A_23 = vector.multi_reduction <add>, %add3A_21, %reduce_sum3A_22 [1] : vector<512x1024xf32> to vector<512xf32>
    %mul3A_24 = arith.mulf %get3A_1, %get3A_1 : vector<512x1024xf32>
    %mul3A_25 = arith.mulf %get3A_4, %get3A_4 : vector<512x1024xf32>
    %add3A_26 = arith.addf %mul3A_24, %mul3A_25 : vector<512x1024xf32>
    %reduce_sum3A_27 = arith.constant dense<0.000000e+00> : vector<512xf32>
    %reduce_sum3A_28 = vector.multi_reduction <add>, %add3A_26, %reduce_sum3A_27 [1] : vector<512x1024xf32> to vector<512xf32>
    %mul3A_29 = arith.mulf %get3A_7, %get3A_7 : vector<512x1024xf32>
    %mul3A_30 = arith.mulf %get3A_10, %get3A_10 : vector<512x1024xf32>
    %add3A_31 = arith.addf %mul3A_29, %mul3A_30 : vector<512x1024xf32>
    %reduce_sum3A_32 = arith.constant dense<0.000000e+00> : vector<512xf32>
    %reduce_sum3A_33 = vector.multi_reduction <add>, %add3A_31, %reduce_sum3A_32 [1] : vector<512x1024xf32> to vector<512xf32>
    %mul3A_34 = arith.mulf %get3A_13, %get3A_13 : vector<512x1024xf32>
    %mul3A_35 = arith.mulf %get3A_16, %get3A_16 : vector<512x1024xf32>
    %add3A_36 = arith.addf %mul3A_34, %mul3A_35 : vector<512x1024xf32>
    %reduce_sum3A_37 = arith.constant dense<0.000000e+00> : vector<512xf32>
    %reduce_sum3A_38 = vector.multi_reduction <add>, %add3A_36, %reduce_sum3A_37 [1] : vector<512x1024xf32> to vector<512xf32>
    %add3A_39 = arith.constant 9.99999993E-9 : f32
    %add3A_40 = vector.broadcast %add3A_39 : f32 to vector<512xf32>
    %add3A_41 = arith.addf %reduce_sum3A_28, %add3A_40 : vector<512xf32>
    %sqrt3A = math.sqrt %add3A_41 : vector<512xf32>
    %add3A_42 = arith.constant 9.99999993E-9 : f32
    %add3A_43 = vector.broadcast %add3A_42 : f32 to vector<512xf32>
    %add3A_44 = arith.addf %reduce_sum3A_33, %add3A_43 : vector<512xf32>
    %sqrt3A_45 = math.sqrt %add3A_44 : vector<512xf32>
    %add3A_46 = arith.constant 9.99999993E-9 : f32
    %add3A_47 = vector.broadcast %add3A_46 : f32 to vector<512xf32>
    %add3A_48 = arith.addf %reduce_sum3A_38, %add3A_47 : vector<512xf32>
    %sqrt3A_49 = math.sqrt %add3A_48 : vector<512xf32>
    %mul3A_50 = arith.mulf %sqrt3A, %sqrt3A_45 : vector<512xf32>
    %add3A_51 = arith.constant 9.99999993E-9 : f32
    %add3A_52 = vector.broadcast %add3A_51 : f32 to vector<512xf32>
    %add3A_53 = arith.addf %mul3A_50, %add3A_52 : vector<512xf32>
    %div3A = arith.divf %reduce_sum3A_18, %add3A_53 : vector<512xf32>
    %mul3A_54 = arith.mulf %sqrt3A, %sqrt3A_49 : vector<512xf32>
    %add3A_55 = arith.constant 9.99999993E-9 : f32
    %add3A_56 = vector.broadcast %add3A_55 : f32 to vector<512xf32>
    %add3A_57 = arith.addf %mul3A_54, %add3A_56 : vector<512xf32>
    %div3A_58 = arith.divf %reduce_sum3A_23, %add3A_57 : vector<512xf32>
    %sub3A = arith.subf %div3A_58, %div3A : vector<512xf32>
    %div3A_59 = arith.constant 1.000000e-01 : f32
    %div3A_60 = vector.broadcast %div3A_59 : f32 to vector<512xf32>
    %div3A_61 = arith.divf %sub3A, %div3A_60 : vector<512xf32>
    %max3A = arith.constant 0.000000e+00 : f32
    %max3A_62 = vector.broadcast %max3A : f32 to vector<512xf32>
    %max3A_63 = arith.maximumf %div3A_61, %max3A_62 : vector<512xf32>
    %abs3A = math.absf %div3A_61 : vector<512xf32>
    %neg3A = arith.constant 0.000000e+00 : f32
    %neg3A_64 = vector.broadcast %neg3A : f32 to vector<512xf32>
    %neg3A_65 = arith.subf %neg3A_64, %abs3A : vector<512xf32>
    %exp3A = math.exp %neg3A_65 : vector<512xf32>
    %log1p3A = math.log1p %exp3A : vector<512xf32>
    %add3A_66 = arith.addf %max3A_63, %log1p3A : vector<512xf32>
    %add3A_67 = arith.constant 1.000000e+00 : f32
    %add3A_68 = vector.broadcast %add3A_67 : f32 to vector<512xf32>
    %add3A_69 = arith.addf %div3A_58, %add3A_68 : vector<512xf32>
    %max3A_70 = arith.constant 0.000000e+00 : f32
    %max3A_71 = vector.broadcast %max3A_70 : f32 to vector<512xf32>
    %max3A_72 = arith.maximumf %add3A_69, %max3A_71 : vector<512xf32>
    %add3A_73 = arith.addf %add3A_66, %max3A_72 : vector<512xf32>
    %reduce_sum3A_74 = vector.shape_cast %add3A_73 : vector<512xf32> to vector<1x512xf32>
    %reduce_sum3A_75 = arith.constant dense<0.000000e+00> : vector<1xf32>
    %reduce_sum3A_76 = vector.multi_reduction <add>, %reduce_sum3A_74, %reduce_sum3A_75 [1] : vector<1x512xf32> to vector<1xf32>
    %reduce_sum3A_77 = vector.shape_cast %reduce_sum3A_76 : vector<1xf32> to vector<1x1xf32>
    %reduce_sum3A_78 = vector.extract %reduce_sum3A_77[0, 0] : f32 from vector<1x1xf32>
    %eq3A = arith.constant 0 : i32
    %eq3A_79 = arith.cmpi eq, %arg0, %eq3A : i32
    %convert_element_type3A = arith.extui %eq3A_79 : i1 to i32
    %cond3A = arith.constant 0 : i32
    %cond3A_80 = arith.cmpi ne, %convert_element_type3A, %cond3A : i32
    scf.if %cond3A_80 {
      %swap3A_87 = arith.constant 0.000000e+00 : f32
      %swap3A_88 = arith.constant 0 : index
      %swap3A_89 = arith.constant 0 : index
      %swap3A_90 = memref.load %arg7[%swap3A_88, %swap3A_89] : memref<1x1xf32, #tpu.memory_space<smem>>
      memref.store %swap3A_87, %arg7[%swap3A_88, %swap3A_89] : memref<1x1xf32, #tpu.memory_space<smem>>
    } else {
    }
    %get3A_81 = arith.constant 0 : index
    %get3A_82 = arith.constant 0 : index
    %get3A_83 = memref.load %arg7[%get3A_81, %get3A_82] : memref<1x1xf32, #tpu.memory_space<smem>>
    %add3A_84 = arith.addf %get3A_83, %reduce_sum3A_78 : f32
    %swap3A = arith.constant 0 : index
    %swap3A_85 = arith.constant 0 : index
    %swap3A_86 = memref.load %arg7[%swap3A, %swap3A_85] : memref<1x1xf32, #tpu.memory_space<smem>>
    memref.store %add3A_84, %arg7[%swap3A, %swap3A_85] : memref<1x1xf32, #tpu.memory_space<smem>>
    return
  }
  func.func @transform_0(%arg0: i32) -> (i32, i32) {
    %c0_i32 = arith.constant 0 : i32
    %c0_i32_0 = arith.constant 0 : i32
    return %arg0, %c0_i32 : i32, i32
  }
  func.func @transform_1(%arg0: i32) -> (i32, i32) {
    %c0_i32 = arith.constant 0 : i32
    %c0_i32_0 = arith.constant 0 : i32
    return %arg0, %c0_i32 : i32, i32
  }
  func.func @transform_2(%arg0: i32) -> (i32, i32) {
    %c0_i32 = arith.constant 0 : i32
    %c0_i32_0 = arith.constant 0 : i32
    return %arg0, %c0_i32 : i32, i32
  }
  func.func @transform_3(%arg0: i32) -> (i32, i32) {
    %c0_i32 = arith.constant 0 : i32
    %c0_i32_0 = arith.constant 0 : i32
    return %arg0, %c0_i32 : i32, i32
  }
  func.func @transform_4(%arg0: i32) -> (i32, i32) {
    %c0_i32 = arith.constant 0 : i32
    %c0_i32_0 = arith.constant 0 : i32
    return %arg0, %c0_i32 : i32, i32
  }
  func.func @transform_5(%arg0: i32) -> (i32, i32) {
    %c0_i32 = arith.constant 0 : i32
    %c0_i32_0 = arith.constant 0 : i32
    return %arg0, %c0_i32 : i32, i32
  }
  func.func @transform_6(%arg0: i32) -> (i32, i32) {
    %c0_i32 = arith.constant 0 : i32
    %c0_i32_0 = arith.constant 0 : i32
    %c0_i32_1 = arith.constant 0 : i32
    return %c0_i32, %c0_i32_0 : i32, i32
  }
}

</mosaic_0001>

<sc_bundles>
// kernel: kernel.4.cloned.1.call-start
scs
__scs_entry_jumppad:
0x0: {  	(pc) =	sbr.rel $0x88, $3  }
0x1: {  	(tag) =	ssettag $0x0;
	lr =	simm.s32 $0x1  }
0x2: {  	[smem:$0x3F9B] =	sst lr;
	_ =	strace $0xD0000000  }
0x3: {  	_ = 	snop  }
0x4: {  	_ = 	snop  }
0x5: {  	_ = 	snop  }
0x6: {  	_ = 	snop  }
0x7: {  	_ = 	snop  }
__scs_overlays_trampoline_lowered:
0x8: {  	[smem:$0x3FAA] =	sst s0  }
0x9: {  	[smem:$0x3FAB] =	sst s1  }
0xa: {  	[smem:$0x3FAC] =	sst s2  }
0xb: {  	[smem:$0x3FAD] =	sst s3  }
0xc: {  	[smem:$0x3FAE] =	sst s4  }
0xd: {  	[smem:$0x3FAF] =	sst s5  }
0xe: {  	[smem:$0x3FB0] =	sst s6  }
0xf: {  	[smem:$0x3FB1] =	sst s7  }
0x10: {  	[smem:$0x3FB2] =	sst s8  }
0x11: {  	[smem:$0x3FB3] =	sst s9;
	s0 =	simm.s32 @!p0 $0x0  }
0x12: {  	s1 =	sld [smem:$0x3F99];
	s0 =	simm.s32 @p0 $0x1  }
0x13: {  	[smem:$0x3FB4] =	sst s0;
	s0 =	simm.s32 @!p1 $0x0  }
0x14: {  	s2 =	sld [smem:$0x3F98];
	s0 =	simm.s32 @p1 $0x1  }
0x15: {  	[smem:$0x3FB5] =	sst s0;
	s0 =	simm.s32 @!p2 $0x0  }
0x16: {  	s3 =	sld [smem:$0x3FDB];
	s0 =	simm.s32 @p2 $0x1  }
0x17: {  	s4 =	simm.s32 $0x1BF5;
	[smem:$0x3FB7] =	sst s0  }
0x18: {  	s0 =	sld [smem:$0x3F9A];
	_ =	swait.ge [sflag:s4], $0x0  }
0x19: {  	s7 =	sld [smem:$0x3F9B]  }
0x1a: {  	s8 =	sadd.s32 $0xFFFFE003, lr  }
0x1b: {  	s9 =	sadd.s32 $0xFFFFFEF7, lr;
	s5 =	simm.s32 $0xFFFFFFFF;
	p2 =	slt.u32 s8, $0xFFFFF086  }
0x1c: {  	p1 =	slt.u32 s9, $0xF7A;
	s5 =	simm.s32 @!p2 $0x0  }
0x1d: {  	s5 =	simm.s32 @p1 $0x1;
	p0 =	seq.s32 s7, s2  }
0x1e: {  	s7 =	smul.u32 @!p0 $0xF7A, s2;
	p2 =	seq.s32 @!p0 s5, $0x0  }
0x1f: {  	s9 =	smul.u32 $0xF7A, s1;
	s8 =	simm.s32 @!p0 $0x1BF5;
	p2 =	por !p2, p0  }
0x20: {  	[sflag:s8] =	ssyncset.s32 @!p0 $0xFFFFF086;
	s6 =	sadd.s32 @!p0 s3, s7;
	s7 =	simm.s32 @!p0 $0x108  }
0x21: {  	s3 =	sadd.s32 s3, s9;
	s6 =	sadd.s32 @!p0 $0x88, s6;
	s7 =	simm.s32 @p2 $0x1082  }
0x22: {  	[simem:s7], [sflag:s8] =	dma.local @!p0 [hbm:s6], $0xF7A  }
0x23: {  	s9 =	sor.u32 $0xD0000000, s2;
	s6 =	simm.s32 $0x108;
	_ =	swait.ge @!p0 [sflag:s8], $0x0  }
0x24: {  	s3 =	sadd.s32 $0x88, s3;
	s6 =	simm.s32 @!p1 $0x1082;
	[sflag:s4] =	ssyncset.s32 $0xFFFFF086  }
0x25: {  	[simem:s6], [sflag:s4] =	dma.local [hbm:s3], $0xF7A  }
0x26: {  	[smem:$0x3F9B] =	sst s1;
	(tag) =	ssettag s2;
	_ =	strace s9  }
0x27: {  	s1 =	sld [smem:$0x3FAB]  }
0x28: {  	s2 =	sld [smem:$0x3FAC]  }
0x29: {  	s4 =	sld [smem:$0x3FAE]  }
0x2a: {  	p0 =	seq.s32 s5, $0x0;
	s5 =	sld [smem:$0x3FAF]  }
0x2b: {  	s6 =	sld [smem:$0x3FB0]  }
0x2c: {  	s7 =	sld [smem:$0x3FB1]  }
0x2d: {  	s3 =	simm.s32 $0x108;
	s8 =	sld [smem:$0x3FB2]  }
0x2e: {  	s3 =	simm.s32 @!p0 $0x1082;
	s9 =	sld [smem:$0x3FB3]  }
0x2f: {  	lr =	sadd.s32 s0, s3;
	s0 =	sld [smem:$0x3FAA]  }
0x30: {  	s3 =	sld [smem:$0x3FAD]  }
0x31: {  	[smem:$0x3FB6] =	sst s10  }
0x32: {  	s10 =	sld [smem:$0x3FB4];
	_ =	sdelay $0x3  }
0x33: {  	p0 =	seq.s32 s10, $0x1;
	s10 =	sld [smem:$0x3FB6];
	_ =	sdelay $0x3  }
0x34: {  	[smem:$0x3FB6] =	sst s10  }
0x35: {  	s10 =	sld [smem:$0x3FB5];
	_ =	sdelay $0x3  }
0x36: {  	p1 =	seq.s32 s10, $0x1;
	s10 =	sld [smem:$0x3FB6];
	_ =	sdelay $0x3  }
0x37: {  	[smem:$0x3FB6] =	sst s10  }
0x38: {  	s10 =	sld [smem:$0x3FB7]  }
0x39: {  	_ = 	snop;
	(pc) =	sbr.ind lr, $3  }
0x3a: {  	_ = 	snop  }
0x3b: {  	_ = 	snop  }
0x3c: {  	p2 =	seq.s32 s10, $0x1;
	s10 =	sld [smem:$0x3FB6]  }
0x3d: {  	_ =	shalt  }
0x3e: {  	_ =	shalt  }
0x3f: {  	_ =	shalt  }
0x40: {  	_ =	shalt  }
0x41: {  	_ =	shalt  }
0x42: {  	_ =	shalt  }
0x43: {  	_ =	shalt  }
0x44: {  	_ =	shalt  }
0x45: {  	_ =	shalt  }
0x46: {  	_ =	shalt  }
0x47: {  	_ =	shalt  }
0x48: {  	_ =	shalt  }
0x49: {  	_ =	shalt  }
0x4a: {  	_ =	shalt  }
0x4b: {  	_ =	shalt  }
0x4c: {  	_ =	shalt  }
0x4d: {  	_ =	shalt  }
0x4e: {  	_ =	shalt  }
0x4f: {  	_ =	shalt  }
0x50: {  	_ =	shalt  }
0x51: {  	_ =	shalt  }
0x52: {  	_ =	shalt  }
0x53: {  	_ =	shalt  }
0x54: {  	_ =	shalt  }
0x55: {  	_ =	shalt  }
0x56: {  	_ =	shalt  }
0x57: {  	_ =	shalt  }
0x58: {  	_ =	shalt  }
0x59: {  	_ =	shalt  }
0x5a: {  	_ =	shalt  }
0x5b: {  	_ =	shalt  }
0x5c: {  	_ =	shalt  }
0x5d: {  	_ =	shalt  }
0x5e: {  	_ =	shalt  }
0x5f: {  	_ =	shalt  }
0x60: {  	_ =	shalt  }
0x61: {  	_ =	shalt  }
0x62: {  	_ =	shalt  }
0x63: {  	_ =	shalt  }
0x64: {  	_ =	shalt  }
0x65: {  	_ =	shalt  }
0x66: {  	_ =	shalt  }
0x67: {  	_ =	shalt  }
0x68: {  	_ =	shalt  }
0x69: {  	_ =	shalt  }
0x6a: {  	_ =	shalt  }
0x6b: {  	_ =	shalt  }
0x6c: {  	_ =	shalt  }
0x6d: {  	_ =	shalt  }
0x6e: {  	_ =	shalt  }
0x6f: {  	_ =	shalt  }
0x70: {  	_ =	shalt  }
0x71: {  	_ =	shalt  }
0x72: {  	_ =	shalt  }
0x73: {  	_ =	shalt  }
0x74: {  	_ =	shalt  }
0x75: {  	_ =	shalt  }
0x76: {  	_ =	shalt  }
0x77: {  	_ =	shalt  }
0x78: {  	_ =	shalt  }
0x79: {  	_ =	shalt  }
0x7a: {  	_ =	shalt  }
0x7b: {  	_ =	shalt  }
0x7c: {  	_ =	shalt  }
0x7d: {  	_ =	shalt  }
0x7e: {  	_ =	shalt  }
0x7f: {  	_ =	shalt  }
0x80: {  	_ =	shalt  }
0x81: {  	_ =	shalt  }
0x82: {  	_ =	shalt  }
0x83: {  	_ =	shalt  }
0x84: {  	_ =	shalt  }
0x85: {  	_ =	shalt  }
0x86: {  	_ =	shalt  }
0x87: {  	_ =	shalt  }
.Lfunc_end0:
.L_simem_size_0:
called_computation_lowered:
.L_overlay_start_0:
0x88: {  	s2 =	sld [smem:$0x3FD9]  }
0x89: {  	s3 =	sld [smem:$0x3FFE];
	_ =	sdelay $0x1  }
0x8a: {  	s1 =	srdreg.scid  }
0x8b: {  	s0 =	sand.u32 $0x1, s1  }
0x8c: {  	s17 =	sshll.u32 s0, $0xA;
	s2 =	sadd.s32 s3, s2  }
0x8d: {  	s2 =	sadd.s32 s2, s17  }
0x8e: {  	[smem:$0x3FC2] =	sst s2  }
0x8f: {  	_ = 	snop  }
0x90: {  	s2 =	sld [smem:$0x3FC9]  }
0x91: {  	s18 =	sld [smem:$0x3FC8]  }
0x92: {  	s4 =	sld [smem:$0x3FC7]  }
0x93: {  	s5 =	sld [smem:$0x3FC6]  }
0x94: {  	s6 =	sld [smem:$0x3FC5]  }
0x95: {  	s7 =	sld [smem:$0x3FC4];
	(tm) =	ssettm $0x1  }
0x96: {  	s8 =	sld [smem:$0x3FFB];
	_ =	sdelay $0x3  }
0x97: {  	_ =	strace s8  }
0x98: {  	s8 =	sld [smem:$0x3FFC];
	_ =	sdelay $0x3  }
0x99: {  	_ =	strace s8  }
0x9a: {  	s8 =	sld [smem:$0x3FFD];
	_ =	sdelay $0x3  }
0x9b: {  	_ =	strace s8  }
0x9c: {  	_ =	strace $0x8FFFFFFF  }
0x9d: {  	s19 =	sld [smem:$0x3FDB];
	_ =	sdelay $0x1  }
0x9e: {  	s9 =	simm.s32 $_scs_section_size  }
0x9f: {  	s10 =	simm.s32 $_size__tile_overlayer_lowered;
	s11 =	simm.s32 $_tile_overlayer_lowered  }
0xa0: {  	s22 =	simm.s32 $0x1BFF;
	s21 =	sshll.u32 s11, $0x1;
	s8 =	sadd.s32 s9, s19  }
0xa1: {  	s12 =	simm.s32 $0x0;
	s20 =	sshll.u32 s10, $0x1;
	s10 =	sadd.s32 s21, s8  }
0xa2: {  	[timem:s12], [sflag:s22] =	dma.local [hbm:s10], s20  }
0xa3: {  	_ =	swait.ge [sflag:s22], s20  }
0xa4: {  	s9 =	ssub.s32 $0x0, s20;
	[sflag:s22] =	ssyncset.done $0x0  }
0xa5: {  	[sflag:s22] =	ssyncadd.s32 s9;
	_ =	sdelay $0x1  }
0xa6: {  	s23 =	simm.s32 $0x1B8B  }
0xa7: {  	_ =	swait.ge [sflag:s23], $0x1  }
0xa8: {  	[sflag:s23] =	ssyncset.done $0x0  }
0xa9: {  	s25 =	simm.s32 $0x1B8E;
	s24 =	sld [smem:$0x3FFE];
	[sflag:s23] =	ssyncadd.s32 $0xFFFFFFFF  }
0xaa: {  	s26 =	simm.s32 $execute0_lowered;
	[smem:$0x3FD2] =	sst s25  }
0xab: {  	s10 =	sshll.u32 s26, $0x1;
	_ =	strace $0x80000046;
	[dreg:$0x1] =	wrdreg $0xFFFFFFFF  }
0xac: {  	s28 =	simm.s32 $_size_execute0_lowered;
	s8 =	sadd.s32 s8, s10;
	[dreg:$0x0] =	wrdreg $0x0  }
0xad: {  	s10 =	sshll.u32 s28, $0x1;
	[dreg:$0x2] =	wrdreg s8  }
0xae: {  	[dreg:$0x3] =	wrdreg s10  }
0xaf: {  	[dreg:$0x4] =	wrdreg $0xC0  }
0xb0: {  	_ =	task [dreg:s12], $0x5FFFF  }
0xb1: {  	[dreg:$0x1] =	wrdreg $0xFFFFFFFF  }
0xb2: {  	[dreg:$0x0] =	wrdreg $0x60  }
0xb3: {  	[dreg:$0x2] =	wrdreg s2  }
0xb4: {  	[dreg:$0x3] =	wrdreg s18  }
0xb5: {  	[dreg:$0x4] =	wrdreg s4  }
0xb6: {  	[dreg:$0x5] =	wrdreg s5  }
0xb7: {  	[dreg:$0x6] =	wrdreg s6  }
0xb8: {  	[dreg:$0x7] =	wrdreg s7  }
0xb9: {  	[dreg:$0x8] =	wrdreg s24  }
0xba: {  	[dreg:$0x9] =	wrdreg $0x9  }
0xbb: {  	_ =	task.clear_ibuf [dreg:s12], $0xAFFFF;
	_ =	strace $0x90000046  }
0xbc: {  	s29 =	simm.s32 $0x9;
	_ =	strace $0x80000048  }
0xbd: {  	_ =	swait.ge [sflag:s29], $0x1  }
0xbe: {  	[sflag:s29] =	ssyncadd.s32 $0xFFFFFFFF  }
0xbf: {  	_ =	strace $0x90000048  }
0xc0: {  	_ =	sfence  }
0xc1: {  	s30 =	sld [smem:$0x0];
	_ =	sdelay $0x2  }
0xc2: {  	s31 =	sshll.u32 s1, $0xD;
	s1 =	sshrl.u32 s1, $0x2  }
0xc3: {  	s3 =	sand.u32 $0x4000, s31;
	s1 =	sadd.s32 s1, s30  }
0xc4: {  	s0 =	sor.u32 s3, s0;
	s1 =	sshll.u32 s1, $0x11  }
0xc5: {  	s0 =	sor.u32 s1, s0  }
0xc6: {  	s0 =	sadd.s32 $0x8F2B, s0  }
0xc7: {  	[sflag:s0] =	ssyncadd.remote.s32 $0x1  }
0xc8: {  	_ =	sfence.sel $0xFFFF  }
0xc9: {  	[dreg:$0x0] =	wrdreg $0xFFFFFFFF;
	(pc) =	sbr.abs _section_cstart, $3  }
0xca: {  	[dreg:$0x1] =	wrdreg $0xFFFFFFFF  }
0xcb: {  	_ =	task.clear_ibuf [dreg:s12], $0x2FFFF;
	_ =	strace $0x9FFFFFFF  }
0xcc: {  	(tm) =	ssettm $0x7FFFFFFF  }
0xcd: {  	_ =	shalt  }
tec
execute0_lowered:
.L_overlay_start_1:
0x0: {  	(tag) =	ssettag $0x1  }
0x1: {  	s7 =	rddreg [dreg:$0x0]  }
0x2: {  	s19 =	rddreg [dreg:$0x1]  }
0x3: {  	s20 =	rddreg [dreg:$0x2]  }
0x4: {  	s21 =	rddreg [dreg:$0x3]  }
0x5: {  	s22 =	rddreg [dreg:$0x4]  }
0x6: {  	s0 =	srdreg.scid;
	s2 =	stileid.u32  }
0x7: {  	s23 =	rddreg [dreg:$0x5];
	s0 =	sand.u32 $0x1, s0;
	s2 =	sshll.u32 s2, $0x1  }
0x8: {  	s1 =	rddreg [dreg:$0x6];
	s2 =	sor.u32 s0, s2  }
0x9: {  	s6 =	simm.s32 $0x0;
	s3 =	sshll.u32 s2, $0xC;
	s2 =	sshll.u32 s2, $0x4  }
0xa: {  	[smem:$0x7FF] =	sst s6;
	s5 =	sor.u32 $0x1E0000, s3;
	s1 =	sadd.s32 s1, s2  }
0xb: {  	_ =	strace $0x80000047;
	s12 =	sadd.s32 s7, s5;
	[dreg:$0x15] =	wrdreg s1  }
0xc: {  	s13 =	sadd.s32 s19, s5;
	[dreg:$0x8] =	wrdreg s12  }
0xd: {  	s14 =	sadd.s32 s20, s5;
	[dreg:$0x9] =	wrdreg s13  }
0xe: {  	s15 =	sadd.s32 s21, s5;
	[dreg:$0xa] =	wrdreg s14  }
0xf: {  	s28 =	simm.s32 $0x6000;
	s8 =	sadd.s32 s22, s5;
	[dreg:$0xb] =	wrdreg s15  }
0x10: {  	s16 =	sor.u32 $0x1E0040, s3;
	s5 =	sadd.s32 s23, s5;
	[dreg:$0xc] =	wrdreg s8  }
0x11: {  	s29 =	simm.s32 $0x7000;
	s17 =	sadd.s32 s7, s16;
	[dreg:$0xd] =	wrdreg s5  }
0x12: {  	s30 =	simm.s32 $0x8000;
	s18 =	sadd.s32 s19, s16;
	[dreg:$0xe] =	wrdreg s17  }
0x13: {  	s31 =	simm.s32 $0x1;
	s24 =	sadd.s32 s20, s16;
	[dreg:$0xf] =	wrdreg s18  }
0x14: {  	s0 =	ssub.s32 $0x2, s0;
	s25 =	sadd.s32 s21, s16;
	[dreg:$0x10] =	wrdreg s24  }
0x15: {  	s4 =	sshrl.u32 s0, $0x1;
	s26 =	sadd.s32 s22, s16;
	[dreg:$0x11] =	wrdreg s25  }
0x16: {  	s0 =	ssub.s32 s0, s4;
	s4 =	sadd.s32 s23, s16;
	[dreg:$0x12] =	wrdreg s26  }
0x17: {  	s2 =	simm.s32 $0x0;
	s0 =	smax.u32 s0, $0x1;
	[dreg:$0x13] =	wrdreg s4  }
0x18: {  	s24 =	sor.u32 $0x1E0400, s3;
	[dreg:$0x16] =	wrdreg s0;
	s26 =	simm.s32 $0x200  }
0x19: {  	s25 =	simm.s32 $0x400;
	s8 =	simm.s32 $0x2;
	[dreg:$0x14] =	wrdreg s24  }
.LBB2_1:
0x1a: {  	[dreg:$0x17] =	wrdreg s2  }
0x1b: {  	s0 =	rddreg [dreg:$0x8]  }
0x1c: {  	[tilespmem:s6], [sflag:$0x1] =	stream.strided.gather [hbm4b:s0+s26], $0x1000, s25, s26, $0x38;
	[tilespmem:$0xD080] =	vst v63  }
0x1d: {  	s16 =	rddreg [dreg:$0x9];
	s1 =	simm.s32 $0x1000  }
0x1e: {  	[tilespmem:s1], [sflag:$0x1] =	stream.strided.gather [hbm4b:s16+s26], $0x1000, s25, s26, $0x38;
	[tilespmem:$0xD080] =	vst v63  }
0x1f: {  	s17 =	rddreg [dreg:$0xa];
	s18 =	simm.s32 $0x2000  }
0x20: {  	[tilespmem:s18], [sflag:$0x1] =	stream.strided.gather [hbm4b:s17+s26], $0x1000, s25, s26, $0x38;
	[tilespmem:$0xD080] =	vst v63  }
0x21: {  	s2 =	rddreg [dreg:$0xb];
	s3 =	simm.s32 $0x3000  }
0x22: {  	[tilespmem:s3], [sflag:$0x1] =	stream.strided.gather [hbm4b:s2+s26], $0x1000, s25, s26, $0x38;
	[tilespmem:$0xD080] =	vst v63  }
0x23: {  	s4 =	rddreg [dreg:$0xc];
	s5 =	simm.s32 $0x4000  }
0x24: {  	[tilespmem:s5], [sflag:$0x1] =	stream.strided.gather [hbm4b:s4+s26], $0x1000, s25, s26, $0x38;
	[tilespmem:$0xD080] =	vst v63  }
0x25: {  	s9 =	simm.s32 $0x5000;
	s6 =	rddreg [dreg:$0xd]  }
0x26: {  	[tilespmem:s9], [sflag:$0x1] =	stream.strided.gather [hbm4b:s6+s26], $0x1000, s25, s26, $0x38;
	[tilespmem:$0xD080] =	vst v63  }
0x27: {  	s10 =	rddreg [dreg:$0xe]  }
0x28: {  	[tilespmem:s28], [sflag:$0x2] =	stream.strided.gather [hbm4b:s10+s26], $0x1000, s25, s26, $0x38;
	[tilespmem:$0xD080] =	vst v63  }
0x29: {  	s11 =	rddreg [dreg:$0xf]  }
0x2a: {  	[tilespmem:s29], [sflag:$0x2] =	stream.strided.gather [hbm4b:s11+s26], $0x1000, s25, s26, $0x38;
	[tilespmem:$0xD080] =	vst v63  }
0x2b: {  	s12 =	rddreg [dreg:$0x10]  }
0x2c: {  	[tilespmem:s30], [sflag:$0x2] =	stream.strided.gather [hbm4b:s12+s26], $0x1000, s25, s26, $0x38;
	[tilespmem:$0xD080] =	vst v63  }
0x2d: {  	s13 =	rddreg [dreg:$0x11];
	s14 =	simm.s32 $0x9000  }
0x2e: {  	[tilespmem:s14], [sflag:$0x2] =	stream.strided.gather [hbm4b:s13+s26], $0x1000, s25, s26, $0x38;
	[tilespmem:$0xD080] =	vst v63  }
0x2f: {  	s15 =	rddreg [dreg:$0x12];
	s16 =	simm.s32 $0xA000  }
0x30: {  	[tilespmem:s16], [sflag:$0x2] =	stream.strided.gather [hbm4b:s15+s26], $0x1000, s25, s26, $0x38;
	[tilespmem:$0xD080] =	vst v63  }
0x31: {  	s17 =	rddreg [dreg:$0x13];
	s18 =	simm.s32 $0xB000;
	s11 =	simm.s32 $0x0  }
0x32: {  	[tilespmem:s18], [sflag:$0x2] =	stream.strided.gather [hbm4b:s17+s26], $0x1000, s25, s26, $0x38;
	[tilespmem:$0xD080] =	vst v63  }
.LBB2_2:
0x33: {  	_ =	swait.ge [sflag:s31], $0x1000  }
0x34: {  	[sflag:s31] =	ssyncset.done $0x0  }
0x35: {  	[sflag:s31] =	ssyncadd.s32 $0xFFFFF000  }
0x36: {  	_ =	swait.ge [sflag:s31], $0x1000  }
0x37: {  	[sflag:s31] =	ssyncset.done $0x0  }
0x38: {  	[sflag:s31] =	ssyncadd.s32 $0xFFFFF000  }
0x39: {  	_ =	swait.ge [sflag:s31], $0x1000  }
0x3a: {  	[sflag:s31] =	ssyncset.done $0x0  }
0x3b: {  	[sflag:s31] =	ssyncadd.s32 $0xFFFFF000  }
0x3c: {  	_ =	swait.ge [sflag:s31], $0x1000  }
0x3d: {  	[sflag:s31] =	ssyncset.done $0x0  }
0x3e: {  	[sflag:s31] =	ssyncadd.s32 $0xFFFFF000  }
0x3f: {  	_ =	swait.ge [sflag:s31], $0x1000  }
0x40: {  	[sflag:s31] =	ssyncset.done $0x0  }
0x41: {  	s0 =	simm.s32 $0x0;
	[sflag:s31] =	ssyncadd.s32 $0xFFFFF000  }
0x42: {  	s1 =	sand.u32 $0x60, s0;
	_ =	swait.ge [sflag:s31], $0x1000  }
0x43: {  	s0 =	sand.u32 $0xE00, s0;
	s2 =	sor.u32 $0x10, s1;
	[sflag:s31] =	ssyncset.done $0x0  }
0x44: {  	s3 =	sor.u32 $0x2000, s0;
	s4 =	sor.u32 s2, s0;
	[sflag:s31] =	ssyncadd.s32 $0xFFFFF000  }
0x45: {  	s5 =	sor.u32 $0x4000, s0;
	s15 =	sor.u32 s2, s3;
	v2 =	vld [tilespmem:s4+$0x0]  }
0x46: {  	s16 =	sor.u32 s2, s5;
	v3 =	vld [tilespmem:s15+$0x0]  }
0x47: {  	s6 =	sor.u32 $0x1000, s0;
	s9 =	sor.u32 s1, s0;
	v4 =	vld [tilespmem:s16+$0x0]  }
0x48: {  	s17 =	sor.u32 s2, s6;
	v5 =	vld [tilespmem:s9+$0x0]  }
0x49: {  	s18 =	sor.u32 $0x3000, s0;
	s6 =	sor.u32 s1, s6;
	v6 =	vld [tilespmem:s17+$0x0]  }
0x4a: {  	s10 =	sor.u32 s2, s18;
	v9 =	vld [tilespmem:s6+$0x0]  }
0x4b: {  	s12 =	sor.u32 s1, s18;
	v7 =	vld [tilespmem:s10+$0x0]  }
0x4c: {  	s13 =	sor.u32 $0x5000, s0;
	s3 =	sor.u32 s1, s3;
	v10 =	vld [tilespmem:s12+$0x0]  }
0x4d: {  	s0 =	sor.u32 s2, s13;
	v13 =	vld [tilespmem:s3+$0x0]  }
0x4e: {  	v11 =	vld [tilespmem:s0+$0x0];
	v8 =	vmul.f32 v2, v2;
	v0 =	vmul.f32 v3, v3  }
0x4f: {  	s14 =	simm.s32 $0x20;
	s15 =	sor.u32 s1, s5;
	v1 =	vmul.f32 v4, v2;
	v14 =	vmul.f32 v4, v4  }
0x50: {  	s16 =	simm.s32 $0x80;
	s0 =	sand.u32 $0x60, s14;
	s1 =	sor.u32 s1, s13;
	v12 =	vld [tilespmem:s15+$0x0];
	v15 =	vmul.f32 v3, v2;
	v3 =	vmul.f32 v5, v5  }
0x51: {  	s2 =	sand.u32 $0xE00, s16;
	s3 =	sor.u32 $0x10, s0;
	v17 =	vld [tilespmem:s1+$0x0];
	v2 =	vmul.f32 v7, v7;
	v16 =	vmul.f32 v7, v6  }
0x52: {  	s4 =	sor.u32 $0x2000, s2;
	s17 =	sor.u32 s3, s2;
	v7 =	vmul.f32 v10, v10;
	v20 =	vmul.f32 v13, v5  }
0x53: {  	s18 =	sor.u32 $0x4000, s2;
	v19 =	vld [tilespmem:s17+$0x0];
	s9 =	sor.u32 s3, s4;
	v18 =	vmul.f32 v9, v9;
	v30 =	vmul.f32 v11, v11  }
0x54: {  	s15 =	sor.u32 $0x3000, s2;
	s10 =	sor.u32 s3, s18;
	v27 =	vld [tilespmem:s9+$0x0];
	v29 =	vmul.f32 v10, v9;
	v23 =	vmul.f32 v6, v6  }
0x55: {  	s16 =	sor.u32 s3, s15;
	v21 =	vld [tilespmem:s10+$0x0];
	v4 =	vimm.f32 $0.0e+00;
	v5 =	vmul.f32 v12, v5;
	v12 =	vmul.f32 v12, v12  }
0x56: {  	s12 =	sor.u32 $0x1000, s2;
	s17 =	sor.u32 s0, s15;
	v24 =	vld [tilespmem:s16+$0x0];
	v25 =	vmul.f32 v17, v9;
	v3 =	vadd.f32 v3, v4;
	v10 =	vadd.f32 v18, v4  }
0x57: {  	s14 =	sor.u32 s3, s12;
	v9 =	vmul.f32 v17, v17;
	v17 =	vld [tilespmem:s17+$0x0];
	v18 =	vadd.f32 v7, v4;
	v20 =	vadd.f32 v20, v4  }
0x58: {  	s6 =	sor.u32 s0, s12;
	v22 =	vmul.f32 v11, v6;
	v7 =	vld [tilespmem:s14+$0x0];
	v28 =	vadd.f32 v5, v4;
	v31 =	vadd.f32 v12, v4  }
0x59: {  	s13 =	sor.u32 s0, s2;
	v5 =	vld [tilespmem:s6+$0x0];
	v32 =	vadd.f32 v9, v4;
	v12 =	vadd.f32 v23, v10;
	v23 =	vmul.f32 v19, v19  }
0x5a: {  	s4 =	sor.u32 s0, s4;
	v8 =	vadd.f32 v8, v3;
	v3 =	vld [tilespmem:s13+$0x0];
	v11 =	vmul.f32 v27, v27;
	v26 =	vmul.f32 v21, v19  }
0x5b: {  	s2 =	sor.u32 $0x5000, s2;
	s1 =	sor.u32 s0, s18;
	v9 =	vld [tilespmem:s4+$0x0];
	v6 =	vmul.f32 v21, v21;
	v10 =	vmul.f32 v27, v19;
	v19 =	vadd.f32 v29, v4  }
0x5c: {  	s18 =	sor.u32 s3, s2;
	v21 =	vld [tilespmem:s1+$0x0];
	v29 =	vmul.f32 v13, v13;
	v15 =	vadd.f32 v15, v20;
	v20 =	vadd.f32 v14, v31  }
0x5d: {  	s3 =	simm.s32 $0x40;
	s2 =	sor.u32 s0, s2;
	s0 =	simm.s32 $0x100;
	v27 =	vimm.f32 $0.0e+00;
	v14 =	vld [tilespmem:s18+$0x0];
	v13 =	vadd.f32 v16, v19;
	v19 =	vadd.f32 v30, v32;
	v16 =	vmovc v7  }
.LBB2_3:
0x5e: {  	s1 =	smov.u32 s3  }
0x5f: {  	s4 =	sand.u32 $0x60, s3;
	s5 =	sand.u32 $0xE00, s0;
	v30 =	vmul.f32 v3, v3;
	v31 =	vmul.f32 v24, v24;
	v28 =	vadd.f32 v1, v28;
	v1 =	vmovc v26;
	s1 =	sadd.s32 $0x20, s3  }
0x60: {  	v32 =	vmul.f32 v24, v7;
	v4 =	vadd.f32 v25, v4;
	v24 =	vadd.f32 v29, v27;
	s6 =	sor.u32 $0x1000, s5;
	s9 =	sor.u32 $0x3000, s5;
	s10 =	sor.u32 $0x10, s4  }
0x61: {  	v18 =	vadd.f32 v2, v18;
	s13 =	sor.u32 $0x2000, s5;
	v25 =	vmul.f32 v17, v17;
	s12 =	sor.u32 s4, s6;
	s14 =	sor.u32 s10, s5;
	v8 =	vadd.f32 v30, v8;
	v2 =	vmovc v31;
	v26 =	vld [tilespmem:s2+$0x0]  }
0x62: {  	s15 =	sor.u32 s4, s13;
	s13 =	sor.u32 s10, s13;
	v31 =	vmul.f32 v5, v5;
	v4 =	vadd.f32 v22, v4;
	s2 =	sor.u32 $0x4000, s5;
	v30 =	vmul.f32 v9, v3;
	v29 =	vld [tilespmem:s14+$0x0]  }
0x63: {  	s16 =	sor.u32 $0x5000, s5;
	v27 =	vadd.f32 v0, v24;
	v0 =	vmovc v11;
	s14 =	sor.u32 s4, s9;
	v34 =	vmul.f32 v14, v14;
	v8 =	vadd.f32 v23, v8;
	v33 =	vld [tilespmem:s13+$0x0];
	s13 =	sor.u32 s10, s2  }
0x64: {  	v36 =	vmul.f32 v17, v5;
	v11 =	vmul.f32 v21, v3;
	s5 =	sor.u32 s4, s5;
	s17 =	sor.u32 s4, s2;
	v12 =	vadd.f32 v31, v12;
	s2 =	sor.u32 s4, s16;
	v35 =	vld [tilespmem:s13+$0x0]  }
0x65: {  	v17 =	vmul.f32 v21, v21;
	v21 =	vmul.f32 v16, v7;
	v18 =	vadd.f32 v25, v18;
	s4 =	sor.u32 s10, s6;
	s6 =	sor.u32 s10, s16;
	v3 =	vld [tilespmem:s5+$0x0];
	s5 =	sor.u32 s10, s9  }
0x66: {  	p0 =	sne.s32 s3, $0x3E0;
	v28 =	vadd.f32 v11, v28;
	v16 =	vld [tilespmem:s4+$0x0];
	v25 =	vmul.f32 v26, v5;
	v31 =	vmul.f32 v26, v26  }
0x67: {  	v20 =	vadd.f32 v17, v20;
	v22 =	vmul.f32 v14, v7;
	v12 =	vadd.f32 v21, v12;
	v5 =	vld [tilespmem:s12+$0x0]  }
.Ltmp0:
0x68: {  	v37 =	vadd.f32 v30, v15;
	v23 =	vmul.f32 v29, v29;
	v24 =	vld [tilespmem:s5+$0x0];
	v11 =	vmul.f32 v33, v33;
	(pc) =	sbr.rel @p0 .LBB2_3-.Ltmp0, $4  }
0x69: {  	v19 =	vadd.f32 v31, v19;
	v17 =	vld [tilespmem:s14+$0x0];
	v26 =	vmul.f32 v35, v29;
	v14 =	vmul.f32 v35, v35  }
0x6a: {  	v13 =	vadd.f32 v36, v13;
	v30 =	vmul.f32 v33, v29;
	v29 =	vmul.f32 v9, v9;
	v21 =	vld [tilespmem:s17+$0x0]  }
0x6b: {  	v20 =	vadd.f32 v6, v20;
	v15 =	vadd.f32 v10, v37;
	v9 =	vld [tilespmem:s15+$0x0];
	v7 =	vmovc v16;
	v6 =	vmov v14  }
0x6c: {  	s0 =	sadd.s32 $0x80, s0;
	s3 =	smov.u32 s1;
	v13 =	vadd.f32 v32, v13;
	v19 =	vadd.f32 v34, v19;
	v10 =	vmov v30;
	v14 =	vld [tilespmem:s6+$0x0]  }
0x6d: {  	v30 =	vmul.f32 v3, v3;
	v1 =	vadd.f32 v1, v28;
	v4 =	vadd.f32 v25, v4  }
0x6e: {  	v25 =	vadd.f32 v29, v27;
	v27 =	vld [tilespmem:s2+$0x0];
	v2 =	vadd.f32 v2, v18  }
0x6f: {  	v16 =	vmul.f32 v16, v7;
	v29 =	vmul.f32 v17, v17;
	v8 =	vadd.f32 v30, v8  }
0x70: {  	v30 =	vmul.f32 v5, v5;
	v4 =	vadd.f32 v22, v4;
	v18 =	vmul.f32 v9, v3  }
0x71: {  	v0 =	vadd.f32 v0, v25;
	v3 =	vmul.f32 v21, v3;
	v21 =	vmul.f32 v21, v21  }
0x72: {  	v2 =	vadd.f32 v29, v2;
	v9 =	vmul.f32 v9, v9;
	v8 =	vadd.f32 v23, v8  }
0x73: {  	v12 =	vadd.f32 v30, v12;
	v22 =	vmul.f32 v27, v27;
	v1 =	vadd.f32 v3, v1  }
0x74: {  	v3 =	vmul.f32 v17, v5;
	v17 =	vadd.f32 v21, v20;
	v15 =	vadd.f32 v18, v15  }
0x75: {  	v5 =	vmul.f32 v27, v5;
	v0 =	vadd.f32 v9, v0;
	v12 =	vadd.f32 v16, v12  }
0x76: {  	v28 =	vmul.f32 v24, v7;
	v16 =	vadd.f32 v22, v19;
	v3 =	vadd.f32 v3, v13  }
0x77: {  	v7 =	vmul.f32 v14, v7;
	v10 =	vadd.f32 v10, v15;
	v4 =	vadd.f32 v5, v4  }
0x78: {  	v5 =	vmul.f32 v24, v24;
	v1 =	vadd.f32 v26, v1;
	v3 =	vadd.f32 v28, v3  }
0x79: {  	v0 =	vadd.f32 v11, v0;
	v4 =	vadd.f32 v7, v4  }
0x7a: {  	v7 =	vmul.f32 v14, v14;
	v2 =	vadd.f32 v5, v2;
	v3 =	vadd.f32 v3, v10  }
0x7b: {  	s12 =	sshll.u32 s11, $0xA;
	v6 =	vadd.f32 v6, v17;
	v1 =	vadd.f32 v4, v1  }
0x7c: {  	v4 =	vadd.f32 v7, v16;
	v0 =	vadd.f32 v2, v0;
	[tilespmem:s12+$0xC000] =	vst v3  }
0x7d: {  	s0 =	simm.s32 $0x0;
	v3 =	vadd.f32 v12, v8;
	[tilespmem:s12+$0xC010] =	vst v1  }
0x7e: {  	s1 =	sand.u32 $0x60, s0;
	v1 =	vadd.f32 v4, v6;
	[tilespmem:s12+$0xC030] =	vst v0  }
0x7f: {  	s0 =	sand.u32 $0xE00, s0;
	s2 =	sor.u32 $0x10, s1;
	[tilespmem:s12+$0xC020] =	vst v3  }
0x80: {  	s3 =	sor.u32 $0x2080, s0;
	s4 =	sor.u32 s2, s0;
	[tilespmem:s12+$0xC040] =	vst v1  }
0x81: {  	s5 =	sor.u32 $0x4080, s0;
	s14 =	sor.u32 s2, s3;
	v2 =	vld [tilespmem:s4+$0x80]  }
0x82: {  	s15 =	sor.u32 s2, s5;
	v3 =	vld [tilespmem:s14+$0x0]  }
0x83: {  	s6 =	sor.u32 $0x1080, s0;
	s9 =	sor.u32 s1, s0;
	v4 =	vld [tilespmem:s15+$0x0]  }
0x84: {  	s16 =	sor.u32 s2, s6;
	v5 =	vld [tilespmem:s9+$0x80]  }
0x85: {  	s17 =	sor.u32 $0x3080, s0;
	s6 =	sor.u32 s1, s6;
	v6 =	vld [tilespmem:s16+$0x0]  }
0x86: {  	s18 =	sor.u32 s2, s17;
	v9 =	vld [tilespmem:s6+$0x0]  }
0x87: {  	s10 =	sor.u32 s1, s17;
	v7 =	vld [tilespmem:s18+$0x0]  }
0x88: {  	s13 =	sor.u32 $0x5080, s0;
	s3 =	sor.u32 s1, s3;
	v10 =	vld [tilespmem:s10+$0x0]  }
0x89: {  	s0 =	sor.u32 s2, s13;
	v13 =	vld [tilespmem:s3+$0x0]  }
0x8a: {  	v11 =	vld [tilespmem:s0+$0x0];
	v8 =	vmul.f32 v2, v2;
	v0 =	vmul.f32 v3, v3  }
0x8b: {  	s14 =	simm.s32 $0x20;
	s15 =	sor.u32 s1, s5;
	v1 =	vmul.f32 v4, v2;
	v14 =	vmul.f32 v4, v4  }
0x8c: {  	s16 =	simm.s32 $0x80;
	s1 =	sor.u32 s1, s13;
	v12 =	vld [tilespmem:s15+$0x0];
	s0 =	sand.u32 $0x60, s14;
	v15 =	vmul.f32 v3, v2;
	v3 =	vmul.f32 v5, v5  }
0x8d: {  	s2 =	sand.u32 $0xE00, s16;
	v17 =	vld [tilespmem:s1+$0x0];
	s3 =	sor.u32 $0x10, s0;
	v2 =	vmul.f32 v7, v7;
	v16 =	vmul.f32 v7, v6  }
0x8e: {  	s4 =	sor.u32 $0x2080, s2;
	s17 =	sor.u32 s3, s2;
	v7 =	vmul.f32 v10, v10;
	v20 =	vmul.f32 v13, v5  }
0x8f: {  	s18 =	sor.u32 $0x4080, s2;
	s6 =	sor.u32 s3, s4;
	v19 =	vld [tilespmem:s17+$0x80];
	v18 =	vmul.f32 v9, v9;
	v30 =	vmul.f32 v11, v11  }
0x90: {  	s15 =	sor.u32 $0x3080, s2;
	s9 =	sor.u32 s3, s18;
	v27 =	vld [tilespmem:s6+$0x0];
	v29 =	vmul.f32 v10, v9;
	v23 =	vmul.f32 v6, v6  }
0x91: {  	s16 =	sor.u32 s3, s15;
	v21 =	vld [tilespmem:s9+$0x0];
	v4 =	vimm.f32 $0.0e+00;
	v5 =	vmul.f32 v12, v5;
	v12 =	vmul.f32 v12, v12  }
0x92: {  	s10 =	sor.u32 $0x1080, s2;
	s17 =	sor.u32 s0, s15;
	v24 =	vld [tilespmem:s16+$0x0];
	v25 =	vmul.f32 v17, v9;
	v3 =	vadd.f32 v3, v4;
	v10 =	vadd.f32 v18, v4  }
0x93: {  	s14 =	sor.u32 s3, s10;
	v9 =	vmul.f32 v17, v17;
	v17 =	vld [tilespmem:s17+$0x0];
	v18 =	vadd.f32 v7, v4;
	v20 =	vadd.f32 v20, v4  }
0x94: {  	s6 =	sor.u32 s0, s10;
	v22 =	vmul.f32 v11, v6;
	v7 =	vld [tilespmem:s14+$0x0];
	v28 =	vadd.f32 v5, v4;
	v31 =	vadd.f32 v12, v4  }
0x95: {  	s13 =	sor.u32 s0, s2;
	v5 =	vld [tilespmem:s6+$0x0];
	v32 =	vadd.f32 v9, v4;
	v12 =	vadd.f32 v23, v10;
	v23 =	vmul.f32 v19, v19  }
0x96: {  	s4 =	sor.u32 s0, s4;
	v8 =	vadd.f32 v8, v3;
	v3 =	vld [tilespmem:s13+$0x80];
	v11 =	vmul.f32 v27, v27;
	v26 =	vmul.f32 v21, v19  }
0x97: {  	s1 =	sor.u32 s0, s18;
	s2 =	sor.u32 $0x5080, s2;
	v9 =	vld [tilespmem:s4+$0x0];
	v6 =	vmul.f32 v21, v21;
	v10 =	vmul.f32 v27, v19;
	v19 =	vadd.f32 v29, v4  }
0x98: {  	s18 =	sor.u32 s3, s2;
	v21 =	vld [tilespmem:s1+$0x0];
	v29 =	vmul.f32 v13, v13;
	v15 =	vadd.f32 v15, v20;
	v20 =	vadd.f32 v14, v31  }
0x99: {  	s3 =	simm.s32 $0x40;
	s2 =	sor.u32 s0, s2;
	s0 =	simm.s32 $0x100;
	v27 =	vimm.f32 $0.0e+00;
	v14 =	vld [tilespmem:s18+$0x0];
	v13 =	vadd.f32 v16, v19;
	v19 =	vadd.f32 v30, v32;
	v16 =	vmovc v7  }
.LBB2_5:
0x9a: {  	s1 =	smov.u32 s3  }
0x9b: {  	s4 =	sand.u32 $0x60, s3;
	s5 =	sand.u32 $0xE00, s0;
	v30 =	vmul.f32 v3, v3;
	v31 =	vmul.f32 v24, v24;
	v28 =	vadd.f32 v1, v28;
	v1 =	vmovc v26;
	s1 =	sadd.s32 $0x20, s3  }
0x9c: {  	v32 =	vmul.f32 v24, v7;
	v4 =	vadd.f32 v25, v4;
	v24 =	vadd.f32 v29, v27;
	s6 =	sor.u32 $0x1080, s5;
	s9 =	sor.u32 $0x3080, s5;
	s10 =	sor.u32 $0x10, s4  }
0x9d: {  	v18 =	vadd.f32 v2, v18;
	s14 =	sor.u32 $0x2080, s5;
	v25 =	vmul.f32 v17, v17;
	s13 =	sor.u32 s4, s6;
	s15 =	sor.u32 s10, s5;
	v8 =	vadd.f32 v30, v8;
	v2 =	vmovc v31;
	v26 =	vld [tilespmem:s2+$0x0]  }
0x9e: {  	s16 =	sor.u32 s4, s14;
	s14 =	sor.u32 s10, s14;
	v31 =	vmul.f32 v5, v5;
	v4 =	vadd.f32 v22, v4;
	s2 =	sor.u32 $0x4080, s5;
	v30 =	vmul.f32 v9, v3;
	v29 =	vld [tilespmem:s15+$0x80]  }
0x9f: {  	s17 =	sor.u32 $0x5080, s5;
	v27 =	vadd.f32 v0, v24;
	v0 =	vmovc v11;
	s15 =	sor.u32 s4, s9;
	v34 =	vmul.f32 v14, v14;
	v8 =	vadd.f32 v23, v8;
	v33 =	vld [tilespmem:s14+$0x0];
	s14 =	sor.u32 s10, s2  }
0xa0: {  	v36 =	vmul.f32 v17, v5;
	v11 =	vmul.f32 v21, v3;
	s5 =	sor.u32 s4, s5;
	s18 =	sor.u32 s4, s2;
	v12 =	vadd.f32 v31, v12;
	s2 =	sor.u32 s4, s17;
	v35 =	vld [tilespmem:s14+$0x0]  }
0xa1: {  	v17 =	vmul.f32 v21, v21;
	v21 =	vmul.f32 v16, v7;
	v18 =	vadd.f32 v25, v18;
	s4 =	sor.u32 s10, s6;
	s6 =	sor.u32 s10, s17;
	v3 =	vld [tilespmem:s5+$0x80];
	s5 =	sor.u32 s10, s9  }
0xa2: {  	p0 =	sne.s32 s3, $0x3E0;
	v28 =	vadd.f32 v11, v28;
	v16 =	vld [tilespmem:s4+$0x0];
	v25 =	vmul.f32 v26, v5;
	v31 =	vmul.f32 v26, v26  }
0xa3: {  	v20 =	vadd.f32 v17, v20;
	v22 =	vmul.f32 v14, v7;
	v12 =	vadd.f32 v21, v12;
	v5 =	vld [tilespmem:s13+$0x0]  }
.Ltmp1:
0xa4: {  	v37 =	vadd.f32 v30, v15;
	v23 =	vmul.f32 v29, v29;
	v24 =	vld [tilespmem:s5+$0x0];
	v11 =	vmul.f32 v33, v33;
	(pc) =	sbr.rel @p0 .LBB2_5-.Ltmp1, $4  }
0xa5: {  	v19 =	vadd.f32 v31, v19;
	v17 =	vld [tilespmem:s15+$0x0];
	v26 =	vmul.f32 v35, v29;
	v14 =	vmul.f32 v35, v35  }
0xa6: {  	v13 =	vadd.f32 v36, v13;
	v30 =	vmul.f32 v33, v29;
	v29 =	vmul.f32 v9, v9;
	v21 =	vld [tilespmem:s18+$0x0]  }
0xa7: {  	v20 =	vadd.f32 v6, v20;
	v15 =	vadd.f32 v10, v37;
	v9 =	vld [tilespmem:s16+$0x0];
	v7 =	vmovc v16;
	v6 =	vmov v14  }
0xa8: {  	s0 =	sadd.s32 $0x80, s0;
	s3 =	smov.u32 s1;
	v13 =	vadd.f32 v32, v13;
	v19 =	vadd.f32 v34, v19;
	v10 =	vmov v30;
	v14 =	vld [tilespmem:s6+$0x0]  }
0xa9: {  	v30 =	vmul.f32 v3, v3;
	v1 =	vadd.f32 v1, v28;
	v4 =	vadd.f32 v25, v4  }
0xaa: {  	v25 =	vadd.f32 v29, v27;
	v27 =	vld [tilespmem:s2+$0x0];
	v2 =	vadd.f32 v2, v18  }
0xab: {  	v16 =	vmul.f32 v16, v7;
	v29 =	vmul.f32 v17, v17;
	v8 =	vadd.f32 v30, v8  }
0xac: {  	v30 =	vmul.f32 v5, v5;
	v4 =	vadd.f32 v22, v4;
	v18 =	vmul.f32 v9, v3  }
0xad: {  	v0 =	vadd.f32 v0, v25;
	v3 =	vmul.f32 v21, v3;
	v21 =	vmul.f32 v21, v21  }
0xae: {  	v2 =	vadd.f32 v29, v2;
	v9 =	vmul.f32 v9, v9;
	v8 =	vadd.f32 v23, v8  }
0xaf: {  	v12 =	vadd.f32 v30, v12;
	v22 =	vmul.f32 v27, v27;
	v1 =	vadd.f32 v3, v1  }
0xb0: {  	v3 =	vmul.f32 v17, v5;
	v17 =	vadd.f32 v21, v20;
	v15 =	vadd.f32 v18, v15  }
0xb1: {  	v5 =	vmul.f32 v27, v5;
	v0 =	vadd.f32 v9, v0;
	v12 =	vadd.f32 v16, v12  }
0xb2: {  	v28 =	vmul.f32 v24, v7;
	v16 =	vadd.f32 v22, v19;
	v3 =	vadd.f32 v3, v13  }
0xb3: {  	v7 =	vmul.f32 v14, v7;
	v10 =	vadd.f32 v10, v15;
	v4 =	vadd.f32 v5, v4  }
0xb4: {  	v5 =	vmul.f32 v24, v24;
	v1 =	vadd.f32 v26, v1;
	v3 =	vadd.f32 v28, v3  }
0xb5: {  	v0 =	vadd.f32 v11, v0;
	v4 =	vadd.f32 v7, v4  }
0xb6: {  	v7 =	vmul.f32 v14, v14;
	v2 =	vadd.f32 v5, v2;
	v3 =	vadd.f32 v3, v10  }
0xb7: {  	v6 =	vadd.f32 v6, v17;
	v1 =	vadd.f32 v4, v1  }
0xb8: {  	v4 =	vadd.f32 v7, v16;
	v0 =	vadd.f32 v2, v0;
	[tilespmem:s12+$0xC080] =	vst v3  }
0xb9: {  	s0 =	simm.s32 $0x0;
	v3 =	vadd.f32 v12, v8;
	[tilespmem:s12+$0xC090] =	vst v1  }
0xba: {  	s1 =	sand.u32 $0x60, s0;
	v1 =	vadd.f32 v4, v6;
	[tilespmem:s12+$0xC0B0] =	vst v0  }
0xbb: {  	s0 =	sand.u32 $0xE00, s0;
	s2 =	sor.u32 $0x10, s1;
	[tilespmem:s12+$0xC0A0] =	vst v3  }
0xbc: {  	s3 =	sor.u32 $0x2100, s0;
	s4 =	sor.u32 s2, s0;
	[tilespmem:s12+$0xC0C0] =	vst v1  }
0xbd: {  	s5 =	sor.u32 $0x4100, s0;
	s14 =	sor.u32 s2, s3;
	v2 =	vld [tilespmem:s4+$0x100]  }
0xbe: {  	s15 =	sor.u32 s2, s5;
	v3 =	vld [tilespmem:s14+$0x0]  }
0xbf: {  	s6 =	sor.u32 $0x1100, s0;
	s9 =	sor.u32 s1, s0;
	v4 =	vld [tilespmem:s15+$0x0]  }
0xc0: {  	s16 =	sor.u32 s2, s6;
	v5 =	vld [tilespmem:s9+$0x100]  }
0xc1: {  	s17 =	sor.u32 $0x3100, s0;
	s6 =	sor.u32 s1, s6;
	v6 =	vld [tilespmem:s16+$0x0]  }
0xc2: {  	s18 =	sor.u32 s2, s17;
	v9 =	vld [tilespmem:s6+$0x0]  }
0xc3: {  	s10 =	sor.u32 s1, s17;
	v7 =	vld [tilespmem:s18+$0x0]  }
0xc4: {  	s13 =	sor.u32 $0x5100, s0;
	s3 =	sor.u32 s1, s3;
	v10 =	vld [tilespmem:s10+$0x0]  }
0xc5: {  	s0 =	sor.u32 s2, s13;
	v13 =	vld [tilespmem:s3+$0x0]  }
0xc6: {  	v11 =	vld [tilespmem:s0+$0x0];
	v8 =	vmul.f32 v2, v2;
	v0 =	vmul.f32 v3, v3  }
0xc7: {  	s14 =	simm.s32 $0x20;
	s15 =	sor.u32 s1, s5;
	v1 =	vmul.f32 v4, v2;
	v14 =	vmul.f32 v4, v4  }
0xc8: {  	s16 =	simm.s32 $0x80;
	s1 =	sor.u32 s1, s13;
	v12 =	vld [tilespmem:s15+$0x0];
	s0 =	sand.u32 $0x60, s14;
	v15 =	vmul.f32 v3, v2;
	v3 =	vmul.f32 v5, v5  }
0xc9: {  	s2 =	sand.u32 $0xE00, s16;
	v17 =	vld [tilespmem:s1+$0x0];
	s3 =	sor.u32 $0x10, s0;
	v2 =	vmul.f32 v7, v7;
	v16 =	vmul.f32 v7, v6  }
0xca: {  	s4 =	sor.u32 $0x2100, s2;
	s17 =	sor.u32 s3, s2;
	v7 =	vmul.f32 v10, v10;
	v20 =	vmul.f32 v13, v5  }
0xcb: {  	s18 =	sor.u32 $0x4100, s2;
	s6 =	sor.u32 s3, s4;
	v19 =	vld [tilespmem:s17+$0x100];
	v18 =	vmul.f32 v9, v9;
	v30 =	vmul.f32 v11, v11  }
0xcc: {  	s15 =	sor.u32 $0x3100, s2;
	s9 =	sor.u32 s3, s18;
	v27 =	vld [tilespmem:s6+$0x0];
	v29 =	vmul.f32 v10, v9;
	v23 =	vmul.f32 v6, v6  }
0xcd: {  	s16 =	sor.u32 s3, s15;
	v21 =	vld [tilespmem:s9+$0x0];
	v4 =	vimm.f32 $0.0e+00;
	v5 =	vmul.f32 v12, v5;
	v12 =	vmul.f32 v12, v12  }
0xce: {  	s10 =	sor.u32 $0x1100, s2;
	s17 =	sor.u32 s0, s15;
	v24 =	vld [tilespmem:s16+$0x0];
	v25 =	vmul.f32 v17, v9;
	v3 =	vadd.f32 v3, v4;
	v10 =	vadd.f32 v18, v4  }
0xcf: {  	s14 =	sor.u32 s3, s10;
	v9 =	vmul.f32 v17, v17;
	v17 =	vld [tilespmem:s17+$0x0];
	v18 =	vadd.f32 v7, v4;
	v20 =	vadd.f32 v20, v4  }
0xd0: {  	s6 =	sor.u32 s0, s10;
	v22 =	vmul.f32 v11, v6;
	v7 =	vld [tilespmem:s14+$0x0];
	v28 =	vadd.f32 v5, v4;
	v31 =	vadd.f32 v12, v4  }
0xd1: {  	s13 =	sor.u32 s0, s2;
	v5 =	vld [tilespmem:s6+$0x0];
	v32 =	vadd.f32 v9, v4;
	v12 =	vadd.f32 v23, v10;
	v23 =	vmul.f32 v19, v19  }
0xd2: {  	s4 =	sor.u32 s0, s4;
	v8 =	vadd.f32 v8, v3;
	v3 =	vld [tilespmem:s13+$0x100];
	v11 =	vmul.f32 v27, v27;
	v26 =	vmul.f32 v21, v19  }
0xd3: {  	s1 =	sor.u32 s0, s18;
	s2 =	sor.u32 $0x5100, s2;
	v9 =	vld [tilespmem:s4+$0x0];
	v6 =	vmul.f32 v21, v21;
	v10 =	vmul.f32 v27, v19;
	v19 =	vadd.f32 v29, v4  }
0xd4: {  	s18 =	sor.u32 s3, s2;
	v21 =	vld [tilespmem:s1+$0x0];
	v29 =	vmul.f32 v13, v13;
	v15 =	vadd.f32 v15, v20;
	v20 =	vadd.f32 v14, v31  }
0xd5: {  	s3 =	simm.s32 $0x40;
	s2 =	sor.u32 s0, s2;
	s0 =	simm.s32 $0x100;
	v27 =	vimm.f32 $0.0e+00;
	v14 =	vld [tilespmem:s18+$0x0];
	v13 =	vadd.f32 v16, v19;
	v19 =	vadd.f32 v30, v32;
	v16 =	vmovc v7  }
.LBB2_7:
0xd6: {  	s1 =	smov.u32 s3  }
0xd7: {  	s4 =	sand.u32 $0x60, s3;
	s5 =	sand.u32 $0xE00, s0;
	v30 =	vmul.f32 v3, v3;
	v31 =	vmul.f32 v24, v24;
	v28 =	vadd.f32 v1, v28;
	v1 =	vmovc v26;
	s1 =	sadd.s32 $0x20, s3  }
0xd8: {  	v32 =	vmul.f32 v24, v7;
	v4 =	vadd.f32 v25, v4;
	v24 =	vadd.f32 v29, v27;
	s6 =	sor.u32 $0x1100, s5;
	s9 =	sor.u32 $0x3100, s5;
	s10 =	sor.u32 $0x10, s4  }
0xd9: {  	v18 =	vadd.f32 v2, v18;
	s14 =	sor.u32 $0x2100, s5;
	v25 =	vmul.f32 v17, v17;
	s13 =	sor.u32 s4, s6;
	s15 =	sor.u32 s10, s5;
	v8 =	vadd.f32 v30, v8;
	v2 =	vmovc v31;
	v26 =	vld [tilespmem:s2+$0x0]  }
0xda: {  	s16 =	sor.u32 s4, s14;
	s14 =	sor.u32 s10, s14;
	v31 =	vmul.f32 v5, v5;
	v4 =	vadd.f32 v22, v4;
	s2 =	sor.u32 $0x4100, s5;
	v30 =	vmul.f32 v9, v3;
	v29 =	vld [tilespmem:s15+$0x100]  }
0xdb: {  	s17 =	sor.u32 $0x5100, s5;
	v27 =	vadd.f32 v0, v24;
	v0 =	vmovc v11;
	s15 =	sor.u32 s4, s9;
	v34 =	vmul.f32 v14, v14;
	v8 =	vadd.f32 v23, v8;
	v33 =	vld [tilespmem:s14+$0x0];
	s14 =	sor.u32 s10, s2  }
0xdc: {  	v36 =	vmul.f32 v17, v5;
	v11 =	vmul.f32 v21, v3;
	s5 =	sor.u32 s4, s5;
	s18 =	sor.u32 s4, s2;
	v12 =	vadd.f32 v31, v12;
	s2 =	sor.u32 s4, s17;
	v35 =	vld [tilespmem:s14+$0x0]  }
0xdd: {  	v17 =	vmul.f32 v21, v21;
	v21 =	vmul.f32 v16, v7;
	v18 =	vadd.f32 v25, v18;
	s4 =	sor.u32 s10, s6;
	s6 =	sor.u32 s10, s17;
	v3 =	vld [tilespmem:s5+$0x100];
	s5 =	sor.u32 s10, s9  }
0xde: {  	p0 =	sne.s32 s3, $0x3E0;
	v28 =	vadd.f32 v11, v28;
	v16 =	vld [tilespmem:s4+$0x0];
	v25 =	vmul.f32 v26, v5;
	v31 =	vmul.f32 v26, v26  }
0xdf: {  	v20 =	vadd.f32 v17, v20;
	v22 =	vmul.f32 v14, v7;
	v12 =	vadd.f32 v21, v12;
	v5 =	vld [tilespmem:s13+$0x0]  }
.Ltmp2:
0xe0: {  	v37 =	vadd.f32 v30, v15;
	v23 =	vmul.f32 v29, v29;
	v24 =	vld [tilespmem:s5+$0x0];
	v11 =	vmul.f32 v33, v33;
	(pc) =	sbr.rel @p0 .LBB2_7-.Ltmp2, $4  }
0xe1: {  	v19 =	vadd.f32 v31, v19;
	v17 =	vld [tilespmem:s15+$0x0];
	v26 =	vmul.f32 v35, v29;
	v14 =	vmul.f32 v35, v35  }
0xe2: {  	v13 =	vadd.f32 v36, v13;
	v30 =	vmul.f32 v33, v29;
	v29 =	vmul.f32 v9, v9;
	v21 =	vld [tilespmem:s18+$0x0]  }
0xe3: {  	v20 =	vadd.f32 v6, v20;
	v15 =	vadd.f32 v10, v37;
	v9 =	vld [tilespmem:s16+$0x0];
	v7 =	vmovc v16;
	v6 =	vmov v14  }
0xe4: {  	s0 =	sadd.s32 $0x80, s0;
	s3 =	smov.u32 s1;
	v13 =	vadd.f32 v32, v13;
	v19 =	vadd.f32 v34, v19;
	v10 =	vmov v30;
	v14 =	vld [tilespmem:s6+$0x0]  }
0xe5: {  	v30 =	vmul.f32 v3, v3;
	v1 =	vadd.f32 v1, v28;
	v4 =	vadd.f32 v25, v4  }
0xe6: {  	v56 =	vadd.f32 v29, v27;
	v57 =	vld [tilespmem:s2+$0x0];
	v2 =	vadd.f32 v2, v18  }
0xe7: {  	v59 =	vmul.f32 v5, v5;
	v16 =	vmul.f32 v16, v7;
	v8 =	vadd.f32 v30, v8  }
0xe8: {  	v58 =	vmul.f32 v17, v17;
	v4 =	vadd.f32 v22, v4;
	v0 =	vadd.f32 v0, v56  }
0xe9: {  	v12 =	vadd.f32 v59, v12;
	v18 =	vmul.f32 v9, v3;
	v3 =	vmul.f32 v21, v3  }
0xea: {  	v21 =	vmul.f32 v21, v21;
	v2 =	vadd.f32 v58, v2;
	v9 =	vmul.f32 v9, v9  }
0xeb: {  	v8 =	vadd.f32 v23, v8;
	v12 =	vadd.f32 v16, v12;
	v22 =	vmul.f32 v57, v57  }
0xec: {  	v1 =	vadd.f32 v3, v1;
	v3 =	vmul.f32 v17, v5;
	v17 =	vadd.f32 v21, v20  }
0xed: {  	v15 =	vadd.f32 v18, v15;
	v5 =	vmul.f32 v57, v5;
	v0 =	vadd.f32 v9, v0  }
0xee: {  	v55 =	vmul.f32 v24, v7;
	v16 =	vadd.f32 v22, v19;
	v3 =	vadd.f32 v3, v13  }
0xef: {  	v7 =	vmul.f32 v14, v7;
	v10 =	vadd.f32 v10, v15;
	v4 =	vadd.f32 v5, v4  }
0xf0: {  	v5 =	vmul.f32 v24, v24;
	v1 =	vadd.f32 v26, v1;
	v3 =	vadd.f32 v55, v3  }
0xf1: {  	v0 =	vadd.f32 v11, v0;
	v4 =	vadd.f32 v7, v4  }
0xf2: {  	v7 =	vmul.f32 v14, v14;
	v2 =	vadd.f32 v5, v2;
	v3 =	vadd.f32 v3, v10  }
0xf3: {  	v6 =	vadd.f32 v6, v17;
	v1 =	vadd.f32 v4, v1  }
0xf4: {  	s0 =	simm.s32 $0x0;
	v4 =	vadd.f32 v7, v16;
	v0 =	vadd.f32 v2, v0;
	[tilespmem:s12+$0xC100] =	vst v3  }
0xf5: {  	s1 =	sand.u32 $0x3, s0;
	v3 =	vadd.f32 v12, v8;
	[tilespmem:s12+$0xC110] =	vst v1  }
0xf6: {  	s1 =	sshll.u32 s1, $0x5;
	v1 =	vadd.f32 v4, v6;
	[tilespmem:s12+$0xC130] =	vst v0  }
0xf7: {  	s10 =	sand.u32 $0xE00, s0;
	s1 =	sadd.s32 $0x0, s1;
	[tilespmem:s12+$0xC120] =	vst v3  }
0xf8: {  	s0 =	sand.u32 $0x60, s0;
	s3 =	sor.u32 $0x2180, s10;
	s4 =	sor.u32 $0x180, s1;
	[tilespmem:s12+$0xC140] =	vst v1  }
0xf9: {  	s5 =	sor.u32 $0x10, s0;
	s6 =	sor.u32 s0, s3;
	v0 =	vld [tilespmem:s4+$0x0]  }
0xfa: {  	s3 =	sor.u32 s5, s3;
	s1 =	sadd.s32 $0x10, s1;
	v1 =	vld [tilespmem:s6+$0x0]  }
0xfb: {  	s13 =	sor.u32 $0x3180, s10;
	s1 =	sor.u32 $0x180, s1;
	v2 =	vld [tilespmem:s3+$0x0]  }
0xfc: {  	s16 =	sor.u32 $0x4180, s10;
	s15 =	sor.u32 s0, s13;
	v3 =	vld [tilespmem:s1+$0x0]  }
0xfd: {  	s17 =	sor.u32 $0x1180, s10;
	s18 =	sor.u32 s0, s16;
	v4 =	vld [tilespmem:s15+$0x0]  }
0xfe: {  	s9 =	sor.u32 s5, s17;
	v6 =	vld [tilespmem:s18+$0x0]  }
0xff: {  	s3 =	sor.u32 s5, s13;
	v11 =	vld [tilespmem:s9+$0x0]  }
0x100: {  	s4 =	sor.u32 $0x5180, s10;
	s10 =	sor.u32 s5, s16;
	v8 =	vld [tilespmem:s3+$0x0]  }
0x101: {  	s14 =	sor.u32 s0, s4;
	v15 =	vld [tilespmem:s10+$0x0]  }
0x102: {  	s0 =	sor.u32 s0, s17;
	v5 =	vld [tilespmem:s14+$0x0]  }
0x103: {  	v12 =	vld [tilespmem:s0+$0x0];
	s14 =	sor.u32 s5, s4;
	v7 =	vmul.f32 v0, v0;
	v9 =	vmul.f32 v1, v0  }
0x104: {  	s13 =	simm.s32 $0x1;
	v17 =	vld [tilespmem:s14+$0x0];
	v10 =	vmul.f32 v2, v3;
	v14 =	vmul.f32 v3, v3  }
0x105: {  	s0 =	sand.u32 $0x3, s13;
	v1 =	vmul.f32 v1, v1;
	v2 =	vmul.f32 v2, v2  }
0x106: {  	v13 =	vimm.f32 $0.0e+00;
	s3 =	simm.s32 $0x80;
	s0 =	sshll.u32 s0, $0x5;
	v18 =	vmul.f32 v8, v11;
	v60 =	vmul.f32 v15, v15  }
0x107: {  	s15 =	simm.s32 $0x20;
	s16 =	sand.u32 $0xE00, s3;
	s0 =	sadd.s32 $0x80, s0;
	v15 =	vmul.f32 v15, v3;
	v7 =	vadd.f32 v7, v13;
	v16 =	vmul.f32 v5, v5  }
0x108: {  	s1 =	sand.u32 $0x60, s15;
	s17 =	sor.u32 $0x2180, s16;
	s18 =	sor.u32 $0x180, s0;
	v9 =	vadd.f32 v9, v13;
	v1 =	vadd.f32 v1, v13;
	v19 =	vmul.f32 v4, v12  }
0x109: {  	s6 =	sor.u32 $0x10, s1;
	s9 =	sor.u32 s1, s17;
	v61 =	vmul.f32 v17, v11;
	v22 =	vadd.f32 v14, v7;
	v7 =	vmul.f32 v6, v0;
	v0 =	vld [tilespmem:s18+$0x0]  }
0x10a: {  	s4 =	sor.u32 s6, s17;
	s0 =	sadd.s32 $0x10, s0;
	v17 =	vmul.f32 v17, v17;
	v14 =	vmul.f32 v4, v4;
	v4 =	vadd.f32 v10, v9;
	v10 =	vld [tilespmem:s9+$0x0]  }
0x10b: {  	s5 =	sor.u32 $0x5180, s16;
	s0 =	sor.u32 $0x180, s0;
	v16 =	vadd.f32 v16, v13;
	v6 =	vmul.f32 v6, v6;
	v9 =	vld [tilespmem:s4+$0x0];
	v19 =	vadd.f32 v19, v13  }
0x10c: {  	s10 =	sor.u32 $0x3180, s16;
	s13 =	sor.u32 s1, s5;
	v23 =	vadd.f32 v7, v13;
	v7 =	vadd.f32 v2, v1;
	v2 =	vld [tilespmem:s0+$0x0];
	v1 =	vmul.f32 v5, v12  }
0x10d: {  	s15 =	sor.u32 $0x4180, s16;
	s14 =	sor.u32 s1, s10;
	v3 =	vld [tilespmem:s13+$0x0];
	v5 =	vmul.f32 v12, v12;
	v62 =	vadd.f32 v6, v13;
	v6 =	vadd.f32 v18, v19  }
0x10e: {  	s17 =	sor.u32 s1, s15;
	v8 =	vmul.f32 v8, v8;
	v12 =	vld [tilespmem:s14+$0x0];
	v14 =	vadd.f32 v14, v13;
	v17 =	vadd.f32 v17, v16  }
0x10f: {  	s16 =	sor.u32 $0x1180, s16;
	v20 =	vmul.f32 v11, v11;
	s4 =	sor.u32 s6, s10;
	v16 =	vld [tilespmem:s17+$0x0];
	v63 =	vadd.f32 v1, v13;
	v19 =	vadd.f32 v5, v13  }
0x110: {  	s18 =	sor.u32 s6, s16;
	v1 =	vld [tilespmem:s4+$0x0];
	v15 =	vadd.f32 v15, v23;
	v8 =	vadd.f32 v8, v14;
	v13 =	vmul.f32 v0, v0  }
0x111: {  	s1 =	sor.u32 s1, s16;
	s2 =	sor.u32 s6, s15;
	v5 =	vld [tilespmem:s18+$0x0];
	v11 =	vadd.f32 v60, v62;
	v21 =	vmul.f32 v10, v0;
	v18 =	vmul.f32 v9, v2  }
0x112: {  	s0 =	simm.s32 $0x40;
	s4 =	sor.u32 s6, s5;
	v14 =	vld [tilespmem:s1+$0x0];
	s1 =	simm.s32 $0x2;
	v22 =	vadd.f32 v13, v22;
	v23 =	vmul.f32 v2, v2;
	v13 =	vadd.f32 v61, v63  }
.LBB2_9:
0x113: {  	s5 =	sand.u32 $0x3, s1;
	p0 =	sne.s32 s0, $0x3E0;
	v10 =	vmul.f32 v10, v10;
	v24 =	vmul.f32 v3, v3;
	v25 =	vld [tilespmem:s2+$0x0];
	s3 =	sadd.s32 $0x80, s3;
	v19 =	vadd.f32 v20, v19  }
0x114: {  	v4 =	vadd.f32 v21, v4;
	v9 =	vmul.f32 v9, v9;
	s2 =	sshll.u32 s5, $0x5;
	s5 =	sand.u32 $0x60, s0;
	s6 =	sand.u32 $0xE00, s3;
	v20 =	vld [tilespmem:s4+$0x0];
	v22 =	vadd.f32 v23, v22  }
0x115: {  	v23 =	vmul.f32 v12, v12;
	s2 =	sadd.s32 s2, s3;
	s4 =	sor.u32 $0x2180, s6;
	s9 =	sor.u32 $0x10, s5;
	v21 =	vmul.f32 v16, v0;
	v7 =	vadd.f32 v10, v7  }
0x116: {  	v17 =	vadd.f32 v24, v17;
	s10 =	sor.u32 $0x180, s2;
	s13 =	sor.u32 s5, s4;
	s2 =	sadd.s32 $0x10, s2;
	v24 =	vmul.f32 v1, v5  }
0x117: {  	s14 =	sor.u32 $0x4180, s6;
	s15 =	sor.u32 $0x5180, s6;
	v16 =	vmul.f32 v16, v16;
	v4 =	vadd.f32 v18, v4;
	v0 =	vld [tilespmem:s10+$0x0];
	s10 =	sor.u32 $0x1180, s6;
	v12 =	vmul.f32 v12, v14  }
0x118: {  	s4 =	sor.u32 s9, s4;
	v15 =	vadd.f32 v21, v15;
	v7 =	vadd.f32 v9, v7;
	s16 =	sor.u32 s5, s10;
	v10 =	vld [tilespmem:s13+$0x0];
	s13 =	sor.u32 s5, s14;
	v26 =	vmul.f32 v25, v25  }
0x119: {  	s17 =	sor.u32 $0x180, s2;
	s2 =	sor.u32 s9, s14;
	s10 =	sor.u32 s9, s10;
	v18 =	vmul.f32 v25, v2;
	v9 =	vld [tilespmem:s4+$0x0];
	v6 =	vadd.f32 v12, v6;
	v25 =	vmul.f32 v20, v5  }
0x11a: {  	s6 =	sor.u32 $0x3180, s6;
	v21 =	vmul.f32 v3, v14;
	v14 =	vmul.f32 v14, v14;
	s14 =	sor.u32 s5, s15;
	s4 =	sor.u32 s9, s15;
	v2 =	vld [tilespmem:s17+$0x0]  }
0x11b: {  	s0 =	sadd.s32 $0x20, s0;
	v11 =	vadd.f32 v16, v11;
	s5 =	sor.u32 s5, s6;
	s6 =	sor.u32 s9, s6;
	v16 =	vmul.f32 v20, v20;
	v3 =	vld [tilespmem:s14+$0x0];
	v6 =	vadd.f32 v24, v6  }
.Ltmp3:
0x11c: {  	v8 =	vadd.f32 v23, v8;
	v23 =	vmul.f32 v1, v1;
	v13 =	vadd.f32 v21, v13;
	v12 =	vld [tilespmem:s5+$0x0];
	(pc) =	sbr.rel @p0 .LBB2_9-.Ltmp3, $4  }
0x11d: {  	v19 =	vadd.f32 v14, v19;
	v20 =	vmul.f32 v5, v5;
	v17 =	vadd.f32 v16, v17;
	v1 =	vld [tilespmem:s6+$0x0]  }
0x11e: {  	v15 =	vadd.f32 v18, v15;
	v24 =	vmul.f32 v0, v0;
	v21 =	vmul.f32 v10, v0;
	v16 =	vld [tilespmem:s13+$0x0]  }
0x11f: {  	v8 =	vadd.f32 v23, v8;
	v11 =	vadd.f32 v26, v11;
	v5 =	vld [tilespmem:s10+$0x0];
	v18 =	vmul.f32 v9, v2  }
0x120: {  	s1 =	sadd.s32 $0x1, s1;
	v13 =	vadd.f32 v25, v13;
	v22 =	vadd.f32 v24, v22;
	v23 =	vmul.f32 v2, v2;
	v14 =	vld [tilespmem:s16+$0x0]  }
0x121: {  	v10 =	vmul.f32 v10, v10;
	v24 =	vmul.f32 v3, v3  }
0x122: {  	v19 =	vadd.f32 v20, v19;
	v4 =	vadd.f32 v21, v4;
	v9 =	vmul.f32 v9, v9  }
0x123: {  	v25 =	vld [tilespmem:s2+$0x0];
	v21 =	vadd.f32 v23, v22;
	v22 =	vmul.f32 v12, v12;
	v0 =	vmul.f32 v16, v0  }
0x124: {  	v20 =	vld [tilespmem:s4+$0x0];
	v7 =	vadd.f32 v10, v7;
	v10 =	vadd.f32 v24, v17;
	v16 =	vmul.f32 v16, v16  }
0x125: {  	v4 =	vadd.f32 v18, v4;
	v17 =	vmul.f32 v1, v5;
	v8 =	vadd.f32 v22, v8  }
0x126: {  	v1 =	vmul.f32 v1, v1;
	v12 =	vmul.f32 v12, v14;
	v0 =	vadd.f32 v0, v15  }
0x127: {  	v7 =	vadd.f32 v9, v7;
	v3 =	vmul.f32 v3, v14;
	v9 =	vmul.f32 v14, v14  }
0x128: {  	v11 =	vadd.f32 v16, v11;
	v2 =	vmul.f32 v25, v2;
	v6 =	vadd.f32 v12, v6  }
0x129: {  	v14 =	vmul.f32 v20, v5;
	v1 =	vadd.f32 v1, v8;
	v3 =	vadd.f32 v3, v13  }
0x12a: {  	v5 =	vmul.f32 v5, v5;
	v9 =	vadd.f32 v9, v19;
	v6 =	vadd.f32 v17, v6  }
0x12b: {  	v12 =	vmul.f32 v20, v20;
	v0 =	vadd.f32 v2, v0;
	v2 =	vadd.f32 v14, v3  }
0x12c: {  	v3 =	vmul.f32 v25, v25;
	v5 =	vadd.f32 v5, v9;
	v4 =	vadd.f32 v6, v4  }
0x12d: {  	v10 =	vadd.f32 v12, v10;
	v0 =	vadd.f32 v2, v0  }
0x12e: {  	v2 =	vadd.f32 v3, v11;
	v3 =	vadd.f32 v5, v21;
	[tilespmem:s12+$0xC180] =	vst v4  }
0x12f: {  	[tilespmem:s12+$0xC190] =	vst v0;
	v0 =	vadd.f32 v1, v7  }
0x130: {  	p0 =	seq.s32 s11, $0x3;
	[tilespmem:s12+$0xC1A0] =	vst v3;
	v1 =	vadd.f32 v10, v2  }
0x131: {  	s0 =	sadd.s32 @!p0 s12, s24;
	s2 =	simm.s32 @!p0 $0x200;
	[tilespmem:s12+$0xC1B0] =	vst v0  }
0x132: {  	s3 =	simm.s32 @!p0 $0x400;
	s4 =	simm.s32 @!p0 $0x0;
	s1 =	sadd.s32 @!p0 s7, s0;
	[tilespmem:s12+$0xC1C0] =	vst v1  }
0x133: {  	[tilespmem:s4], [sflag:$0x1] =	stream.strided.gather @!p0 [hbm4b:s1+s2], $0x1000, s3, s2, $0x38;
	[tilespmem:$0xD080] =	vst v63  }
0x134: {  	s1 =	sadd.s32 @!p0 s19, s0;
	s4 =	simm.s32 @!p0 $0x1000  }
0x135: {  	[tilespmem:s4], [sflag:$0x1] =	stream.strided.gather @!p0 [hbm4b:s1+s2], $0x1000, s3, s2, $0x38;
	[tilespmem:$0xD080] =	vst v63  }
0x136: {  	s1 =	sadd.s32 @!p0 s20, s0;
	s4 =	simm.s32 @!p0 $0x2000  }
0x137: {  	[tilespmem:s4], [sflag:$0x1] =	stream.strided.gather @!p0 [hbm4b:s1+s2], $0x1000, s3, s2, $0x38;
	[tilespmem:$0xD080] =	vst v63  }
0x138: {  	s1 =	sadd.s32 @!p0 s21, s0;
	s4 =	simm.s32 @!p0 $0x3000  }
0x139: {  	[tilespmem:s4], [sflag:$0x1] =	stream.strided.gather @!p0 [hbm4b:s1+s2], $0x1000, s3, s2, $0x38;
	[tilespmem:$0xD080] =	vst v63  }
0x13a: {  	s1 =	sadd.s32 @!p0 s22, s0;
	s4 =	simm.s32 @!p0 $0x4000  }
0x13b: {  	[tilespmem:s4], [sflag:$0x1] =	stream.strided.gather @!p0 [hbm4b:s1+s2], $0x1000, s3, s2, $0x38;
	[tilespmem:$0xD080] =	vst v63  }
0x13c: {  	s0 =	sadd.s32 @!p0 s23, s0;
	s1 =	simm.s32 @!p0 $0x5000  }
0x13d: {  	[tilespmem:s1], [sflag:$0x1] =	stream.strided.gather @!p0 [hbm4b:s0+s2], $0x1000, s3, s2, $0x38;
	[tilespmem:$0xD080] =	vst v63  }
0x13e: {  	_ =	swait.ge [sflag:s8], $0x1000  }
0x13f: {  	[sflag:s8] =	ssyncset.done $0x0  }
0x140: {  	[sflag:s8] =	ssyncadd.s32 $0xFFFFF000  }
0x141: {  	_ =	swait.ge [sflag:s8], $0x1000  }
0x142: {  	[sflag:s8] =	ssyncset.done $0x0  }
0x143: {  	[sflag:s8] =	ssyncadd.s32 $0xFFFFF000  }
0x144: {  	_ =	swait.ge [sflag:s8], $0x1000  }
0x145: {  	[sflag:s8] =	ssyncset.done $0x0  }
0x146: {  	[sflag:s8] =	ssyncadd.s32 $0xFFFFF000  }
0x147: {  	_ =	swait.ge [sflag:s8], $0x1000  }
0x148: {  	[sflag:s8] =	ssyncset.done $0x0  }
0x149: {  	[sflag:s8] =	ssyncadd.s32 $0xFFFFF000  }
0x14a: {  	_ =	swait.ge [sflag:s8], $0x1000  }
0x14b: {  	[sflag:s8] =	ssyncset.done $0x0  }
0x14c: {  	s9 =	simm.s32 $0x0;
	[sflag:s8] =	ssyncadd.s32 $0xFFFFF000  }
0x14d: {  	s1 =	sand.u32 $0xE00, s9;
	_ =	swait.ge [sflag:s8], $0x1000  }
0x14e: {  	s0 =	sand.u32 $0x60, s9;
	s10 =	sor.u32 $0x6000, s1;
	[sflag:s8] =	ssyncset.done $0x0  }
0x14f: {  	s3 =	sor.u32 $0x10, s0;
	s13 =	sor.u32 s0, s10;
	[sflag:s8] =	ssyncadd.s32 $0xFFFFF000  }
0x150: {  	s14 =	sor.u32 $0xA000, s1;
	s2 =	sor.u32 s3, s10;
	v5 =	vld [tilespmem:s13+$0x0]  }
0x151: {  	s5 =	sor.u32 $0x8000, s1;
	s15 =	sor.u32 s3, s14;
	v6 =	vld [tilespmem:s2+$0x0]  }
0x152: {  	s6 =	sor.u32 $0x9000, s1;
	s9 =	sor.u32 s3, s5;
	v7 =	vld [tilespmem:s15+$0x0]  }
0x153: {  	s16 =	sor.u32 s3, s6;
	s10 =	sor.u32 $0xB000, s1;
	v1 =	vld [tilespmem:s9+$0x0]  }
0x154: {  	s18 =	sor.u32 s0, s10;
	v8 =	vld [tilespmem:s16+$0x0]  }
0x155: {  	s5 =	sor.u32 s0, s5;
	v10 =	vld [tilespmem:s18+$0x0]  }
0x156: {  	s1 =	sor.u32 $0x7000, s1;
	s17 =	sor.u32 s3, s10;
	s13 =	sor.u32 s0, s14;
	v15 =	vld [tilespmem:s5+$0x0]  }
0x157: {  	s10 =	sor.u32 s0, s6;
	s0 =	sor.u32 s0, s1;
	s1 =	sor.u32 s3, s1;
	v18 =	vld [tilespmem:s13+$0x0]  }
0x158: {  	v17 =	vld [tilespmem:s1+$0x0];
	v2 =	vmul.f32 v5, v5  }
0x159: {  	s14 =	simm.s32 $0x80;
	s15 =	simm.s32 $0x20;
	v12 =	vld [tilespmem:s0+$0x0];
	v3 =	vmul.f32 v6, v6;
	v23 =	vmul.f32 v1, v6  }
0x15a: {  	v9 =	vld [tilespmem:s17+$0x0];
	s0 =	sand.u32 $0xE00, s14;
	s1 =	sand.u32 $0x60, s15;
	v0 =	vmul.f32 v7, v7;
	v1 =	vmul.f32 v1, v1  }
0x15b: {  	v4 =	vimm.f32 $0.0e+00;
	s4 =	sor.u32 $0x10, s1;
	s5 =	sor.u32 $0x8000, s0;
	v14 =	vmul.f32 v8, v8;
	v16 =	vmul.f32 v15, v5  }
0x15c: {  	v11 =	vld [tilespmem:s10+$0x0];
	s16 =	sor.u32 $0x6000, s0;
	s9 =	sor.u32 s4, s5;
	v22 =	vmul.f32 v10, v10;
	v31 =	vmul.f32 v15, v15;
	v13 =	vadd.f32 v2, v4  }
0x15d: {  	s17 =	sor.u32 s1, s16;
	v24 =	vld [tilespmem:s9+$0x0];
	v20 =	vmul.f32 v18, v5;
	v29 =	vmul.f32 v8, v17  }
0x15e: {  	s18 =	sor.u32 $0xA000, s0;
	s2 =	sor.u32 s4, s16;
	v19 =	vmul.f32 v10, v12;
	v27 =	vmul.f32 v12, v12;
	v21 =	vadd.f32 v3, v13;
	v3 =	vld [tilespmem:s17+$0x0]  }
0x15f: {  	s10 =	sor.u32 $0x9000, s0;
	s13 =	sor.u32 s4, s18;
	v5 =	vld [tilespmem:s2+$0x0];
	v2 =	vmul.f32 v9, v9;
	v26 =	vadd.f32 v16, v4;
	v16 =	vmul.f32 v9, v17  }
0x160: {  	s15 =	sor.u32 $0xB000, s0;
	s14 =	sor.u32 s4, s10;
	v10 =	vld [tilespmem:s13+$0x0];
	v25 =	vadd.f32 v22, v4;
	v8 =	vadd.f32 v20, v4;
	v20 =	vmul.f32 v7, v6  }
0x161: {  	s16 =	sor.u32 s4, s15;
	v7 =	vld [tilespmem:s14+$0x0];
	v22 =	vadd.f32 v27, v4;
	v27 =	vmul.f32 v17, v17;
	v13 =	vmul.f32 v11, v11  }
0x162: {  	s0 =	sor.u32 $0x7000, s0;
	s5 =	sor.u32 s1, s5;
	v6 =	vld [tilespmem:s16+$0x0];
	v11 =	vmul.f32 v11, v12;
	s17 =	sor.u32 s1, s10;
	v26 =	vadd.f32 v23, v26;
	v12 =	vadd.f32 v20, v8  }
0x163: {  	s18 =	sor.u32 s1, s18;
	s9 =	sor.u32 s1, s15;
	s1 =	sor.u32 s1, s0;
	v20 =	vld [tilespmem:s17+$0x0];
	v15 =	vadd.f32 v27, v22;
	v27 =	vadd.f32 v31, v4;
	v9 =	vmul.f32 v3, v3  }
0x164: {  	v23 =	vimm.f32 $0.0e+00;
	v22 =	vld [tilespmem:s1+$0x0];
	v13 =	vadd.f32 v13, v4;
	v30 =	vadd.f32 v11, v4  }
0x165: {  	v28 =	vmul.f32 v5, v5;
	v8 =	vmul.f32 v24, v5;
	v11 =	vld [tilespmem:s5+$0x0];
	v9 =	vadd.f32 v9, v21  }
0x166: {  	v17 =	vmul.f32 v10, v10;
	v24 =	vmul.f32 v24, v24;
	v13 =	vadd.f32 v14, v13;
	v14 =	vld [tilespmem:s9+$0x0]  }
0x167: {  	s3 =	simm.s32 $0x40;
	s2 =	sor.u32 s4, s0;
	s0 =	simm.s32 $0x100;
	v21 =	vld [tilespmem:s18+$0x0];
	v9 =	vadd.f32 v28, v9;
	v28 =	vmul.f32 v18, v18;
	v18 =	vadd.f32 v29, v30  }
.LBB2_11:
0x168: {  	s1 =	smov.u32 s3  }
0x169: {  	s4 =	sand.u32 $0x60, s3;
	s5 =	sand.u32 $0xE00, s0;
	v29 =	vld [tilespmem:s2+$0x0];
	v4 =	vadd.f32 v19, v4;
	v25 =	vadd.f32 v2, v25;
	v2 =	vmul.f32 v6, v6;
	s1 =	sadd.s32 $0x20, s3  }
0x16a: {  	v30 =	vmul.f32 v7, v7;
	v27 =	vadd.f32 v1, v27;
	v1 =	vmovc v24;
	s2 =	sor.u32 $0x6000, s5;
	s6 =	sor.u32 $0x8000, s5;
	s9 =	sor.u32 $0x10, s4;
	v19 =	vadd.f32 v28, v23  }
0x16b: {  	s13 =	sor.u32 $0x9000, s5;
	v24 =	vmul.f32 v20, v20;
	s10 =	sor.u32 s4, s2;
	s2 =	sor.u32 s9, s2;
	v4 =	vadd.f32 v16, v4  }
0x16c: {  	s15 =	sor.u32 $0xA000, s5;
	s14 =	sor.u32 s4, s13;
	s13 =	sor.u32 s9, s13;
	v16 =	vmul.f32 v11, v3;
	v28 =	vmul.f32 v21, v3;
	v23 =	vadd.f32 v0, v19;
	v0 =	vmovc v17;
	v3 =	vld [tilespmem:s10+$0x0]  }
0x16d: {  	v31 =	vmul.f32 v14, v14;
	s16 =	sor.u32 s4, s15;
	s15 =	sor.u32 s9, s15;
	v32 =	vmov v21;
	s10 =	sor.u32 $0x7000, s5;
	v20 =	vmul.f32 v20, v22;
	v17 =	vld [tilespmem:s2+$0x0]  }
0x16e: {  	v13 =	vadd.f32 v24, v13;
	v26 =	vadd.f32 v16, v26;
	s17 =	sor.u32 s4, s10;
	s2 =	sor.u32 s9, s10;
	s10 =	sor.u32 s9, s6;
	v33 =	vmul.f32 v7, v29;
	v21 =	vld [tilespmem:s15+$0x0]  }
0x16f: {  	p1 =	sne.s32 s3, $0x3E0;
	v34 =	vmul.f32 v10, v5;
	s5 =	sor.u32 $0xB000, s5;
	v19 =	vmul.f32 v14, v22;
	s6 =	sor.u32 s4, s6;
	v12 =	vadd.f32 v28, v12;
	v24 =	vld [tilespmem:s10+$0x0]  }
0x170: {  	v35 =	vmul.f32 v22, v22;
	s3 =	sor.u32 s4, s5;
	s4 =	sor.u32 s9, s5;
	v16 =	vmul.f32 v6, v29;
	v13 =	vadd.f32 v30, v13;
	v7 =	vld [tilespmem:s13+$0x0]  }
0x171: {  	v25 =	vadd.f32 v31, v25;
	v12 =	vadd.f32 v34, v12;
	v22 =	vmul.f32 v3, v3;
	v6 =	vld [tilespmem:s4+$0x0]  }
.Ltmp4:
0x172: {  	v28 =	vmul.f32 v29, v29;
	v18 =	vadd.f32 v20, v18;
	v15 =	vadd.f32 v35, v15;
	v14 =	vld [tilespmem:s3+$0x0];
	v5 =	vmovc v17;
	(pc) =	sbr.rel @p1 .LBB2_11-.Ltmp4, $4  }
0x173: {  	v29 =	vmul.f32 v11, v11;
	v20 =	vld [tilespmem:s14+$0x0];
	v9 =	vadd.f32 v22, v9;
	v22 =	vmul.f32 v17, v5;
	v10 =	vmovc v21  }
0x174: {  	v15 =	vadd.f32 v28, v15;
	v11 =	vld [tilespmem:s6+$0x0];
	v30 =	vmul.f32 v24, v5;
	v17 =	vmul.f32 v21, v10  }
0x175: {  	v27 =	vadd.f32 v29, v27;
	v24 =	vmul.f32 v24, v24;
	v21 =	vld [tilespmem:s16+$0x0];
	v9 =	vadd.f32 v22, v9  }
0x176: {  	s0 =	sadd.s32 $0x80, s0;
	v26 =	vadd.f32 v8, v26;
	v28 =	vmul.f32 v32, v32;
	v18 =	vadd.f32 v33, v18;
	s3 =	smov.u32 s1;
	v22 =	vld [tilespmem:s17+$0x0];
	v8 =	vmovc v30  }
0x177: {  	v29 =	vmul.f32 v6, v6  }
0x178: {  	v4 =	vadd.f32 v19, v4;
	v2 =	vadd.f32 v2, v25;
	v19 =	vmul.f32 v7, v7  }
0x179: {  	v25 =	vld [tilespmem:s2+$0x0];
	v1 =	vadd.f32 v1, v27;
	v5 =	vmul.f32 v10, v5;
	v23 =	vadd.f32 v28, v23  }
0x17a: {  	v27 =	vmul.f32 v20, v20;
	v4 =	vadd.f32 v16, v4;
	v16 =	vmul.f32 v11, v3  }
0x17b: {  	v3 =	vmul.f32 v21, v3;
	v0 =	vadd.f32 v0, v23;
	v23 =	vmul.f32 v14, v14  }
0x17c: {  	v13 =	vadd.f32 v27, v13;
	v20 =	vmul.f32 v20, v22;
	v16 =	vadd.f32 v16, v26  }
0x17d: {  	v26 =	vmul.f32 v22, v22;
	v14 =	vmul.f32 v14, v22;
	v3 =	vadd.f32 v3, v12  }
0x17e: {  	v10 =	vadd.f32 v19, v13;
	v13 =	vmul.f32 v25, v25;
	v2 =	vadd.f32 v23, v2  }
0x17f: {  	v6 =	vmul.f32 v6, v25;
	v12 =	vadd.f32 v26, v15;
	v4 =	vadd.f32 v14, v4  }
0x180: {  	v8 =	vadd.f32 v8, v16;
	v3 =	vadd.f32 v5, v3;
	v5 =	vmul.f32 v11, v11  }
0x181: {  	v7 =	vmul.f32 v7, v25;
	v11 =	vadd.f32 v20, v18;
	v2 =	vadd.f32 v29, v2  }
0x182: {  	v4 =	vadd.f32 v6, v4;
	v1 =	vadd.f32 v5, v1;
	v5 =	vmul.f32 v21, v21  }
0x183: {  	v12 =	vadd.f32 v13, v12;
	v7 =	vadd.f32 v7, v11  }
0x184: {  	v3 =	vadd.f32 v4, v3;
	v0 =	vadd.f32 v5, v0  }
0x185: {  	v4 =	vadd.f32 v12, v9;
	v1 =	vadd.f32 v24, v1  }
0x186: {  	v5 =	vadd.f32 v7, v8;
	[tilespmem:s12+$0xC210] =	vst v3;
	v0 =	vadd.f32 v17, v0  }
0x187: {  	s0 =	simm.s32 $0x0;
	[tilespmem:s12+$0xC220] =	vst v4;
	v1 =	vadd.f32 v10, v1  }
0x188: {  	s1 =	sand.u32 $0xE00, s0;
	[tilespmem:s12+$0xC200] =	vst v5;
	v0 =	vadd.f32 v2, v0  }
0x189: {  	s0 =	sand.u32 $0x60, s0;
	s13 =	sor.u32 $0x6080, s1;
	[tilespmem:s12+$0xC230] =	vst v1  }
0x18a: {  	s3 =	sor.u32 $0x10, s0;
	s4 =	sor.u32 s0, s13;
	[tilespmem:s12+$0xC240] =	vst v0  }
0x18b: {  	s14 =	sor.u32 $0xA080, s1;
	s2 =	sor.u32 s3, s13;
	v5 =	vld [tilespmem:s4+$0x0]  }
0x18c: {  	s5 =	sor.u32 $0x8080, s1;
	s15 =	sor.u32 s3, s14;
	v6 =	vld [tilespmem:s2+$0x0]  }
0x18d: {  	s6 =	sor.u32 $0x9080, s1;
	s9 =	sor.u32 s3, s5;
	v7 =	vld [tilespmem:s15+$0x0]  }
0x18e: {  	s10 =	sor.u32 $0xB080, s1;
	s16 =	sor.u32 s3, s6;
	v1 =	vld [tilespmem:s9+$0x0]  }
0x18f: {  	s18 =	sor.u32 s0, s10;
	v8 =	vld [tilespmem:s16+$0x0]  }
0x190: {  	s5 =	sor.u32 s0, s5;
	v10 =	vld [tilespmem:s18+$0x0]  }
0x191: {  	s1 =	sor.u32 $0x7080, s1;
	s13 =	sor.u32 s0, s14;
	v15 =	vld [tilespmem:s5+$0x0]  }
0x192: {  	s17 =	sor.u32 s3, s10;
	s10 =	sor.u32 s0, s6;
	s0 =	sor.u32 s0, s1;
	v18 =	vld [tilespmem:s13+$0x0]  }
0x193: {  	s1 =	sor.u32 s3, s1;
	v12 =	vld [tilespmem:s0+$0x0]  }
0x194: {  	v17 =	vld [tilespmem:s1+$0x0];
	v2 =	vmul.f32 v5, v5  }
0x195: {  	s14 =	simm.s32 $0x80;
	s15 =	simm.s32 $0x20;
	v3 =	vmul.f32 v6, v6;
	v23 =	vmul.f32 v1, v6  }
0x196: {  	v9 =	vld [tilespmem:s17+$0x0];
	s0 =	sand.u32 $0xE00, s14;
	s1 =	sand.u32 $0x60, s15;
	v0 =	vmul.f32 v7, v7;
	v1 =	vmul.f32 v1, v1  }
0x197: {  	v4 =	vimm.f32 $0.0e+00;
	s5 =	sor.u32 $0x8080, s0;
	s4 =	sor.u32 $0x10, s1;
	v14 =	vmul.f32 v8, v8;
	v16 =	vmul.f32 v15, v5  }
0x198: {  	v11 =	vld [tilespmem:s10+$0x0];
	s16 =	sor.u32 $0x6080, s0;
	s9 =	sor.u32 s4, s5;
	v20 =	vmul.f32 v18, v5;
	v22 =	vmul.f32 v10, v10;
	v13 =	vadd.f32 v2, v4  }
0x199: {  	s17 =	sor.u32 s1, s16;
	v24 =	vld [tilespmem:s9+$0x0];
	v29 =	vmul.f32 v8, v17;
	v19 =	vmul.f32 v10, v12  }
0x19a: {  	s18 =	sor.u32 $0xA080, s0;
	s2 =	sor.u32 s4, s16;
	v27 =	vmul.f32 v12, v12;
	v31 =	vmul.f32 v15, v15;
	v21 =	vadd.f32 v3, v13;
	v3 =	vld [tilespmem:s17+$0x0]  }
0x19b: {  	s10 =	sor.u32 $0x9080, s0;
	s13 =	sor.u32 s4, s18;
	v5 =	vld [tilespmem:s2+$0x0];
	v2 =	vmul.f32 v9, v9;
	v8 =	vadd.f32 v20, v4;
	v20 =	vmul.f32 v7, v6  }
0x19c: {  	s15 =	sor.u32 $0xB080, s0;
	s14 =	sor.u32 s4, s10;
	v10 =	vld [tilespmem:s13+$0x0];
	v25 =	vadd.f32 v22, v4;
	v22 =	vadd.f32 v27, v4;
	v27 =	vmul.f32 v17, v17  }
0x19d: {  	s16 =	sor.u32 s4, s15;
	v26 =	vadd.f32 v16, v4;
	v7 =	vld [tilespmem:s14+$0x0];
	v16 =	vmul.f32 v9, v17;
	v13 =	vmul.f32 v11, v11  }
0x19e: {  	s0 =	sor.u32 $0x7080, s0;
	s5 =	sor.u32 s1, s5;
	v6 =	vld [tilespmem:s16+$0x0];
	v11 =	vmul.f32 v11, v12;
	v12 =	vadd.f32 v20, v8;
	s17 =	sor.u32 s1, s10;
	v15 =	vadd.f32 v27, v22  }
0x19f: {  	s18 =	sor.u32 s1, s18;
	s9 =	sor.u32 s1, s15;
	s1 =	sor.u32 s1, s0;
	v27 =	vadd.f32 v31, v4;
	v26 =	vadd.f32 v23, v26;
	v20 =	vld [tilespmem:s17+$0x0];
	v9 =	vmul.f32 v3, v3  }
0x1a0: {  	v23 =	vimm.f32 $0.0e+00;
	v28 =	vmul.f32 v5, v5;
	v22 =	vld [tilespmem:s1+$0x0];
	v13 =	vadd.f32 v13, v4  }
0x1a1: {  	v8 =	vmul.f32 v24, v5;
	v30 =	vadd.f32 v11, v4;
	v11 =	vld [tilespmem:s5+$0x0];
	v9 =	vadd.f32 v9, v21  }
0x1a2: {  	v17 =	vmul.f32 v10, v10;
	v24 =	vmul.f32 v24, v24;
	v13 =	vadd.f32 v14, v13;
	v14 =	vld [tilespmem:s9+$0x0]  }
0x1a3: {  	s3 =	simm.s32 $0x40;
	s2 =	sor.u32 s4, s0;
	s0 =	simm.s32 $0x100;
	v21 =	vld [tilespmem:s18+$0x0];
	v9 =	vadd.f32 v28, v9;
	v28 =	vmul.f32 v18, v18;
	v18 =	vadd.f32 v29, v30  }
.LBB2_13:
0x1a4: {  	s1 =	smov.u32 s3  }
0x1a5: {  	s4 =	sand.u32 $0x60, s3;
	s5 =	sand.u32 $0xE00, s0;
	v29 =	vld [tilespmem:s2+$0x0];
	v4 =	vadd.f32 v19, v4;
	v25 =	vadd.f32 v2, v25;
	v2 =	vmul.f32 v6, v6;
	s1 =	sadd.s32 $0x20, s3  }
0x1a6: {  	v30 =	vmul.f32 v7, v7;
	v27 =	vadd.f32 v1, v27;
	v1 =	vmovc v24;
	s2 =	sor.u32 $0x6080, s5;
	s6 =	sor.u32 $0x8080, s5;
	s9 =	sor.u32 $0x10, s4;
	v19 =	vadd.f32 v28, v23  }
0x1a7: {  	s13 =	sor.u32 $0x9080, s5;
	v24 =	vmul.f32 v20, v20;
	s10 =	sor.u32 s4, s2;
	s2 =	sor.u32 s9, s2;
	v4 =	vadd.f32 v16, v4  }
0x1a8: {  	s15 =	sor.u32 $0xA080, s5;
	s14 =	sor.u32 s4, s13;
	s13 =	sor.u32 s9, s13;
	v16 =	vmul.f32 v11, v3;
	v28 =	vmul.f32 v21, v3;
	v23 =	vadd.f32 v0, v19;
	v0 =	vmovc v17;
	v3 =	vld [tilespmem:s10+$0x0]  }
0x1a9: {  	v31 =	vmul.f32 v14, v14;
	s16 =	sor.u32 s4, s15;
	s15 =	sor.u32 s9, s15;
	v32 =	vmov v21;
	s10 =	sor.u32 $0x7080, s5;
	v20 =	vmul.f32 v20, v22;
	v17 =	vld [tilespmem:s2+$0x0]  }
0x1aa: {  	v13 =	vadd.f32 v24, v13;
	v26 =	vadd.f32 v16, v26;
	s17 =	sor.u32 s4, s10;
	s2 =	sor.u32 s9, s10;
	s10 =	sor.u32 s9, s6;
	v33 =	vmul.f32 v7, v29;
	v21 =	vld [tilespmem:s15+$0x0]  }
0x1ab: {  	p1 =	sne.s32 s3, $0x3E0;
	v34 =	vmul.f32 v10, v5;
	s5 =	sor.u32 $0xB080, s5;
	v19 =	vmul.f32 v14, v22;
	s6 =	sor.u32 s4, s6;
	v12 =	vadd.f32 v28, v12;
	v24 =	vld [tilespmem:s10+$0x0]  }
0x1ac: {  	v35 =	vmul.f32 v22, v22;
	s3 =	sor.u32 s4, s5;
	s4 =	sor.u32 s9, s5;
	v16 =	vmul.f32 v6, v29;
	v13 =	vadd.f32 v30, v13;
	v7 =	vld [tilespmem:s13+$0x0]  }
0x1ad: {  	v25 =	vadd.f32 v31, v25;
	v12 =	vadd.f32 v34, v12;
	v22 =	vmul.f32 v3, v3;
	v6 =	vld [tilespmem:s4+$0x0]  }
.Ltmp5:
0x1ae: {  	v28 =	vmul.f32 v29, v29;
	v18 =	vadd.f32 v20, v18;
	v15 =	vadd.f32 v35, v15;
	v14 =	vld [tilespmem:s3+$0x0];
	v5 =	vmovc v17;
	(pc) =	sbr.rel @p1 .LBB2_13-.Ltmp5, $4  }
0x1af: {  	v29 =	vmul.f32 v11, v11;
	v20 =	vld [tilespmem:s14+$0x0];
	v9 =	vadd.f32 v22, v9;
	v22 =	vmul.f32 v17, v5;
	v10 =	vmovc v21  }
0x1b0: {  	v15 =	vadd.f32 v28, v15;
	v11 =	vld [tilespmem:s6+$0x0];
	v30 =	vmul.f32 v24, v5;
	v17 =	vmul.f32 v21, v10  }
0x1b1: {  	v27 =	vadd.f32 v29, v27;
	v24 =	vmul.f32 v24, v24;
	v21 =	vld [tilespmem:s16+$0x0];
	v9 =	vadd.f32 v22, v9  }
0x1b2: {  	s0 =	sadd.s32 $0x80, s0;
	v26 =	vadd.f32 v8, v26;
	v28 =	vmul.f32 v32, v32;
	v18 =	vadd.f32 v33, v18;
	s3 =	smov.u32 s1;
	v22 =	vld [tilespmem:s17+$0x0];
	v8 =	vmovc v30  }
0x1b3: {  	v29 =	vmul.f32 v6, v6  }
0x1b4: {  	v4 =	vadd.f32 v19, v4;
	v2 =	vadd.f32 v2, v25;
	v19 =	vmul.f32 v7, v7  }
0x1b5: {  	v25 =	vld [tilespmem:s2+$0x0];
	v1 =	vadd.f32 v1, v27;
	v5 =	vmul.f32 v10, v5;
	v23 =	vadd.f32 v28, v23  }
0x1b6: {  	v27 =	vmul.f32 v20, v20;
	v4 =	vadd.f32 v16, v4;
	v16 =	vmul.f32 v11, v3  }
0x1b7: {  	v3 =	vmul.f32 v21, v3;
	v0 =	vadd.f32 v0, v23;
	v23 =	vmul.f32 v14, v14  }
0x1b8: {  	v13 =	vadd.f32 v27, v13;
	v20 =	vmul.f32 v20, v22;
	v16 =	vadd.f32 v16, v26  }
0x1b9: {  	v26 =	vmul.f32 v22, v22;
	v14 =	vmul.f32 v14, v22;
	v3 =	vadd.f32 v3, v12  }
0x1ba: {  	v10 =	vadd.f32 v19, v13;
	v13 =	vmul.f32 v25, v25;
	v2 =	vadd.f32 v23, v2  }
0x1bb: {  	v6 =	vmul.f32 v6, v25;
	v12 =	vadd.f32 v26, v15;
	v4 =	vadd.f32 v14, v4  }
0x1bc: {  	v8 =	vadd.f32 v8, v16;
	v3 =	vadd.f32 v5, v3;
	v5 =	vmul.f32 v11, v11  }
0x1bd: {  	v7 =	vmul.f32 v7, v25;
	v11 =	vadd.f32 v20, v18;
	v2 =	vadd.f32 v29, v2  }
0x1be: {  	v4 =	vadd.f32 v6, v4;
	v1 =	vadd.f32 v5, v1;
	v5 =	vmul.f32 v21, v21  }
0x1bf: {  	v12 =	vadd.f32 v13, v12;
	v7 =	vadd.f32 v7, v11  }
0x1c0: {  	v3 =	vadd.f32 v4, v3;
	v0 =	vadd.f32 v5, v0  }
0x1c1: {  	v4 =	vadd.f32 v12, v9;
	v1 =	vadd.f32 v24, v1  }
0x1c2: {  	v5 =	vadd.f32 v7, v8;
	[tilespmem:s12+$0xC290] =	vst v3;
	v0 =	vadd.f32 v17, v0  }
0x1c3: {  	s0 =	simm.s32 $0x0;
	[tilespmem:s12+$0xC2A0] =	vst v4;
	v1 =	vadd.f32 v10, v1  }
0x1c4: {  	s1 =	sand.u32 $0xE00, s0;
	[tilespmem:s12+$0xC280] =	vst v5;
	v0 =	vadd.f32 v2, v0  }
0x1c5: {  	s0 =	sand.u32 $0x60, s0;
	s13 =	sor.u32 $0x6100, s1;
	[tilespmem:s12+$0xC2B0] =	vst v1  }
0x1c6: {  	s3 =	sor.u32 $0x10, s0;
	s4 =	sor.u32 s0, s13;
	[tilespmem:s12+$0xC2C0] =	vst v0  }
0x1c7: {  	s14 =	sor.u32 $0xA100, s1;
	s2 =	sor.u32 s3, s13;
	v5 =	vld [tilespmem:s4+$0x0]  }
0x1c8: {  	s5 =	sor.u32 $0x8100, s1;
	s15 =	sor.u32 s3, s14;
	v6 =	vld [tilespmem:s2+$0x0]  }
0x1c9: {  	s6 =	sor.u32 $0x9100, s1;
	s9 =	sor.u32 s3, s5;
	v7 =	vld [tilespmem:s15+$0x0]  }
0x1ca: {  	s10 =	sor.u32 $0xB100, s1;
	s16 =	sor.u32 s3, s6;
	v1 =	vld [tilespmem:s9+$0x0]  }
0x1cb: {  	s18 =	sor.u32 s0, s10;
	v8 =	vld [tilespmem:s16+$0x0]  }
0x1cc: {  	s5 =	sor.u32 s0, s5;
	v10 =	vld [tilespmem:s18+$0x0]  }
0x1cd: {  	s1 =	sor.u32 $0x7100, s1;
	s13 =	sor.u32 s0, s14;
	v15 =	vld [tilespmem:s5+$0x0]  }
0x1ce: {  	s17 =	sor.u32 s3, s10;
	s10 =	sor.u32 s0, s6;
	s0 =	sor.u32 s0, s1;
	v18 =	vld [tilespmem:s13+$0x0]  }
0x1cf: {  	s1 =	sor.u32 s3, s1;
	v12 =	vld [tilespmem:s0+$0x0]  }
0x1d0: {  	v17 =	vld [tilespmem:s1+$0x0];
	v2 =	vmul.f32 v5, v5  }
0x1d1: {  	s14 =	simm.s32 $0x80;
	s15 =	simm.s32 $0x20;
	v3 =	vmul.f32 v6, v6;
	v23 =	vmul.f32 v1, v6  }
0x1d2: {  	v9 =	vld [tilespmem:s17+$0x0];
	s0 =	sand.u32 $0xE00, s14;
	s1 =	sand.u32 $0x60, s15;
	v0 =	vmul.f32 v7, v7;
	v1 =	vmul.f32 v1, v1  }
0x1d3: {  	v4 =	vimm.f32 $0.0e+00;
	s5 =	sor.u32 $0x8100, s0;
	s4 =	sor.u32 $0x10, s1;
	v14 =	vmul.f32 v8, v8;
	v16 =	vmul.f32 v15, v5  }
0x1d4: {  	v11 =	vld [tilespmem:s10+$0x0];
	s16 =	sor.u32 $0x6100, s0;
	s9 =	sor.u32 s4, s5;
	v20 =	vmul.f32 v18, v5;
	v22 =	vmul.f32 v10, v10;
	v13 =	vadd.f32 v2, v4  }
0x1d5: {  	s17 =	sor.u32 s1, s16;
	v24 =	vld [tilespmem:s9+$0x0];
	v29 =	vmul.f32 v8, v17;
	v19 =	vmul.f32 v10, v12  }
0x1d6: {  	s18 =	sor.u32 $0xA100, s0;
	s2 =	sor.u32 s4, s16;
	v27 =	vmul.f32 v12, v12;
	v31 =	vmul.f32 v15, v15;
	v21 =	vadd.f32 v3, v13;
	v3 =	vld [tilespmem:s17+$0x0]  }
0x1d7: {  	s10 =	sor.u32 $0x9100, s0;
	s13 =	sor.u32 s4, s18;
	v5 =	vld [tilespmem:s2+$0x0];
	v2 =	vmul.f32 v9, v9;
	v8 =	vadd.f32 v20, v4;
	v20 =	vmul.f32 v7, v6  }
0x1d8: {  	s15 =	sor.u32 $0xB100, s0;
	s14 =	sor.u32 s4, s10;
	v10 =	vld [tilespmem:s13+$0x0];
	v25 =	vadd.f32 v22, v4;
	v22 =	vadd.f32 v27, v4;
	v27 =	vmul.f32 v17, v17  }
0x1d9: {  	s16 =	sor.u32 s4, s15;
	v26 =	vadd.f32 v16, v4;
	v7 =	vld [tilespmem:s14+$0x0];
	v16 =	vmul.f32 v9, v17;
	v13 =	vmul.f32 v11, v11  }
0x1da: {  	s0 =	sor.u32 $0x7100, s0;
	s5 =	sor.u32 s1, s5;
	v6 =	vld [tilespmem:s16+$0x0];
	v11 =	vmul.f32 v11, v12;
	v12 =	vadd.f32 v20, v8;
	s17 =	sor.u32 s1, s10;
	v15 =	vadd.f32 v27, v22  }
0x1db: {  	s18 =	sor.u32 s1, s18;
	s9 =	sor.u32 s1, s15;
	s1 =	sor.u32 s1, s0;
	v27 =	vadd.f32 v31, v4;
	v26 =	vadd.f32 v23, v26;
	v20 =	vld [tilespmem:s17+$0x0];
	v9 =	vmul.f32 v3, v3  }
0x1dc: {  	v23 =	vimm.f32 $0.0e+00;
	v28 =	vmul.f32 v5, v5;
	v22 =	vld [tilespmem:s1+$0x0];
	v13 =	vadd.f32 v13, v4  }
0x1dd: {  	v8 =	vmul.f32 v24, v5;
	v30 =	vadd.f32 v11, v4;
	v11 =	vld [tilespmem:s5+$0x0];
	v9 =	vadd.f32 v9, v21  }
0x1de: {  	v17 =	vmul.f32 v10, v10;
	v24 =	vmul.f32 v24, v24;
	v13 =	vadd.f32 v14, v13;
	v14 =	vld [tilespmem:s9+$0x0]  }
0x1df: {  	s3 =	simm.s32 $0x40;
	s2 =	sor.u32 s4, s0;
	s0 =	simm.s32 $0x100;
	v21 =	vld [tilespmem:s18+$0x0];
	v9 =	vadd.f32 v28, v9;
	v28 =	vmul.f32 v18, v18;
	v18 =	vadd.f32 v29, v30  }
.LBB2_15:
0x1e0: {  	s1 =	smov.u32 s3  }
0x1e1: {  	s4 =	sand.u32 $0x60, s3;
	s5 =	sand.u32 $0xE00, s0;
	v29 =	vld [tilespmem:s2+$0x0];
	v4 =	vadd.f32 v19, v4;
	v25 =	vadd.f32 v2, v25;
	v2 =	vmul.f32 v6, v6;
	s1 =	sadd.s32 $0x20, s3  }
0x1e2: {  	v30 =	vmul.f32 v7, v7;
	v27 =	vadd.f32 v1, v27;
	v1 =	vmovc v24;
	s2 =	sor.u32 $0x6100, s5;
	s6 =	sor.u32 $0x8100, s5;
	s9 =	sor.u32 $0x10, s4;
	v19 =	vadd.f32 v28, v23  }
0x1e3: {  	s13 =	sor.u32 $0x9100, s5;
	v24 =	vmul.f32 v20, v20;
	s10 =	sor.u32 s4, s2;
	s2 =	sor.u32 s9, s2;
	v4 =	vadd.f32 v16, v4  }
0x1e4: {  	s15 =	sor.u32 $0xA100, s5;
	s14 =	sor.u32 s4, s13;
	s13 =	sor.u32 s9, s13;
	v16 =	vmul.f32 v11, v3;
	v28 =	vmul.f32 v21, v3;
	v23 =	vadd.f32 v0, v19;
	v0 =	vmovc v17;
	v3 =	vld [tilespmem:s10+$0x0]  }
0x1e5: {  	v31 =	vmul.f32 v14, v14;
	s16 =	sor.u32 s4, s15;
	s15 =	sor.u32 s9, s15;
	v32 =	vmov v21;
	s10 =	sor.u32 $0x7100, s5;
	v20 =	vmul.f32 v20, v22;
	v17 =	vld [tilespmem:s2+$0x0]  }
0x1e6: {  	v13 =	vadd.f32 v24, v13;
	v26 =	vadd.f32 v16, v26;
	s17 =	sor.u32 s4, s10;
	s2 =	sor.u32 s9, s10;
	s10 =	sor.u32 s9, s6;
	v33 =	vmul.f32 v7, v29;
	v21 =	vld [tilespmem:s15+$0x0]  }
0x1e7: {  	p1 =	sne.s32 s3, $0x3E0;
	v34 =	vmul.f32 v10, v5;
	s5 =	sor.u32 $0xB100, s5;
	v19 =	vmul.f32 v14, v22;
	s6 =	sor.u32 s4, s6;
	v12 =	vadd.f32 v28, v12;
	v24 =	vld [tilespmem:s10+$0x0]  }
0x1e8: {  	v35 =	vmul.f32 v22, v22;
	s3 =	sor.u32 s4, s5;
	s4 =	sor.u32 s9, s5;
	v16 =	vmul.f32 v6, v29;
	v13 =	vadd.f32 v30, v13;
	v7 =	vld [tilespmem:s13+$0x0]  }
0x1e9: {  	v25 =	vadd.f32 v31, v25;
	v12 =	vadd.f32 v34, v12;
	v22 =	vmul.f32 v3, v3;
	v6 =	vld [tilespmem:s4+$0x0]  }
.Ltmp6:
0x1ea: {  	v28 =	vmul.f32 v29, v29;
	v18 =	vadd.f32 v20, v18;
	v15 =	vadd.f32 v35, v15;
	v14 =	vld [tilespmem:s3+$0x0];
	v5 =	vmovc v17;
	(pc) =	sbr.rel @p1 .LBB2_15-.Ltmp6, $4  }
0x1eb: {  	v29 =	vmul.f32 v11, v11;
	v20 =	vld [tilespmem:s14+$0x0];
	v9 =	vadd.f32 v22, v9;
	v22 =	vmul.f32 v17, v5;
	v10 =	vmovc v21  }
0x1ec: {  	v15 =	vadd.f32 v28, v15;
	v11 =	vld [tilespmem:s6+$0x0];
	v30 =	vmul.f32 v24, v5;
	v17 =	vmul.f32 v21, v10  }
0x1ed: {  	v27 =	vadd.f32 v29, v27;
	v24 =	vmul.f32 v24, v24;
	v21 =	vld [tilespmem:s16+$0x0];
	v9 =	vadd.f32 v22, v9  }
0x1ee: {  	s0 =	sadd.s32 $0x80, s0;
	v26 =	vadd.f32 v8, v26;
	v28 =	vmul.f32 v32, v32;
	v18 =	vadd.f32 v33, v18;
	s3 =	smov.u32 s1;
	v22 =	vld [tilespmem:s17+$0x0];
	v8 =	vmovc v30  }
0x1ef: {  	v29 =	vmul.f32 v6, v6  }
0x1f0: {  	v4 =	vadd.f32 v19, v4;
	v2 =	vadd.f32 v2, v25;
	v19 =	vmul.f32 v7, v7  }
0x1f1: {  	v25 =	vld [tilespmem:s2+$0x0];
	v1 =	vadd.f32 v1, v27;
	v5 =	vmul.f32 v10, v5;
	v23 =	vadd.f32 v28, v23  }
0x1f2: {  	v27 =	vmul.f32 v20, v20;
	v4 =	vadd.f32 v16, v4;
	v16 =	vmul.f32 v11, v3  }
0x1f3: {  	v3 =	vmul.f32 v21, v3;
	v0 =	vadd.f32 v0, v23;
	v23 =	vmul.f32 v14, v14  }
0x1f4: {  	v13 =	vadd.f32 v27, v13;
	v20 =	vmul.f32 v20, v22;
	v16 =	vadd.f32 v16, v26  }
0x1f5: {  	v26 =	vmul.f32 v22, v22;
	v14 =	vmul.f32 v14, v22;
	v3 =	vadd.f32 v3, v12  }
0x1f6: {  	v10 =	vadd.f32 v19, v13;
	v13 =	vmul.f32 v25, v25;
	v2 =	vadd.f32 v23, v2  }
0x1f7: {  	v6 =	vmul.f32 v6, v25;
	v12 =	vadd.f32 v26, v15;
	v4 =	vadd.f32 v14, v4  }
0x1f8: {  	v8 =	vadd.f32 v8, v16;
	v3 =	vadd.f32 v5, v3;
	v5 =	vmul.f32 v11, v11  }
0x1f9: {  	v7 =	vmul.f32 v7, v25;
	v11 =	vadd.f32 v20, v18;
	v2 =	vadd.f32 v29, v2  }
0x1fa: {  	v4 =	vadd.f32 v6, v4;
	v1 =	vadd.f32 v5, v1;
	v5 =	vmul.f32 v21, v21  }
0x1fb: {  	v12 =	vadd.f32 v13, v12;
	v7 =	vadd.f32 v7, v11  }
0x1fc: {  	v3 =	vadd.f32 v4, v3;
	v0 =	vadd.f32 v5, v0  }
0x1fd: {  	v4 =	vadd.f32 v12, v9;
	v1 =	vadd.f32 v24, v1  }
0x1fe: {  	v5 =	vadd.f32 v7, v8;
	[tilespmem:s12+$0xC310] =	vst v3;
	v0 =	vadd.f32 v17, v0  }
0x1ff: {  	s0 =	simm.s32 $0x0;
	[tilespmem:s12+$0xC320] =	vst v4;
	v1 =	vadd.f32 v10, v1  }
0x200: {  	s1 =	sand.u32 $0xE00, s0;
	[tilespmem:s12+$0xC300] =	vst v5;
	v0 =	vadd.f32 v2, v0  }
0x201: {  	s0 =	sand.u32 $0x60, s0;
	s13 =	sor.u32 $0x6180, s1;
	[tilespmem:s12+$0xC330] =	vst v1  }
0x202: {  	s3 =	sor.u32 $0x10, s0;
	s4 =	sor.u32 s0, s13;
	[tilespmem:s12+$0xC340] =	vst v0  }
0x203: {  	s14 =	sor.u32 $0xA180, s1;
	s2 =	sor.u32 s3, s13;
	v5 =	vld [tilespmem:s4+$0x0]  }
0x204: {  	s5 =	sor.u32 $0x8180, s1;
	s15 =	sor.u32 s3, s14;
	v6 =	vld [tilespmem:s2+$0x0]  }
0x205: {  	s6 =	sor.u32 $0x9180, s1;
	s9 =	sor.u32 s3, s5;
	v7 =	vld [tilespmem:s15+$0x0]  }
0x206: {  	s10 =	sor.u32 $0xB180, s1;
	s16 =	sor.u32 s3, s6;
	v1 =	vld [tilespmem:s9+$0x0]  }
0x207: {  	s18 =	sor.u32 s0, s10;
	v8 =	vld [tilespmem:s16+$0x0]  }
0x208: {  	s5 =	sor.u32 s0, s5;
	v10 =	vld [tilespmem:s18+$0x0]  }
0x209: {  	s1 =	sor.u32 $0x7180, s1;
	s13 =	sor.u32 s0, s14;
	v15 =	vld [tilespmem:s5+$0x0]  }
0x20a: {  	s17 =	sor.u32 s3, s10;
	s10 =	sor.u32 s0, s6;
	s0 =	sor.u32 s0, s1;
	v18 =	vld [tilespmem:s13+$0x0]  }
0x20b: {  	s1 =	sor.u32 s3, s1;
	v12 =	vld [tilespmem:s0+$0x0]  }
0x20c: {  	v17 =	vld [tilespmem:s1+$0x0];
	v2 =	vmul.f32 v5, v5  }
0x20d: {  	s14 =	simm.s32 $0x80;
	s15 =	simm.s32 $0x20;
	v3 =	vmul.f32 v6, v6;
	v23 =	vmul.f32 v1, v6  }
0x20e: {  	v9 =	vld [tilespmem:s17+$0x0];
	s0 =	sand.u32 $0xE00, s14;
	s1 =	sand.u32 $0x60, s15;
	v0 =	vmul.f32 v7, v7;
	v1 =	vmul.f32 v1, v1  }
0x20f: {  	v4 =	vimm.f32 $0.0e+00;
	s5 =	sor.u32 $0x8180, s0;
	s4 =	sor.u32 $0x10, s1;
	v14 =	vmul.f32 v8, v8;
	v16 =	vmul.f32 v15, v5  }
0x210: {  	v11 =	vld [tilespmem:s10+$0x0];
	s16 =	sor.u32 $0x6180, s0;
	s9 =	sor.u32 s4, s5;
	v20 =	vmul.f32 v18, v5;
	v22 =	vmul.f32 v10, v10;
	v13 =	vadd.f32 v2, v4  }
0x211: {  	s17 =	sor.u32 s1, s16;
	v24 =	vld [tilespmem:s9+$0x0];
	v29 =	vmul.f32 v8, v17;
	v19 =	vmul.f32 v10, v12  }
0x212: {  	s18 =	sor.u32 $0xA180, s0;
	s2 =	sor.u32 s4, s16;
	v27 =	vmul.f32 v12, v12;
	v31 =	vmul.f32 v15, v15;
	v21 =	vadd.f32 v3, v13;
	v3 =	vld [tilespmem:s17+$0x0]  }
0x213: {  	s10 =	sor.u32 $0x9180, s0;
	s13 =	sor.u32 s4, s18;
	v5 =	vld [tilespmem:s2+$0x0];
	v2 =	vmul.f32 v9, v9;
	v8 =	vadd.f32 v20, v4;
	v20 =	vmul.f32 v7, v6  }
0x214: {  	s15 =	sor.u32 $0xB180, s0;
	s14 =	sor.u32 s4, s10;
	v10 =	vld [tilespmem:s13+$0x0];
	v25 =	vadd.f32 v22, v4;
	v22 =	vadd.f32 v27, v4;
	v27 =	vmul.f32 v17, v17  }
0x215: {  	s16 =	sor.u32 s4, s15;
	v26 =	vadd.f32 v16, v4;
	v7 =	vld [tilespmem:s14+$0x0];
	v16 =	vmul.f32 v9, v17;
	v13 =	vmul.f32 v11, v11  }
0x216: {  	s0 =	sor.u32 $0x7180, s0;
	s5 =	sor.u32 s1, s5;
	v6 =	vld [tilespmem:s16+$0x0];
	v11 =	vmul.f32 v11, v12;
	v12 =	vadd.f32 v20, v8;
	s17 =	sor.u32 s1, s10;
	v15 =	vadd.f32 v27, v22  }
0x217: {  	s18 =	sor.u32 s1, s18;
	s9 =	sor.u32 s1, s15;
	s1 =	sor.u32 s1, s0;
	v27 =	vadd.f32 v31, v4;
	v26 =	vadd.f32 v23, v26;
	v20 =	vld [tilespmem:s17+$0x0];
	v9 =	vmul.f32 v3, v3  }
0x218: {  	v23 =	vimm.f32 $0.0e+00;
	v28 =	vmul.f32 v5, v5;
	v22 =	vld [tilespmem:s1+$0x0];
	v13 =	vadd.f32 v13, v4  }
0x219: {  	v8 =	vmul.f32 v24, v5;
	v30 =	vadd.f32 v11, v4;
	v11 =	vld [tilespmem:s5+$0x0];
	v9 =	vadd.f32 v9, v21  }
0x21a: {  	v17 =	vmul.f32 v10, v10;
	v24 =	vmul.f32 v24, v24;
	v13 =	vadd.f32 v14, v13;
	v14 =	vld [tilespmem:s9+$0x0]  }
0x21b: {  	s3 =	simm.s32 $0x40;
	s2 =	sor.u32 s4, s0;
	s0 =	simm.s32 $0x100;
	v21 =	vld [tilespmem:s18+$0x0];
	v9 =	vadd.f32 v28, v9;
	v28 =	vmul.f32 v18, v18;
	v18 =	vadd.f32 v29, v30  }
.LBB2_17:
0x21c: {  	s1 =	smov.u32 s3  }
0x21d: {  	s4 =	sand.u32 $0x60, s3;
	s5 =	sand.u32 $0xE00, s0;
	v29 =	vld [tilespmem:s2+$0x0];
	v4 =	vadd.f32 v19, v4;
	v25 =	vadd.f32 v2, v25;
	v2 =	vmul.f32 v6, v6;
	s1 =	sadd.s32 $0x20, s3  }
0x21e: {  	v30 =	vmul.f32 v7, v7;
	v27 =	vadd.f32 v1, v27;
	v1 =	vmovc v24;
	s2 =	sor.u32 $0x6180, s5;
	s6 =	sor.u32 $0x8180, s5;
	s9 =	sor.u32 $0x10, s4;
	v19 =	vadd.f32 v28, v23  }
0x21f: {  	s13 =	sor.u32 $0x9180, s5;
	v24 =	vmul.f32 v20, v20;
	s10 =	sor.u32 s4, s2;
	s2 =	sor.u32 s9, s2;
	v4 =	vadd.f32 v16, v4  }
0x220: {  	s15 =	sor.u32 $0xA180, s5;
	s14 =	sor.u32 s4, s13;
	s13 =	sor.u32 s9, s13;
	v16 =	vmul.f32 v11, v3;
	v28 =	vmul.f32 v21, v3;
	v23 =	vadd.f32 v0, v19;
	v0 =	vmovc v17;
	v3 =	vld [tilespmem:s10+$0x0]  }
0x221: {  	v31 =	vmul.f32 v14, v14;
	s16 =	sor.u32 s4, s15;
	s15 =	sor.u32 s9, s15;
	v32 =	vmov v21;
	s10 =	sor.u32 $0x7180, s5;
	v20 =	vmul.f32 v20, v22;
	v17 =	vld [tilespmem:s2+$0x0]  }
0x222: {  	v13 =	vadd.f32 v24, v13;
	v26 =	vadd.f32 v16, v26;
	s17 =	sor.u32 s4, s10;
	s2 =	sor.u32 s9, s10;
	s10 =	sor.u32 s9, s6;
	v33 =	vmul.f32 v7, v29;
	v21 =	vld [tilespmem:s15+$0x0]  }
0x223: {  	p1 =	sne.s32 s3, $0x3E0;
	v34 =	vmul.f32 v10, v5;
	s5 =	sor.u32 $0xB180, s5;
	v19 =	vmul.f32 v14, v22;
	s6 =	sor.u32 s4, s6;
	v12 =	vadd.f32 v28, v12;
	v24 =	vld [tilespmem:s10+$0x0]  }
0x224: {  	v35 =	vmul.f32 v22, v22;
	s3 =	sor.u32 s4, s5;
	s4 =	sor.u32 s9, s5;
	v16 =	vmul.f32 v6, v29;
	v13 =	vadd.f32 v30, v13;
	v7 =	vld [tilespmem:s13+$0x0]  }
0x225: {  	v25 =	vadd.f32 v31, v25;
	v12 =	vadd.f32 v34, v12;
	v22 =	vmul.f32 v3, v3;
	v6 =	vld [tilespmem:s4+$0x0]  }
.Ltmp7:
0x226: {  	v28 =	vmul.f32 v29, v29;
	v18 =	vadd.f32 v20, v18;
	v15 =	vadd.f32 v35, v15;
	v14 =	vld [tilespmem:s3+$0x0];
	v5 =	vmovc v17;
	(pc) =	sbr.rel @p1 .LBB2_17-.Ltmp7, $4  }
0x227: {  	v29 =	vmul.f32 v11, v11;
	v20 =	vld [tilespmem:s14+$0x0];
	v9 =	vadd.f32 v22, v9;
	v22 =	vmul.f32 v17, v5;
	v10 =	vmovc v21  }
0x228: {  	v15 =	vadd.f32 v28, v15;
	v11 =	vld [tilespmem:s6+$0x0];
	v30 =	vmul.f32 v24, v5;
	v17 =	vmul.f32 v21, v10  }
0x229: {  	v27 =	vadd.f32 v29, v27;
	v24 =	vmul.f32 v24, v24;
	v21 =	vld [tilespmem:s16+$0x0];
	v9 =	vadd.f32 v22, v9  }
0x22a: {  	s0 =	sadd.s32 $0x80, s0;
	v26 =	vadd.f32 v8, v26;
	v28 =	vmul.f32 v32, v32;
	v18 =	vadd.f32 v33, v18;
	s3 =	smov.u32 s1;
	v22 =	vld [tilespmem:s17+$0x0];
	v8 =	vmovc v30  }
0x22b: {  	v29 =	vmul.f32 v6, v6;
	v4 =	vadd.f32 v19, v4;
	v2 =	vadd.f32 v2, v25  }
0x22c: {  	v45 =	vmul.f32 v7, v7;
	v1 =	vadd.f32 v1, v27;
	v51 =	vmul.f32 v14, v14  }
0x22d: {  	v23 =	vadd.f32 v28, v23;
	v47 =	vmul.f32 v20, v20;
	v4 =	vadd.f32 v16, v4  }
0x22e: {  	v48 =	vmul.f32 v11, v3;
	v2 =	vadd.f32 v51, v2;
	v57 =	vmul.f32 v11, v11  }
0x22f: {  	v49 =	vmul.f32 v21, v3;
	v0 =	vadd.f32 v0, v23;
	v13 =	vadd.f32 v47, v13  }
0x230: {  	v46 =	vld [tilespmem:s2+$0x0];
	v61 =	vmul.f32 v21, v21;
	v50 =	vmul.f32 v20, v22;
	v16 =	vadd.f32 v48, v26  }
0x231: {  	v52 =	vmul.f32 v22, v22;
	v1 =	vadd.f32 v57, v1;
	v2 =	vadd.f32 v29, v2  }
0x232: {  	v53 =	vmul.f32 v14, v22;
	v3 =	vadd.f32 v49, v12;
	v54 =	vadd.f32 v45, v13  }
0x233: {  	v0 =	vadd.f32 v61, v0;
	v55 =	vadd.f32 v52, v15  }
0x234: {  	v5 =	vmul.f32 v10, v5;
	v59 =	vadd.f32 v50, v18;
	v4 =	vadd.f32 v53, v4  }
0x235: {  	v58 =	vmul.f32 v7, v46;
	v8 =	vadd.f32 v8, v16;
	v1 =	vadd.f32 v24, v1  }
0x236: {  	v60 =	vmul.f32 v6, v46;
	v3 =	vadd.f32 v5, v3;
	v0 =	vadd.f32 v17, v0  }
0x237: {  	v56 =	vmul.f32 v46, v46;
	v7 =	vadd.f32 v58, v59;
	v1 =	vadd.f32 v54, v1  }
0x238: {  	v4 =	vadd.f32 v60, v4;
	v0 =	vadd.f32 v2, v0  }
.Ltmp8:
0x239: {  	v12 =	vadd.f32 v56, v55;
	v62 =	vadd.f32 v7, v8;
	[tilespmem:s12+$0xC3B0] =	vst v1;
	(pc) =	sbr.rel @p0 .LBB2_19-.Ltmp8, $4  }
0x23a: {  	v3 =	vadd.f32 v4, v3;
	[tilespmem:s12+$0xC3C0] =	vst v0  }
0x23b: {  	v63 =	vadd.f32 v12, v9;
	[tilespmem:s12+$0xC380] =	vst v62  }
0x23c: {  	[tilespmem:s12+$0xC390] =	vst v3  }
0x23d: {  	[tilespmem:s12+$0xC3A0] =	vst v63  }
0x23e: {  	s0 =	sadd.s32 s12, s24  }
0x23f: {  	s0 =	sor.u32 $0x40, s0  }
0x240: {  	s1 =	sadd.s32 s7, s0  }
0x241: {  	[tilespmem:s28], [sflag:$0x2] =	stream.strided.gather [hbm4b:s1+s26], $0x1000, s25, s26, $0x38;
	[tilespmem:$0xD080] =	vst v63  }
0x242: {  	s13 =	sadd.s32 s19, s0  }
0x243: {  	[tilespmem:s29], [sflag:$0x2] =	stream.strided.gather [hbm4b:s13+s26], $0x1000, s25, s26, $0x38;
	[tilespmem:$0xD080] =	vst v63  }
0x244: {  	s14 =	sadd.s32 s20, s0  }
0x245: {  	[tilespmem:s30], [sflag:$0x2] =	stream.strided.gather [hbm4b:s14+s26], $0x1000, s25, s26, $0x38;
	[tilespmem:$0xD080] =	vst v63  }
0x246: {  	s2 =	simm.s32 $0x9000;
	s15 =	sadd.s32 s21, s0  }
0x247: {  	[tilespmem:s2], [sflag:$0x2] =	stream.strided.gather [hbm4b:s15+s26], $0x1000, s25, s26, $0x38;
	[tilespmem:$0xD080] =	vst v63  }
.Ltmp9:
0x248: {  	_ = 	snop;
	(pc) =	sbr.rel .LBB2_2-.Ltmp9, $4  }
0x249: {  	s17 =	simm.s32 $0xA000;
	s16 =	sadd.s32 s22, s0  }
0x24a: {  	[tilespmem:s17], [sflag:$0x2] =	stream.strided.gather [hbm4b:s16+s26], $0x1000, s25, s26, $0x38;
	[tilespmem:$0xD080] =	vst v63  }
0x24b: {  	s18 =	simm.s32 $0xB000;
	s11 =	sadd.s32 $0x1, s11;
	s0 =	sadd.s32 s23, s0  }
0x24c: {  	[tilespmem:s18], [sflag:$0x2] =	stream.strided.gather [hbm4b:s0+s26], $0x1000, s25, s26, $0x38;
	[tilespmem:$0xD080] =	vst v63  }
.LBB2_19:
0x24d: {  	s2 =	simm.s32 $0x0  }
0x24e: {  	v4 =	vld [tilespmem:s2+$0xC010]  }
0x24f: {  	v2 =	vld [tilespmem:s2+$0xC040]  }
0x250: {  	v1 =	vld [tilespmem:s2+$0xC020];
	_ =	sdelay $0x1  }
0x251: {  	v3 =	vld [tilespmem:s2+$0xC030]  }
0x252: {  	(v2sf) =	vpush v4, $0xF  }
0x253: {  	(v2sf) =	vpush v2, $0x4  }
0x254: {  	(v2sf) =	vpush v1, $0x4  }
0x255: {  	(v2sf) =	vpush v2, $0x0  }
0x256: {  	(v2sf) =	vpush v3, $0x3  }
0x257: {  	(v2sf) =	vpush v2, $0x2  }
0x258: {  	(v2sf) =	vpush v3, $0x2  }
0x259: {  	(v2sf) =	vpush v1, $0x2  }
0x25a: {  	(v2sf) =	vpush v2, $0x1  }
0x25b: {  	(v2sf) =	vpush v1, $0x0  }
0x25c: {  	(v2sf) =	vpush v3, $0x1  }
0x25d: {  	(v2sf) =	vpush v1, $0x1  }
0x25e: {  	(v2sf) =	vpush v3, $0x0  }
0x25f: {  	(v2sf) =	vpush v3, $0x4  }
0x260: {  	(v2sf) =	vpush v2, $0x5  }
0x261: {  	s24 =	spop (v2sf);
	(v2sf) =	vpush v1, $0x3  }
0x262: {  	s10 =	spop (v2sf);
	(v2sf) =	vpush v2, $0x6  }
0x263: {  	s1 =	spop (v2sf);
	(v2sf) =	vpush v2, $0x3  }
0x264: {  	s6 =	spop (v2sf);
	(v2sf) =	vpush v2, $0x7  }
0x265: {  	s4 =	spop (v2sf);
	(v2sf) =	vpush v3, $0x5  }
0x266: {  	(v2sf) =	vpush v1, $0x5;
	s11 =	spop (v2sf)  }
0x267: {  	s0 =	spop (v2sf);
	(v2sf) =	vpush v3, $0x6  }
0x268: {  	s3 =	spop (v2sf);
	(v2sf) =	vpush v1, $0x6  }
0x269: {  	(v2sf) =	vpush v3, $0x7;
	s13 =	spop (v2sf)  }
0x26a: {  	s18 =	spop (v2sf);
	(v2sf) =	vpush v1, $0x7  }
0x26b: {  	s19 =	spop (v2sf);
	(v2sf) =	vpush v2, $0x8  }
0x26c: {  	s20 =	spop (v2sf);
	(v2sf) =	vpush v1, $0x8  }
0x26d: {  	s22 =	spop (v2sf);
	(v2sf) =	vpush v2, $0x9  }
0x26e: {  	(v2sf) =	vpush v1, $0x9;
	s15 =	spop (v2sf)  }
0x26f: {  	s23 =	spop (v2sf);
	(v2sf) =	vpush v2, $0xA  }
0x270: {  	v6 =	vld [tilespmem:s2+$0xC000];
	s5 =	spop (v2sf);
	(v2sf) =	vpush v1, $0xA  }
0x271: {  	s26 =	spop (v2sf);
	(v2sf) =	vpush v2, $0xB  }
0x272: {  	(v2sf) =	vpush v1, $0xB;
	s12 =	spop (v2sf)  }
0x273: {  	(v2sf) =	vpush v3, $0x8;
	s28 =	spop (v2sf)  }
0x274: {  	s29 =	spop (v2sf);
	(v2sf) =	vpush v3, $0x9  }
0x275: {  	s9 =	spop (v2sf);
	(v2sf) =	vpush v6, $0x7  }
0x276: {  	s14 =	spop (v2sf);
	(v2sf) =	vpush v3, $0xA  }
0x277: {  	s16 =	sadd.f32 s13, s6;
	s6 =	spop (v2sf);
	(v2sf) =	vpush v6, $0x0  }
0x278: {  	s13 =	spop (v2sf);
	(v2sf) =	vpush v3, $0xB  }
0x279: {  	s11 =	sadd.f32 s16, s11;
	s17 =	spop (v2sf);
	(v2sf) =	vpush v6, $0x1  }
0x27a: {  	s18 =	sadd.f32 s20, s18;
	s30 =	spop (v2sf);
	(v2sf) =	vpush v3, $0xC  }
0x27b: {  	s11 =	sadd.f32 s11, s12;
	s12 =	spop (v2sf);
	(v2sf) =	vpush v2, $0xC  }
0x27c: {  	s19 =	sadd.f32 s19, s22;
	s7 =	spop (v2sf);
	(v2sf) =	vpush v3, $0xD  }
0x27d: {  	s10 =	sadd.f32 s11, s10;
	s16 =	spop (v2sf);
	(v2sf) =	vpush v2, $0xD  }
0x27e: {  	s3 =	sadd.f32 s18, s3;
	s11 =	spop (v2sf);
	(v2sf) =	vpush v3, $0xE  }
0x27f: {  	s23 =	sadd.f32 s10, s23;
	s10 =	spop (v2sf);
	(v2sf) =	vpush v2, $0xE  }
0x280: {  	s19 =	sadd.f32 s19, s0;
	s21 =	spop (v2sf);
	(v2sf) =	vpush v3, $0xF  }
0x281: {  	s26 =	sadd.f32 s23, s26;
	s23 =	spop (v2sf);
	(v2sf) =	vpush v2, $0xF  }
0x282: {  	s3 =	sadd.f32 s3, s5;
	s20 =	spop (v2sf);
	(v2sf) =	vpush v4, $0x0  }
0x283: {  	s26 =	sadd.f32 s26, s28;
	(v2sf) =	vpush v4, $0xE;
	s28 =	spop (v2sf)  }
0x284: {  	s4 =	sadd.f32 s19, s4;
	s2 =	spop (v2sf);
	(v2sf) =	vpush v4, $0xD  }
0x285: {  	s26 =	sadd.f32 s26, s30;
	(v2sf) =	vpush v4, $0xC;
	s30 =	spop (v2sf)  }
0x286: {  	s4 =	sadd.f32 s4, s15;
	s19 =	spop (v2sf);
	(v2sf) =	vpush v4, $0xB  }
0x287: {  	s7 =	sadd.f32 s26, s7;
	(v2sf) =	vpush v4, $0xA;
	s26 =	spop (v2sf)  }
0x288: {  	s4 =	sadd.f32 s4, s29;
	s15 =	spop (v2sf);
	(v2sf) =	vpush v6, $0x2  }
0x289: {  	s7 =	sadd.f32 s7, s11;
	(v2sf) =	vpush v4, $0x9;
	s11 =	spop (v2sf)  }
0x28a: {  	s14 =	sadd.f32 s4, s14;
	(v2sf) =	vpush v6, $0x3;
	s29 =	spop (v2sf)  }
0x28b: {  	[dreg:$0x18] =	wrdreg s2;
	(v2sf) =	vpush v4, $0x8;
	s2 =	spop (v2sf)  }
0x28c: {  	s1 =	sadd.f32 s3, s1;
	(v2sf) =	vpush v4, $0x7;
	s18 =	spop (v2sf)  }
0x28d: {  	s14 =	sadd.f32 s14, s13;
	(v2sf) =	vpush v4, $0x1;
	s5 =	spop (v2sf)  }
0x28e: {  	s7 =	sadd.f32 s7, s21;
	(v2sf) =	vpush v6, $0xE;
	s21 =	spop (v2sf)  }
0x28f: {  	s1 =	sadd.f32 s1, s9;
	(v2sf) =	vpush v1, $0xC;
	s4 =	spop (v2sf)  }
0x290: {  	s3 =	sadd.f32 s14, s20;
	(v2sf) =	vpush v4, $0x6;
	s0 =	spop (v2sf)  }
0x291: {  	s1 =	sadd.f32 s1, s6;
	s22 =	spop (v2sf);
	(v2sf) =	vpush v1, $0xD  }
0x292: {  	s20 =	sadd.f32 s3, s28;
	(v2sf) =	vpush v6, $0x4;
	s13 =	spop (v2sf)  }
0x293: {  	s7 =	sadd.f32 s7, s29;
	s14 =	spop (v2sf);
	(v2sf) =	vpush v1, $0xE  }
0x294: {  	s28 =	sadd.f32 s15, s19;
	(v2sf) =	vpush v6, $0x5;
	s9 =	spop (v2sf)  }
0x295: {  	s7 =	sadd.f32 s7, s18;
	s6 =	spop (v2sf);
	(v2sf) =	vpush v1, $0xF  }
0x296: {  	s19 =	sadd.f32 s20, s30;
	(v2sf) =	vpush v6, $0x6;
	s3 =	spop (v2sf)  }
0x297: {  	s7 =	sadd.f32 s7, s21;
	s18 =	spop (v2sf);
	(v2sf) =	vpush v4, $0x5  }
0x298: {  	s21 =	sadd.f32 s1, s17;
	(v2sf) =	vpush v4, $0x4;
	s15 =	spop (v2sf)  }
0x299: {  	s1 =	sadd.f32 s19, s26;
	s20 =	spop (v2sf);
	(v2sf) =	vpush v6, $0xD  }
0x29a: {  	(v2sf) =	vpush v6, $0x8;
	s17 =	spop (v2sf)  }
0x29b: {  	s11 =	sadd.f32 s1, s11;
	(v2sf) =	vpush v4, $0x3;
	s19 =	spop (v2sf)  }
0x29c: {  	s28 =	sadd.f32 s28, s18;
	s18 =	simm.s32 $0x80;
	(v2sf) =	vpush v6, $0x9;
	s26 =	spop (v2sf)  }
0x29d: {  	s21 =	sadd.f32 s21, s12;
	v1 =	vld [tilespmem:s18+$0xC010];
	(v2sf) =	vpush v6, $0xF;
	s1 =	spop (v2sf)  }
0x29e: {  	s0 =	sadd.f32 s7, s0;
	v3 =	vld [tilespmem:s18+$0xC040];
	(v2sf) =	vpush v6, $0xA;
	s29 =	spop (v2sf)  }
0x29f: {  	v2 =	vld [tilespmem:s18+$0xC020];
	s28 =	sadd.f32 s28, s20;
	(v2sf) =	vpush v4, $0x2;
	s20 =	spop (v2sf)  }
0x2a0: {  	s2 =	sadd.f32 s11, s2;
	(v2sf) =	vpush v6, $0xB;
	s12 =	spop (v2sf)  }
0x2a1: {  	s11 =	sadd.f32 s21, s16;
	v5 =	vld [tilespmem:s18+$0xC030];
	(v2sf) =	vpush v6, $0xC;
	s7 =	spop (v2sf)  }
0x2a2: {  	s2 =	sadd.f32 s2, s5;
	(v2sf) =	vpush v1, $0xF;
	s16 =	spop (v2sf)  }
0x2a3: {  	s5 =	sadd.f32 s11, s10;
	(v2sf) =	vpush v3, $0x4;
	s21 =	spop (v2sf)  }
0x2a4: {  	s7 =	sadd.f32 s28, s7;
	(v2sf) =	vpush v2, $0x4;
	s11 =	spop (v2sf)  }
0x2a5: {  	s23 =	sadd.f32 s5, s23;
	(v2sf) =	vpush v3, $0x0;
	s10 =	spop (v2sf)  }
0x2a6: {  	s7 =	sadd.f32 s7, s21;
	(v2sf) =	vpush v5, $0x3;
	s5 =	spop (v2sf)  }
0x2a7: {  	s21 =	sadd.f32 s23, s29;
	(v2sf) =	vpush v3, $0x2;
	s28 =	spop (v2sf)  }
0x2a8: {  	s2 =	sadd.f32 s2, s4;
	(v2sf) =	vpush v5, $0x2;
	s23 =	spop (v2sf)  }
0x2a9: {  	s21 =	sadd.f32 s21, s12;
	(v2sf) =	vpush v2, $0x2;
	s29 =	spop (v2sf)  }
0x2aa: {  	s7 =	sadd.f32 s7, s10;
	(v2sf) =	vpush v3, $0x1;
	s12 =	spop (v2sf)  }
0x2ab: {  	s16 =	sadd.f32 s21, s16;
	(v2sf) =	vpush v2, $0x0;
	s4 =	spop (v2sf)  }
0x2ac: {  	s21 =	rddreg [dreg:$0x18];
	(v2sf) =	vpush v5, $0x1;
	s10 =	spop (v2sf)  }
0x2ad: {  	v4 =	vmov s2;
	s7 =	sadd.f32 s7, s21;
	(v2sf) =	vpush v2, $0x1;
	s21 =	spop (v2sf)  }
0x2ae: {  	v4 =	vadd.f32 $9.999999930e-09, v4;
	v6 =	vmov s0;
	s2 =	sadd.f32 s16, s11;
	(v2sf) =	vpush v5, $0x0;
	s16 =	spop (v2sf)  }
0x2af: {  	v7 =	vadd.f32 $9.999999930e-09, v6;
	(v2sf) =	vpush v5, $0x4;
	s30 =	spop (v2sf)  }
0x2b0: {  	v6 =	vbroadcast v4, $0x0;
	s7 =	sadd.f32 s7, s29;
	v4 =	vmov s2;
	(v2sf) =	vpush v3, $0x5;
	s0 =	spop (v2sf)  }
0x2b1: {  	s22 =	sadd.f32 s26, s22;
	v7 =	vbroadcast v7, $0x0;
	v4 =	vadd.f32 $9.999999930e-09, v4;
	s11 =	spop (v2sf);
	(v2sf) =	vpush v2, $0x3  }
0x2b2: {  	v9 =	vshrl.u32 v6, $0x1;
	v10 =	vmul.f32 $5.000000000e-01, v6;
	s4 =	sadd.f32 s7, s4;
	s2 =	spop (v2sf);
	(v2sf) =	vpush v3, $0x6  }
0x2b3: {  	v11 =	vshrl.u32 v7, $0x1;
	s7 =	sadd.f32 s22, s16;
	v8 =	vbroadcast v4, $0x0;
	s16 =	spop (v2sf);
	(v2sf) =	vpush v3, $0x3  }
0x2b4: {  	v12 =	vmul.f32 $5.000000000e-01, v7;
	s21 =	sadd.f32 s4, s21;
	v4 =	vsub.s32 $0x5F3759DF, v11;
	s22 =	spop (v2sf);
	(v2sf) =	vpush v3, $0x7  }
0x2b5: {  	s7 =	sadd.f32 s7, s12;
	v60 =	vshrl.u32 v8, $0x1;
	v13 =	vmul.f32 $5.000000000e-01, v8;
	s4 =	spop (v2sf);
	(v2sf) =	vpush v5, $0x5  }
0x2b6: {  	v14 =	vmul.f32 v4, v12;
	s26 =	sadd.f32 s21, s30;
	v11 =	vsub.s32 $0x5F3759DF, v60;
	(v2sf) =	vpush v2, $0x5;
	s21 =	spop (v2sf)  }
0x2b7: {  	v9 =	vsub.s32 $0x5F3759DF, v9;
	s7 =	sadd.f32 s7, s28;
	v15 =	vmul.f32 v11, v13;
	s29 =	spop (v2sf);
	(v2sf) =	vpush v5, $0x6  }
0x2b8: {  	v16 =	vmul.f32 v9, v10;
	v14 =	vmul.f32 v4, v14;
	s12 =	sadd.f32 s26, s0;
	s0 =	spop (v2sf);
	(v2sf) =	vpush v2, $0x6  }
0x2b9: {  	s5 =	sadd.f32 s7, s5;
	v15 =	vmul.f32 v11, v15;
	(v2sf) =	vpush v5, $0x7;
	s26 =	spop (v2sf)  }
0x2ba: {  	v16 =	vmul.f32 v9, v16;
	v14 =	vsub.f32 $1.500000000e+00, v14;
	s12 =	sadd.f32 s12, s23;
	s23 =	spop (v2sf);
	(v2sf) =	vpush v2, $0x7  }
0x2bb: {  	s5 =	sadd.f32 s5, s20;
	v15 =	vsub.f32 $1.500000000e+00, v15;
	s20 =	spop (v2sf);
	(v2sf) =	vpush v3, $0x8  }
0x2bc: {  	v14 =	vmul.f32 v4, v14;
	v4 =	vsub.f32 $1.500000000e+00, v16;
	s7 =	sadd.f32 s26, s22;
	s22 =	spop (v2sf);
	(v2sf) =	vpush v2, $0x8  }
0x2bd: {  	s1 =	sadd.f32 s12, s1;
	v11 =	vmul.f32 v11, v15;
	s26 =	spop (v2sf);
	(v2sf) =	vpush v3, $0x9  }
0x2be: {  	v61 =	vmul.f32 v14, v12;
	v9 =	vmul.f32 v9, v4;
	s7 =	sadd.f32 s7, s21;
	(v2sf) =	vpush v2, $0x9;
	s21 =	spop (v2sf)  }
0x2bf: {  	v62 =	vmul.f32 v11, v13;
	s12 =	sadd.f32 s20, s26;
	s20 =	spop (v2sf);
	(v2sf) =	vpush v3, $0xA  }
0x2c0: {  	v4 =	vld [tilespmem:s18+$0xC000];
	s5 =	sadd.f32 s5, s19;
	v15 =	vmul.f32 v61, v14;
	v17 =	vmul.f32 v9, v10;
	s26 =	spop (v2sf);
	(v2sf) =	vpush v2, $0xA  }
0x2c1: {  	s28 =	sadd.f32 s22, s23;
	v16 =	vmul.f32 v62, v11;
	s18 =	spop (v2sf);
	(v2sf) =	vpush v3, $0xB  }
0x2c2: {  	v15 =	vsub.f32 $1.500000000e+00, v15;
	v17 =	vmul.f32 v17, v9;
	s12 =	sadd.f32 s12, s29;
	(v2sf) =	vpush v2, $0xB;
	s23 =	spop (v2sf)  }
0x2c3: {  	s5 =	sadd.f32 s5, s17;
	v16 =	vsub.f32 $1.500000000e+00, v16;
	(v2sf) =	vpush v5, $0x8;
	s22 =	spop (v2sf)  }
0x2c4: {  	v14 =	vmul.f32 v15, v14;
	v63 =	vsub.f32 $1.500000000e+00, v17;
	s12 =	sadd.f32 s12, s4;
	s29 =	spop (v2sf);
	(v2sf) =	vpush v5, $0x9  }
0x2c5: {  	v11 =	vmul.f32 v16, v11;
	s19 =	sadd.f32 s7, s23;
	s17 =	spop (v2sf);
	(v2sf) =	vpush v4, $0x7  }
0x2c6: {  	v12 =	vmul.f32 v14, v12;
	v9 =	vmul.f32 v63, v9;
	s23 =	sadd.f32 s5, s15;
	s15 =	spop (v2sf);
	(v2sf) =	vpush v5, $0xA  }
0x2c7: {  	v13 =	vmul.f32 v11, v13;
	s12 =	sadd.f32 s12, s21;
	s4 =	spop (v2sf);
	(v2sf) =	vpush v4, $0x0  }
0x2c8: {  	v12 =	vmul.f32 v12, v14;
	v10 =	vmul.f32 v9, v10;
	s19 =	sadd.f32 s19, s2;
	s5 =	spop (v2sf);
	(v2sf) =	vpush v5, $0xB  }
0x2c9: {  	s3 =	sadd.f32 s23, s3;
	v13 =	vmul.f32 v13, v11;
	s2 =	spop (v2sf);
	(v2sf) =	vpush v4, $0x1  }
0x2ca: {  	v12 =	vsub.f32 $1.500000000e+00, v12;
	v10 =	vmul.f32 v10, v9;
	s20 =	sadd.f32 s19, s20;
	s21 =	spop (v2sf);
	(v2sf) =	vpush v5, $0xC  }
0x2cb: {  	s3 =	sadd.f32 s3, s6;
	v13 =	vsub.f32 $1.500000000e+00, v13;
	s19 =	spop (v2sf);
	(v2sf) =	vpush v3, $0xC  }
0x2cc: {  	v10 =	vsub.f32 $1.500000000e+00, v10;
	s23 =	sadd.f32 s20, s18;
	s7 =	spop (v2sf);
	(v2sf) =	vpush v5, $0xD  }
0x2cd: {  	v12 =	vmul.f32 v12, v14;
	s3 =	sadd.f32 s3, s9;
	v11 =	vmul.f32 v13, v11;
	s20 =	spop (v2sf);
	(v2sf) =	vpush v3, $0xD  }
0x2ce: {  	v9 =	vmul.f32 v10, v9;
	s6 =	sadd.f32 s23, s22;
	s18 =	spop (v2sf);
	(v2sf) =	vpush v5, $0xE  }
0x2cf: {  	v7 =	vmul.f32 v12, v7;
	s3 =	sadd.f32 s3, s14;
	v8 =	vmul.f32 v11, v8;
	s22 =	spop (v2sf);
	(v2sf) =	vpush v3, $0xE  }
0x2d0: {  	s6 =	sadd.f32 s6, s21;
	s14 =	spop (v2sf);
	(v2sf) =	vpush v5, $0xF;
	v5 =	vmul.f32 v9, v6  }
0x2d1: {  	s3 =	sadd.f32 s3, s13;
	s23 =	spop (v2sf);
	(v2sf) =	vpush v3, $0xF;
	v3 =	vmul.f32 v7, v8  }
0x2d2: {  	s6 =	sadd.f32 s6, s7;
	s7 =	spop (v2sf);
	(v2sf) =	vpush v1, $0x0;
	v5 =	vmul.f32 v5, v8  }
0x2d3: {  	s3 =	sadd.f32 s3, s24;
	(v2sf) =	vpush v1, $0xE;
	s13 =	spop (v2sf);
	v3 =	vadd.f32 $9.999999930e-09, v3  }
0x2d4: {  	s6 =	sadd.f32 s6, s18;
	s18 =	spop (v2sf);
	(v2sf) =	vpush v1, $0xD;
	v5 =	vadd.f32 $9.999999930e-09, v5  }
0x2d5: {  	s24 =	sadd.f32 s12, s29;
	(v2sf) =	vpush v1, $0xC;
	s21 =	spop (v2sf);
	(erf) = vrcp.f32 v3  }
0x2d6: {  	s12 =	sadd.f32 s6, s14;
	s14 =	spop (v2sf);
	(v2sf) =	vpush v1, $0xB;
	(erf) = vrcp.f32 v5  }
0x2d7: {  	s0 =	sadd.f32 s28, s0;
	(v2sf) =	vpush v1, $0xA;
	s28 =	spop (v2sf)  }
0x2d8: {  	s1 =	sadd.f32 s1, s10;
	s10 =	spop (v2sf);
	(v2sf) =	vpush v4, $0x2  }
0x2d9: {  	s26 =	sadd.f32 s0, s26;
	(v2sf) =	vpush v1, $0x9;
	s0 =	spop (v2sf)  }
0x2da: {  	s9 =	sadd.f32 s24, s15;
	(v2sf) =	vpush v4, $0x3;
	s15 =	spop (v2sf)  }
0x2db: {  	s6 =	sadd.f32 s26, s16;
	(v2sf) =	vpush v1, $0x8;
	s26 =	spop (v2sf)  }
0x2dc: {  	s5 =	sadd.f32 s9, s5;
	(v2sf) =	vpush v1, $0x7;
	s24 =	spop (v2sf)  }
0x2dd: {  	s6 =	sadd.f32 s6, s17;
	(v2sf) =	vpush v1, $0x1;
	s29 =	spop (v2sf)  }
0x2de: {  	s5 =	sadd.f32 s5, s7;
	(v2sf) =	vpush v4, $0xE;
	s7 =	spop (v2sf);
	v3 =	vpop (erf)  }
0x2df: {  	s4 =	sadd.f32 s6, s4;
	(v2sf) =	vpush v2, $0xC;
	s6 =	spop (v2sf);
	v5 =	vpop (erf)  }
0x2e0: {  	s5 =	sadd.f32 s5, s13;
	v6 =	vmul.f32 s3, v3;
	(v2sf) =	vpush v1, $0x6;
	s30 =	spop (v2sf);
	v5 =	vmul.f32 s1, v5  }
0x2e1: {  	s17 =	sadd.f32 s12, s15;
	s9 =	spop (v2sf);
	(v2sf) =	vpush v2, $0xD  }
0x2e2: {  	s10 =	sadd.f32 s10, s14;
	(v2sf) =	vpush v4, $0x4;
	s12 =	spop (v2sf);
	v3 =	vsub.f32 v6, v5  }
0x2e3: {  	s1 =	sadd.f32 s17, s24;
	s13 =	spop (v2sf);
	(v2sf) =	vpush v2, $0xE  }
0x2e4: {  	s24 =	sadd.f32 s5, s21;
	(v2sf) =	vpush v4, $0x5;
	s14 =	spop (v2sf);
	v3 =	vmul.f32 $1.000000000e+01, v3  }
0x2e5: {  	s5 =	sadd.f32 s1, s7;
	s15 =	spop (v2sf);
	(v2sf) =	vpush v2, $0xF  }
0x2e6: {  	s1 =	sadd.f32 s4, s2;
	v2 =	vadd.f32 $1.000000000e+00, v6;
	(v2sf) =	vpush v4, $0x6;
	s17 =	spop (v2sf);
	v5 =	vand.u32 $0x7FFFFFFF, v3  }
0x2e7: {  	v0 =	vimm.f32 $0.0e+00;
	s2 =	simm.s32 $0x400;
	s4 =	sadd.f32 s24, s28;
	s28 =	spop (v2sf);
	(v2sf) =	vpush v1, $0x5;
	v5 =	vsub.f32 $0.0e+00, v5  }
.LBB2_20:
0x2e8: {  	s3 =	sadd.f32 s10, s28  }
0x2e9: {  	(v2sf) =	vpush v1, $0x4;
	s10 =	spop (v2sf);
	s7 =	smov.u32 s2;
	s16 =	sadd.s32 $0x200, s2  }
0x2ea: {  	p0 =	sne.s32 s2, $0x3E00;
	s0 =	sadd.f32 s4, s0;
	s2 =	spop (v2sf);
	(v2sf) =	vpush v4, $0xD;
	v5 =	vmul.f32 $1.442695020e+00, v5  }
0x2eb: {  	s4 =	sadd.f32 s3, s2;
	(v2sf) =	vpush v4, $0x8;
	s3 =	spop (v2sf)  }
0x2ec: {  	s21 =	sadd.f32 s0, s26;
	(v2sf) =	vpush v1, $0x3;
	s28 =	spop (v2sf);
	(erf) = vpow2.f32 v5  }
0x2ed: {  	s2 =	sadd.f32 s5, s30;
	s26 =	sshra.s32 s7, $0x2;
	(v2sf) =	vpush v4, $0x9;
	s0 =	spop (v2sf)  }
0x2ee: {  	s5 =	sadd.f32 s1, s19;
	v8 =	vld [tilespmem:s26+$0xC010];
	s19 =	spop (v2sf);
	(v2sf) =	vpush v4, $0xF  }
0x2ef: {  	s1 =	sadd.f32 s0, s9;
	v6 =	vld [tilespmem:s26+$0xC040];
	(v2sf) =	vpush v4, $0xA;
	s7 =	spop (v2sf)  }
0x2f0: {  	s5 =	sadd.f32 s5, s20;
	v5 =	vld [tilespmem:s26+$0xC020];
	(v2sf) =	vpush v1, $0x2;
	s0 =	spop (v2sf)  }
0x2f1: {  	s9 =	sadd.f32 s21, s29;
	(v2sf) =	vpush v4, $0xB;
	s21 =	spop (v2sf)  }
0x2f2: {  	s5 =	sadd.f32 s5, s22;
	v7 =	vld [tilespmem:s26+$0xC030];
	s20 =	spop (v2sf);
	(v2sf) =	vpush v4, $0xC  }
0x2f3: {  	(v2sf) =	vpush v8, $0xF;
	s4 =	sadd.f32 s4, s20;
	s29 =	spop (v2sf);
	v1 =	vmov v8  }
0x2f4: {  	s5 =	sadd.f32 s5, s23;
	(v2sf) =	vpush v6, $0x4;
	s20 =	spop (v2sf)  }
0x2f5: {  	(v2sf) =	vpush v5, $0x4;
	s4 =	sadd.f32 s4, s20;
	s23 =	spop (v2sf);
	v4 =	vpop (erf)  }
0x2f6: {  	s5 =	sadd.f32 s5, s7;
	(v2sf) =	vpush v6, $0x0;
	s7 =	spop (v2sf);
	v8 =	vadd.f32 $2.000000000e+00, v4  }
0x2f7: {  	(v2sf) =	vpush v7, $0x3;
	s4 =	sadd.f32 s4, s7;
	s20 =	spop (v2sf)  }
0x2f8: {  	s6 =	sadd.f32 s9, s6;
	(v2sf) =	vpush v6, $0x2;
	s22 =	spop (v2sf);
	(erf) = vrcp.f32 v8  }
0x2f9: {  	(v2sf) =	vpush v7, $0x2;
	s7 =	sadd.f32 s4, s18;
	s4 =	spop (v2sf)  }
0x2fa: {  	s5 =	sadd.f32 s5, s21;
	v8 =	vmov s6;
	(v2sf) =	vpush v5, $0x2;
	s6 =	spop (v2sf)  }
0x2fb: {  	v8 =	vadd.f32 $9.999999930e-09, v8;
	(v2sf) =	vpush v6, $0x1;
	s6 =	sadd.f32 s7, s6;
	s7 =	spop (v2sf)  }
0x2fc: {  	v9 =	vmov s2;
	s5 =	sadd.f32 s5, s29;
	(v2sf) =	vpush v5, $0x0;
	s2 =	spop (v2sf)  }
0x2fd: {  	v9 =	vadd.f32 $9.999999930e-09, v9;
	v8 =	vbroadcast v8, $0x0;
	(v2sf) =	vpush v7, $0x1;
	s2 =	sadd.f32 s6, s2;
	s9 =	spop (v2sf)  }
0x2fe: {  	s5 =	sadd.f32 s5, s23;
	(v2sf) =	vpush v5, $0x1;
	s6 =	spop (v2sf)  }
0x2ff: {  	v9 =	vbroadcast v9, $0x0;
	v13 =	vshrl.u32 v8, $0x1;
	(v2sf) =	vpush v7, $0x0;
	s2 =	sadd.f32 s2, s6;
	s6 =	spop (v2sf)  }
0x300: {  	v10 =	vmov s5;
	v12 =	vmul.f32 $5.000000000e-01, v8;
	(v2sf) =	vpush v7, $0x4;
	s5 =	spop (v2sf)  }
0x301: {  	v14 =	vmul.f32 $5.000000000e-01, v9;
	v10 =	vadd.f32 $9.999999930e-09, v10;
	(v2sf) =	vpush v6, $0x5;
	s5 =	sadd.f32 s2, s5;
	s21 =	spop (v2sf);
	v11 =	vpop (erf)  }
0x302: {  	v15 =	vshrl.u32 v9, $0x1;
	s18 =	spop (v2sf);
	(v2sf) =	vpush v5, $0x3;
	v11 =	vmul.f32 v11, v4  }
0x303: {  	v10 =	vbroadcast v10, $0x0;
	s1 =	sadd.f32 s1, s6;
	v4 =	vsub.s32 $0x5F3759DF, v15;
	s2 =	spop (v2sf);
	(v2sf) =	vpush v6, $0x6  }
0x304: {  	v13 =	vsub.s32 $0x5F3759DF, v13;
	s5 =	sadd.f32 s5, s21;
	v15 =	vmul.f32 v4, v14;
	s6 =	spop (v2sf);
	(v2sf) =	vpush v6, $0x3  }
0x305: {  	v16 =	vshrl.u32 v10, $0x1;
	v17 =	vmul.f32 $5.000000000e-01, v10;
	s7 =	sadd.f32 s1, s7;
	s21 =	spop (v2sf);
	(v2sf) =	vpush v6, $0x7  }
0x306: {  	v16 =	vsub.s32 $0x5F3759DF, v16;
	v15 =	vmul.f32 v4, v15;
	s1 =	spop (v2sf);
	(v2sf) =	vpush v7, $0x5  }
0x307: {  	v19 =	vmul.f32 v13, v12;
	v18 =	vmul.f32 v16, v17;
	s7 =	sadd.f32 s7, s22;
	(v2sf) =	vpush v5, $0x5;
	s23 =	spop (v2sf)  }
0x308: {  	s4 =	sadd.f32 s5, s4;
	v15 =	vsub.f32 $1.500000000e+00, v15;
	s22 =	spop (v2sf);
	(v2sf) =	vpush v7, $0x6  }
0x309: {  	v18 =	vmul.f32 v16, v18;
	s7 =	sadd.f32 s7, s20;
	s29 =	spop (v2sf);
	(v2sf) =	vpush v5, $0x6  }
0x30a: {  	v19 =	vmul.f32 v13, v19;
	s30 =	sadd.f32 s4, s19;
	(v2sf) =	vpush v7, $0x7;
	s20 =	spop (v2sf)  }
0x30b: {  	v18 =	vsub.f32 $1.500000000e+00, v18;
	s0 =	sadd.f32 s7, s0;
	v15 =	vmul.f32 v4, v15;
	s5 =	spop (v2sf);
	(v2sf) =	vpush v5, $0x7  }
0x30c: {  	v4 =	vsub.f32 $1.500000000e+00, v19;
	s7 =	sadd.f32 s20, s21;
	s20 =	spop (v2sf);
	(v2sf) =	vpush v6, $0x8  }
0x30d: {  	v16 =	vmul.f32 v16, v18;
	s9 =	sadd.f32 s30, s9;
	v18 =	vmul.f32 v15, v14;
	s21 =	spop (v2sf);
	(v2sf) =	vpush v5, $0x8  }
0x30e: {  	v13 =	vmul.f32 v13, v4;
	s4 =	sadd.f32 s7, s23;
	s7 =	spop (v2sf);
	(v2sf) =	vpush v6, $0x9  }
0x30f: {  	v19 =	vmul.f32 v16, v17;
	v4 =	vmul.f32 v18, v15;
	s7 =	sadd.f32 s20, s7;
	(v2sf) =	vpush v5, $0x9;
	s19 =	spop (v2sf)  }
0x310: {  	s23 =	sadd.f32 s0, s28;
	v18 =	vmul.f32 v13, v12;
	s20 =	spop (v2sf);
	(v2sf) =	vpush v6, $0xA  }
0x311: {  	v21 =	vmul.f32 v11, v11;
	s0 =	sadd.f32 s21, s5;
	v20 =	vsub.f32 $1.500000000e+00, v4;
	s28 =	spop (v2sf);
	(v2sf) =	vpush v5, $0xA  }
0x312: {  	v19 =	vmul.f32 v19, v16;
	v18 =	vmul.f32 v18, v13;
	s5 =	sadd.f32 s7, s22;
	v4 =	vld [tilespmem:s26+$0xC000];
	s7 =	spop (v2sf);
	(v2sf) =	vpush v6, $0xB  }
0x313: {  	s3 =	sadd.f32 s23, s3;
	v15 =	vmul.f32 v20, v15;
	v20 =	vmul.f32 $1.111111120e-01, v21;
	(v2sf) =	vpush v5, $0xB;
	s21 =	spop (v2sf)  }
0x314: {  	s5 =	sadd.f32 s5, s1;
	(v2sf) =	vpush v7, $0x8;
	s22 =	spop (v2sf)  }
0x315: {  	v19 =	vsub.f32 $1.500000000e+00, v19;
	v14 =	vmul.f32 v15, v14;
	v20 =	vadd.f32 $1.428571490e-01, v20;
	s21 =	sadd.f32 s4, s21;
	s4 =	spop (v2sf)  }
0x316: {  	s3 =	sadd.f32 s3, s10;
	v18 =	vsub.f32 $1.500000000e+00, v18;
	s1 =	spop (v2sf);
	(v2sf) =	vpush v7, $0x9  }
0x317: {  	v16 =	vmul.f32 v19, v16;
	v14 =	vmul.f32 v14, v15;
	s21 =	sadd.f32 s21, s2;
	(v2sf) =	vpush v4, $0x7;
	s26 =	spop (v2sf)  }
0x318: {  	v13 =	vmul.f32 v18, v13;
	s5 =	sadd.f32 s5, s19;
	v18 =	vmul.f32 v20, v21;
	s10 =	spop (v2sf);
	(v2sf) =	vpush v7, $0xA  }
0x319: {  	v17 =	vmul.f32 v16, v17;
	s17 =	sadd.f32 s3, s17;
	v14 =	vsub.f32 $1.500000000e+00, v14;
	(v2sf) =	vpush v4, $0x0;
	s2 =	spop (v2sf)  }
0x31a: {  	v12 =	vmul.f32 v13, v12;
	v18 =	vadd.f32 $2.000000030e-01, v18;
	s19 =	sadd.f32 s21, s20;
	s3 =	spop (v2sf);
	(v2sf) =	vpush v7, $0xB  }
0x31b: {  	v17 =	vmul.f32 v17, v16;
	s15 =	sadd.f32 s17, s15;
	v14 =	vmul.f32 v14, v15;
	(v2sf) =	vpush v4, $0x1;
	s21 =	spop (v2sf)  }
0x31c: {  	v12 =	vmul.f32 v12, v13;
	v15 =	vmul.f32 v18, v21;
	s7 =	sadd.f32 s19, s7;
	s19 =	spop (v2sf);
	(v2sf) =	vpush v7, $0xC  }
0x31d: {  	v17 =	vsub.f32 $1.500000000e+00, v17;
	s14 =	sadd.f32 s15, s14;
	v9 =	vmul.f32 v14, v9;
	s17 =	spop (v2sf);
	(v2sf) =	vpush v6, $0xC  }
0x31e: {  	v12 =	vsub.f32 $1.500000000e+00, v12;
	s7 =	sadd.f32 s7, s22;
	s20 =	spop (v2sf);
	(v2sf) =	vpush v7, $0xD  }
0x31f: {  	s13 =	sadd.f32 s14, s13;
	v14 =	vmul.f32 v17, v16;
	v15 =	vadd.f32 $3.333333430e-01, v15;
	s15 =	spop (v2sf);
	(v2sf) =	vpush v6, $0xD  }
0x320: {  	v11 =	vadd.f32 v11, v11;
	v12 =	vmul.f32 v12, v13;
	s7 =	sadd.f32 s7, s21;
	s22 =	spop (v2sf);
	(v2sf) =	vpush v7, $0xE  }
0x321: {  	s12 =	sadd.f32 s13, s12;
	v10 =	vmul.f32 v14, v10;
	v13 =	vmul.f32 v15, v21;
	s14 =	spop (v2sf);
	(v2sf) =	vpush v6, $0xE  }
0x322: {  	v3 =	vmax.f32 v3, $0.0e+00;
	s7 =	sadd.f32 s7, s17;
	s23 =	spop (v2sf);
	(v2sf) =	vpush v7, $0xF;
	v7 =	vmul.f32 v12, v8  }
0x323: {  	s12 =	sadd.f32 s12, s11;
	s11 =	smov.u32 s18;
	v8 =	vadd.f32 $1.000000000e+00, v13;
	s13 =	spop (v2sf);
	(v2sf) =	vpush v6, $0xF;
	v6 =	vmul.f32 v9, v10  }
0x324: {  	v2 =	vmax.f32 v2, $0.0e+00;
	s7 =	sadd.f32 s7, s15;
	(v2sf) =	vpush v1, $0x0;
	v7 =	vmul.f32 v7, v10  }
0x325: {  	s4 =	sadd.f32 s5, s4;
	v8 =	vmul.f32 v8, v11;
	(v2sf) =	vpush v1, $0xE;
	s15 =	spop (v2sf);
	v6 =	vadd.f32 $9.999999930e-09, v6  }
0x326: {  	s7 =	sadd.f32 s7, s14;
	s18 =	spop (v2sf);
	(v2sf) =	vpush v1, $0xD;
	v7 =	vadd.f32 $9.999999930e-09, v7  }
0x327: {  	s0 =	sadd.f32 s0, s29;
	v3 =	vadd.f32 v8, v3;
	(v2sf) =	vpush v1, $0xC;
	s5 =	spop (v2sf);
	(erf) = vrcp.f32 v6  }
0x328: {  	s14 =	sadd.f32 s4, s26;
	s17 =	spop (v2sf);
	(v2sf) =	vpush v1, $0xB;
	(erf) = vrcp.f32 v7  }
0x329: {  	v0 =	vadd.f32 v3, v0;
	(v2sf) =	vpush v1, $0xA;
	s4 =	spop (v2sf)  }
0x32a: {  	s26 =	sadd.f32 s0, s28;
	s21 =	spop (v2sf);
	(v2sf) =	vpush v4, $0x2  }
0x32b: {  	v0 =	vadd.f32 v0, v2;
	(v2sf) =	vpush v1, $0x9;
	s0 =	spop (v2sf)  }
0x32c: {  	s6 =	sadd.f32 s26, s6;
	(v2sf) =	vpush v4, $0x3;
	s28 =	spop (v2sf)  }
0x32d: {  	s2 =	sadd.f32 s14, s2;
	(v2sf) =	vpush v1, $0x8;
	s26 =	spop (v2sf)  }
0x32e: {  	s1 =	sadd.f32 s6, s1;
	(v2sf) =	vpush v1, $0x7;
	s14 =	spop (v2sf)  }
0x32f: {  	s2 =	sadd.f32 s2, s13;
	(v2sf) =	vpush v1, $0x1;
	s29 =	spop (v2sf)  }
0x330: {  	s1 =	sadd.f32 s1, s10;
	(v2sf) =	vpush v4, $0xE;
	s24 =	spop (v2sf);
	v2 =	vpop (erf)  }
0x331: {  	s2 =	sadd.f32 s2, s15;
	(v2sf) =	vpush v5, $0xC;
	s6 =	spop (v2sf);
	v3 =	vpop (erf)  }
0x332: {  	s7 =	sadd.f32 s7, s28;
	v2 =	vmul.f32 s12, v2;
	(v2sf) =	vpush v1, $0x6;
	s30 =	spop (v2sf);
	v3 =	vmul.f32 s9, v3  }
0x333: {  	s10 =	sadd.f32 s21, s17;
	s9 =	spop (v2sf);
	(v2sf) =	vpush v5, $0xD  }
0x334: {  	s7 =	sadd.f32 s7, s14;
	(v2sf) =	vpush v4, $0x4;
	s12 =	spop (v2sf);
	v3 =	vsub.f32 v2, v3  }
.Ltmp10:
0x335: {  	v2 =	vadd.f32 $1.000000000e+00, v2;
	s13 =	spop (v2sf);
	(v2sf) =	vpush v5, $0xE;
	(pc) =	sbr.rel @p0 .LBB2_20-.Ltmp10, $4  }
0x336: {  	s2 =	sadd.f32 s2, s5;
	(v2sf) =	vpush v4, $0x5;
	s14 =	spop (v2sf);
	v3 =	vmul.f32 $1.000000000e+01, v3  }
0x337: {  	s5 =	sadd.f32 s7, s24;
	s15 =	spop (v2sf);
	(v2sf) =	vpush v5, $0xF  }
0x338: {  	s1 =	sadd.f32 s1, s3;
	(v2sf) =	vpush v4, $0x6;
	s17 =	spop (v2sf);
	v5 =	vand.u32 $0x7FFFFFFF, v3  }
0x339: {  	s4 =	sadd.f32 s2, s4;
	s2 =	smov.u32 s16;
	s28 =	spop (v2sf);
	(v2sf) =	vpush v1, $0x5;
	v5 =	vsub.f32 $0.0e+00, v5  }
0x33a: {  	s2 =	sadd.f32 s1, s19  }
0x33b: {  	s1 =	spop (v2sf)  }
0x33c: {  	s16 =	spop (v2sf);
	s7 =	sadd.f32 s2, s20  }
0x33d: {  	s2 =	spop (v2sf)  }
0x33e: {  	s3 =	spop (v2sf);
	s7 =	sadd.f32 s7, s22  }
0x33f: {  	s4 =	sadd.f32 s4, s0;
	s22 =	spop (v2sf)  }
0x340: {  	s0 =	spop (v2sf);
	s7 =	sadd.f32 s7, s23  }
0x341: {  	s26 =	sadd.f32 s4, s26;
	s23 =	spop (v2sf)  }
0x342: {  	s4 =	spop (v2sf);
	s7 =	sadd.f32 s7, s23  }
0x343: {  	s21 =	spop (v2sf)  }
0x344: {  	s20 =	spop (v2sf);
	s7 =	sadd.f32 s7, s21  }
0x345: {  	s5 =	sadd.f32 s5, s30;
	s24 =	spop (v2sf)  }
0x346: {  	s19 =	spop (v2sf);
	s7 =	sadd.f32 s7, s24  }
0x347: {  	(v2sf) =	vpush v1, $0x4;
	v7 =	vmov s5;
	s21 =	sadd.f32 s26, s29;
	s26 =	spop (v2sf)  }
0x348: {  	v7 =	vadd.f32 $9.999999930e-09, v7;
	(v2sf) =	vpush v4, $0xD;
	s7 =	sadd.f32 s7, s26  }
0x349: {  	(v2sf) =	vpush v4, $0x8;
	s6 =	sadd.f32 s21, s6  }
0x34a: {  	v7 =	vbroadcast v7, $0x0;
	(v2sf) =	vpush v1, $0x3;
	v8 =	vmov s7  }
0x34b: {  	(v2sf) =	vpush v4, $0x9;
	v6 =	vmov s6;
	v8 =	vadd.f32 $9.999999930e-09, v8  }
0x34c: {  	(v2sf) =	vpush v4, $0xF;
	v6 =	vadd.f32 $9.999999930e-09, v6  }
0x34d: {  	v9 =	vmul.f32 $5.000000000e-01, v7;
	(v2sf) =	vpush v4, $0xA;
	v42 =	vbroadcast v8, $0x0  }
0x34e: {  	v10 =	vshrl.u32 v7, $0x1;
	(v2sf) =	vpush v1, $0x2;
	v6 =	vbroadcast v6, $0x0  }
0x34f: {  	v10 =	vsub.s32 $0x5F3759DF, v10;
	v11 =	vshrl.u32 v42, $0x1;
	v12 =	vmul.f32 $5.000000000e-01, v42  }
0x350: {  	v43 =	vshrl.u32 v6, $0x1;
	v13 =	vmul.f32 $5.000000000e-01, v6;
	v11 =	vsub.s32 $0x5F3759DF, v11  }
0x351: {  	v14 =	vmul.f32 v10, v9;
	v8 =	vsub.s32 $0x5F3759DF, v43;
	v15 =	vmul.f32 v11, v12  }
0x352: {  	v16 =	vmul.f32 v8, v13  }
0x353: {  	v14 =	vmul.f32 v10, v14;
	v15 =	vmul.f32 v11, v15  }
0x354: {  	s7 =	spop (v2sf);
	v16 =	vmul.f32 v8, v16  }
0x355: {  	v14 =	vsub.f32 $1.500000000e+00, v14;
	s21 =	spop (v2sf);
	v15 =	vsub.f32 $1.500000000e+00, v15  }
0x356: {  	s23 =	spop (v2sf);
	v16 =	vsub.f32 $1.500000000e+00, v16  }
0x357: {  	v10 =	vmul.f32 v10, v14;
	s5 =	spop (v2sf);
	v11 =	vmul.f32 v11, v15  }
0x358: {  	s24 =	spop (v2sf);
	v8 =	vmul.f32 v8, v16  }
0x359: {  	v14 =	vmul.f32 v10, v9;
	s26 =	spop (v2sf);
	v15 =	vmul.f32 v11, v12  }
0x35a: {  	s29 =	spop (v2sf);
	v16 =	vmul.f32 v8, v13  }
0x35b: {  	v14 =	vmul.f32 v14, v10;
	s6 =	spop (v2sf);
	v15 =	vmul.f32 v15, v11  }
0x35c: {  	s9 =	sadd.f32 s22, s9;
	s22 =	spop (v2sf);
	v16 =	vmul.f32 v16, v8  }
0x35d: {  	s10 =	sadd.f32 s10, s28;
	v14 =	vsub.f32 $1.500000000e+00, v14;
	s30 =	spop (v2sf);
	v15 =	vsub.f32 $1.500000000e+00, v15  }
0x35e: {  	s9 =	sadd.f32 s9, s30;
	v16 =	vsub.f32 $1.500000000e+00, v16  }
0x35f: {  	s10 =	sadd.f32 s10, s16;
	(v2sf) =	vpush v4, $0xB;
	v10 =	vmul.f32 v14, v10;
	v11 =	vmul.f32 v15, v11  }
0x360: {  	v5 =	vmul.f32 $1.442695020e+00, v5;
	s9 =	sadd.f32 s9, s26;
	v8 =	vmul.f32 v16, v8  }
0x361: {  	s10 =	sadd.f32 s10, s20;
	(v2sf) =	vpush v4, $0xC;
	v9 =	vmul.f32 v10, v9;
	v12 =	vmul.f32 v11, v12  }
0x362: {  	(erf) = vpow2.f32 v5;
	s9 =	sadd.f32 s9, s23;
	v44 =	vmul.f32 v8, v13  }
0x363: {  	s10 =	sadd.f32 s10, s19;
	v45 =	vmul.f32 v9, v10;
	v46 =	vmul.f32 v12, v11  }
0x364: {  	s9 =	sadd.f32 s9, s21;
	v4 =	vmul.f32 v44, v8  }
0x365: {  	s7 =	sadd.f32 s10, s7;
	v5 =	vsub.f32 $1.500000000e+00, v45;
	v9 =	vsub.f32 $1.500000000e+00, v46  }
0x366: {  	s4 =	sadd.f32 s9, s4;
	v4 =	vsub.f32 $1.500000000e+00, v4  }
0x367: {  	s10 =	sadd.f32 s7, s18;
	v5 =	vmul.f32 v5, v10;
	v9 =	vmul.f32 v9, v11  }
0x368: {  	s3 =	sadd.f32 s4, s3;
	v4 =	vmul.f32 v4, v8  }
0x369: {  	s16 =	sadd.f32 s10, s24;
	v5 =	vmul.f32 v5, v7;
	v1 =	vmul.f32 v9, v42  }
0x36a: {  	s2 =	sadd.f32 s3, s2;
	v4 =	vmul.f32 v4, v6  }
0x36b: {  	v47 =	vpop (erf);
	s18 =	sadd.f32 s16, s29;
	v5 =	vmul.f32 v5, v1  }
0x36c: {  	v48 =	vadd.f32 $2.000000000e+00, v47;
	s1 =	sadd.f32 s2, s1;
	v1 =	vmul.f32 v4, v1  }
0x36d: {  	s2 =	sadd.f32 s18, s22;
	v49 =	vadd.f32 $9.999999930e-09, v5  }
0x36e: {  	(erf) = vrcp.f32 v48;
	s19 =	spop (v2sf);
	s1 =	sadd.f32 s1, s17;
	v1 =	vadd.f32 $9.999999930e-09, v1  }
0x36f: {  	s2 =	sadd.f32 s2, s19;
	(erf) = vrcp.f32 v49  }
0x370: {  	s20 =	spop (v2sf);
	s1 =	sadd.f32 s1, s15;
	(erf) = vrcp.f32 v1  }
0x371: {  	s2 =	sadd.f32 s2, s20  }
0x372: {  	s1 =	sadd.f32 s1, s14  }
0x373: {  	s2 =	sadd.f32 s2, s5  }
0x374: {  	s1 =	sadd.f32 s1, s13  }
0x375: {  	s0 =	sadd.f32 s2, s0  }
0x376: {  	s1 =	sadd.f32 s1, s12  }
0x377: {  	v50 =	vpop (erf);
	s0 =	sadd.f32 s0, s6  }
0x378: {  	s1 =	sadd.f32 s1, s11;
	v4 =	vpop (erf)  }
0x379: {  	v51 =	vpop (erf)  }
0x37a: {  	v4 =	vmul.f32 s1, v4;
	v5 =	vmul.f32 s0, v51;
	_ =	sdelay $0x1  }
0x37b: {  	v5 =	vsub.f32 v4, v5;
	_ =	sdelay $0x1  }
0x37c: {  	v5 =	vmul.f32 $1.000000000e+01, v5;
	_ =	sdelay $0x1  }
0x37d: {  	v52 =	vand.u32 $0x7FFFFFFF, v5  }
0x37e: {  	v7 =	vsub.f32 $0.0e+00, v52;
	_ =	sdelay $0x1  }
0x37f: {  	v7 =	vmul.f32 $1.442695020e+00, v7;
	_ =	sdelay $0x1  }
0x380: {  	(erf) = vpow2.f32 v7;
	_ =	sdelay $0x8  }
0x381: {  	v7 =	vpop (erf)  }
0x382: {  	v53 =	vadd.f32 $2.000000000e+00, v7;
	_ =	sdelay $0x1  }
0x383: {  	(erf) = vrcp.f32 v53;
	_ =	sdelay $0x4  }
0x384: {  	v1 =	vmul.f32 v50, v47;
	_ =	sdelay $0x1  }
0x385: {  	v6 =	vmul.f32 v1, v1;
	_ =	sdelay $0x1  }
0x386: {  	v54 =	vmul.f32 $1.111111120e-01, v6;
	v55 =	vpop (erf)  }
0x387: {  	v7 =	vmul.f32 v55, v7  }
0x388: {  	v8 =	vadd.f32 $1.428571490e-01, v54  }
0x389: {  	v9 =	vmul.f32 v7, v7  }
0x38a: {  	v8 =	vmul.f32 v8, v6  }
0x38b: {  	v56 =	vmul.f32 $1.111111120e-01, v9  }
0x38c: {  	v8 =	vadd.f32 $2.000000030e-01, v8  }
0x38d: {  	v10 =	vadd.f32 $1.428571490e-01, v56  }
0x38e: {  	v8 =	vmul.f32 v8, v6  }
0x38f: {  	v10 =	vmul.f32 v10, v9  }
0x390: {  	v8 =	vadd.f32 $3.333333430e-01, v8  }
0x391: {  	v10 =	vadd.f32 $2.000000030e-01, v10  }
0x392: {  	v6 =	vmul.f32 v8, v6  }
0x393: {  	v57 =	vmul.f32 v10, v9  }
0x394: {  	v1 =	vadd.f32 v1, v1;
	v6 =	vadd.f32 $1.000000000e+00, v6  }
0x395: {  	v8 =	vadd.f32 $3.333333430e-01, v57  }
0x396: {  	v1 =	vmul.f32 v6, v1  }
0x397: {  	v3 =	vmax.f32 v3, $0.0e+00;
	v58 =	vmul.f32 v8, v9  }
0x398: {  	v1 =	vadd.f32 v1, v3  }
0x399: {  	v59 =	vadd.f32 v7, v7;
	v6 =	vadd.f32 $1.000000000e+00, v58;
	_ =	sdelay $0x1  }
0x39a: {  	v0 =	vadd.f32 v1, v0;
	v60 =	vmul.f32 v6, v59  }
0x39b: {  	v2 =	vmax.f32 v2, $0.0e+00;
	v61 =	vmax.f32 v5, $0.0e+00  }
0x39c: {  	v0 =	vadd.f32 v0, v2;
	v1 =	vadd.f32 v60, v61  }
0x39d: {  	v62 =	vadd.f32 $1.000000000e+00, v4  }
0x39e: {  	v0 =	vadd.f32 v1, v0  }
0x39f: {  	v63 =	vmax.f32 v62, $0.0e+00  }
0x3a0: {  	v0 =	vadd.f32 v0, v63;
	_ =	sdelay $0x1  }
0x3a1: {  	v0 =	vmul.f32 $6.250000000e-02, v0  }
0x3a2: {  	s23 =	simm.s32 $0x3  }
0x3a3: {  	s21 =	rddreg [dreg:$0x15];
	s22 =	simm.s32 $0xD000;
	s6 =	simm.s32 $0x0;
	[tilespmem:$0xD000] =	vst v0  }
0x3a4: {  	[hbm4b:s21+s6] =	stream.linear.scatter [tilespmem:s22], [sflag:$0x3], $0x80, $0x38;
	[tilespmem:$0xD080] =	vst v63  }
0x3a5: {  	_ =	swait.ge [sflag:s23], $0x80  }
0x3a6: {  	s24 =	rddreg [dreg:$0x17]  }
0x3a7: {  	[sflag:s23] =	ssyncset.done $0x0;
	s26 =	rddreg [dreg:$0x16]  }
0x3a8: {  	s2 =	sadd.s32 $0x1, s24;
	[sflag:s23] =	ssyncadd.s32 $0xFFFFFF80;
	s24 =	rddreg [dreg:$0x14]  }
0x3a9: {  	p0 =	sne.s32 s2, s26;
	s7 =	rddreg [dreg:$0x0]  }
.Ltmp11:
0x3aa: {  	s19 =	rddreg [dreg:$0x1];
	(pc) =	sbr.rel @p0 .LBB2_1-.Ltmp11, $4  }
0x3ab: {  	s20 =	rddreg [dreg:$0x2]  }
0x3ac: {  	s21 =	rddreg [dreg:$0x3]  }
0x3ad: {  	s28 =	simm.s32 $0x6000;
	s29 =	simm.s32 $0x7000;
	s22 =	rddreg [dreg:$0x4]  }
0x3ae: {  	s30 =	simm.s32 $0x8000;
	s23 =	rddreg [dreg:$0x5];
	s26 =	simm.s32 $0x200  }
0x3af: {  	_ =	sfence.sel $0x180000  }
0x3b0: {  	[bflag:$0x0] =	sbarrier.arrive $0xFFFF  }
0x3b1: {  	_ =	strace $0x90000047  }
0x3b2: {  	s0 =	stileid.u32;
	[bflag:$0x2] =	sbarrier.arrive $0xFFFF  }
0x3b3: {  	p0 =	sne.s32 s0, $0x0;
	s0 =	rddreg [dreg:$0x7]  }
0x3b4: {  	s0 =	sadd.s32 @!p0 $0x100000, s0  }
0x3b5: {  	[sflag:s0] =	ssyncadd.tile.s32 @!p0 $0x1;
	_ =	shalt  }
.Lfunc_end2:
_tile_overlayer_lowered:
.L_overlay_start_2:
0x3b6: {  	(tag) =	ssettag $0x2  }
0x3b7: {  	s0 =	rddreg [dreg:$0x0];
	s2 =	stileid.u32  }
0x3b8: {  	s1 =	rddreg [dreg:$0x1];
	p0 =	sne.s32 s2, $0x0  }
0x3b9: {  	s3 =	rddreg [dreg:$0x2];
	[bflag:$0x3] =	sbarrier.arrive $0xFFFF;
	s2 =	simm.s32 @!p0 $0x1C03  }
0x3ba: {  	[timem:s3], [sflag:s2] =	dma.local @!p0 [hbm:s0], s1  }
0x3bb: {  	s0 =	simm.s32 @!p0 $0x3  }
0x3bc: {  	_ =	swait.ge @!p0 [sflag:s0], s1  }
0x3bd: {  	s1 =	ssub.s32 @!p0 $0x0, s1;
	[sflag:s0] =	ssyncset.done @!p0 $0x0  }
0x3be: {  	[sflag:s0] =	ssyncadd.s32 @!p0 s1  }
0x3bf: {  	[bflag:$0x3] =	sbarrier.arrive $0xFFFF  }
0x3c0: {  	_ =	shalt  }

</sc_bundles>
